<compile_context>
chip_gen: v7x
topology: tpu7x:2x2x1
jax: 0.10.2.dev20260603
libtpu: 0.0.44.dev20260713+nightly
codegen_flags: <defaults>
</compile_context>

<pallas_src>
import jax
import jax.numpy as jnp
from jax import lax
from jax.experimental import pallas as pl
from jax.experimental.pallas import tpu as pltpu
from jax.experimental.pallas import tpu_sc as plsc

N = 500000
D = 64
B = 4096
K = 32
S = B * (K + 1)
NC = 2
NS = 16
NW = NC * NS
SPT = S // NS
SPW = S // NW
R_G = SPW // 128
R_T = SPT // 128
R_H = R_T // NC
PAD = 128
TDMAX = 365.0

import functools


@functools.cache
def _mesh():
    return plsc.VectorSubcoreMesh(core_axis_name="c", subcore_axis_name="s",
                                  num_cores=NC, num_subcores=NS)


def _gather_body(z_hbm, idx_hbm, out_hbm, idx_v, buf_v, sem):
    c = lax.axis_index("c")
    s = lax.axis_index("s")
    wid = s * NC + c
    pltpu.sync_copy(idx_hbm.at[wid], idx_v)

    prevd = None
    for r in range(R_G):
        cur = pltpu.async_copy(z_hbm.at[idx_v.at[r]], buf_v.at[r % 2],
                               sem.at[r % 2])
        if prevd is not None:
            prevd.wait()
            pltpu.sync_copy(buf_v.at[(r - 1) % 2],
                            out_hbm.at[pl.ds(wid * SPW + (r - 1) * 128, 128)])
        prevd = cur
    prevd.wait()
    pltpu.sync_copy(buf_v.at[(R_G - 1) % 2],
                    out_hbm.at[pl.ds(wid * SPW + (R_G - 1) * 128, 128)])


_SC_PARAMS = pltpu.CompilerParams(use_tc_tiling_on_sc=False,
                                  needs_layout_passes=False)


@functools.cache
def _gather():
    return pl.kernel(
        _gather_body,
        out_type=jax.ShapeDtypeStruct((S, D), jnp.float32),
        mesh=_mesh(),
        compiler_params=_SC_PARAMS,
        scratch_types=[
            pltpu.VMEM((R_G, 128), jnp.int32),
            pltpu.VMEM((2, 128, D), jnp.float32),
            pltpu.SemaphoreType.DMA((2,)),
        ],
    )




BP = B // 2
BPB = 128
D2 = 2 * D


def _dense_body(g_ref, td_ref, tde_ref, wt_ref, bt_ref, wre_ref, bre_ref,
                wrn_ref, brn_ref, we_ref, be_ref, om_ref, ob_ref, w_t_ref,
                al_ref, ps_ref, upd_ref, lam_ref):
    dn = (((1,), (0,)), ((), ()))
    tf = lax.dot_general(td_ref[...], wt_ref[...], (((2,), (0,)), ((), ())),
                         preferred_element_type=jnp.float32)
    tf = tf + bt_ref[...]
    zb = g_ref[...]
    z_u = zb[0]
    pre_e = lax.dot_general(z_u, wre_ref[...], dn,
                            preferred_element_type=jnp.float32)
    z_u_new = jax.nn.sigmoid(pre_e + bre_ref[...] + tf[0])
    msg = lax.dot_general(z_u, we_ref[...], dn,
                          preferred_element_type=jnp.float32) + be_ref[...]
    zn = zb[1:].reshape(K * BPB, D2)
    pn = lax.dot_general(zn, wrn_ref[...], dn,
                         preferred_element_type=jnp.float32).reshape(K, BPB, D2)
    z_n_new = jax.nn.sigmoid(pn + brn_ref[...] + msg[None, :, :] + tf[1:])
    upd_ref[...] = jnp.concatenate([z_u_new[None], z_n_new], axis=0)
    g = lax.dot_general(z_u_new, om_ref[...], dn,
                        preferred_element_type=jnp.float32) + ob_ref[0]
    g = g + al_ref[0] * jnp.exp(-w_t_ref[0] * (tde_ref[...] / TDMAX))
    g_psi = jnp.clip(g / ps_ref[0], -75.0, 75.0)
    lam_ref[...] = ps_ref[0] * jnp.log1p(jnp.exp(g_psi))


def _full(shape):
    return pl.BlockSpec(shape, lambda i: tuple(0 for _ in shape))


def _smem_full():
    return pl.BlockSpec(memory_space=pltpu.SMEM)


_dense_in_specs = [
    pl.BlockSpec((K + 1, BPB, D2), lambda i: (0, i, 0)),
    pl.BlockSpec((K + 1, BPB, 8), lambda i: (0, i, 0)),
    pl.BlockSpec((BPB, 2), lambda i: (i, 0)),
    _full((8, D2)), _full((D2,)),
    _full((D2, D2)), _full((D2,)),
    _full((D2, D2)), _full((D2,)),
    _full((D2, D2)), _full((D2,)),
    _full((D2, 2)),
    _smem_full(), _smem_full(), _smem_full(), _smem_full(),
]
_dense_out_specs = [
    pl.BlockSpec((K + 1, BPB, D2), lambda i: (0, i, 0)),
    pl.BlockSpec((BPB, 2), lambda i: (i, 0)),
]
_dense_out_shape = [
    jax.ShapeDtypeStruct((K + 1, BP, D2), jnp.float32),
    jax.ShapeDtypeStruct((BP, 2), jnp.float32),
]
_dense = pl.pallas_call(
    _dense_body,
    grid=(BP // BPB,),
    in_specs=_dense_in_specs,
    out_specs=_dense_out_specs,
    out_shape=_dense_out_shape,
)


def _scatter_body(idx_hbm, pri_hbm, upd_hbm, z_hbm,
                  idx_v, pri_v, got_v, con_v, sidx_v,
                  slot1_v, tgt1_v, slot2_v, tgt2_v, rows_v, stage_v, cnt_v,
                  tot_s, claim_sh, counts_sh, sem, csem):
    c = lax.axis_index("c")
    s = lax.axis_index("s")
    pltpu.sync_copy(idx_hbm.at[s], idx_v)
    pltpu.sync_copy(pri_hbm.at[s], pri_v)
    park = N + s * 8

    def initc(i, _):
        r, k = i // 8, i % 8
        con_v[r, pl.ds(k * 16, 16)] = jnp.ones((16,), jnp.int32)
        return 0

    lax.fori_loop(0, R_T * 8, initc, 0)

    def round_body(rnd, tot):
        def work_scatter():
            def mk(i, _a):
                r, k = i // 8, i % 8
                cc = con_v[r, pl.ds(k * 16, 16)]
                ii = idx_v[r, pl.ds(k * 16, 16)]
                sidx_v[r, pl.ds(k * 16, 16)] = jnp.where(cc > 0, ii, park)
                return 0

            lax.fori_loop(0, R_T * 8, mk, 0)

            def sc_(r, _a):
                pltpu.async_copy(pri_v.at[r], claim_sh.at[sidx_v.at[r]], csem)
                return 0

            lax.fori_loop(0, R_T, sc_, 0)

            def scd(r, _a):
                pltpu.make_async_copy(pri_v.at[0], claim_sh.at[sidx_v.at[0]],
                                      csem).wait()
                return 0

            lax.fori_loop(0, R_T, scd, 0)

        pl.when(tot > 0)(work_scatter)
        plsc.subcore_barrier()

        def work_gather():
            def ga(r, _a):
                pltpu.async_copy(claim_sh.at[sidx_v.at[r]], got_v.at[r], csem)
                return 0

            lax.fori_loop(0, R_T, ga, 0)

            def gad(r, _a):
                pltpu.make_async_copy(claim_sh.at[sidx_v.at[0]], got_v.at[0],
                                      csem).wait()
                return 0

            lax.fori_loop(0, R_T, gad, 0)

            def upm(i, acc):
                r, k = i // 8, i % 8
                g = got_v[r, pl.ds(k * 16, 16)]
                p = pri_v[r, pl.ds(k * 16, 16)]
                cc = con_v[r, pl.ds(k * 16, 16)]
                nc = jnp.where((g < p) & (cc > 0), 1, 0).astype(jnp.int32)
                con_v[r, pl.ds(k * 16, 16)] = nc
                return acc + nc

            acc = lax.fori_loop(0, R_T * 8, upm, jnp.zeros((16,), jnp.int32))
            stage_v[...] = jnp.full((16,), jnp.sum(acc), jnp.int32)
            pltpu.sync_copy(stage_v, counts_sh.at[s])

        pl.when(tot > 0)(work_gather)
        plsc.subcore_barrier()

        def work_total():
            pltpu.sync_copy(counts_sh, cnt_v)

            def su(t, a):
                return a + cnt_v[t]

            accg = lax.fori_loop(0, NS, su, jnp.zeros((16,), jnp.int32))
            tot_s[0] = jnp.max(accg)

        pl.when(tot > 0)(work_total)
        plsc.subcore_barrier()
        return jnp.where(tot > 0, tot_s[0], 0)

    lax.fori_loop(0, 64, round_body, jnp.int32(1))

    def ga2(r, _a):
        pltpu.async_copy(claim_sh.at[idx_v.at[r]], got_v.at[r], csem)
        return 0

    lax.fori_loop(0, R_T, ga2, 0)

    def ga2d(r, _a):
        pltpu.make_async_copy(claim_sh.at[idx_v.at[0]], got_v.at[0],
                              csem).wait()
        return 0

    lax.fori_loop(0, R_T, ga2d, 0)

    base_slot = s * SPT

    def comp(i, n):
        r = c * R_H + i // 8
        k = i % 8
        g = got_v[r, pl.ds(k * 16, 16)]
        p = pri_v[r, pl.ds(k * 16, 16)]
        w = g == p
        slots = (base_slot + r * 128 + k * 16
                 + lax.iota(jnp.int32, 16))
        tg = idx_v[r, pl.ds(k * 16, 16)]
        plsc.store_compressed(slot1_v.at[pl.ds(n, 16)], slots, mask=w)
        plsc.store_compressed(tgt1_v.at[pl.ds(n, 16)], tg, mask=w)
        return n + jnp.sum(w.astype(jnp.int32))

    n = lax.fori_loop(0, R_H * 8, comp, jnp.int32(0))

    nsl = (n + 127) // 128
    zero16 = jnp.zeros((16,), jnp.int32)
    s0 = jnp.take_along_axis(slot1_v[pl.ds(0, 16)], zero16, axis=0)
    t0 = jnp.take_along_axis(tgt1_v[pl.ds(0, 16)], zero16, axis=0)

    def padf(i, _a):
        slot1_v[pl.ds(n + i * 16, 16)] = s0
        tgt1_v[pl.ds(n + i * 16, 16)] = t0
        return 0

    lax.fori_loop(0, (nsl * 128 - n + 15) // 16, padf, 0)

    def c2(i, _a):
        r, k = i // 8, i % 8
        slot2_v[r, pl.ds(k * 16, 16)] = slot1_v[pl.ds(r * 128 + k * 16, 16)]
        tgt2_v[r, pl.ds(k * 16, 16)] = tgt1_v[pl.ds(r * 128 + k * 16, 16)]
        return 0

    lax.fori_loop(0, nsl * 8, c2, 0)

    @pl.when(nsl > 0)
    def _():
        pltpu.async_copy(upd_hbm.at[slot2_v.at[0]], rows_v.at[0], sem)

    def vs(r, _a):
        @pl.when(r % 2 == 0)
        def _():
            pltpu.make_async_copy(upd_hbm.at[slot2_v.at[r]], rows_v.at[0],
                                  sem).wait()

            @pl.when(r + 1 < nsl)
            def _():
                pltpu.async_copy(upd_hbm.at[slot2_v.at[r + 1]], rows_v.at[1],
                                 sem)

            pltpu.sync_copy(rows_v.at[0], z_hbm.at[tgt2_v.at[r]])

        @pl.when(r % 2 == 1)
        def _():
            pltpu.make_async_copy(upd_hbm.at[slot2_v.at[r]], rows_v.at[1],
                                  sem).wait()

            @pl.when(r + 1 < nsl)
            def _():
                pltpu.async_copy(upd_hbm.at[slot2_v.at[r + 1]], rows_v.at[0],
                                 sem)

            pltpu.sync_copy(rows_v.at[1], z_hbm.at[tgt2_v.at[r]])

        return 0

    lax.fori_loop(0, nsl, vs, 0)


@functools.cache
def _scatter():
    return pl.kernel(
        _scatter_body,
        out_type=(),
        mesh=_mesh(),
        compiler_params=_SC_PARAMS,
        scratch_types=[
            pltpu.VMEM((R_T, 128), jnp.int32),
            pltpu.VMEM((R_T, 128), jnp.int32),
            pltpu.VMEM((R_T, 128), jnp.int32),
            pltpu.VMEM((R_T, 128), jnp.int32),
            pltpu.VMEM((R_T, 128), jnp.int32),
            pltpu.VMEM((SPW + PAD,), jnp.int32),
            pltpu.VMEM((SPW + PAD,), jnp.int32),
            pltpu.VMEM((R_H, 128), jnp.int32),
            pltpu.VMEM((R_H, 128), jnp.int32),
            pltpu.VMEM((2, 128, D), jnp.float32),
            pltpu.VMEM((16,), jnp.int32),
            pltpu.VMEM((NS, 16), jnp.int32),
            pltpu.SMEM((1,), jnp.int32),
            pltpu.VMEM_SHARED((N + PAD,), jnp.int32),
            pltpu.VMEM_SHARED((NS, 16), jnp.int32),
            pltpu.SemaphoreType.DMA,
            pltpu.SemaphoreType.DMA,
        ],
    )


def kernel(z, u_event, u_neigh, time_delta, td_event, W_t_w, W_t_b,
           W_rec_event_w, W_rec_event_b, W_rec_neigh_w, W_rec_neigh_b,
           W_e2n_w, W_e2n_b, omega_w, omega_b, w_t, alpha, psi):
    idx_all = jnp.concatenate([u_event, u_neigh.T.reshape(-1)])
    ar_b = jnp.arange(B, dtype=jnp.int32)
    pri = jnp.concatenate(
        [ar_b[None, :],
         B + K * ar_b[None, :] + jnp.arange(K, dtype=jnp.int32)[:, None]],
        axis=0).reshape(-1)
    sd = jnp.array([50.0, 7.0, 15.0, 15.0], jnp.float32)
    W_t_scaled = W_t_w / sd[:, None]

    def pack2(w):
        out = jnp.zeros((D2, D2), jnp.float32)
        return out.at[:D, :D].set(w).at[D:, D:].set(w)

    wt2 = jnp.zeros((8, D2), jnp.float32)
    wt2 = wt2.at[:4, :D].set(W_t_scaled).at[4:, D:].set(W_t_scaled)
    om2 = jnp.zeros((D2, 2), jnp.float32)
    om2 = om2.at[:D, 0:1].set(omega_w).at[D:, 1:2].set(omega_w)

    gathered = _gather()(z, idx_all.reshape(NW, R_G, 128))
    tdp = time_delta.transpose(1, 0, 2).reshape(K + 1, BP, 8)
    upd, lam2 = _dense(gathered.reshape(K + 1, BP, D2), tdp,
                       td_event.reshape(BP, 2),
                       wt2, jnp.concatenate([W_t_b, W_t_b]),
                       pack2(W_rec_event_w),
                       jnp.concatenate([W_rec_event_b, W_rec_event_b]),
                       pack2(W_rec_neigh_w),
                       jnp.concatenate([W_rec_neigh_b, W_rec_neigh_b]),
                       pack2(W_e2n_w), jnp.concatenate([W_e2n_b, W_e2n_b]),
                       om2, omega_b, w_t, alpha, psi)
    zref = jax.new_ref(z)
    _scatter()(idx_all.reshape(NS, R_T, 128), pri.reshape(NS, R_T, 128),
               upd.reshape(S, D), zref)
    return zref[...], lam2.reshape(B)

# --- scband reference (transcript-rebuilt; emitter-appended) ---
"""Pipeline reference for scband-dy-rep-node-70342974374371 (READ-ONLY COPY).

The authoritative reference and input builder live on the scoring server;
editing this copy changes nothing except your own understanding.
"""

import jax, jax.numpy as jnp
import numpy as np

N = 500000
D = 64
B = 4096
K = 32
TRAIN_TD_MAX = 365.0


def setup_inputs(seed: int = 0):
    key = jax.random.key(seed)
    ks = jax.random.split(key, 12)
    s = 1.0 / np.sqrt(D)
    inp = {}
    inp['z'] = jax.random.normal(ks[0], (N, D), dtype=jnp.float32)
    inp['u_event'] = jax.random.randint(ks[1], (B,), 0, N, dtype=jnp.int32)
    inp['u_neigh'] = jax.random.randint(ks[2], (B, K), 0, N, dtype=jnp.int32)
    inp['time_delta'] = jax.random.normal(ks[3], (B, K + 1, 4), dtype=jnp.float32)
    inp['td_event'] = jax.random.uniform(ks[4], (B,), dtype=jnp.float32) * TRAIN_TD_MAX
    inp['W_t_w'] = jax.random.normal(ks[5], (4, D), dtype=jnp.float32) * 0.5
    inp['W_t_b'] = jnp.zeros((D,), dtype=jnp.float32)
    inp['W_rec_event_w'] = jax.random.normal(ks[6], (D, D), dtype=jnp.float32) * s
    inp['W_rec_event_b'] = jnp.zeros((D,), dtype=jnp.float32)
    inp['W_rec_neigh_w'] = jax.random.normal(ks[7], (D, D), dtype=jnp.float32) * s
    inp['W_rec_neigh_b'] = jnp.zeros((D,), dtype=jnp.float32)
    inp['W_e2n_w'] = jax.random.normal(ks[8], (D, D), dtype=jnp.float32) * s
    inp['W_e2n_b'] = jnp.zeros((D,), dtype=jnp.float32)
    inp['omega_w'] = jax.random.normal(ks[9], (D, 1), dtype=jnp.float32) * s
    inp['omega_b'] = jnp.zeros((1,), dtype=jnp.float32)
    inp['w_t'] = 0.5 * jnp.ones((1,), dtype=jnp.float32)
    inp['alpha'] = 0.5 * jnp.ones((1,), dtype=jnp.float32)
    inp['psi'] = 0.5 * jnp.ones((1,), dtype=jnp.float32)
    return inp


def reference(z, u_event, u_neigh, time_delta, td_event, W_t_w, W_t_b, W_rec_event_w, W_rec_event_b, W_rec_neigh_w, W_rec_neigh_b, W_e2n_w, W_e2n_b, omega_w, omega_b, w_t, alpha, psi):
    # normalize time features (matches DyRepNode.forward preamble)
    time_mean = jnp.array([0.0, 0.0, 0.0, 0.0], dtype=jnp.float32).reshape(1, 1, 4)
    time_sd = jnp.array([50.0, 7.0, 15.0, 15.0], dtype=jnp.float32).reshape(1, 1, 4)
    td = (time_delta - time_mean) / time_sd
    time_feat = td @ W_t_w + W_t_b  # [B, K+1, D] via W_t: Linear(4, hidden)
    # gather event-node and neighbor embeddings from the node-state memory
    z_u = jnp.take(z, u_event, axis=0)  # [B, D]
    z_n = jnp.take(z, u_neigh.reshape(-1), axis=0).reshape(B, K, D)  # [B, K, D]
    # recurrent node-embedding update (update_node_embedding_without_attention)
    z_u_new = jax.nn.sigmoid(z_u @ W_rec_event_w + W_rec_event_b + time_feat[:, 0, :])
    msg = z_u @ W_e2n_w + W_e2n_b  # event -> neighborhood message
    z_n_new = jax.nn.sigmoid(z_n @ W_rec_neigh_w + W_rec_neigh_b + msg[:, None, :] + time_feat[:, 1:, :])
    # scatter-overwrite updated states back into the memory
    z_new = z.at[u_event].set(z_u_new)
    z_new = z_new.at[u_neigh.reshape(-1)].set(z_n_new.reshape(-1, D))
    # hawkes conditional intensity for the event nodes (compute_hawkes_lambda)
    g = (z_u_new @ omega_w)[:, 0] + omega_b[0]
    g = g + alpha[0] * jnp.exp(-w_t[0] * (td_event / TRAIN_TD_MAX))
    g_psi = jnp.clip(g / psi[0], -75.0, 75.0)
    lam = psi[0] * jnp.log1p(jnp.exp(g_psi))
    return z_new, lam

if __name__ == "__main__":
    import jax
    _d = setup_inputs()
    print(jax.jit(kernel)(*tuple(_d.values())))

</pallas_src>

<mosaic_0001>
#map = affine_map<(d0, d1) -> (0, 0)>
#map1 = affine_map<(d0, d1) -> (0, 0, 0)>
module attributes {stable_mosaic.version = 14 : i64} {
  func.func @_gather_body(%arg0: i32, %arg1: i32, %arg2: memref<500000x64xf32, #tpu.memory_space<hbm>>, %arg3: memref<32x33x128xi32, #tpu.memory_space<hbm>>, %arg4: memref<135168x64xf32, #tpu.memory_space<hbm>>, %arg5: memref<33x128xi32, #tpu.memory_space<vmem>>, %arg6: memref<2x128x64xf32, #tpu.memory_space<vmem>>, %arg7: memref<2x!tpu.dma_semaphore, #tpu.memory_space<semaphore_mem>>) attributes {dimension_semantics = [#tpu.dimension_semantics<core_parallel>, #tpu.dimension_semantics<subcore_parallel>], iteration_bounds = array<i64: 2, 16>, scalar_prefetch = 0 : i64, scratch_operands = 3 : i64, tpu.core_type = #tpu.core_type<sc_vector_subcore>, window_params = [{transform_indices = #map}, {transform_indices = #map1}, {transform_indices = #map}]} {
    %mul3A = arith.constant 2 : i32
    %mul3A_0 = arith.muli %arg1, %mul3A : i32
    %add3A = arith.addi %mul3A_0, %arg0 : i32
    "tpu.region"() ({
      %run_scoped3A_1153 = tpu.sem_alloc : memref<!tpu.dma_semaphore, #tpu.memory_space<semaphore_mem>>
      %dma_start3A_1154 = arith.constant 0 : i32
      %dma_start3A_1155 = arith.constant 0 : i32
      %dma_start3A_1156 = tpu.memref_slice %arg3[%add3A, %dma_start3A_1154, %dma_start3A_1155] : memref<32x33x128xi32, #tpu.memory_space<hbm>> -> memref<1x33x128xi32, #tpu.memory_space<hbm>>
      %dma_start3A_1157 = tpu.memref_squeeze %dma_start3A_1156 : memref<1x33x128xi32, #tpu.memory_space<hbm>> -> memref<33x128xi32, #tpu.memory_space<hbm>>
      %dma_start3A_1158 = arith.constant 0 : i32
      %dma_start3A_1159 = arith.constant 0 : i32
      %dma_start3A_1160 = tpu.memref_slice %arg3[%add3A, %dma_start3A_1158, %dma_start3A_1159] : memref<32x33x128xi32, #tpu.memory_space<hbm>> -> memref<1x33x128xi32, #tpu.memory_space<hbm>>
      %dma_start3A_1161 = tpu.memref_squeeze %dma_start3A_1160 : memref<1x33x128xi32, #tpu.memory_space<hbm>> -> memref<33x128xi32, #tpu.memory_space<hbm>>
      tpu.enqueue_dma source(%dma_start3A_1161 : memref<33x128xi32, #tpu.memory_space<hbm>>) target(%arg5 : memref<33x128xi32, #tpu.memory_space<vmem>>) target_semaphore(%run_scoped3A_1153 : memref<!tpu.dma_semaphore, #tpu.memory_space<semaphore_mem>>)
      %dma_wait3A_1162 = arith.constant 0 : i32
      %dma_wait3A_1163 = arith.constant 0 : i32
      %dma_wait3A_1164 = tpu.memref_slice %arg3[%add3A, %dma_wait3A_1162, %dma_wait3A_1163] : memref<32x33x128xi32, #tpu.memory_space<hbm>> -> memref<1x33x128xi32, #tpu.memory_space<hbm>>
      %dma_wait3A_1165 = tpu.memref_squeeze %dma_wait3A_1164 : memref<1x33x128xi32, #tpu.memory_space<hbm>> -> memref<33x128xi32, #tpu.memory_space<hbm>>
      %dma_wait3A_1166 = arith.constant 0 : i32
      %dma_wait3A_1167 = arith.constant 0 : i32
      %dma_wait3A_1168 = tpu.memref_slice %arg3[%add3A, %dma_wait3A_1166, %dma_wait3A_1167] : memref<32x33x128xi32, #tpu.memory_space<hbm>> -> memref<1x33x128xi32, #tpu.memory_space<hbm>>
      %dma_wait3A_1169 = tpu.memref_squeeze %dma_wait3A_1168 : memref<1x33x128xi32, #tpu.memory_space<hbm>> -> memref<33x128xi32, #tpu.memory_space<hbm>>
      tpu.wait_dma2 semaphore(%run_scoped3A_1153 : memref<!tpu.dma_semaphore, #tpu.memory_space<semaphore_mem>>) src(%dma_wait3A_1169 : memref<33x128xi32, #tpu.memory_space<hbm>>) dst(%arg5 : memref<33x128xi32, #tpu.memory_space<vmem>>)
      tpu.yield
    }) : () -> ()
    %dma_start3A = arith.constant 0 : i32
    %dma_start3A_1 = arith.constant 0 : i32
    %dma_start3A_2 = arith.constant 0 : i32
    %dma_start3A_3 = arith.constant 0 : i32
    %dma_start3A_4 = arith.constant 0 : i32
    %dma_start3A_5 = tpu.memref_slice %arg6[%dma_start3A_1, %dma_start3A_3, %dma_start3A_4] : memref<2x128x64xf32, #tpu.memory_space<vmem>> -> memref<1x128x64xf32, #tpu.memory_space<vmem>>
    %dma_start3A_6 = tpu.memref_squeeze %dma_start3A_5 : memref<1x128x64xf32, #tpu.memory_space<vmem>> -> memref<128x64xf32, #tpu.memory_space<vmem>>
    %dma_start3A_7 = arith.constant 0 : i32
    %dma_start3A_8 = tpu.memref_slice %arg5[%dma_start3A, %dma_start3A_7] : memref<33x128xi32, #tpu.memory_space<vmem>> -> memref<1x128xi32, #tpu.memory_space<vmem>>
    %dma_start3A_9 = tpu.memref_squeeze %dma_start3A_8 : memref<1x128xi32, #tpu.memory_space<vmem>> -> memref<128xi32, #tpu.memory_space<vmem>>
    %dma_start3A_10 = arith.constant 0 : i32
    %dma_start3A_11 = arith.constant 0 : i32
    %dma_start3A_12 = tpu.memref_slice %arg2[%dma_start3A_10, %dma_start3A_11] : memref<500000x64xf32, #tpu.memory_space<hbm>> -> memref<500000x64xf32, #tpu.memory_space<hbm>>
    %dma_start3A_13 = tpu.memref_slice %arg7[%dma_start3A_2] : memref<2x!tpu.dma_semaphore, #tpu.memory_space<semaphore_mem>> -> memref<1x!tpu.dma_semaphore, #tpu.memory_space<semaphore_mem>>
    %dma_start3A_14 = tpu.memref_squeeze %dma_start3A_13 : memref<1x!tpu.dma_semaphore, #tpu.memory_space<semaphore_mem>> -> memref<!tpu.dma_semaphore, #tpu.memory_space<semaphore_mem>>
    tpu.enqueue_indirect_dma source(%dma_start3A_12 : memref<500000x64xf32, #tpu.memory_space<hbm>>) target(%dma_start3A_6 : memref<128x64xf32, #tpu.memory_space<vmem>>) offsets(%dma_start3A_9 : memref<128xi32, #tpu.memory_space<vmem>>) semaphore(%dma_start3A_14 : memref<!tpu.dma_semaphore, #tpu.memory_space<semaphore_mem>>)
    %dma_start3A_15 = arith.constant 1 : i32
    %dma_start3A_16 = arith.constant 1 : i32
    %dma_start3A_17 = arith.constant 1 : i32
    %dma_start3A_18 = arith.constant 0 : i32
    %dma_start3A_19 = arith.constant 0 : i32
    %dma_start3A_20 = tpu.memref_slice %arg6[%dma_start3A_16, %dma_start3A_18, %dma_start3A_19] : memref<2x128x64xf32, #tpu.memory_space<vmem>> -> memref<1x128x64xf32, #tpu.memory_space<vmem>>
    %dma_start3A_21 = tpu.memref_squeeze %dma_start3A_20 : memref<1x128x64xf32, #tpu.memory_space<vmem>> -> memref<128x64xf32, #tpu.memory_space<vmem>>
    %dma_start3A_22 = arith.constant 0 : i32
    %dma_start3A_23 = tpu.memref_slice %arg5[%dma_start3A_15, %dma_start3A_22] : memref<33x128xi32, #tpu.memory_space<vmem>> -> memref<1x128xi32, #tpu.memory_space<vmem>>
    %dma_start3A_24 = tpu.memref_squeeze %dma_start3A_23 : memref<1x128xi32, #tpu.memory_space<vmem>> -> memref<128xi32, #tpu.memory_space<vmem>>
    %dma_start3A_25 = arith.constant 0 : i32
    %dma_start3A_26 = arith.constant 0 : i32
    %dma_start3A_27 = tpu.memref_slice %arg2[%dma_start3A_25, %dma_start3A_26] : memref<500000x64xf32, #tpu.memory_space<hbm>> -> memref<500000x64xf32, #tpu.memory_space<hbm>>
    %dma_start3A_28 = tpu.memref_slice %arg7[%dma_start3A_17] : memref<2x!tpu.dma_semaphore, #tpu.memory_space<semaphore_mem>> -> memref<1x!tpu.dma_semaphore, #tpu.memory_space<semaphore_mem>>
    %dma_start3A_29 = tpu.memref_squeeze %dma_start3A_28 : memref<1x!tpu.dma_semaphore, #tpu.memory_space<semaphore_mem>> -> memref<!tpu.dma_semaphore, #tpu.memory_space<semaphore_mem>>
    tpu.enqueue_indirect_dma source(%dma_start3A_27 : memref<500000x64xf32, #tpu.memory_space<hbm>>) target(%dma_start3A_21 : memref<128x64xf32, #tpu.memory_space<vmem>>) offsets(%dma_start3A_24 : memref<128xi32, #tpu.memory_space<vmem>>) semaphore(%dma_start3A_29 : memref<!tpu.dma_semaphore, #tpu.memory_space<semaphore_mem>>)
    %dma_wait3A = arith.constant 0 : i32
    %dma_wait3A_30 = arith.constant 0 : i32
    %dma_wait3A_31 = arith.constant 0 : i32
    %dma_wait3A_32 = arith.constant 0 : i32
    %dma_wait3A_33 = arith.constant 0 : i32
    %dma_wait3A_34 = tpu.memref_slice %arg6[%dma_wait3A_30, %dma_wait3A_32, %dma_wait3A_33] : memref<2x128x64xf32, #tpu.memory_space<vmem>> -> memref<1x128x64xf32, #tpu.memory_space<vmem>>
    %dma_wait3A_35 = tpu.memref_squeeze %dma_wait3A_34 : memref<1x128x64xf32, #tpu.memory_space<vmem>> -> memref<128x64xf32, #tpu.memory_space<vmem>>
    %dma_wait3A_36 = arith.constant 0 : i32
    %dma_wait3A_37 = tpu.memref_slice %arg5[%dma_wait3A, %dma_wait3A_36] : memref<33x128xi32, #tpu.memory_space<vmem>> -> memref<1x128xi32, #tpu.memory_space<vmem>>
    %dma_wait3A_38 = tpu.memref_squeeze %dma_wait3A_37 : memref<1x128xi32, #tpu.memory_space<vmem>> -> memref<128xi32, #tpu.memory_space<vmem>>
    %dma_wait3A_39 = arith.constant 0 : i32
    %dma_wait3A_40 = arith.constant 0 : i32
    %dma_wait3A_41 = tpu.memref_slice %arg2[%dma_wait3A_39, %dma_wait3A_40] : memref<500000x64xf32, #tpu.memory_space<hbm>> -> memref<500000x64xf32, #tpu.memory_space<hbm>>
    %dma_wait3A_42 = tpu.memref_slice %arg7[%dma_wait3A_31] : memref<2x!tpu.dma_semaphore, #tpu.memory_space<semaphore_mem>> -> memref<1x!tpu.dma_semaphore, #tpu.memory_space<semaphore_mem>>
    %dma_wait3A_43 = tpu.memref_squeeze %dma_wait3A_42 : memref<1x!tpu.dma_semaphore, #tpu.memory_space<semaphore_mem>> -> memref<!tpu.dma_semaphore, #tpu.memory_space<semaphore_mem>>
    tpu.wait_indirect_dma semaphore(%dma_wait3A_43 : memref<!tpu.dma_semaphore, #tpu.memory_space<semaphore_mem>>) src(%dma_wait3A_41 : memref<500000x64xf32, #tpu.memory_space<hbm>>) dst(%dma_wait3A_35 : memref<128x64xf32, #tpu.memory_space<vmem>>)
    %mul3A_44 = arith.constant 4224 : i32
    %mul3A_45 = arith.muli %add3A, %mul3A_44 : i32
    %add3A_46 = arith.constant 0 : i32
    %add3A_47 = arith.addi %mul3A_45, %add3A_46 : i32
    %run_scoped3A = arith.constant 0 : i32
    "tpu.region"() ({
      %run_scoped3A_1153 = tpu.sem_alloc : memref<!tpu.dma_semaphore, #tpu.memory_space<semaphore_mem>>
      %dma_start3A_1154 = arith.constant 0 : i32
      %dma_start3A_1155 = arith.constant 0 : i32
      %dma_start3A_1156 = tpu.memref_slice %arg6[%run_scoped3A, %dma_start3A_1154, %dma_start3A_1155] : memref<2x128x64xf32, #tpu.memory_space<vmem>> -> memref<1x128x64xf32, #tpu.memory_space<vmem>>
      %dma_start3A_1157 = tpu.memref_squeeze %dma_start3A_1156 : memref<1x128x64xf32, #tpu.memory_space<vmem>> -> memref<128x64xf32, #tpu.memory_space<vmem>>
      %dma_start3A_1158 = arith.constant 0 : i32
      %dma_start3A_1159 = tpu.memref_slice %arg4[%add3A_47, %dma_start3A_1158] : memref<135168x64xf32, #tpu.memory_space<hbm>> -> memref<128x64xf32, #tpu.memory_space<hbm>>
      %dma_start3A_1160 = arith.constant 0 : i32
      %dma_start3A_1161 = tpu.memref_slice %arg4[%add3A_47, %dma_start3A_1160] : memref<135168x64xf32, #tpu.memory_space<hbm>> -> memref<128x64xf32, #tpu.memory_space<hbm>>
      %dma_start3A_1162 = arith.constant 0 : i32
      %dma_start3A_1163 = arith.constant 0 : i32
      %dma_start3A_1164 = tpu.memref_slice %arg6[%run_scoped3A, %dma_start3A_1162, %dma_start3A_1163] : memref<2x128x64xf32, #tpu.memory_space<vmem>> -> memref<1x128x64xf32, #tpu.memory_space<vmem>>
      %dma_start3A_1165 = tpu.memref_squeeze %dma_start3A_1164 : memref<1x128x64xf32, #tpu.memory_space<vmem>> -> memref<128x64xf32, #tpu.memory_space<vmem>>
      tpu.enqueue_dma source(%dma_start3A_1165 : memref<128x64xf32, #tpu.memory_space<vmem>>) target(%dma_start3A_1161 : memref<128x64xf32, #tpu.memory_space<hbm>>) target_semaphore(%run_scoped3A_1153 : memref<!tpu.dma_semaphore, #tpu.memory_space<semaphore_mem>>)
      %dma_wait3A_1166 = arith.constant 0 : i32
      %dma_wait3A_1167 = arith.constant 0 : i32
      %dma_wait3A_1168 = tpu.memref_slice %arg6[%run_scoped3A, %dma_wait3A_1166, %dma_wait3A_1167] : memref<2x128x64xf32, #tpu.memory_space<vmem>> -> memref<1x128x64xf32, #tpu.memory_space<vmem>>
      %dma_wait3A_1169 = tpu.memref_squeeze %dma_wait3A_1168 : memref<1x128x64xf32, #tpu.memory_space<vmem>> -> memref<128x64xf32, #tpu.memory_space<vmem>>
      %dma_wait3A_1170 = arith.constant 0 : i32
      %dma_wait3A_1171 = tpu.memref_slice %arg4[%add3A_47, %dma_wait3A_1170] : memref<135168x64xf32, #tpu.memory_space<hbm>> -> memref<128x64xf32, #tpu.memory_space<hbm>>
      %dma_wait3A_1172 = arith.constant 0 : i32
      %dma_wait3A_1173 = tpu.memref_slice %arg4[%add3A_47, %dma_wait3A_1172] : memref<135168x64xf32, #tpu.memory_space<hbm>> -> memref<128x64xf32, #tpu.memory_space<hbm>>
      %dma_wait3A_1174 = arith.constant 0 : i32
      %dma_wait3A_1175 = arith.constant 0 : i32
      %dma_wait3A_1176 = tpu.memref_slice %arg6[%run_scoped3A, %dma_wait3A_1174, %dma_wait3A_1175] : memref<2x128x64xf32, #tpu.memory_space<vmem>> -> memref<1x128x64xf32, #tpu.memory_space<vmem>>
      %dma_wait3A_1177 = tpu.memref_squeeze %dma_wait3A_1176 : memref<1x128x64xf32, #tpu.memory_space<vmem>> -> memref<128x64xf32, #tpu.memory_space<vmem>>
      tpu.wait_dma2 semaphore(%run_scoped3A_1153 : memref<!tpu.dma_semaphore, #tpu.memory_space<semaphore_mem>>) src(%dma_wait3A_1177 : memref<128x64xf32, #tpu.memory_space<vmem>>) dst(%dma_wait3A_1173 : memref<128x64xf32, #tpu.memory_space<hbm>>)
      tpu.yield
    }) : () -> ()
    %dma_start3A_48 = arith.constant 2 : i32
    %dma_start3A_49 = arith.constant 0 : i32
    %dma_start3A_50 = arith.constant 0 : i32
    %dma_start3A_51 = arith.constant 0 : i32
    %dma_start3A_52 = arith.constant 0 : i32
    %dma_start3A_53 = tpu.memref_slice %arg6[%dma_start3A_49, %dma_start3A_51, %dma_start3A_52] : memref<2x128x64xf32, #tpu.memory_space<vmem>> -> memref<1x128x64xf32, #tpu.memory_space<vmem>>
    %dma_start3A_54 = tpu.memref_squeeze %dma_start3A_53 : memref<1x128x64xf32, #tpu.memory_space<vmem>> -> memref<128x64xf32, #tpu.memory_space<vmem>>
    %dma_start3A_55 = arith.constant 0 : i32
    %dma_start3A_56 = tpu.memref_slice %arg5[%dma_start3A_48, %dma_start3A_55] : memref<33x128xi32, #tpu.memory_space<vmem>> -> memref<1x128xi32, #tpu.memory_space<vmem>>
    %dma_start3A_57 = tpu.memref_squeeze %dma_start3A_56 : memref<1x128xi32, #tpu.memory_space<vmem>> -> memref<128xi32, #tpu.memory_space<vmem>>
    %dma_start3A_58 = arith.constant 0 : i32
    %dma_start3A_59 = arith.constant 0 : i32
    %dma_start3A_60 = tpu.memref_slice %arg2[%dma_start3A_58, %dma_start3A_59] : memref<500000x64xf32, #tpu.memory_space<hbm>> -> memref<500000x64xf32, #tpu.memory_space<hbm>>
    %dma_start3A_61 = tpu.memref_slice %arg7[%dma_start3A_50] : memref<2x!tpu.dma_semaphore, #tpu.memory_space<semaphore_mem>> -> memref<1x!tpu.dma_semaphore, #tpu.memory_space<semaphore_mem>>
    %dma_start3A_62 = tpu.memref_squeeze %dma_start3A_61 : memref<1x!tpu.dma_semaphore, #tpu.memory_space<semaphore_mem>> -> memref<!tpu.dma_semaphore, #tpu.memory_space<semaphore_mem>>
    tpu.enqueue_indirect_dma source(%dma_start3A_60 : memref<500000x64xf32, #tpu.memory_space<hbm>>) target(%dma_start3A_54 : memref<128x64xf32, #tpu.memory_space<vmem>>) offsets(%dma_start3A_57 : memref<128xi32, #tpu.memory_space<vmem>>) semaphore(%dma_start3A_62 : memref<!tpu.dma_semaphore, #tpu.memory_space<semaphore_mem>>)
    %dma_wait3A_63 = arith.constant 1 : i32
    %dma_wait3A_64 = arith.constant 1 : i32
    %dma_wait3A_65 = arith.constant 1 : i32
    %dma_wait3A_66 = arith.constant 0 : i32
    %dma_wait3A_67 = arith.constant 0 : i32
    %dma_wait3A_68 = tpu.memref_slice %arg6[%dma_wait3A_64, %dma_wait3A_66, %dma_wait3A_67] : memref<2x128x64xf32, #tpu.memory_space<vmem>> -> memref<1x128x64xf32, #tpu.memory_space<vmem>>
    %dma_wait3A_69 = tpu.memref_squeeze %dma_wait3A_68 : memref<1x128x64xf32, #tpu.memory_space<vmem>> -> memref<128x64xf32, #tpu.memory_space<vmem>>
    %dma_wait3A_70 = arith.constant 0 : i32
    %dma_wait3A_71 = tpu.memref_slice %arg5[%dma_wait3A_63, %dma_wait3A_70] : memref<33x128xi32, #tpu.memory_space<vmem>> -> memref<1x128xi32, #tpu.memory_space<vmem>>
    %dma_wait3A_72 = tpu.memref_squeeze %dma_wait3A_71 : memref<1x128xi32, #tpu.memory_space<vmem>> -> memref<128xi32, #tpu.memory_space<vmem>>
    %dma_wait3A_73 = arith.constant 0 : i32
    %dma_wait3A_74 = arith.constant 0 : i32
    %dma_wait3A_75 = tpu.memref_slice %arg2[%dma_wait3A_73, %dma_wait3A_74] : memref<500000x64xf32, #tpu.memory_space<hbm>> -> memref<500000x64xf32, #tpu.memory_space<hbm>>
    %dma_wait3A_76 = tpu.memref_slice %arg7[%dma_wait3A_65] : memref<2x!tpu.dma_semaphore, #tpu.memory_space<semaphore_mem>> -> memref<1x!tpu.dma_semaphore, #tpu.memory_space<semaphore_mem>>
    %dma_wait3A_77 = tpu.memref_squeeze %dma_wait3A_76 : memref<1x!tpu.dma_semaphore, #tpu.memory_space<semaphore_mem>> -> memref<!tpu.dma_semaphore, #tpu.memory_space<semaphore_mem>>
    tpu.wait_indirect_dma semaphore(%dma_wait3A_77 : memref<!tpu.dma_semaphore, #tpu.memory_space<semaphore_mem>>) src(%dma_wait3A_75 : memref<500000x64xf32, #tpu.memory_space<hbm>>) dst(%dma_wait3A_69 : memref<128x64xf32, #tpu.memory_space<vmem>>)
    %mul3A_78 = arith.constant 4224 : i32
    %mul3A_79 = arith.muli %add3A, %mul3A_78 : i32
    %add3A_80 = arith.constant 128 : i32
    %add3A_81 = arith.addi %mul3A_79, %add3A_80 : i32
    %run_scoped3A_82 = arith.constant 1 : i32
    "tpu.region"() ({
      %run_scoped3A_1153 = tpu.sem_alloc : memref<!tpu.dma_semaphore, #tpu.memory_space<semaphore_mem>>
      %dma_start3A_1154 = arith.constant 0 : i32
      %dma_start3A_1155 = arith.constant 0 : i32
      %dma_start3A_1156 = tpu.memref_slice %arg6[%run_scoped3A_82, %dma_start3A_1154, %dma_start3A_1155] : memref<2x128x64xf32, #tpu.memory_space<vmem>> -> memref<1x128x64xf32, #tpu.memory_space<vmem>>
      %dma_start3A_1157 = tpu.memref_squeeze %dma_start3A_1156 : memref<1x128x64xf32, #tpu.memory_space<vmem>> -> memref<128x64xf32, #tpu.memory_space<vmem>>
      %dma_start3A_1158 = arith.constant 0 : i32
      %dma_start3A_1159 = tpu.memref_slice %arg4[%add3A_81, %dma_start3A_1158] : memref<135168x64xf32, #tpu.memory_space<hbm>> -> memref<128x64xf32, #tpu.memory_space<hbm>>
      %dma_start3A_1160 = arith.constant 0 : i32
      %dma_start3A_1161 = tpu.memref_slice %arg4[%add3A_81, %dma_start3A_1160] : memref<135168x64xf32, #tpu.memory_space<hbm>> -> memref<128x64xf32, #tpu.memory_space<hbm>>
      %dma_start3A_1162 = arith.constant 0 : i32
      %dma_start3A_1163 = arith.constant 0 : i32
      %dma_start3A_1164 = tpu.memref_slice %arg6[%run_scoped3A_82, %dma_start3A_1162, %dma_start3A_1163] : memref<2x128x64xf32, #tpu.memory_space<vmem>> -> memref<1x128x64xf32, #tpu.memory_space<vmem>>
      %dma_start3A_1165 = tpu.memref_squeeze %dma_start3A_1164 : memref<1x128x64xf32, #tpu.memory_space<vmem>> -> memref<128x64xf32, #tpu.memory_space<vmem>>
      tpu.enqueue_dma source(%dma_start3A_1165 : memref<128x64xf32, #tpu.memory_space<vmem>>) target(%dma_start3A_1161 : memref<128x64xf32, #tpu.memory_space<hbm>>) target_semaphore(%run_scoped3A_1153 : memref<!tpu.dma_semaphore, #tpu.memory_space<semaphore_mem>>)
      %dma_wait3A_1166 = arith.constant 0 : i32
      %dma_wait3A_1167 = arith.constant 0 : i32
      %dma_wait3A_1168 = tpu.memref_slice %arg6[%run_scoped3A_82, %dma_wait3A_1166, %dma_wait3A_1167] : memref<2x128x64xf32, #tpu.memory_space<vmem>> -> memref<1x128x64xf32, #tpu.memory_space<vmem>>
      %dma_wait3A_1169 = tpu.memref_squeeze %dma_wait3A_1168 : memref<1x128x64xf32, #tpu.memory_space<vmem>> -> memref<128x64xf32, #tpu.memory_space<vmem>>
      %dma_wait3A_1170 = arith.constant 0 : i32
      %dma_wait3A_1171 = tpu.memref_slice %arg4[%add3A_81, %dma_wait3A_1170] : memref<135168x64xf32, #tpu.memory_space<hbm>> -> memref<128x64xf32, #tpu.memory_space<hbm>>
      %dma_wait3A_1172 = arith.constant 0 : i32
      %dma_wait3A_1173 = tpu.memref_slice %arg4[%add3A_81, %dma_wait3A_1172] : memref<135168x64xf32, #tpu.memory_space<hbm>> -> memref<128x64xf32, #tpu.memory_space<hbm>>
      %dma_wait3A_1174 = arith.constant 0 : i32
      %dma_wait3A_1175 = arith.constant 0 : i32
      %dma_wait3A_1176 = tpu.memref_slice %arg6[%run_scoped3A_82, %dma_wait3A_1174, %dma_wait3A_1175] : memref<2x128x64xf32, #tpu.memory_space<vmem>> -> memref<1x128x64xf32, #tpu.memory_space<vmem>>
      %dma_wait3A_1177 = tpu.memref_squeeze %dma_wait3A_1176 : memref<1x128x64xf32, #tpu.memory_space<vmem>> -> memref<128x64xf32, #tpu.memory_space<vmem>>
      tpu.wait_dma2 semaphore(%run_scoped3A_1153 : memref<!tpu.dma_semaphore, #tpu.memory_space<semaphore_mem>>) src(%dma_wait3A_1177 : memref<128x64xf32, #tpu.memory_space<vmem>>) dst(%dma_wait3A_1173 : memref<128x64xf32, #tpu.memory_space<hbm>>)
      tpu.yield
    }) : () -> ()
    %dma_start3A_83 = arith.constant 3 : i32
    %dma_start3A_84 = arith.constant 1 : i32
    %dma_start3A_85 = arith.constant 1 : i32
    %dma_start3A_86 = arith.constant 0 : i32
    %dma_start3A_87 = arith.constant 0 : i32
    %dma_start3A_88 = tpu.memref_slice %arg6[%dma_start3A_84, %dma_start3A_86, %dma_start3A_87] : memref<2x128x64xf32, #tpu.memory_space<vmem>> -> memref<1x128x64xf32, #tpu.memory_space<vmem>>
    %dma_start3A_89 = tpu.memref_squeeze %dma_start3A_88 : memref<1x128x64xf32, #tpu.memory_space<vmem>> -> memref<128x64xf32, #tpu.memory_space<vmem>>
    %dma_start3A_90 = arith.constant 0 : i32
    %dma_start3A_91 = tpu.memref_slice %arg5[%dma_start3A_83, %dma_start3A_90] : memref<33x128xi32, #tpu.memory_space<vmem>> -> memref<1x128xi32, #tpu.memory_space<vmem>>
    %dma_start3A_92 = tpu.memref_squeeze %dma_start3A_91 : memref<1x128xi32, #tpu.memory_space<vmem>> -> memref<128xi32, #tpu.memory_space<vmem>>
    %dma_start3A_93 = arith.constant 0 : i32
    %dma_start3A_94 = arith.constant 0 : i32
    %dma_start3A_95 = tpu.memref_slice %arg2[%dma_start3A_93, %dma_start3A_94] : memref<500000x64xf32, #tpu.memory_space<hbm>> -> memref<500000x64xf32, #tpu.memory_space<hbm>>
    %dma_start3A_96 = tpu.memref_slice %arg7[%dma_start3A_85] : memref<2x!tpu.dma_semaphore, #tpu.memory_space<semaphore_mem>> -> memref<1x!tpu.dma_semaphore, #tpu.memory_space<semaphore_mem>>
    %dma_start3A_97 = tpu.memref_squeeze %dma_start3A_96 : memref<1x!tpu.dma_semaphore, #tpu.memory_space<semaphore_mem>> -> memref<!tpu.dma_semaphore, #tpu.memory_space<semaphore_mem>>
    tpu.enqueue_indirect_dma source(%dma_start3A_95 : memref<500000x64xf32, #tpu.memory_space<hbm>>) target(%dma_start3A_89 : memref<128x64xf32, #tpu.memory_space<vmem>>) offsets(%dma_start3A_92 : memref<128xi32, #tpu.memory_space<vmem>>) semaphore(%dma_start3A_97 : memref<!tpu.dma_semaphore, #tpu.memory_space<semaphore_mem>>)
    %dma_wait3A_98 = arith.constant 2 : i32
    %dma_wait3A_99 = arith.constant 0 : i32
    %dma_wait3A_100 = arith.constant 0 : i32
    %dma_wait3A_101 = arith.constant 0 : i32
    %dma_wait3A_102 = arith.constant 0 : i32
    %dma_wait3A_103 = tpu.memref_slice %arg6[%dma_wait3A_99, %dma_wait3A_101, %dma_wait3A_102] : memref<2x128x64xf32, #tpu.memory_space<vmem>> -> memref<1x128x64xf32, #tpu.memory_space<vmem>>
    %dma_wait3A_104 = tpu.memref_squeeze %dma_wait3A_103 : memref<1x128x64xf32, #tpu.memory_space<vmem>> -> memref<128x64xf32, #tpu.memory_space<vmem>>
    %dma_wait3A_105 = arith.constant 0 : i32
    %dma_wait3A_106 = tpu.memref_slice %arg5[%dma_wait3A_98, %dma_wait3A_105] : memref<33x128xi32, #tpu.memory_space<vmem>> -> memref<1x128xi32, #tpu.memory_space<vmem>>
    %dma_wait3A_107 = tpu.memref_squeeze %dma_wait3A_106 : memref<1x128xi32, #tpu.memory_space<vmem>> -> memref<128xi32, #tpu.memory_space<vmem>>
    %dma_wait3A_108 = arith.constant 0 : i32
    %dma_wait3A_109 = arith.constant 0 : i32
    %dma_wait3A_110 = tpu.memref_slice %arg2[%dma_wait3A_108, %dma_wait3A_109] : memref<500000x64xf32, #tpu.memory_space<hbm>> -> memref<500000x64xf32, #tpu.memory_space<hbm>>
    %dma_wait3A_111 = tpu.memref_slice %arg7[%dma_wait3A_100] : memref<2x!tpu.dma_semaphore, #tpu.memory_space<semaphore_mem>> -> memref<1x!tpu.dma_semaphore, #tpu.memory_space<semaphore_mem>>
    %dma_wait3A_112 = tpu.memref_squeeze %dma_wait3A_111 : memref<1x!tpu.dma_semaphore, #tpu.memory_space<semaphore_mem>> -> memref<!tpu.dma_semaphore, #tpu.memory_space<semaphore_mem>>
    tpu.wait_indirect_dma semaphore(%dma_wait3A_112 : memref<!tpu.dma_semaphore, #tpu.memory_space<semaphore_mem>>) src(%dma_wait3A_110 : memref<500000x64xf32, #tpu.memory_space<hbm>>) dst(%dma_wait3A_104 : memref<128x64xf32, #tpu.memory_space<vmem>>)
    %mul3A_113 = arith.constant 4224 : i32
    %mul3A_114 = arith.muli %add3A, %mul3A_113 : i32
    %add3A_115 = arith.constant 256 : i32
    %add3A_116 = arith.addi %mul3A_114, %add3A_115 : i32
    %run_scoped3A_117 = arith.constant 0 : i32
    "tpu.region"() ({
      %run_scoped3A_1153 = tpu.sem_alloc : memref<!tpu.dma_semaphore, #tpu.memory_space<semaphore_mem>>
      %dma_start3A_1154 = arith.constant 0 : i32
      %dma_start3A_1155 = arith.constant 0 : i32
      %dma_start3A_1156 = tpu.memref_slice %arg6[%run_scoped3A_117, %dma_start3A_1154, %dma_start3A_1155] : memref<2x128x64xf32, #tpu.memory_space<vmem>> -> memref<1x128x64xf32, #tpu.memory_space<vmem>>
      %dma_start3A_1157 = tpu.memref_squeeze %dma_start3A_1156 : memref<1x128x64xf32, #tpu.memory_space<vmem>> -> memref<128x64xf32, #tpu.memory_space<vmem>>
      %dma_start3A_1158 = arith.constant 0 : i32
      %dma_start3A_1159 = tpu.memref_slice %arg4[%add3A_116, %dma_start3A_1158] : memref<135168x64xf32, #tpu.memory_space<hbm>> -> memref<128x64xf32, #tpu.memory_space<hbm>>
      %dma_start3A_1160 = arith.constant 0 : i32
      %dma_start3A_1161 = tpu.memref_slice %arg4[%add3A_116, %dma_start3A_1160] : memref<135168x64xf32, #tpu.memory_space<hbm>> -> memref<128x64xf32, #tpu.memory_space<hbm>>
      %dma_start3A_1162 = arith.constant 0 : i32
      %dma_start3A_1163 = arith.constant 0 : i32
      %dma_start3A_1164 = tpu.memref_slice %arg6[%run_scoped3A_117, %dma_start3A_1162, %dma_start3A_1163] : memref<2x128x64xf32, #tpu.memory_space<vmem>> -> memref<1x128x64xf32, #tpu.memory_space<vmem>>
      %dma_start3A_1165 = tpu.memref_squeeze %dma_start3A_1164 : memref<1x128x64xf32, #tpu.memory_space<vmem>> -> memref<128x64xf32, #tpu.memory_space<vmem>>
      tpu.enqueue_dma source(%dma_start3A_1165 : memref<128x64xf32, #tpu.memory_space<vmem>>) target(%dma_start3A_1161 : memref<128x64xf32, #tpu.memory_space<hbm>>) target_semaphore(%run_scoped3A_1153 : memref<!tpu.dma_semaphore, #tpu.memory_space<semaphore_mem>>)
      %dma_wait3A_1166 = arith.constant 0 : i32
      %dma_wait3A_1167 = arith.constant 0 : i32
      %dma_wait3A_1168 = tpu.memref_slice %arg6[%run_scoped3A_117, %dma_wait3A_1166, %dma_wait3A_1167] : memref<2x128x64xf32, #tpu.memory_space<vmem>> -> memref<1x128x64xf32, #tpu.memory_space<vmem>>
      %dma_wait3A_1169 = tpu.memref_squeeze %dma_wait3A_1168 : memref<1x128x64xf32, #tpu.memory_space<vmem>> -> memref<128x64xf32, #tpu.memory_space<vmem>>
      %dma_wait3A_1170 = arith.constant 0 : i32
      %dma_wait3A_1171 = tpu.memref_slice %arg4[%add3A_116, %dma_wait3A_1170] : memref<135168x64xf32, #tpu.memory_space<hbm>> -> memref<128x64xf32, #tpu.memory_space<hbm>>
      %dma_wait3A_1172 = arith.constant 0 : i32
      %dma_wait3A_1173 = tpu.memref_slice %arg4[%add3A_116, %dma_wait3A_1172] : memref<135168x64xf32, #tpu.memory_space<hbm>> -> memref<128x64xf32, #tpu.memory_space<hbm>>
      %dma_wait3A_1174 = arith.constant 0 : i32
      %dma_wait3A_1175 = arith.constant 0 : i32
      %dma_wait3A_1176 = tpu.memref_slice %arg6[%run_scoped3A_117, %dma_wait3A_1174, %dma_wait3A_1175] : memref<2x128x64xf32, #tpu.memory_space<vmem>> -> memref<1x128x64xf32, #tpu.memory_space<vmem>>
      %dma_wait3A_1177 = tpu.memref_squeeze %dma_wait3A_1176 : memref<1x128x64xf32, #tpu.memory_space<vmem>> -> memref<128x64xf32, #tpu.memory_space<vmem>>
      tpu.wait_dma2 semaphore(%run_scoped3A_1153 : memref<!tpu.dma_semaphore, #tpu.memory_space<semaphore_mem>>) src(%dma_wait3A_1177 : memref<128x64xf32, #tpu.memory_space<vmem>>) dst(%dma_wait3A_1173 : memref<128x64xf32, #tpu.memory_space<hbm>>)
      tpu.yield
    }) : () -> ()
    %dma_start3A_118 = arith.constant 4 : i32
    %dma_start3A_119 = arith.constant 0 : i32
    %dma_start3A_120 = arith.constant 0 : i32
    %dma_start3A_121 = arith.constant 0 : i32
    %dma_start3A_122 = arith.constant 0 : i32
    %dma_start3A_123 = tpu.memref_slice %arg6[%dma_start3A_119, %dma_start3A_121, %dma_start3A_122] : memref<2x128x64xf32, #tpu.memory_space<vmem>> -> memref<1x128x64xf32, #tpu.memory_space<vmem>>
    %dma_start3A_124 = tpu.memref_squeeze %dma_start3A_123 : memref<1x128x64xf32, #tpu.memory_space<vmem>> -> memref<128x64xf32, #tpu.memory_space<vmem>>
    %dma_start3A_125 = arith.constant 0 : i32
    %dma_start3A_126 = tpu.memref_slice %arg5[%dma_start3A_118, %dma_start3A_125] : memref<33x128xi32, #tpu.memory_space<vmem>> -> memref<1x128xi32, #tpu.memory_space<vmem>>
    %dma_start3A_127 = tpu.memref_squeeze %dma_start3A_126 : memref<1x128xi32, #tpu.memory_space<vmem>> -> memref<128xi32, #tpu.memory_space<vmem>>
    %dma_start3A_128 = arith.constant 0 : i32
    %dma_start3A_129 = arith.constant 0 : i32
    %dma_start3A_130 = tpu.memref_slice %arg2[%dma_start3A_128, %dma_start3A_129] : memref<500000x64xf32, #tpu.memory_space<hbm>> -> memref<500000x64xf32, #tpu.memory_space<hbm>>
    %dma_start3A_131 = tpu.memref_slice %arg7[%dma_start3A_120] : memref<2x!tpu.dma_semaphore, #tpu.memory_space<semaphore_mem>> -> memref<1x!tpu.dma_semaphore, #tpu.memory_space<semaphore_mem>>
    %dma_start3A_132 = tpu.memref_squeeze %dma_start3A_131 : memref<1x!tpu.dma_semaphore, #tpu.memory_space<semaphore_mem>> -> memref<!tpu.dma_semaphore, #tpu.memory_space<semaphore_mem>>
    tpu.enqueue_indirect_dma source(%dma_start3A_130 : memref<500000x64xf32, #tpu.memory_space<hbm>>) target(%dma_start3A_124 : memref<128x64xf32, #tpu.memory_space<vmem>>) offsets(%dma_start3A_127 : memref<128xi32, #tpu.memory_space<vmem>>) semaphore(%dma_start3A_132 : memref<!tpu.dma_semaphore, #tpu.memory_space<semaphore_mem>>)
    %dma_wait3A_133 = arith.constant 3 : i32
    %dma_wait3A_134 = arith.constant 1 : i32
    %dma_wait3A_135 = arith.constant 1 : i32
    %dma_wait3A_136 = arith.constant 0 : i32
    %dma_wait3A_137 = arith.constant 0 : i32
    %dma_wait3A_138 = tpu.memref_slice %arg6[%dma_wait3A_134, %dma_wait3A_136, %dma_wait3A_137] : memref<2x128x64xf32, #tpu.memory_space<vmem>> -> memref<1x128x64xf32, #tpu.memory_space<vmem>>
    %dma_wait3A_139 = tpu.memref_squeeze %dma_wait3A_138 : memref<1x128x64xf32, #tpu.memory_space<vmem>> -> memref<128x64xf32, #tpu.memory_space<vmem>>
    %dma_wait3A_140 = arith.constant 0 : i32
    %dma_wait3A_141 = tpu.memref_slice %arg5[%dma_wait3A_133, %dma_wait3A_140] : memref<33x128xi32, #tpu.memory_space<vmem>> -> memref<1x128xi32, #tpu.memory_space<vmem>>
    %dma_wait3A_142 = tpu.memref_squeeze %dma_wait3A_141 : memref<1x128xi32, #tpu.memory_space<vmem>> -> memref<128xi32, #tpu.memory_space<vmem>>
    %dma_wait3A_143 = arith.constant 0 : i32
    %dma_wait3A_144 = arith.constant 0 : i32
    %dma_wait3A_145 = tpu.memref_slice %arg2[%dma_wait3A_143, %dma_wait3A_144] : memref<500000x64xf32, #tpu.memory_space<hbm>> -> memref<500000x64xf32, #tpu.memory_space<hbm>>
    %dma_wait3A_146 = tpu.memref_slice %arg7[%dma_wait3A_135] : memref<2x!tpu.dma_semaphore, #tpu.memory_space<semaphore_mem>> -> memref<1x!tpu.dma_semaphore, #tpu.memory_space<semaphore_mem>>
    %dma_wait3A_147 = tpu.memref_squeeze %dma_wait3A_146 : memref<1x!tpu.dma_semaphore, #tpu.memory_space<semaphore_mem>> -> memref<!tpu.dma_semaphore, #tpu.memory_space<semaphore_mem>>
    tpu.wait_indirect_dma semaphore(%dma_wait3A_147 : memref<!tpu.dma_semaphore, #tpu.memory_space<semaphore_mem>>) src(%dma_wait3A_145 : memref<500000x64xf32, #tpu.memory_space<hbm>>) dst(%dma_wait3A_139 : memref<128x64xf32, #tpu.memory_space<vmem>>)
    %mul3A_148 = arith.constant 4224 : i32
    %mul3A_149 = arith.muli %add3A, %mul3A_148 : i32
    %add3A_150 = arith.constant 384 : i32
    %add3A_151 = arith.addi %mul3A_149, %add3A_150 : i32
    %run_scoped3A_152 = arith.constant 1 : i32
    "tpu.region"() ({
      %run_scoped3A_1153 = tpu.sem_alloc : memref<!tpu.dma_semaphore, #tpu.memory_space<semaphore_mem>>
      %dma_start3A_1154 = arith.constant 0 : i32
      %dma_start3A_1155 = arith.constant 0 : i32
      %dma_start3A_1156 = tpu.memref_slice %arg6[%run_scoped3A_152, %dma_start3A_1154, %dma_start3A_1155] : memref<2x128x64xf32, #tpu.memory_space<vmem>> -> memref<1x128x64xf32, #tpu.memory_space<vmem>>
      %dma_start3A_1157 = tpu.memref_squeeze %dma_start3A_1156 : memref<1x128x64xf32, #tpu.memory_space<vmem>> -> memref<128x64xf32, #tpu.memory_space<vmem>>
      %dma_start3A_1158 = arith.constant 0 : i32
      %dma_start3A_1159 = tpu.memref_slice %arg4[%add3A_151, %dma_start3A_1158] : memref<135168x64xf32, #tpu.memory_space<hbm>> -> memref<128x64xf32, #tpu.memory_space<hbm>>
      %dma_start3A_1160 = arith.constant 0 : i32
      %dma_start3A_1161 = tpu.memref_slice %arg4[%add3A_151, %dma_start3A_1160] : memref<135168x64xf32, #tpu.memory_space<hbm>> -> memref<128x64xf32, #tpu.memory_space<hbm>>
      %dma_start3A_1162 = arith.constant 0 : i32
      %dma_start3A_1163 = arith.constant 0 : i32
      %dma_start3A_1164 = tpu.memref_slice %arg6[%run_scoped3A_152, %dma_start3A_1162, %dma_start3A_1163] : memref<2x128x64xf32, #tpu.memory_space<vmem>> -> memref<1x128x64xf32, #tpu.memory_space<vmem>>
      %dma_start3A_1165 = tpu.memref_squeeze %dma_start3A_1164 : memref<1x128x64xf32, #tpu.memory_space<vmem>> -> memref<128x64xf32, #tpu.memory_space<vmem>>
      tpu.enqueue_dma source(%dma_start3A_1165 : memref<128x64xf32, #tpu.memory_space<vmem>>) target(%dma_start3A_1161 : memref<128x64xf32, #tpu.memory_space<hbm>>) target_semaphore(%run_scoped3A_1153 : memref<!tpu.dma_semaphore, #tpu.memory_space<semaphore_mem>>)
      %dma_wait3A_1166 = arith.constant 0 : i32
      %dma_wait3A_1167 = arith.constant 0 : i32
      %dma_wait3A_1168 = tpu.memref_slice %arg6[%run_scoped3A_152, %dma_wait3A_1166, %dma_wait3A_1167] : memref<2x128x64xf32, #tpu.memory_space<vmem>> -> memref<1x128x64xf32, #tpu.memory_space<vmem>>
      %dma_wait3A_1169 = tpu.memref_squeeze %dma_wait3A_1168 : memref<1x128x64xf32, #tpu.memory_space<vmem>> -> memref<128x64xf32, #tpu.memory_space<vmem>>
      %dma_wait3A_1170 = arith.constant 0 : i32
      %dma_wait3A_1171 = tpu.memref_slice %arg4[%add3A_151, %dma_wait3A_1170] : memref<135168x64xf32, #tpu.memory_space<hbm>> -> memref<128x64xf32, #tpu.memory_space<hbm>>
      %dma_wait3A_1172 = arith.constant 0 : i32
      %dma_wait3A_1173 = tpu.memref_slice %arg4[%add3A_151, %dma_wait3A_1172] : memref<135168x64xf32, #tpu.memory_space<hbm>> -> memref<128x64xf32, #tpu.memory_space<hbm>>
      %dma_wait3A_1174 = arith.constant 0 : i32
      %dma_wait3A_1175 = arith.constant 0 : i32
      %dma_wait3A_1176 = tpu.memref_slice %arg6[%run_scoped3A_152, %dma_wait3A_1174, %dma_wait3A_1175] : memref<2x128x64xf32, #tpu.memory_space<vmem>> -> memref<1x128x64xf32, #tpu.memory_space<vmem>>
      %dma_wait3A_1177 = tpu.memref_squeeze %dma_wait3A_1176 : memref<1x128x64xf32, #tpu.memory_space<vmem>> -> memref<128x64xf32, #tpu.memory_space<vmem>>
      tpu.wait_dma2 semaphore(%run_scoped3A_1153 : memref<!tpu.dma_semaphore, #tpu.memory_space<semaphore_mem>>) src(%dma_wait3A_1177 : memref<128x64xf32, #tpu.memory_space<vmem>>) dst(%dma_wait3A_1173 : memref<128x64xf32, #tpu.memory_space<hbm>>)
      tpu.yield
    }) : () -> ()
    %dma_start3A_153 = arith.constant 5 : i32
    %dma_start3A_154 = arith.constant 1 : i32
    %dma_start3A_155 = arith.constant 1 : i32
    %dma_start3A_156 = arith.constant 0 : i32
    %dma_start3A_157 = arith.constant 0 : i32
    %dma_start3A_158 = tpu.memref_slice %arg6[%dma_start3A_154, %dma_start3A_156, %dma_start3A_157] : memref<2x128x64xf32, #tpu.memory_space<vmem>> -> memref<1x128x64xf32, #tpu.memory_space<vmem>>
    %dma_start3A_159 = tpu.memref_squeeze %dma_start3A_158 : memref<1x128x64xf32, #tpu.memory_space<vmem>> -> memref<128x64xf32, #tpu.memory_space<vmem>>
    %dma_start3A_160 = arith.constant 0 : i32
    %dma_start3A_161 = tpu.memref_slice %arg5[%dma_start3A_153, %dma_start3A_160] : memref<33x128xi32, #tpu.memory_space<vmem>> -> memref<1x128xi32, #tpu.memory_space<vmem>>
    %dma_start3A_162 = tpu.memref_squeeze %dma_start3A_161 : memref<1x128xi32, #tpu.memory_space<vmem>> -> memref<128xi32, #tpu.memory_space<vmem>>
    %dma_start3A_163 = arith.constant 0 : i32
    %dma_start3A_164 = arith.constant 0 : i32
    %dma_start3A_165 = tpu.memref_slice %arg2[%dma_start3A_163, %dma_start3A_164] : memref<500000x64xf32, #tpu.memory_space<hbm>> -> memref<500000x64xf32, #tpu.memory_space<hbm>>
    %dma_start3A_166 = tpu.memref_slice %arg7[%dma_start3A_155] : memref<2x!tpu.dma_semaphore, #tpu.memory_space<semaphore_mem>> -> memref<1x!tpu.dma_semaphore, #tpu.memory_space<semaphore_mem>>
    %dma_start3A_167 = tpu.memref_squeeze %dma_start3A_166 : memref<1x!tpu.dma_semaphore, #tpu.memory_space<semaphore_mem>> -> memref<!tpu.dma_semaphore, #tpu.memory_space<semaphore_mem>>
    tpu.enqueue_indirect_dma source(%dma_start3A_165 : memref<500000x64xf32, #tpu.memory_space<hbm>>) target(%dma_start3A_159 : memref<128x64xf32, #tpu.memory_space<vmem>>) offsets(%dma_start3A_162 : memref<128xi32, #tpu.memory_space<vmem>>) semaphore(%dma_start3A_167 : memref<!tpu.dma_semaphore, #tpu.memory_space<semaphore_mem>>)
    %dma_wait3A_168 = arith.constant 4 : i32
    %dma_wait3A_169 = arith.constant 0 : i32
    %dma_wait3A_170 = arith.constant 0 : i32
    %dma_wait3A_171 = arith.constant 0 : i32
    %dma_wait3A_172 = arith.constant 0 : i32
    %dma_wait3A_173 = tpu.memref_slice %arg6[%dma_wait3A_169, %dma_wait3A_171, %dma_wait3A_172] : memref<2x128x64xf32, #tpu.memory_space<vmem>> -> memref<1x128x64xf32, #tpu.memory_space<vmem>>
    %dma_wait3A_174 = tpu.memref_squeeze %dma_wait3A_173 : memref<1x128x64xf32, #tpu.memory_space<vmem>> -> memref<128x64xf32, #tpu.memory_space<vmem>>
    %dma_wait3A_175 = arith.constant 0 : i32
    %dma_wait3A_176 = tpu.memref_slice %arg5[%dma_wait3A_168, %dma_wait3A_175] : memref<33x128xi32, #tpu.memory_space<vmem>> -> memref<1x128xi32, #tpu.memory_space<vmem>>
    %dma_wait3A_177 = tpu.memref_squeeze %dma_wait3A_176 : memref<1x128xi32, #tpu.memory_space<vmem>> -> memref<128xi32, #tpu.memory_space<vmem>>
    %dma_wait3A_178 = arith.constant 0 : i32
    %dma_wait3A_179 = arith.constant 0 : i32
    %dma_wait3A_180 = tpu.memref_slice %arg2[%dma_wait3A_178, %dma_wait3A_179] : memref<500000x64xf32, #tpu.memory_space<hbm>> -> memref<500000x64xf32, #tpu.memory_space<hbm>>
    %dma_wait3A_181 = tpu.memref_slice %arg7[%dma_wait3A_170] : memref<2x!tpu.dma_semaphore, #tpu.memory_space<semaphore_mem>> -> memref<1x!tpu.dma_semaphore, #tpu.memory_space<semaphore_mem>>
    %dma_wait3A_182 = tpu.memref_squeeze %dma_wait3A_181 : memref<1x!tpu.dma_semaphore, #tpu.memory_space<semaphore_mem>> -> memref<!tpu.dma_semaphore, #tpu.memory_space<semaphore_mem>>
    tpu.wait_indirect_dma semaphore(%dma_wait3A_182 : memref<!tpu.dma_semaphore, #tpu.memory_space<semaphore_mem>>) src(%dma_wait3A_180 : memref<500000x64xf32, #tpu.memory_space<hbm>>) dst(%dma_wait3A_174 : memref<128x64xf32, #tpu.memory_space<vmem>>)
    %mul3A_183 = arith.constant 4224 : i32
    %mul3A_184 = arith.muli %add3A, %mul3A_183 : i32
    %add3A_185 = arith.constant 512 : i32
    %add3A_186 = arith.addi %mul3A_184, %add3A_185 : i32
    %run_scoped3A_187 = arith.constant 0 : i32
    "tpu.region"() ({
      %run_scoped3A_1153 = tpu.sem_alloc : memref<!tpu.dma_semaphore, #tpu.memory_space<semaphore_mem>>
      %dma_start3A_1154 = arith.constant 0 : i32
      %dma_start3A_1155 = arith.constant 0 : i32
      %dma_start3A_1156 = tpu.memref_slice %arg6[%run_scoped3A_187, %dma_start3A_1154, %dma_start3A_1155] : memref<2x128x64xf32, #tpu.memory_space<vmem>> -> memref<1x128x64xf32, #tpu.memory_space<vmem>>
      %dma_start3A_1157 = tpu.memref_squeeze %dma_start3A_1156 : memref<1x128x64xf32, #tpu.memory_space<vmem>> -> memref<128x64xf32, #tpu.memory_space<vmem>>
      %dma_start3A_1158 = arith.constant 0 : i32
      %dma_start3A_1159 = tpu.memref_slice %arg4[%add3A_186, %dma_start3A_1158] : memref<135168x64xf32, #tpu.memory_space<hbm>> -> memref<128x64xf32, #tpu.memory_space<hbm>>
      %dma_start3A_1160 = arith.constant 0 : i32
      %dma_start3A_1161 = tpu.memref_slice %arg4[%add3A_186, %dma_start3A_1160] : memref<135168x64xf32, #tpu.memory_space<hbm>> -> memref<128x64xf32, #tpu.memory_space<hbm>>
      %dma_start3A_1162 = arith.constant 0 : i32
      %dma_start3A_1163 = arith.constant 0 : i32
      %dma_start3A_1164 = tpu.memref_slice %arg6[%run_scoped3A_187, %dma_start3A_1162, %dma_start3A_1163] : memref<2x128x64xf32, #tpu.memory_space<vmem>> -> memref<1x128x64xf32, #tpu.memory_space<vmem>>
      %dma_start3A_1165 = tpu.memref_squeeze %dma_start3A_1164 : memref<1x128x64xf32, #tpu.memory_space<vmem>> -> memref<128x64xf32, #tpu.memory_space<vmem>>
      tpu.enqueue_dma source(%dma_start3A_1165 : memref<128x64xf32, #tpu.memory_space<vmem>>) target(%dma_start3A_1161 : memref<128x64xf32, #tpu.memory_space<hbm>>) target_semaphore(%run_scoped3A_1153 : memref<!tpu.dma_semaphore, #tpu.memory_space<semaphore_mem>>)
      %dma_wait3A_1166 = arith.constant 0 : i32
      %dma_wait3A_1167 = arith.constant 0 : i32
      %dma_wait3A_1168 = tpu.memref_slice %arg6[%run_scoped3A_187, %dma_wait3A_1166, %dma_wait3A_1167] : memref<2x128x64xf32, #tpu.memory_space<vmem>> -> memref<1x128x64xf32, #tpu.memory_space<vmem>>
      %dma_wait3A_1169 = tpu.memref_squeeze %dma_wait3A_1168 : memref<1x128x64xf32, #tpu.memory_space<vmem>> -> memref<128x64xf32, #tpu.memory_space<vmem>>
      %dma_wait3A_1170 = arith.constant 0 : i32
      %dma_wait3A_1171 = tpu.memref_slice %arg4[%add3A_186, %dma_wait3A_1170] : memref<135168x64xf32, #tpu.memory_space<hbm>> -> memref<128x64xf32, #tpu.memory_space<hbm>>
      %dma_wait3A_1172 = arith.constant 0 : i32
      %dma_wait3A_1173 = tpu.memref_slice %arg4[%add3A_186, %dma_wait3A_1172] : memref<135168x64xf32, #tpu.memory_space<hbm>> -> memref<128x64xf32, #tpu.memory_space<hbm>>
      %dma_wait3A_1174 = arith.constant 0 : i32
      %dma_wait3A_1175 = arith.constant 0 : i32
      %dma_wait3A_1176 = tpu.memref_slice %arg6[%run_scoped3A_187, %dma_wait3A_1174, %dma_wait3A_1175] : memref<2x128x64xf32, #tpu.memory_space<vmem>> -> memref<1x128x64xf32, #tpu.memory_space<vmem>>
      %dma_wait3A_1177 = tpu.memref_squeeze %dma_wait3A_1176 : memref<1x128x64xf32, #tpu.memory_space<vmem>> -> memref<128x64xf32, #tpu.memory_space<vmem>>
      tpu.wait_dma2 semaphore(%run_scoped3A_1153 : memref<!tpu.dma_semaphore, #tpu.memory_space<semaphore_mem>>) src(%dma_wait3A_1177 : memref<128x64xf32, #tpu.memory_space<vmem>>) dst(%dma_wait3A_1173 : memref<128x64xf32, #tpu.memory_space<hbm>>)
      tpu.yield
    }) : () -> ()
    %dma_start3A_188 = arith.constant 6 : i32
    %dma_start3A_189 = arith.constant 0 : i32
    %dma_start3A_190 = arith.constant 0 : i32
    %dma_start3A_191 = arith.constant 0 : i32
    %dma_start3A_192 = arith.constant 0 : i32
    %dma_start3A_193 = tpu.memref_slice %arg6[%dma_start3A_189, %dma_start3A_191, %dma_start3A_192] : memref<2x128x64xf32, #tpu.memory_space<vmem>> -> memref<1x128x64xf32, #tpu.memory_space<vmem>>
    %dma_start3A_194 = tpu.memref_squeeze %dma_start3A_193 : memref<1x128x64xf32, #tpu.memory_space<vmem>> -> memref<128x64xf32, #tpu.memory_space<vmem>>
    %dma_start3A_195 = arith.constant 0 : i32
    %dma_start3A_196 = tpu.memref_slice %arg5[%dma_start3A_188, %dma_start3A_195] : memref<33x128xi32, #tpu.memory_space<vmem>> -> memref<1x128xi32, #tpu.memory_space<vmem>>
    %dma_start3A_197 = tpu.memref_squeeze %dma_start3A_196 : memref<1x128xi32, #tpu.memory_space<vmem>> -> memref<128xi32, #tpu.memory_space<vmem>>
    %dma_start3A_198 = arith.constant 0 : i32
    %dma_start3A_199 = arith.constant 0 : i32
    %dma_start3A_200 = tpu.memref_slice %arg2[%dma_start3A_198, %dma_start3A_199] : memref<500000x64xf32, #tpu.memory_space<hbm>> -> memref<500000x64xf32, #tpu.memory_space<hbm>>
    %dma_start3A_201 = tpu.memref_slice %arg7[%dma_start3A_190] : memref<2x!tpu.dma_semaphore, #tpu.memory_space<semaphore_mem>> -> memref<1x!tpu.dma_semaphore, #tpu.memory_space<semaphore_mem>>
    %dma_start3A_202 = tpu.memref_squeeze %dma_start3A_201 : memref<1x!tpu.dma_semaphore, #tpu.memory_space<semaphore_mem>> -> memref<!tpu.dma_semaphore, #tpu.memory_space<semaphore_mem>>
    tpu.enqueue_indirect_dma source(%dma_start3A_200 : memref<500000x64xf32, #tpu.memory_space<hbm>>) target(%dma_start3A_194 : memref<128x64xf32, #tpu.memory_space<vmem>>) offsets(%dma_start3A_197 : memref<128xi32, #tpu.memory_space<vmem>>) semaphore(%dma_start3A_202 : memref<!tpu.dma_semaphore, #tpu.memory_space<semaphore_mem>>)
    %dma_wait3A_203 = arith.constant 5 : i32
    %dma_wait3A_204 = arith.constant 1 : i32
    %dma_wait3A_205 = arith.constant 1 : i32
    %dma_wait3A_206 = arith.constant 0 : i32
    %dma_wait3A_207 = arith.constant 0 : i32
    %dma_wait3A_208 = tpu.memref_slice %arg6[%dma_wait3A_204, %dma_wait3A_206, %dma_wait3A_207] : memref<2x128x64xf32, #tpu.memory_space<vmem>> -> memref<1x128x64xf32, #tpu.memory_space<vmem>>
    %dma_wait3A_209 = tpu.memref_squeeze %dma_wait3A_208 : memref<1x128x64xf32, #tpu.memory_space<vmem>> -> memref<128x64xf32, #tpu.memory_space<vmem>>
    %dma_wait3A_210 = arith.constant 0 : i32
    %dma_wait3A_211 = tpu.memref_slice %arg5[%dma_wait3A_203, %dma_wait3A_210] : memref<33x128xi32, #tpu.memory_space<vmem>> -> memref<1x128xi32, #tpu.memory_space<vmem>>
    %dma_wait3A_212 = tpu.memref_squeeze %dma_wait3A_211 : memref<1x128xi32, #tpu.memory_space<vmem>> -> memref<128xi32, #tpu.memory_space<vmem>>
    %dma_wait3A_213 = arith.constant 0 : i32
    %dma_wait3A_214 = arith.constant 0 : i32
    %dma_wait3A_215 = tpu.memref_slice %arg2[%dma_wait3A_213, %dma_wait3A_214] : memref<500000x64xf32, #tpu.memory_space<hbm>> -> memref<500000x64xf32, #tpu.memory_space<hbm>>
    %dma_wait3A_216 = tpu.memref_slice %arg7[%dma_wait3A_205] : memref<2x!tpu.dma_semaphore, #tpu.memory_space<semaphore_mem>> -> memref<1x!tpu.dma_semaphore, #tpu.memory_space<semaphore_mem>>
    %dma_wait3A_217 = tpu.memref_squeeze %dma_wait3A_216 : memref<1x!tpu.dma_semaphore, #tpu.memory_space<semaphore_mem>> -> memref<!tpu.dma_semaphore, #tpu.memory_space<semaphore_mem>>
    tpu.wait_indirect_dma semaphore(%dma_wait3A_217 : memref<!tpu.dma_semaphore, #tpu.memory_space<semaphore_mem>>) src(%dma_wait3A_215 : memref<500000x64xf32, #tpu.memory_space<hbm>>) dst(%dma_wait3A_209 : memref<128x64xf32, #tpu.memory_space<vmem>>)
    %mul3A_218 = arith.constant 4224 : i32
    %mul3A_219 = arith.muli %add3A, %mul3A_218 : i32
    %add3A_220 = arith.constant 640 : i32
    %add3A_221 = arith.addi %mul3A_219, %add3A_220 : i32
    %run_scoped3A_222 = arith.constant 1 : i32
    "tpu.region"() ({
      %run_scoped3A_1153 = tpu.sem_alloc : memref<!tpu.dma_semaphore, #tpu.memory_space<semaphore_mem>>
      %dma_start3A_1154 = arith.constant 0 : i32
      %dma_start3A_1155 = arith.constant 0 : i32
      %dma_start3A_1156 = tpu.memref_slice %arg6[%run_scoped3A_222, %dma_start3A_1154, %dma_start3A_1155] : memref<2x128x64xf32, #tpu.memory_space<vmem>> -> memref<1x128x64xf32, #tpu.memory_space<vmem>>
      %dma_start3A_1157 = tpu.memref_squeeze %dma_start3A_1156 : memref<1x128x64xf32, #tpu.memory_space<vmem>> -> memref<128x64xf32, #tpu.memory_space<vmem>>
      %dma_start3A_1158 = arith.constant 0 : i32
      %dma_start3A_1159 = tpu.memref_slice %arg4[%add3A_221, %dma_start3A_1158] : memref<135168x64xf32, #tpu.memory_space<hbm>> -> memref<128x64xf32, #tpu.memory_space<hbm>>
      %dma_start3A_1160 = arith.constant 0 : i32
      %dma_start3A_1161 = tpu.memref_slice %arg4[%add3A_221, %dma_start3A_1160] : memref<135168x64xf32, #tpu.memory_space<hbm>> -> memref<128x64xf32, #tpu.memory_space<hbm>>
      %dma_start3A_1162 = arith.constant 0 : i32
      %dma_start3A_1163 = arith.constant 0 : i32
      %dma_start3A_1164 = tpu.memref_slice %arg6[%run_scoped3A_222, %dma_start3A_1162, %dma_start3A_1163] : memref<2x128x64xf32, #tpu.memory_space<vmem>> -> memref<1x128x64xf32, #tpu.memory_space<vmem>>
      %dma_start3A_1165 = tpu.memref_squeeze %dma_start3A_1164 : memref<1x128x64xf32, #tpu.memory_space<vmem>> -> memref<128x64xf32, #tpu.memory_space<vmem>>
      tpu.enqueue_dma source(%dma_start3A_1165 : memref<128x64xf32, #tpu.memory_space<vmem>>) target(%dma_start3A_1161 : memref<128x64xf32, #tpu.memory_space<hbm>>) target_semaphore(%run_scoped3A_1153 : memref<!tpu.dma_semaphore, #tpu.memory_space<semaphore_mem>>)
      %dma_wait3A_1166 = arith.constant 0 : i32
      %dma_wait3A_1167 = arith.constant 0 : i32
      %dma_wait3A_1168 = tpu.memref_slice %arg6[%run_scoped3A_222, %dma_wait3A_1166, %dma_wait3A_1167] : memref<2x128x64xf32, #tpu.memory_space<vmem>> -> memref<1x128x64xf32, #tpu.memory_space<vmem>>
      %dma_wait3A_1169 = tpu.memref_squeeze %dma_wait3A_1168 : memref<1x128x64xf32, #tpu.memory_space<vmem>> -> memref<128x64xf32, #tpu.memory_space<vmem>>
      %dma_wait3A_1170 = arith.constant 0 : i32
      %dma_wait3A_1171 = tpu.memref_slice %arg4[%add3A_221, %dma_wait3A_1170] : memref<135168x64xf32, #tpu.memory_space<hbm>> -> memref<128x64xf32, #tpu.memory_space<hbm>>
      %dma_wait3A_1172 = arith.constant 0 : i32
      %dma_wait3A_1173 = tpu.memref_slice %arg4[%add3A_221, %dma_wait3A_1172] : memref<135168x64xf32, #tpu.memory_space<hbm>> -> memref<128x64xf32, #tpu.memory_space<hbm>>
      %dma_wait3A_1174 = arith.constant 0 : i32
      %dma_wait3A_1175 = arith.constant 0 : i32
      %dma_wait3A_1176 = tpu.memref_slice %arg6[%run_scoped3A_222, %dma_wait3A_1174, %dma_wait3A_1175] : memref<2x128x64xf32, #tpu.memory_space<vmem>> -> memref<1x128x64xf32, #tpu.memory_space<vmem>>
      %dma_wait3A_1177 = tpu.memref_squeeze %dma_wait3A_1176 : memref<1x128x64xf32, #tpu.memory_space<vmem>> -> memref<128x64xf32, #tpu.memory_space<vmem>>
      tpu.wait_dma2 semaphore(%run_scoped3A_1153 : memref<!tpu.dma_semaphore, #tpu.memory_space<semaphore_mem>>) src(%dma_wait3A_1177 : memref<128x64xf32, #tpu.memory_space<vmem>>) dst(%dma_wait3A_1173 : memref<128x64xf32, #tpu.memory_space<hbm>>)
      tpu.yield
    }) : () -> ()
    %dma_start3A_223 = arith.constant 7 : i32
    %dma_start3A_224 = arith.constant 1 : i32
    %dma_start3A_225 = arith.constant 1 : i32
    %dma_start3A_226 = arith.constant 0 : i32
    %dma_start3A_227 = arith.constant 0 : i32
    %dma_start3A_228 = tpu.memref_slice %arg6[%dma_start3A_224, %dma_start3A_226, %dma_start3A_227] : memref<2x128x64xf32, #tpu.memory_space<vmem>> -> memref<1x128x64xf32, #tpu.memory_space<vmem>>
    %dma_start3A_229 = tpu.memref_squeeze %dma_start3A_228 : memref<1x128x64xf32, #tpu.memory_space<vmem>> -> memref<128x64xf32, #tpu.memory_space<vmem>>
    %dma_start3A_230 = arith.constant 0 : i32
    %dma_start3A_231 = tpu.memref_slice %arg5[%dma_start3A_223, %dma_start3A_230] : memref<33x128xi32, #tpu.memory_space<vmem>> -> memref<1x128xi32, #tpu.memory_space<vmem>>
    %dma_start3A_232 = tpu.memref_squeeze %dma_start3A_231 : memref<1x128xi32, #tpu.memory_space<vmem>> -> memref<128xi32, #tpu.memory_space<vmem>>
    %dma_start3A_233 = arith.constant 0 : i32
    %dma_start3A_234 = arith.constant 0 : i32
    %dma_start3A_235 = tpu.memref_slice %arg2[%dma_start3A_233, %dma_start3A_234] : memref<500000x64xf32, #tpu.memory_space<hbm>> -> memref<500000x64xf32, #tpu.memory_space<hbm>>
    %dma_start3A_236 = tpu.memref_slice %arg7[%dma_start3A_225] : memref<2x!tpu.dma_semaphore, #tpu.memory_space<semaphore_mem>> -> memref<1x!tpu.dma_semaphore, #tpu.memory_space<semaphore_mem>>
    %dma_start3A_237 = tpu.memref_squeeze %dma_start3A_236 : memref<1x!tpu.dma_semaphore, #tpu.memory_space<semaphore_mem>> -> memref<!tpu.dma_semaphore, #tpu.memory_space<semaphore_mem>>
    tpu.enqueue_indirect_dma source(%dma_start3A_235 : memref<500000x64xf32, #tpu.memory_space<hbm>>) target(%dma_start3A_229 : memref<128x64xf32, #tpu.memory_space<vmem>>) offsets(%dma_start3A_232 : memref<128xi32, #tpu.memory_space<vmem>>) semaphore(%dma_start3A_237 : memref<!tpu.dma_semaphore, #tpu.memory_space<semaphore_mem>>)
    %dma_wait3A_238 = arith.constant 6 : i32
    %dma_wait3A_239 = arith.constant 0 : i32
    %dma_wait3A_240 = arith.constant 0 : i32
    %dma_wait3A_241 = arith.constant 0 : i32
    %dma_wait3A_242 = arith.constant 0 : i32
    %dma_wait3A_243 = tpu.memref_slice %arg6[%dma_wait3A_239, %dma_wait3A_241, %dma_wait3A_242] : memref<2x128x64xf32, #tpu.memory_space<vmem>> -> memref<1x128x64xf32, #tpu.memory_space<vmem>>
    %dma_wait3A_244 = tpu.memref_squeeze %dma_wait3A_243 : memref<1x128x64xf32, #tpu.memory_space<vmem>> -> memref<128x64xf32, #tpu.memory_space<vmem>>
    %dma_wait3A_245 = arith.constant 0 : i32
    %dma_wait3A_246 = tpu.memref_slice %arg5[%dma_wait3A_238, %dma_wait3A_245] : memref<33x128xi32, #tpu.memory_space<vmem>> -> memref<1x128xi32, #tpu.memory_space<vmem>>
    %dma_wait3A_247 = tpu.memref_squeeze %dma_wait3A_246 : memref<1x128xi32, #tpu.memory_space<vmem>> -> memref<128xi32, #tpu.memory_space<vmem>>
    %dma_wait3A_248 = arith.constant 0 : i32
    %dma_wait3A_249 = arith.constant 0 : i32
    %dma_wait3A_250 = tpu.memref_slice %arg2[%dma_wait3A_248, %dma_wait3A_249] : memref<500000x64xf32, #tpu.memory_space<hbm>> -> memref<500000x64xf32, #tpu.memory_space<hbm>>
    %dma_wait3A_251 = tpu.memref_slice %arg7[%dma_wait3A_240] : memref<2x!tpu.dma_semaphore, #tpu.memory_space<semaphore_mem>> -> memref<1x!tpu.dma_semaphore, #tpu.memory_space<semaphore_mem>>
    %dma_wait3A_252 = tpu.memref_squeeze %dma_wait3A_251 : memref<1x!tpu.dma_semaphore, #tpu.memory_space<semaphore_mem>> -> memref<!tpu.dma_semaphore, #tpu.memory_space<semaphore_mem>>
    tpu.wait_indirect_dma semaphore(%dma_wait3A_252 : memref<!tpu.dma_semaphore, #tpu.memory_space<semaphore_mem>>) src(%dma_wait3A_250 : memref<500000x64xf32, #tpu.memory_space<hbm>>) dst(%dma_wait3A_244 : memref<128x64xf32, #tpu.memory_space<vmem>>)
    %mul3A_253 = arith.constant 4224 : i32
    %mul3A_254 = arith.muli %add3A, %mul3A_253 : i32
    %add3A_255 = arith.constant 768 : i32
    %add3A_256 = arith.addi %mul3A_254, %add3A_255 : i32
    %run_scoped3A_257 = arith.constant 0 : i32
    "tpu.region"() ({
      %run_scoped3A_1153 = tpu.sem_alloc : memref<!tpu.dma_semaphore, #tpu.memory_space<semaphore_mem>>
      %dma_start3A_1154 = arith.constant 0 : i32
      %dma_start3A_1155 = arith.constant 0 : i32
      %dma_start3A_1156 = tpu.memref_slice %arg6[%run_scoped3A_257, %dma_start3A_1154, %dma_start3A_1155] : memref<2x128x64xf32, #tpu.memory_space<vmem>> -> memref<1x128x64xf32, #tpu.memory_space<vmem>>
      %dma_start3A_1157 = tpu.memref_squeeze %dma_start3A_1156 : memref<1x128x64xf32, #tpu.memory_space<vmem>> -> memref<128x64xf32, #tpu.memory_space<vmem>>
      %dma_start3A_1158 = arith.constant 0 : i32
      %dma_start3A_1159 = tpu.memref_slice %arg4[%add3A_256, %dma_start3A_1158] : memref<135168x64xf32, #tpu.memory_space<hbm>> -> memref<128x64xf32, #tpu.memory_space<hbm>>
      %dma_start3A_1160 = arith.constant 0 : i32
      %dma_start3A_1161 = tpu.memref_slice %arg4[%add3A_256, %dma_start3A_1160] : memref<135168x64xf32, #tpu.memory_space<hbm>> -> memref<128x64xf32, #tpu.memory_space<hbm>>
      %dma_start3A_1162 = arith.constant 0 : i32
      %dma_start3A_1163 = arith.constant 0 : i32
      %dma_start3A_1164 = tpu.memref_slice %arg6[%run_scoped3A_257, %dma_start3A_1162, %dma_start3A_1163] : memref<2x128x64xf32, #tpu.memory_space<vmem>> -> memref<1x128x64xf32, #tpu.memory_space<vmem>>
      %dma_start3A_1165 = tpu.memref_squeeze %dma_start3A_1164 : memref<1x128x64xf32, #tpu.memory_space<vmem>> -> memref<128x64xf32, #tpu.memory_space<vmem>>
      tpu.enqueue_dma source(%dma_start3A_1165 : memref<128x64xf32, #tpu.memory_space<vmem>>) target(%dma_start3A_1161 : memref<128x64xf32, #tpu.memory_space<hbm>>) target_semaphore(%run_scoped3A_1153 : memref<!tpu.dma_semaphore, #tpu.memory_space<semaphore_mem>>)
      %dma_wait3A_1166 = arith.constant 0 : i32
      %dma_wait3A_1167 = arith.constant 0 : i32
      %dma_wait3A_1168 = tpu.memref_slice %arg6[%run_scoped3A_257, %dma_wait3A_1166, %dma_wait3A_1167] : memref<2x128x64xf32, #tpu.memory_space<vmem>> -> memref<1x128x64xf32, #tpu.memory_space<vmem>>
      %dma_wait3A_1169 = tpu.memref_squeeze %dma_wait3A_1168 : memref<1x128x64xf32, #tpu.memory_space<vmem>> -> memref<128x64xf32, #tpu.memory_space<vmem>>
      %dma_wait3A_1170 = arith.constant 0 : i32
      %dma_wait3A_1171 = tpu.memref_slice %arg4[%add3A_256, %dma_wait3A_1170] : memref<135168x64xf32, #tpu.memory_space<hbm>> -> memref<128x64xf32, #tpu.memory_space<hbm>>
      %dma_wait3A_1172 = arith.constant 0 : i32
      %dma_wait3A_1173 = tpu.memref_slice %arg4[%add3A_256, %dma_wait3A_1172] : memref<135168x64xf32, #tpu.memory_space<hbm>> -> memref<128x64xf32, #tpu.memory_space<hbm>>
      %dma_wait3A_1174 = arith.constant 0 : i32
      %dma_wait3A_1175 = arith.constant 0 : i32
      %dma_wait3A_1176 = tpu.memref_slice %arg6[%run_scoped3A_257, %dma_wait3A_1174, %dma_wait3A_1175] : memref<2x128x64xf32, #tpu.memory_space<vmem>> -> memref<1x128x64xf32, #tpu.memory_space<vmem>>
      %dma_wait3A_1177 = tpu.memref_squeeze %dma_wait3A_1176 : memref<1x128x64xf32, #tpu.memory_space<vmem>> -> memref<128x64xf32, #tpu.memory_space<vmem>>
      tpu.wait_dma2 semaphore(%run_scoped3A_1153 : memref<!tpu.dma_semaphore, #tpu.memory_space<semaphore_mem>>) src(%dma_wait3A_1177 : memref<128x64xf32, #tpu.memory_space<vmem>>) dst(%dma_wait3A_1173 : memref<128x64xf32, #tpu.memory_space<hbm>>)
      tpu.yield
    }) : () -> ()
    %dma_start3A_258 = arith.constant 8 : i32
    %dma_start3A_259 = arith.constant 0 : i32
    %dma_start3A_260 = arith.constant 0 : i32
    %dma_start3A_261 = arith.constant 0 : i32
    %dma_start3A_262 = arith.constant 0 : i32
    %dma_start3A_263 = tpu.memref_slice %arg6[%dma_start3A_259, %dma_start3A_261, %dma_start3A_262] : memref<2x128x64xf32, #tpu.memory_space<vmem>> -> memref<1x128x64xf32, #tpu.memory_space<vmem>>
    %dma_start3A_264 = tpu.memref_squeeze %dma_start3A_263 : memref<1x128x64xf32, #tpu.memory_space<vmem>> -> memref<128x64xf32, #tpu.memory_space<vmem>>
    %dma_start3A_265 = arith.constant 0 : i32
    %dma_start3A_266 = tpu.memref_slice %arg5[%dma_start3A_258, %dma_start3A_265] : memref<33x128xi32, #tpu.memory_space<vmem>> -> memref<1x128xi32, #tpu.memory_space<vmem>>
    %dma_start3A_267 = tpu.memref_squeeze %dma_start3A_266 : memref<1x128xi32, #tpu.memory_space<vmem>> -> memref<128xi32, #tpu.memory_space<vmem>>
    %dma_start3A_268 = arith.constant 0 : i32
    %dma_start3A_269 = arith.constant 0 : i32
    %dma_start3A_270 = tpu.memref_slice %arg2[%dma_start3A_268, %dma_start3A_269] : memref<500000x64xf32, #tpu.memory_space<hbm>> -> memref<500000x64xf32, #tpu.memory_space<hbm>>
    %dma_start3A_271 = tpu.memref_slice %arg7[%dma_start3A_260] : memref<2x!tpu.dma_semaphore, #tpu.memory_space<semaphore_mem>> -> memref<1x!tpu.dma_semaphore, #tpu.memory_space<semaphore_mem>>
    %dma_start3A_272 = tpu.memref_squeeze %dma_start3A_271 : memref<1x!tpu.dma_semaphore, #tpu.memory_space<semaphore_mem>> -> memref<!tpu.dma_semaphore, #tpu.memory_space<semaphore_mem>>
    tpu.enqueue_indirect_dma source(%dma_start3A_270 : memref<500000x64xf32, #tpu.memory_space<hbm>>) target(%dma_start3A_264 : memref<128x64xf32, #tpu.memory_space<vmem>>) offsets(%dma_start3A_267 : memref<128xi32, #tpu.memory_space<vmem>>) semaphore(%dma_start3A_272 : memref<!tpu.dma_semaphore, #tpu.memory_space<semaphore_mem>>)
    %dma_wait3A_273 = arith.constant 7 : i32
    %dma_wait3A_274 = arith.constant 1 : i32
    %dma_wait3A_275 = arith.constant 1 : i32
    %dma_wait3A_276 = arith.constant 0 : i32
    %dma_wait3A_277 = arith.constant 0 : i32
    %dma_wait3A_278 = tpu.memref_slice %arg6[%dma_wait3A_274, %dma_wait3A_276, %dma_wait3A_277] : memref<2x128x64xf32, #tpu.memory_space<vmem>> -> memref<1x128x64xf32, #tpu.memory_space<vmem>>
    %dma_wait3A_279 = tpu.memref_squeeze %dma_wait3A_278 : memref<1x128x64xf32, #tpu.memory_space<vmem>> -> memref<128x64xf32, #tpu.memory_space<vmem>>
    %dma_wait3A_280 = arith.constant 0 : i32
    %dma_wait3A_281 = tpu.memref_slice %arg5[%dma_wait3A_273, %dma_wait3A_280] : memref<33x128xi32, #tpu.memory_space<vmem>> -> memref<1x128xi32, #tpu.memory_space<vmem>>
    %dma_wait3A_282 = tpu.memref_squeeze %dma_wait3A_281 : memref<1x128xi32, #tpu.memory_space<vmem>> -> memref<128xi32, #tpu.memory_space<vmem>>
    %dma_wait3A_283 = arith.constant 0 : i32
    %dma_wait3A_284 = arith.constant 0 : i32
    %dma_wait3A_285 = tpu.memref_slice %arg2[%dma_wait3A_283, %dma_wait3A_284] : memref<500000x64xf32, #tpu.memory_space<hbm>> -> memref<500000x64xf32, #tpu.memory_space<hbm>>
    %dma_wait3A_286 = tpu.memref_slice %arg7[%dma_wait3A_275] : memref<2x!tpu.dma_semaphore, #tpu.memory_space<semaphore_mem>> -> memref<1x!tpu.dma_semaphore, #tpu.memory_space<semaphore_mem>>
    %dma_wait3A_287 = tpu.memref_squeeze %dma_wait3A_286 : memref<1x!tpu.dma_semaphore, #tpu.memory_space<semaphore_mem>> -> memref<!tpu.dma_semaphore, #tpu.memory_space<semaphore_mem>>
    tpu.wait_indirect_dma semaphore(%dma_wait3A_287 : memref<!tpu.dma_semaphore, #tpu.memory_space<semaphore_mem>>) src(%dma_wait3A_285 : memref<500000x64xf32, #tpu.memory_space<hbm>>) dst(%dma_wait3A_279 : memref<128x64xf32, #tpu.memory_space<vmem>>)
    %mul3A_288 = arith.constant 4224 : i32
    %mul3A_289 = arith.muli %add3A, %mul3A_288 : i32
    %add3A_290 = arith.constant 896 : i32
    %add3A_291 = arith.addi %mul3A_289, %add3A_290 : i32
    %run_scoped3A_292 = arith.constant 1 : i32
    "tpu.region"() ({
      %run_scoped3A_1153 = tpu.sem_alloc : memref<!tpu.dma_semaphore, #tpu.memory_space<semaphore_mem>>
      %dma_start3A_1154 = arith.constant 0 : i32
      %dma_start3A_1155 = arith.constant 0 : i32
      %dma_start3A_1156 = tpu.memref_slice %arg6[%run_scoped3A_292, %dma_start3A_1154, %dma_start3A_1155] : memref<2x128x64xf32, #tpu.memory_space<vmem>> -> memref<1x128x64xf32, #tpu.memory_space<vmem>>
      %dma_start3A_1157 = tpu.memref_squeeze %dma_start3A_1156 : memref<1x128x64xf32, #tpu.memory_space<vmem>> -> memref<128x64xf32, #tpu.memory_space<vmem>>
      %dma_start3A_1158 = arith.constant 0 : i32
      %dma_start3A_1159 = tpu.memref_slice %arg4[%add3A_291, %dma_start3A_1158] : memref<135168x64xf32, #tpu.memory_space<hbm>> -> memref<128x64xf32, #tpu.memory_space<hbm>>
      %dma_start3A_1160 = arith.constant 0 : i32
      %dma_start3A_1161 = tpu.memref_slice %arg4[%add3A_291, %dma_start3A_1160] : memref<135168x64xf32, #tpu.memory_space<hbm>> -> memref<128x64xf32, #tpu.memory_space<hbm>>
      %dma_start3A_1162 = arith.constant 0 : i32
      %dma_start3A_1163 = arith.constant 0 : i32
      %dma_start3A_1164 = tpu.memref_slice %arg6[%run_scoped3A_292, %dma_start3A_1162, %dma_start3A_1163] : memref<2x128x64xf32, #tpu.memory_space<vmem>> -> memref<1x128x64xf32, #tpu.memory_space<vmem>>
      %dma_start3A_1165 = tpu.memref_squeeze %dma_start3A_1164 : memref<1x128x64xf32, #tpu.memory_space<vmem>> -> memref<128x64xf32, #tpu.memory_space<vmem>>
      tpu.enqueue_dma source(%dma_start3A_1165 : memref<128x64xf32, #tpu.memory_space<vmem>>) target(%dma_start3A_1161 : memref<128x64xf32, #tpu.memory_space<hbm>>) target_semaphore(%run_scoped3A_1153 : memref<!tpu.dma_semaphore, #tpu.memory_space<semaphore_mem>>)
      %dma_wait3A_1166 = arith.constant 0 : i32
      %dma_wait3A_1167 = arith.constant 0 : i32
      %dma_wait3A_1168 = tpu.memref_slice %arg6[%run_scoped3A_292, %dma_wait3A_1166, %dma_wait3A_1167] : memref<2x128x64xf32, #tpu.memory_space<vmem>> -> memref<1x128x64xf32, #tpu.memory_space<vmem>>
      %dma_wait3A_1169 = tpu.memref_squeeze %dma_wait3A_1168 : memref<1x128x64xf32, #tpu.memory_space<vmem>> -> memref<128x64xf32, #tpu.memory_space<vmem>>
      %dma_wait3A_1170 = arith.constant 0 : i32
      %dma_wait3A_1171 = tpu.memref_slice %arg4[%add3A_291, %dma_wait3A_1170] : memref<135168x64xf32, #tpu.memory_space<hbm>> -> memref<128x64xf32, #tpu.memory_space<hbm>>
      %dma_wait3A_1172 = arith.constant 0 : i32
      %dma_wait3A_1173 = tpu.memref_slice %arg4[%add3A_291, %dma_wait3A_1172] : memref<135168x64xf32, #tpu.memory_space<hbm>> -> memref<128x64xf32, #tpu.memory_space<hbm>>
      %dma_wait3A_1174 = arith.constant 0 : i32
      %dma_wait3A_1175 = arith.constant 0 : i32
      %dma_wait3A_1176 = tpu.memref_slice %arg6[%run_scoped3A_292, %dma_wait3A_1174, %dma_wait3A_1175] : memref<2x128x64xf32, #tpu.memory_space<vmem>> -> memref<1x128x64xf32, #tpu.memory_space<vmem>>
      %dma_wait3A_1177 = tpu.memref_squeeze %dma_wait3A_1176 : memref<1x128x64xf32, #tpu.memory_space<vmem>> -> memref<128x64xf32, #tpu.memory_space<vmem>>
      tpu.wait_dma2 semaphore(%run_scoped3A_1153 : memref<!tpu.dma_semaphore, #tpu.memory_space<semaphore_mem>>) src(%dma_wait3A_1177 : memref<128x64xf32, #tpu.memory_space<vmem>>) dst(%dma_wait3A_1173 : memref<128x64xf32, #tpu.memory_space<hbm>>)
      tpu.yield
    }) : () -> ()
    %dma_start3A_293 = arith.constant 9 : i32
    %dma_start3A_294 = arith.constant 1 : i32
    %dma_start3A_295 = arith.constant 1 : i32
    %dma_start3A_296 = arith.constant 0 : i32
    %dma_start3A_297 = arith.constant 0 : i32
    %dma_start3A_298 = tpu.memref_slice %arg6[%dma_start3A_294, %dma_start3A_296, %dma_start3A_297] : memref<2x128x64xf32, #tpu.memory_space<vmem>> -> memref<1x128x64xf32, #tpu.memory_space<vmem>>
    %dma_start3A_299 = tpu.memref_squeeze %dma_start3A_298 : memref<1x128x64xf32, #tpu.memory_space<vmem>> -> memref<128x64xf32, #tpu.memory_space<vmem>>
    %dma_start3A_300 = arith.constant 0 : i32
    %dma_start3A_301 = tpu.memref_slice %arg5[%dma_start3A_293, %dma_start3A_300] : memref<33x128xi32, #tpu.memory_space<vmem>> -> memref<1x128xi32, #tpu.memory_space<vmem>>
    %dma_start3A_302 = tpu.memref_squeeze %dma_start3A_301 : memref<1x128xi32, #tpu.memory_space<vmem>> -> memref<128xi32, #tpu.memory_space<vmem>>
    %dma_start3A_303 = arith.constant 0 : i32
    %dma_start3A_304 = arith.constant 0 : i32
    %dma_start3A_305 = tpu.memref_slice %arg2[%dma_start3A_303, %dma_start3A_304] : memref<500000x64xf32, #tpu.memory_space<hbm>> -> memref<500000x64xf32, #tpu.memory_space<hbm>>
    %dma_start3A_306 = tpu.memref_slice %arg7[%dma_start3A_295] : memref<2x!tpu.dma_semaphore, #tpu.memory_space<semaphore_mem>> -> memref<1x!tpu.dma_semaphore, #tpu.memory_space<semaphore_mem>>
    %dma_start3A_307 = tpu.memref_squeeze %dma_start3A_306 : memref<1x!tpu.dma_semaphore, #tpu.memory_space<semaphore_mem>> -> memref<!tpu.dma_semaphore, #tpu.memory_space<semaphore_mem>>
    tpu.enqueue_indirect_dma source(%dma_start3A_305 : memref<500000x64xf32, #tpu.memory_space<hbm>>) target(%dma_start3A_299 : memref<128x64xf32, #tpu.memory_space<vmem>>) offsets(%dma_start3A_302 : memref<128xi32, #tpu.memory_space<vmem>>) semaphore(%dma_start3A_307 : memref<!tpu.dma_semaphore, #tpu.memory_space<semaphore_mem>>)
    %dma_wait3A_308 = arith.constant 8 : i32
    %dma_wait3A_309 = arith.constant 0 : i32
    %dma_wait3A_310 = arith.constant 0 : i32
    %dma_wait3A_311 = arith.constant 0 : i32
    %dma_wait3A_312 = arith.constant 0 : i32
    %dma_wait3A_313 = tpu.memref_slice %arg6[%dma_wait3A_309, %dma_wait3A_311, %dma_wait3A_312] : memref<2x128x64xf32, #tpu.memory_space<vmem>> -> memref<1x128x64xf32, #tpu.memory_space<vmem>>
    %dma_wait3A_314 = tpu.memref_squeeze %dma_wait3A_313 : memref<1x128x64xf32, #tpu.memory_space<vmem>> -> memref<128x64xf32, #tpu.memory_space<vmem>>
    %dma_wait3A_315 = arith.constant 0 : i32
    %dma_wait3A_316 = tpu.memref_slice %arg5[%dma_wait3A_308, %dma_wait3A_315] : memref<33x128xi32, #tpu.memory_space<vmem>> -> memref<1x128xi32, #tpu.memory_space<vmem>>
    %dma_wait3A_317 = tpu.memref_squeeze %dma_wait3A_316 : memref<1x128xi32, #tpu.memory_space<vmem>> -> memref<128xi32, #tpu.memory_space<vmem>>
    %dma_wait3A_318 = arith.constant 0 : i32
    %dma_wait3A_319 = arith.constant 0 : i32
    %dma_wait3A_320 = tpu.memref_slice %arg2[%dma_wait3A_318, %dma_wait3A_319] : memref<500000x64xf32, #tpu.memory_space<hbm>> -> memref<500000x64xf32, #tpu.memory_space<hbm>>
    %dma_wait3A_321 = tpu.memref_slice %arg7[%dma_wait3A_310] : memref<2x!tpu.dma_semaphore, #tpu.memory_space<semaphore_mem>> -> memref<1x!tpu.dma_semaphore, #tpu.memory_space<semaphore_mem>>
    %dma_wait3A_322 = tpu.memref_squeeze %dma_wait3A_321 : memref<1x!tpu.dma_semaphore, #tpu.memory_space<semaphore_mem>> -> memref<!tpu.dma_semaphore, #tpu.memory_space<semaphore_mem>>
    tpu.wait_indirect_dma semaphore(%dma_wait3A_322 : memref<!tpu.dma_semaphore, #tpu.memory_space<semaphore_mem>>) src(%dma_wait3A_320 : memref<500000x64xf32, #tpu.memory_space<hbm>>) dst(%dma_wait3A_314 : memref<128x64xf32, #tpu.memory_space<vmem>>)
    %mul3A_323 = arith.constant 4224 : i32
    %mul3A_324 = arith.muli %add3A, %mul3A_323 : i32
    %add3A_325 = arith.constant 1024 : i32
    %add3A_326 = arith.addi %mul3A_324, %add3A_325 : i32
    %run_scoped3A_327 = arith.constant 0 : i32
    "tpu.region"() ({
      %run_scoped3A_1153 = tpu.sem_alloc : memref<!tpu.dma_semaphore, #tpu.memory_space<semaphore_mem>>
      %dma_start3A_1154 = arith.constant 0 : i32
      %dma_start3A_1155 = arith.constant 0 : i32
      %dma_start3A_1156 = tpu.memref_slice %arg6[%run_scoped3A_327, %dma_start3A_1154, %dma_start3A_1155] : memref<2x128x64xf32, #tpu.memory_space<vmem>> -> memref<1x128x64xf32, #tpu.memory_space<vmem>>
      %dma_start3A_1157 = tpu.memref_squeeze %dma_start3A_1156 : memref<1x128x64xf32, #tpu.memory_space<vmem>> -> memref<128x64xf32, #tpu.memory_space<vmem>>
      %dma_start3A_1158 = arith.constant 0 : i32
      %dma_start3A_1159 = tpu.memref_slice %arg4[%add3A_326, %dma_start3A_1158] : memref<135168x64xf32, #tpu.memory_space<hbm>> -> memref<128x64xf32, #tpu.memory_space<hbm>>
      %dma_start3A_1160 = arith.constant 0 : i32
      %dma_start3A_1161 = tpu.memref_slice %arg4[%add3A_326, %dma_start3A_1160] : memref<135168x64xf32, #tpu.memory_space<hbm>> -> memref<128x64xf32, #tpu.memory_space<hbm>>
      %dma_start3A_1162 = arith.constant 0 : i32
      %dma_start3A_1163 = arith.constant 0 : i32
      %dma_start3A_1164 = tpu.memref_slice %arg6[%run_scoped3A_327, %dma_start3A_1162, %dma_start3A_1163] : memref<2x128x64xf32, #tpu.memory_space<vmem>> -> memref<1x128x64xf32, #tpu.memory_space<vmem>>
      %dma_start3A_1165 = tpu.memref_squeeze %dma_start3A_1164 : memref<1x128x64xf32, #tpu.memory_space<vmem>> -> memref<128x64xf32, #tpu.memory_space<vmem>>
      tpu.enqueue_dma source(%dma_start3A_1165 : memref<128x64xf32, #tpu.memory_space<vmem>>) target(%dma_start3A_1161 : memref<128x64xf32, #tpu.memory_space<hbm>>) target_semaphore(%run_scoped3A_1153 : memref<!tpu.dma_semaphore, #tpu.memory_space<semaphore_mem>>)
      %dma_wait3A_1166 = arith.constant 0 : i32
      %dma_wait3A_1167 = arith.constant 0 : i32
      %dma_wait3A_1168 = tpu.memref_slice %arg6[%run_scoped3A_327, %dma_wait3A_1166, %dma_wait3A_1167] : memref<2x128x64xf32, #tpu.memory_space<vmem>> -> memref<1x128x64xf32, #tpu.memory_space<vmem>>
      %dma_wait3A_1169 = tpu.memref_squeeze %dma_wait3A_1168 : memref<1x128x64xf32, #tpu.memory_space<vmem>> -> memref<128x64xf32, #tpu.memory_space<vmem>>
      %dma_wait3A_1170 = arith.constant 0 : i32
      %dma_wait3A_1171 = tpu.memref_slice %arg4[%add3A_326, %dma_wait3A_1170] : memref<135168x64xf32, #tpu.memory_space<hbm>> -> memref<128x64xf32, #tpu.memory_space<hbm>>
      %dma_wait3A_1172 = arith.constant 0 : i32
      %dma_wait3A_1173 = tpu.memref_slice %arg4[%add3A_326, %dma_wait3A_1172] : memref<135168x64xf32, #tpu.memory_space<hbm>> -> memref<128x64xf32, #tpu.memory_space<hbm>>
      %dma_wait3A_1174 = arith.constant 0 : i32
      %dma_wait3A_1175 = arith.constant 0 : i32
      %dma_wait3A_1176 = tpu.memref_slice %arg6[%run_scoped3A_327, %dma_wait3A_1174, %dma_wait3A_1175] : memref<2x128x64xf32, #tpu.memory_space<vmem>> -> memref<1x128x64xf32, #tpu.memory_space<vmem>>
      %dma_wait3A_1177 = tpu.memref_squeeze %dma_wait3A_1176 : memref<1x128x64xf32, #tpu.memory_space<vmem>> -> memref<128x64xf32, #tpu.memory_space<vmem>>
      tpu.wait_dma2 semaphore(%run_scoped3A_1153 : memref<!tpu.dma_semaphore, #tpu.memory_space<semaphore_mem>>) src(%dma_wait3A_1177 : memref<128x64xf32, #tpu.memory_space<vmem>>) dst(%dma_wait3A_1173 : memref<128x64xf32, #tpu.memory_space<hbm>>)
      tpu.yield
    }) : () -> ()
    %dma_start3A_328 = arith.constant 10 : i32
    %dma_start3A_329 = arith.constant 0 : i32
    %dma_start3A_330 = arith.constant 0 : i32
    %dma_start3A_331 = arith.constant 0 : i32
    %dma_start3A_332 = arith.constant 0 : i32
    %dma_start3A_333 = tpu.memref_slice %arg6[%dma_start3A_329, %dma_start3A_331, %dma_start3A_332] : memref<2x128x64xf32, #tpu.memory_space<vmem>> -> memref<1x128x64xf32, #tpu.memory_space<vmem>>
    %dma_start3A_334 = tpu.memref_squeeze %dma_start3A_333 : memref<1x128x64xf32, #tpu.memory_space<vmem>> -> memref<128x64xf32, #tpu.memory_space<vmem>>
    %dma_start3A_335 = arith.constant 0 : i32
    %dma_start3A_336 = tpu.memref_slice %arg5[%dma_start3A_328, %dma_start3A_335] : memref<33x128xi32, #tpu.memory_space<vmem>> -> memref<1x128xi32, #tpu.memory_space<vmem>>
    %dma_start3A_337 = tpu.memref_squeeze %dma_start3A_336 : memref<1x128xi32, #tpu.memory_space<vmem>> -> memref<128xi32, #tpu.memory_space<vmem>>
    %dma_start3A_338 = arith.constant 0 : i32
    %dma_start3A_339 = arith.constant 0 : i32
    %dma_start3A_340 = tpu.memref_slice %arg2[%dma_start3A_338, %dma_start3A_339] : memref<500000x64xf32, #tpu.memory_space<hbm>> -> memref<500000x64xf32, #tpu.memory_space<hbm>>
    %dma_start3A_341 = tpu.memref_slice %arg7[%dma_start3A_330] : memref<2x!tpu.dma_semaphore, #tpu.memory_space<semaphore_mem>> -> memref<1x!tpu.dma_semaphore, #tpu.memory_space<semaphore_mem>>
    %dma_start3A_342 = tpu.memref_squeeze %dma_start3A_341 : memref<1x!tpu.dma_semaphore, #tpu.memory_space<semaphore_mem>> -> memref<!tpu.dma_semaphore, #tpu.memory_space<semaphore_mem>>
    tpu.enqueue_indirect_dma source(%dma_start3A_340 : memref<500000x64xf32, #tpu.memory_space<hbm>>) target(%dma_start3A_334 : memref<128x64xf32, #tpu.memory_space<vmem>>) offsets(%dma_start3A_337 : memref<128xi32, #tpu.memory_space<vmem>>) semaphore(%dma_start3A_342 : memref<!tpu.dma_semaphore, #tpu.memory_space<semaphore_mem>>)
    %dma_wait3A_343 = arith.constant 9 : i32
    %dma_wait3A_344 = arith.constant 1 : i32
    %dma_wait3A_345 = arith.constant 1 : i32
    %dma_wait3A_346 = arith.constant 0 : i32
    %dma_wait3A_347 = arith.constant 0 : i32
    %dma_wait3A_348 = tpu.memref_slice %arg6[%dma_wait3A_344, %dma_wait3A_346, %dma_wait3A_347] : memref<2x128x64xf32, #tpu.memory_space<vmem>> -> memref<1x128x64xf32, #tpu.memory_space<vmem>>
    %dma_wait3A_349 = tpu.memref_squeeze %dma_wait3A_348 : memref<1x128x64xf32, #tpu.memory_space<vmem>> -> memref<128x64xf32, #tpu.memory_space<vmem>>
    %dma_wait3A_350 = arith.constant 0 : i32
    %dma_wait3A_351 = tpu.memref_slice %arg5[%dma_wait3A_343, %dma_wait3A_350] : memref<33x128xi32, #tpu.memory_space<vmem>> -> memref<1x128xi32, #tpu.memory_space<vmem>>
    %dma_wait3A_352 = tpu.memref_squeeze %dma_wait3A_351 : memref<1x128xi32, #tpu.memory_space<vmem>> -> memref<128xi32, #tpu.memory_space<vmem>>
    %dma_wait3A_353 = arith.constant 0 : i32
    %dma_wait3A_354 = arith.constant 0 : i32
    %dma_wait3A_355 = tpu.memref_slice %arg2[%dma_wait3A_353, %dma_wait3A_354] : memref<500000x64xf32, #tpu.memory_space<hbm>> -> memref<500000x64xf32, #tpu.memory_space<hbm>>
    %dma_wait3A_356 = tpu.memref_slice %arg7[%dma_wait3A_345] : memref<2x!tpu.dma_semaphore, #tpu.memory_space<semaphore_mem>> -> memref<1x!tpu.dma_semaphore, #tpu.memory_space<semaphore_mem>>
    %dma_wait3A_357 = tpu.memref_squeeze %dma_wait3A_356 : memref<1x!tpu.dma_semaphore, #tpu.memory_space<semaphore_mem>> -> memref<!tpu.dma_semaphore, #tpu.memory_space<semaphore_mem>>
    tpu.wait_indirect_dma semaphore(%dma_wait3A_357 : memref<!tpu.dma_semaphore, #tpu.memory_space<semaphore_mem>>) src(%dma_wait3A_355 : memref<500000x64xf32, #tpu.memory_space<hbm>>) dst(%dma_wait3A_349 : memref<128x64xf32, #tpu.memory_space<vmem>>)
    %mul3A_358 = arith.constant 4224 : i32
    %mul3A_359 = arith.muli %add3A, %mul3A_358 : i32
    %add3A_360 = arith.constant 1152 : i32
    %add3A_361 = arith.addi %mul3A_359, %add3A_360 : i32
    %run_scoped3A_362 = arith.constant 1 : i32
    "tpu.region"() ({
      %run_scoped3A_1153 = tpu.sem_alloc : memref<!tpu.dma_semaphore, #tpu.memory_space<semaphore_mem>>
      %dma_start3A_1154 = arith.constant 0 : i32
      %dma_start3A_1155 = arith.constant 0 : i32
      %dma_start3A_1156 = tpu.memref_slice %arg6[%run_scoped3A_362, %dma_start3A_1154, %dma_start3A_1155] : memref<2x128x64xf32, #tpu.memory_space<vmem>> -> memref<1x128x64xf32, #tpu.memory_space<vmem>>
      %dma_start3A_1157 = tpu.memref_squeeze %dma_start3A_1156 : memref<1x128x64xf32, #tpu.memory_space<vmem>> -> memref<128x64xf32, #tpu.memory_space<vmem>>
      %dma_start3A_1158 = arith.constant 0 : i32
      %dma_start3A_1159 = tpu.memref_slice %arg4[%add3A_361, %dma_start3A_1158] : memref<135168x64xf32, #tpu.memory_space<hbm>> -> memref<128x64xf32, #tpu.memory_space<hbm>>
      %dma_start3A_1160 = arith.constant 0 : i32
      %dma_start3A_1161 = tpu.memref_slice %arg4[%add3A_361, %dma_start3A_1160] : memref<135168x64xf32, #tpu.memory_space<hbm>> -> memref<128x64xf32, #tpu.memory_space<hbm>>
      %dma_start3A_1162 = arith.constant 0 : i32
      %dma_start3A_1163 = arith.constant 0 : i32
      %dma_start3A_1164 = tpu.memref_slice %arg6[%run_scoped3A_362, %dma_start3A_1162, %dma_start3A_1163] : memref<2x128x64xf32, #tpu.memory_space<vmem>> -> memref<1x128x64xf32, #tpu.memory_space<vmem>>
      %dma_start3A_1165 = tpu.memref_squeeze %dma_start3A_1164 : memref<1x128x64xf32, #tpu.memory_space<vmem>> -> memref<128x64xf32, #tpu.memory_space<vmem>>
      tpu.enqueue_dma source(%dma_start3A_1165 : memref<128x64xf32, #tpu.memory_space<vmem>>) target(%dma_start3A_1161 : memref<128x64xf32, #tpu.memory_space<hbm>>) target_semaphore(%run_scoped3A_1153 : memref<!tpu.dma_semaphore, #tpu.memory_space<semaphore_mem>>)
      %dma_wait3A_1166 = arith.constant 0 : i32
      %dma_wait3A_1167 = arith.constant 0 : i32
      %dma_wait3A_1168 = tpu.memref_slice %arg6[%run_scoped3A_362, %dma_wait3A_1166, %dma_wait3A_1167] : memref<2x128x64xf32, #tpu.memory_space<vmem>> -> memref<1x128x64xf32, #tpu.memory_space<vmem>>
      %dma_wait3A_1169 = tpu.memref_squeeze %dma_wait3A_1168 : memref<1x128x64xf32, #tpu.memory_space<vmem>> -> memref<128x64xf32, #tpu.memory_space<vmem>>
      %dma_wait3A_1170 = arith.constant 0 : i32
      %dma_wait3A_1171 = tpu.memref_slice %arg4[%add3A_361, %dma_wait3A_1170] : memref<135168x64xf32, #tpu.memory_space<hbm>> -> memref<128x64xf32, #tpu.memory_space<hbm>>
      %dma_wait3A_1172 = arith.constant 0 : i32
      %dma_wait3A_1173 = tpu.memref_slice %arg4[%add3A_361, %dma_wait3A_1172] : memref<135168x64xf32, #tpu.memory_space<hbm>> -> memref<128x64xf32, #tpu.memory_space<hbm>>
      %dma_wait3A_1174 = arith.constant 0 : i32
      %dma_wait3A_1175 = arith.constant 0 : i32
      %dma_wait3A_1176 = tpu.memref_slice %arg6[%run_scoped3A_362, %dma_wait3A_1174, %dma_wait3A_1175] : memref<2x128x64xf32, #tpu.memory_space<vmem>> -> memref<1x128x64xf32, #tpu.memory_space<vmem>>
      %dma_wait3A_1177 = tpu.memref_squeeze %dma_wait3A_1176 : memref<1x128x64xf32, #tpu.memory_space<vmem>> -> memref<128x64xf32, #tpu.memory_space<vmem>>
      tpu.wait_dma2 semaphore(%run_scoped3A_1153 : memref<!tpu.dma_semaphore, #tpu.memory_space<semaphore_mem>>) src(%dma_wait3A_1177 : memref<128x64xf32, #tpu.memory_space<vmem>>) dst(%dma_wait3A_1173 : memref<128x64xf32, #tpu.memory_space<hbm>>)
      tpu.yield
    }) : () -> ()
    %dma_start3A_363 = arith.constant 11 : i32
    %dma_start3A_364 = arith.constant 1 : i32
    %dma_start3A_365 = arith.constant 1 : i32
    %dma_start3A_366 = arith.constant 0 : i32
    %dma_start3A_367 = arith.constant 0 : i32
    %dma_start3A_368 = tpu.memref_slice %arg6[%dma_start3A_364, %dma_start3A_366, %dma_start3A_367] : memref<2x128x64xf32, #tpu.memory_space<vmem>> -> memref<1x128x64xf32, #tpu.memory_space<vmem>>
    %dma_start3A_369 = tpu.memref_squeeze %dma_start3A_368 : memref<1x128x64xf32, #tpu.memory_space<vmem>> -> memref<128x64xf32, #tpu.memory_space<vmem>>
    %dma_start3A_370 = arith.constant 0 : i32
    %dma_start3A_371 = tpu.memref_slice %arg5[%dma_start3A_363, %dma_start3A_370] : memref<33x128xi32, #tpu.memory_space<vmem>> -> memref<1x128xi32, #tpu.memory_space<vmem>>
    %dma_start3A_372 = tpu.memref_squeeze %dma_start3A_371 : memref<1x128xi32, #tpu.memory_space<vmem>> -> memref<128xi32, #tpu.memory_space<vmem>>
    %dma_start3A_373 = arith.constant 0 : i32
    %dma_start3A_374 = arith.constant 0 : i32
    %dma_start3A_375 = tpu.memref_slice %arg2[%dma_start3A_373, %dma_start3A_374] : memref<500000x64xf32, #tpu.memory_space<hbm>> -> memref<500000x64xf32, #tpu.memory_space<hbm>>
    %dma_start3A_376 = tpu.memref_slice %arg7[%dma_start3A_365] : memref<2x!tpu.dma_semaphore, #tpu.memory_space<semaphore_mem>> -> memref<1x!tpu.dma_semaphore, #tpu.memory_space<semaphore_mem>>
    %dma_start3A_377 = tpu.memref_squeeze %dma_start3A_376 : memref<1x!tpu.dma_semaphore, #tpu.memory_space<semaphore_mem>> -> memref<!tpu.dma_semaphore, #tpu.memory_space<semaphore_mem>>
    tpu.enqueue_indirect_dma source(%dma_start3A_375 : memref<500000x64xf32, #tpu.memory_space<hbm>>) target(%dma_start3A_369 : memref<128x64xf32, #tpu.memory_space<vmem>>) offsets(%dma_start3A_372 : memref<128xi32, #tpu.memory_space<vmem>>) semaphore(%dma_start3A_377 : memref<!tpu.dma_semaphore, #tpu.memory_space<semaphore_mem>>)
    %dma_wait3A_378 = arith.constant 10 : i32
    %dma_wait3A_379 = arith.constant 0 : i32
    %dma_wait3A_380 = arith.constant 0 : i32
    %dma_wait3A_381 = arith.constant 0 : i32
    %dma_wait3A_382 = arith.constant 0 : i32
    %dma_wait3A_383 = tpu.memref_slice %arg6[%dma_wait3A_379, %dma_wait3A_381, %dma_wait3A_382] : memref<2x128x64xf32, #tpu.memory_space<vmem>> -> memref<1x128x64xf32, #tpu.memory_space<vmem>>
    %dma_wait3A_384 = tpu.memref_squeeze %dma_wait3A_383 : memref<1x128x64xf32, #tpu.memory_space<vmem>> -> memref<128x64xf32, #tpu.memory_space<vmem>>
    %dma_wait3A_385 = arith.constant 0 : i32
    %dma_wait3A_386 = tpu.memref_slice %arg5[%dma_wait3A_378, %dma_wait3A_385] : memref<33x128xi32, #tpu.memory_space<vmem>> -> memref<1x128xi32, #tpu.memory_space<vmem>>
    %dma_wait3A_387 = tpu.memref_squeeze %dma_wait3A_386 : memref<1x128xi32, #tpu.memory_space<vmem>> -> memref<128xi32, #tpu.memory_space<vmem>>
    %dma_wait3A_388 = arith.constant 0 : i32
    %dma_wait3A_389 = arith.constant 0 : i32
    %dma_wait3A_390 = tpu.memref_slice %arg2[%dma_wait3A_388, %dma_wait3A_389] : memref<500000x64xf32, #tpu.memory_space<hbm>> -> memref<500000x64xf32, #tpu.memory_space<hbm>>
    %dma_wait3A_391 = tpu.memref_slice %arg7[%dma_wait3A_380] : memref<2x!tpu.dma_semaphore, #tpu.memory_space<semaphore_mem>> -> memref<1x!tpu.dma_semaphore, #tpu.memory_space<semaphore_mem>>
    %dma_wait3A_392 = tpu.memref_squeeze %dma_wait3A_391 : memref<1x!tpu.dma_semaphore, #tpu.memory_space<semaphore_mem>> -> memref<!tpu.dma_semaphore, #tpu.memory_space<semaphore_mem>>
    tpu.wait_indirect_dma semaphore(%dma_wait3A_392 : memref<!tpu.dma_semaphore, #tpu.memory_space<semaphore_mem>>) src(%dma_wait3A_390 : memref<500000x64xf32, #tpu.memory_space<hbm>>) dst(%dma_wait3A_384 : memref<128x64xf32, #tpu.memory_space<vmem>>)
    %mul3A_393 = arith.constant 4224 : i32
    %mul3A_394 = arith.muli %add3A, %mul3A_393 : i32
    %add3A_395 = arith.constant 1280 : i32
    %add3A_396 = arith.addi %mul3A_394, %add3A_395 : i32
    %run_scoped3A_397 = arith.constant 0 : i32
    "tpu.region"() ({
      %run_scoped3A_1153 = tpu.sem_alloc : memref<!tpu.dma_semaphore, #tpu.memory_space<semaphore_mem>>
      %dma_start3A_1154 = arith.constant 0 : i32
      %dma_start3A_1155 = arith.constant 0 : i32
      %dma_start3A_1156 = tpu.memref_slice %arg6[%run_scoped3A_397, %dma_start3A_1154, %dma_start3A_1155] : memref<2x128x64xf32, #tpu.memory_space<vmem>> -> memref<1x128x64xf32, #tpu.memory_space<vmem>>
      %dma_start3A_1157 = tpu.memref_squeeze %dma_start3A_1156 : memref<1x128x64xf32, #tpu.memory_space<vmem>> -> memref<128x64xf32, #tpu.memory_space<vmem>>
      %dma_start3A_1158 = arith.constant 0 : i32
      %dma_start3A_1159 = tpu.memref_slice %arg4[%add3A_396, %dma_start3A_1158] : memref<135168x64xf32, #tpu.memory_space<hbm>> -> memref<128x64xf32, #tpu.memory_space<hbm>>
      %dma_start3A_1160 = arith.constant 0 : i32
      %dma_start3A_1161 = tpu.memref_slice %arg4[%add3A_396, %dma_start3A_1160] : memref<135168x64xf32, #tpu.memory_space<hbm>> -> memref<128x64xf32, #tpu.memory_space<hbm>>
      %dma_start3A_1162 = arith.constant 0 : i32
      %dma_start3A_1163 = arith.constant 0 : i32
      %dma_start3A_1164 = tpu.memref_slice %arg6[%run_scoped3A_397, %dma_start3A_1162, %dma_start3A_1163] : memref<2x128x64xf32, #tpu.memory_space<vmem>> -> memref<1x128x64xf32, #tpu.memory_space<vmem>>
      %dma_start3A_1165 = tpu.memref_squeeze %dma_start3A_1164 : memref<1x128x64xf32, #tpu.memory_space<vmem>> -> memref<128x64xf32, #tpu.memory_space<vmem>>
      tpu.enqueue_dma source(%dma_start3A_1165 : memref<128x64xf32, #tpu.memory_space<vmem>>) target(%dma_start3A_1161 : memref<128x64xf32, #tpu.memory_space<hbm>>) target_semaphore(%run_scoped3A_1153 : memref<!tpu.dma_semaphore, #tpu.memory_space<semaphore_mem>>)
      %dma_wait3A_1166 = arith.constant 0 : i32
      %dma_wait3A_1167 = arith.constant 0 : i32
      %dma_wait3A_1168 = tpu.memref_slice %arg6[%run_scoped3A_397, %dma_wait3A_1166, %dma_wait3A_1167] : memref<2x128x64xf32, #tpu.memory_space<vmem>> -> memref<1x128x64xf32, #tpu.memory_space<vmem>>
      %dma_wait3A_1169 = tpu.memref_squeeze %dma_wait3A_1168 : memref<1x128x64xf32, #tpu.memory_space<vmem>> -> memref<128x64xf32, #tpu.memory_space<vmem>>
      %dma_wait3A_1170 = arith.constant 0 : i32
      %dma_wait3A_1171 = tpu.memref_slice %arg4[%add3A_396, %dma_wait3A_1170] : memref<135168x64xf32, #tpu.memory_space<hbm>> -> memref<128x64xf32, #tpu.memory_space<hbm>>
      %dma_wait3A_1172 = arith.constant 0 : i32
      %dma_wait3A_1173 = tpu.memref_slice %arg4[%add3A_396, %dma_wait3A_1172] : memref<135168x64xf32, #tpu.memory_space<hbm>> -> memref<128x64xf32, #tpu.memory_space<hbm>>
      %dma_wait3A_1174 = arith.constant 0 : i32
      %dma_wait3A_1175 = arith.constant 0 : i32
      %dma_wait3A_1176 = tpu.memref_slice %arg6[%run_scoped3A_397, %dma_wait3A_1174, %dma_wait3A_1175] : memref<2x128x64xf32, #tpu.memory_space<vmem>> -> memref<1x128x64xf32, #tpu.memory_space<vmem>>
      %dma_wait3A_1177 = tpu.memref_squeeze %dma_wait3A_1176 : memref<1x128x64xf32, #tpu.memory_space<vmem>> -> memref<128x64xf32, #tpu.memory_space<vmem>>
      tpu.wait_dma2 semaphore(%run_scoped3A_1153 : memref<!tpu.dma_semaphore, #tpu.memory_space<semaphore_mem>>) src(%dma_wait3A_1177 : memref<128x64xf32, #tpu.memory_space<vmem>>) dst(%dma_wait3A_1173 : memref<128x64xf32, #tpu.memory_space<hbm>>)
      tpu.yield
    }) : () -> ()
    %dma_start3A_398 = arith.constant 12 : i32
    %dma_start3A_399 = arith.constant 0 : i32
    %dma_start3A_400 = arith.constant 0 : i32
    %dma_start3A_401 = arith.constant 0 : i32
    %dma_start3A_402 = arith.constant 0 : i32
    %dma_start3A_403 = tpu.memref_slice %arg6[%dma_start3A_399, %dma_start3A_401, %dma_start3A_402] : memref<2x128x64xf32, #tpu.memory_space<vmem>> -> memref<1x128x64xf32, #tpu.memory_space<vmem>>
    %dma_start3A_404 = tpu.memref_squeeze %dma_start3A_403 : memref<1x128x64xf32, #tpu.memory_space<vmem>> -> memref<128x64xf32, #tpu.memory_space<vmem>>
    %dma_start3A_405 = arith.constant 0 : i32
    %dma_start3A_406 = tpu.memref_slice %arg5[%dma_start3A_398, %dma_start3A_405] : memref<33x128xi32, #tpu.memory_space<vmem>> -> memref<1x128xi32, #tpu.memory_space<vmem>>
    %dma_start3A_407 = tpu.memref_squeeze %dma_start3A_406 : memref<1x128xi32, #tpu.memory_space<vmem>> -> memref<128xi32, #tpu.memory_space<vmem>>
    %dma_start3A_408 = arith.constant 0 : i32
    %dma_start3A_409 = arith.constant 0 : i32
    %dma_start3A_410 = tpu.memref_slice %arg2[%dma_start3A_408, %dma_start3A_409] : memref<500000x64xf32, #tpu.memory_space<hbm>> -> memref<500000x64xf32, #tpu.memory_space<hbm>>
    %dma_start3A_411 = tpu.memref_slice %arg7[%dma_start3A_400] : memref<2x!tpu.dma_semaphore, #tpu.memory_space<semaphore_mem>> -> memref<1x!tpu.dma_semaphore, #tpu.memory_space<semaphore_mem>>
    %dma_start3A_412 = tpu.memref_squeeze %dma_start3A_411 : memref<1x!tpu.dma_semaphore, #tpu.memory_space<semaphore_mem>> -> memref<!tpu.dma_semaphore, #tpu.memory_space<semaphore_mem>>
    tpu.enqueue_indirect_dma source(%dma_start3A_410 : memref<500000x64xf32, #tpu.memory_space<hbm>>) target(%dma_start3A_404 : memref<128x64xf32, #tpu.memory_space<vmem>>) offsets(%dma_start3A_407 : memref<128xi32, #tpu.memory_space<vmem>>) semaphore(%dma_start3A_412 : memref<!tpu.dma_semaphore, #tpu.memory_space<semaphore_mem>>)
    %dma_wait3A_413 = arith.constant 11 : i32
    %dma_wait3A_414 = arith.constant 1 : i32
    %dma_wait3A_415 = arith.constant 1 : i32
    %dma_wait3A_416 = arith.constant 0 : i32
    %dma_wait3A_417 = arith.constant 0 : i32
    %dma_wait3A_418 = tpu.memref_slice %arg6[%dma_wait3A_414, %dma_wait3A_416, %dma_wait3A_417] : memref<2x128x64xf32, #tpu.memory_space<vmem>> -> memref<1x128x64xf32, #tpu.memory_space<vmem>>
    %dma_wait3A_419 = tpu.memref_squeeze %dma_wait3A_418 : memref<1x128x64xf32, #tpu.memory_space<vmem>> -> memref<128x64xf32, #tpu.memory_space<vmem>>
    %dma_wait3A_420 = arith.constant 0 : i32
    %dma_wait3A_421 = tpu.memref_slice %arg5[%dma_wait3A_413, %dma_wait3A_420] : memref<33x128xi32, #tpu.memory_space<vmem>> -> memref<1x128xi32, #tpu.memory_space<vmem>>
    %dma_wait3A_422 = tpu.memref_squeeze %dma_wait3A_421 : memref<1x128xi32, #tpu.memory_space<vmem>> -> memref<128xi32, #tpu.memory_space<vmem>>
    %dma_wait3A_423 = arith.constant 0 : i32
    %dma_wait3A_424 = arith.constant 0 : i32
    %dma_wait3A_425 = tpu.memref_slice %arg2[%dma_wait3A_423, %dma_wait3A_424] : memref<500000x64xf32, #tpu.memory_space<hbm>> -> memref<500000x64xf32, #tpu.memory_space<hbm>>
    %dma_wait3A_426 = tpu.memref_slice %arg7[%dma_wait3A_415] : memref<2x!tpu.dma_semaphore, #tpu.memory_space<semaphore_mem>> -> memref<1x!tpu.dma_semaphore, #tpu.memory_space<semaphore_mem>>
    %dma_wait3A_427 = tpu.memref_squeeze %dma_wait3A_426 : memref<1x!tpu.dma_semaphore, #tpu.memory_space<semaphore_mem>> -> memref<!tpu.dma_semaphore, #tpu.memory_space<semaphore_mem>>
    tpu.wait_indirect_dma semaphore(%dma_wait3A_427 : memref<!tpu.dma_semaphore, #tpu.memory_space<semaphore_mem>>) src(%dma_wait3A_425 : memref<500000x64xf32, #tpu.memory_space<hbm>>) dst(%dma_wait3A_419 : memref<128x64xf32, #tpu.memory_space<vmem>>)
    %mul3A_428 = arith.constant 4224 : i32
    %mul3A_429 = arith.muli %add3A, %mul3A_428 : i32
    %add3A_430 = arith.constant 1408 : i32
    %add3A_431 = arith.addi %mul3A_429, %add3A_430 : i32
    %run_scoped3A_432 = arith.constant 1 : i32
    "tpu.region"() ({
      %run_scoped3A_1153 = tpu.sem_alloc : memref<!tpu.dma_semaphore, #tpu.memory_space<semaphore_mem>>
      %dma_start3A_1154 = arith.constant 0 : i32
      %dma_start3A_1155 = arith.constant 0 : i32
      %dma_start3A_1156 = tpu.memref_slice %arg6[%run_scoped3A_432, %dma_start3A_1154, %dma_start3A_1155] : memref<2x128x64xf32, #tpu.memory_space<vmem>> -> memref<1x128x64xf32, #tpu.memory_space<vmem>>
      %dma_start3A_1157 = tpu.memref_squeeze %dma_start3A_1156 : memref<1x128x64xf32, #tpu.memory_space<vmem>> -> memref<128x64xf32, #tpu.memory_space<vmem>>
      %dma_start3A_1158 = arith.constant 0 : i32
      %dma_start3A_1159 = tpu.memref_slice %arg4[%add3A_431, %dma_start3A_1158] : memref<135168x64xf32, #tpu.memory_space<hbm>> -> memref<128x64xf32, #tpu.memory_space<hbm>>
      %dma_start3A_1160 = arith.constant 0 : i32
      %dma_start3A_1161 = tpu.memref_slice %arg4[%add3A_431, %dma_start3A_1160] : memref<135168x64xf32, #tpu.memory_space<hbm>> -> memref<128x64xf32, #tpu.memory_space<hbm>>
      %dma_start3A_1162 = arith.constant 0 : i32
      %dma_start3A_1163 = arith.constant 0 : i32
      %dma_start3A_1164 = tpu.memref_slice %arg6[%run_scoped3A_432, %dma_start3A_1162, %dma_start3A_1163] : memref<2x128x64xf32, #tpu.memory_space<vmem>> -> memref<1x128x64xf32, #tpu.memory_space<vmem>>
      %dma_start3A_1165 = tpu.memref_squeeze %dma_start3A_1164 : memref<1x128x64xf32, #tpu.memory_space<vmem>> -> memref<128x64xf32, #tpu.memory_space<vmem>>
      tpu.enqueue_dma source(%dma_start3A_1165 : memref<128x64xf32, #tpu.memory_space<vmem>>) target(%dma_start3A_1161 : memref<128x64xf32, #tpu.memory_space<hbm>>) target_semaphore(%run_scoped3A_1153 : memref<!tpu.dma_semaphore, #tpu.memory_space<semaphore_mem>>)
      %dma_wait3A_1166 = arith.constant 0 : i32
      %dma_wait3A_1167 = arith.constant 0 : i32
      %dma_wait3A_1168 = tpu.memref_slice %arg6[%run_scoped3A_432, %dma_wait3A_1166, %dma_wait3A_1167] : memref<2x128x64xf32, #tpu.memory_space<vmem>> -> memref<1x128x64xf32, #tpu.memory_space<vmem>>
      %dma_wait3A_1169 = tpu.memref_squeeze %dma_wait3A_1168 : memref<1x128x64xf32, #tpu.memory_space<vmem>> -> memref<128x64xf32, #tpu.memory_space<vmem>>
      %dma_wait3A_1170 = arith.constant 0 : i32
      %dma_wait3A_1171 = tpu.memref_slice %arg4[%add3A_431, %dma_wait3A_1170] : memref<135168x64xf32, #tpu.memory_space<hbm>> -> memref<128x64xf32, #tpu.memory_space<hbm>>
      %dma_wait3A_1172 = arith.constant 0 : i32
      %dma_wait3A_1173 = tpu.memref_slice %arg4[%add3A_431, %dma_wait3A_1172] : memref<135168x64xf32, #tpu.memory_space<hbm>> -> memref<128x64xf32, #tpu.memory_space<hbm>>
      %dma_wait3A_1174 = arith.constant 0 : i32
      %dma_wait3A_1175 = arith.constant 0 : i32
      %dma_wait3A_1176 = tpu.memref_slice %arg6[%run_scoped3A_432, %dma_wait3A_1174, %dma_wait3A_1175] : memref<2x128x64xf32, #tpu.memory_space<vmem>> -> memref<1x128x64xf32, #tpu.memory_space<vmem>>
      %dma_wait3A_1177 = tpu.memref_squeeze %dma_wait3A_1176 : memref<1x128x64xf32, #tpu.memory_space<vmem>> -> memref<128x64xf32, #tpu.memory_space<vmem>>
      tpu.wait_dma2 semaphore(%run_scoped3A_1153 : memref<!tpu.dma_semaphore, #tpu.memory_space<semaphore_mem>>) src(%dma_wait3A_1177 : memref<128x64xf32, #tpu.memory_space<vmem>>) dst(%dma_wait3A_1173 : memref<128x64xf32, #tpu.memory_space<hbm>>)
      tpu.yield
    }) : () -> ()
    %dma_start3A_433 = arith.constant 13 : i32
    %dma_start3A_434 = arith.constant 1 : i32
    %dma_start3A_435 = arith.constant 1 : i32
    %dma_start3A_436 = arith.constant 0 : i32
    %dma_start3A_437 = arith.constant 0 : i32
    %dma_start3A_438 = tpu.memref_slice %arg6[%dma_start3A_434, %dma_start3A_436, %dma_start3A_437] : memref<2x128x64xf32, #tpu.memory_space<vmem>> -> memref<1x128x64xf32, #tpu.memory_space<vmem>>
    %dma_start3A_439 = tpu.memref_squeeze %dma_start3A_438 : memref<1x128x64xf32, #tpu.memory_space<vmem>> -> memref<128x64xf32, #tpu.memory_space<vmem>>
    %dma_start3A_440 = arith.constant 0 : i32
    %dma_start3A_441 = tpu.memref_slice %arg5[%dma_start3A_433, %dma_start3A_440] : memref<33x128xi32, #tpu.memory_space<vmem>> -> memref<1x128xi32, #tpu.memory_space<vmem>>
    %dma_start3A_442 = tpu.memref_squeeze %dma_start3A_441 : memref<1x128xi32, #tpu.memory_space<vmem>> -> memref<128xi32, #tpu.memory_space<vmem>>
    %dma_start3A_443 = arith.constant 0 : i32
    %dma_start3A_444 = arith.constant 0 : i32
    %dma_start3A_445 = tpu.memref_slice %arg2[%dma_start3A_443, %dma_start3A_444] : memref<500000x64xf32, #tpu.memory_space<hbm>> -> memref<500000x64xf32, #tpu.memory_space<hbm>>
    %dma_start3A_446 = tpu.memref_slice %arg7[%dma_start3A_435] : memref<2x!tpu.dma_semaphore, #tpu.memory_space<semaphore_mem>> -> memref<1x!tpu.dma_semaphore, #tpu.memory_space<semaphore_mem>>
    %dma_start3A_447 = tpu.memref_squeeze %dma_start3A_446 : memref<1x!tpu.dma_semaphore, #tpu.memory_space<semaphore_mem>> -> memref<!tpu.dma_semaphore, #tpu.memory_space<semaphore_mem>>
    tpu.enqueue_indirect_dma source(%dma_start3A_445 : memref<500000x64xf32, #tpu.memory_space<hbm>>) target(%dma_start3A_439 : memref<128x64xf32, #tpu.memory_space<vmem>>) offsets(%dma_start3A_442 : memref<128xi32, #tpu.memory_space<vmem>>) semaphore(%dma_start3A_447 : memref<!tpu.dma_semaphore, #tpu.memory_space<semaphore_mem>>)
    %dma_wait3A_448 = arith.constant 12 : i32
    %dma_wait3A_449 = arith.constant 0 : i32
    %dma_wait3A_450 = arith.constant 0 : i32
    %dma_wait3A_451 = arith.constant 0 : i32
    %dma_wait3A_452 = arith.constant 0 : i32
    %dma_wait3A_453 = tpu.memref_slice %arg6[%dma_wait3A_449, %dma_wait3A_451, %dma_wait3A_452] : memref<2x128x64xf32, #tpu.memory_space<vmem>> -> memref<1x128x64xf32, #tpu.memory_space<vmem>>
    %dma_wait3A_454 = tpu.memref_squeeze %dma_wait3A_453 : memref<1x128x64xf32, #tpu.memory_space<vmem>> -> memref<128x64xf32, #tpu.memory_space<vmem>>
    %dma_wait3A_455 = arith.constant 0 : i32
    %dma_wait3A_456 = tpu.memref_slice %arg5[%dma_wait3A_448, %dma_wait3A_455] : memref<33x128xi32, #tpu.memory_space<vmem>> -> memref<1x128xi32, #tpu.memory_space<vmem>>
    %dma_wait3A_457 = tpu.memref_squeeze %dma_wait3A_456 : memref<1x128xi32, #tpu.memory_space<vmem>> -> memref<128xi32, #tpu.memory_space<vmem>>
    %dma_wait3A_458 = arith.constant 0 : i32
    %dma_wait3A_459 = arith.constant 0 : i32
    %dma_wait3A_460 = tpu.memref_slice %arg2[%dma_wait3A_458, %dma_wait3A_459] : memref<500000x64xf32, #tpu.memory_space<hbm>> -> memref<500000x64xf32, #tpu.memory_space<hbm>>
    %dma_wait3A_461 = tpu.memref_slice %arg7[%dma_wait3A_450] : memref<2x!tpu.dma_semaphore, #tpu.memory_space<semaphore_mem>> -> memref<1x!tpu.dma_semaphore, #tpu.memory_space<semaphore_mem>>
    %dma_wait3A_462 = tpu.memref_squeeze %dma_wait3A_461 : memref<1x!tpu.dma_semaphore, #tpu.memory_space<semaphore_mem>> -> memref<!tpu.dma_semaphore, #tpu.memory_space<semaphore_mem>>
    tpu.wait_indirect_dma semaphore(%dma_wait3A_462 : memref<!tpu.dma_semaphore, #tpu.memory_space<semaphore_mem>>) src(%dma_wait3A_460 : memref<500000x64xf32, #tpu.memory_space<hbm>>) dst(%dma_wait3A_454 : memref<128x64xf32, #tpu.memory_space<vmem>>)
    %mul3A_463 = arith.constant 4224 : i32
    %mul3A_464 = arith.muli %add3A, %mul3A_463 : i32
    %add3A_465 = arith.constant 1536 : i32
    %add3A_466 = arith.addi %mul3A_464, %add3A_465 : i32
    %run_scoped3A_467 = arith.constant 0 : i32
    "tpu.region"() ({
      %run_scoped3A_1153 = tpu.sem_alloc : memref<!tpu.dma_semaphore, #tpu.memory_space<semaphore_mem>>
      %dma_start3A_1154 = arith.constant 0 : i32
      %dma_start3A_1155 = arith.constant 0 : i32
      %dma_start3A_1156 = tpu.memref_slice %arg6[%run_scoped3A_467, %dma_start3A_1154, %dma_start3A_1155] : memref<2x128x64xf32, #tpu.memory_space<vmem>> -> memref<1x128x64xf32, #tpu.memory_space<vmem>>
      %dma_start3A_1157 = tpu.memref_squeeze %dma_start3A_1156 : memref<1x128x64xf32, #tpu.memory_space<vmem>> -> memref<128x64xf32, #tpu.memory_space<vmem>>
      %dma_start3A_1158 = arith.constant 0 : i32
      %dma_start3A_1159 = tpu.memref_slice %arg4[%add3A_466, %dma_start3A_1158] : memref<135168x64xf32, #tpu.memory_space<hbm>> -> memref<128x64xf32, #tpu.memory_space<hbm>>
      %dma_start3A_1160 = arith.constant 0 : i32
      %dma_start3A_1161 = tpu.memref_slice %arg4[%add3A_466, %dma_start3A_1160] : memref<135168x64xf32, #tpu.memory_space<hbm>> -> memref<128x64xf32, #tpu.memory_space<hbm>>
      %dma_start3A_1162 = arith.constant 0 : i32
      %dma_start3A_1163 = arith.constant 0 : i32
      %dma_start3A_1164 = tpu.memref_slice %arg6[%run_scoped3A_467, %dma_start3A_1162, %dma_start3A_1163] : memref<2x128x64xf32, #tpu.memory_space<vmem>> -> memref<1x128x64xf32, #tpu.memory_space<vmem>>
      %dma_start3A_1165 = tpu.memref_squeeze %dma_start3A_1164 : memref<1x128x64xf32, #tpu.memory_space<vmem>> -> memref<128x64xf32, #tpu.memory_space<vmem>>
      tpu.enqueue_dma source(%dma_start3A_1165 : memref<128x64xf32, #tpu.memory_space<vmem>>) target(%dma_start3A_1161 : memref<128x64xf32, #tpu.memory_space<hbm>>) target_semaphore(%run_scoped3A_1153 : memref<!tpu.dma_semaphore, #tpu.memory_space<semaphore_mem>>)
      %dma_wait3A_1166 = arith.constant 0 : i32
      %dma_wait3A_1167 = arith.constant 0 : i32
      %dma_wait3A_1168 = tpu.memref_slice %arg6[%run_scoped3A_467, %dma_wait3A_1166, %dma_wait3A_1167] : memref<2x128x64xf32, #tpu.memory_space<vmem>> -> memref<1x128x64xf32, #tpu.memory_space<vmem>>
      %dma_wait3A_1169 = tpu.memref_squeeze %dma_wait3A_1168 : memref<1x128x64xf32, #tpu.memory_space<vmem>> -> memref<128x64xf32, #tpu.memory_space<vmem>>
      %dma_wait3A_1170 = arith.constant 0 : i32
      %dma_wait3A_1171 = tpu.memref_slice %arg4[%add3A_466, %dma_wait3A_1170] : memref<135168x64xf32, #tpu.memory_space<hbm>> -> memref<128x64xf32, #tpu.memory_space<hbm>>
      %dma_wait3A_1172 = arith.constant 0 : i32
      %dma_wait3A_1173 = tpu.memref_slice %arg4[%add3A_466, %dma_wait3A_1172] : memref<135168x64xf32, #tpu.memory_space<hbm>> -> memref<128x64xf32, #tpu.memory_space<hbm>>
      %dma_wait3A_1174 = arith.constant 0 : i32
      %dma_wait3A_1175 = arith.constant 0 : i32
      %dma_wait3A_1176 = tpu.memref_slice %arg6[%run_scoped3A_467, %dma_wait3A_1174, %dma_wait3A_1175] : memref<2x128x64xf32, #tpu.memory_space<vmem>> -> memref<1x128x64xf32, #tpu.memory_space<vmem>>
      %dma_wait3A_1177 = tpu.memref_squeeze %dma_wait3A_1176 : memref<1x128x64xf32, #tpu.memory_space<vmem>> -> memref<128x64xf32, #tpu.memory_space<vmem>>
      tpu.wait_dma2 semaphore(%run_scoped3A_1153 : memref<!tpu.dma_semaphore, #tpu.memory_space<semaphore_mem>>) src(%dma_wait3A_1177 : memref<128x64xf32, #tpu.memory_space<vmem>>) dst(%dma_wait3A_1173 : memref<128x64xf32, #tpu.memory_space<hbm>>)
      tpu.yield
    }) : () -> ()
    %dma_start3A_468 = arith.constant 14 : i32
    %dma_start3A_469 = arith.constant 0 : i32
    %dma_start3A_470 = arith.constant 0 : i32
    %dma_start3A_471 = arith.constant 0 : i32
    %dma_start3A_472 = arith.constant 0 : i32
    %dma_start3A_473 = tpu.memref_slice %arg6[%dma_start3A_469, %dma_start3A_471, %dma_start3A_472] : memref<2x128x64xf32, #tpu.memory_space<vmem>> -> memref<1x128x64xf32, #tpu.memory_space<vmem>>
    %dma_start3A_474 = tpu.memref_squeeze %dma_start3A_473 : memref<1x128x64xf32, #tpu.memory_space<vmem>> -> memref<128x64xf32, #tpu.memory_space<vmem>>
    %dma_start3A_475 = arith.constant 0 : i32
    %dma_start3A_476 = tpu.memref_slice %arg5[%dma_start3A_468, %dma_start3A_475] : memref<33x128xi32, #tpu.memory_space<vmem>> -> memref<1x128xi32, #tpu.memory_space<vmem>>
    %dma_start3A_477 = tpu.memref_squeeze %dma_start3A_476 : memref<1x128xi32, #tpu.memory_space<vmem>> -> memref<128xi32, #tpu.memory_space<vmem>>
    %dma_start3A_478 = arith.constant 0 : i32
    %dma_start3A_479 = arith.constant 0 : i32
    %dma_start3A_480 = tpu.memref_slice %arg2[%dma_start3A_478, %dma_start3A_479] : memref<500000x64xf32, #tpu.memory_space<hbm>> -> memref<500000x64xf32, #tpu.memory_space<hbm>>
    %dma_start3A_481 = tpu.memref_slice %arg7[%dma_start3A_470] : memref<2x!tpu.dma_semaphore, #tpu.memory_space<semaphore_mem>> -> memref<1x!tpu.dma_semaphore, #tpu.memory_space<semaphore_mem>>
    %dma_start3A_482 = tpu.memref_squeeze %dma_start3A_481 : memref<1x!tpu.dma_semaphore, #tpu.memory_space<semaphore_mem>> -> memref<!tpu.dma_semaphore, #tpu.memory_space<semaphore_mem>>
    tpu.enqueue_indirect_dma source(%dma_start3A_480 : memref<500000x64xf32, #tpu.memory_space<hbm>>) target(%dma_start3A_474 : memref<128x64xf32, #tpu.memory_space<vmem>>) offsets(%dma_start3A_477 : memref<128xi32, #tpu.memory_space<vmem>>) semaphore(%dma_start3A_482 : memref<!tpu.dma_semaphore, #tpu.memory_space<semaphore_mem>>)
    %dma_wait3A_483 = arith.constant 13 : i32
    %dma_wait3A_484 = arith.constant 1 : i32
    %dma_wait3A_485 = arith.constant 1 : i32
    %dma_wait3A_486 = arith.constant 0 : i32
    %dma_wait3A_487 = arith.constant 0 : i32
    %dma_wait3A_488 = tpu.memref_slice %arg6[%dma_wait3A_484, %dma_wait3A_486, %dma_wait3A_487] : memref<2x128x64xf32, #tpu.memory_space<vmem>> -> memref<1x128x64xf32, #tpu.memory_space<vmem>>
    %dma_wait3A_489 = tpu.memref_squeeze %dma_wait3A_488 : memref<1x128x64xf32, #tpu.memory_space<vmem>> -> memref<128x64xf32, #tpu.memory_space<vmem>>
    %dma_wait3A_490 = arith.constant 0 : i32
    %dma_wait3A_491 = tpu.memref_slice %arg5[%dma_wait3A_483, %dma_wait3A_490] : memref<33x128xi32, #tpu.memory_space<vmem>> -> memref<1x128xi32, #tpu.memory_space<vmem>>
    %dma_wait3A_492 = tpu.memref_squeeze %dma_wait3A_491 : memref<1x128xi32, #tpu.memory_space<vmem>> -> memref<128xi32, #tpu.memory_space<vmem>>
    %dma_wait3A_493 = arith.constant 0 : i32
    %dma_wait3A_494 = arith.constant 0 : i32
    %dma_wait3A_495 = tpu.memref_slice %arg2[%dma_wait3A_493, %dma_wait3A_494] : memref<500000x64xf32, #tpu.memory_space<hbm>> -> memref<500000x64xf32, #tpu.memory_space<hbm>>
    %dma_wait3A_496 = tpu.memref_slice %arg7[%dma_wait3A_485] : memref<2x!tpu.dma_semaphore, #tpu.memory_space<semaphore_mem>> -> memref<1x!tpu.dma_semaphore, #tpu.memory_space<semaphore_mem>>
    %dma_wait3A_497 = tpu.memref_squeeze %dma_wait3A_496 : memref<1x!tpu.dma_semaphore, #tpu.memory_space<semaphore_mem>> -> memref<!tpu.dma_semaphore, #tpu.memory_space<semaphore_mem>>
    tpu.wait_indirect_dma semaphore(%dma_wait3A_497 : memref<!tpu.dma_semaphore, #tpu.memory_space<semaphore_mem>>) src(%dma_wait3A_495 : memref<500000x64xf32, #tpu.memory_space<hbm>>) dst(%dma_wait3A_489 : memref<128x64xf32, #tpu.memory_space<vmem>>)
    %mul3A_498 = arith.constant 4224 : i32
    %mul3A_499 = arith.muli %add3A, %mul3A_498 : i32
    %add3A_500 = arith.constant 1664 : i32
    %add3A_501 = arith.addi %mul3A_499, %add3A_500 : i32
    %run_scoped3A_502 = arith.constant 1 : i32
    "tpu.region"() ({
      %run_scoped3A_1153 = tpu.sem_alloc : memref<!tpu.dma_semaphore, #tpu.memory_space<semaphore_mem>>
      %dma_start3A_1154 = arith.constant 0 : i32
      %dma_start3A_1155 = arith.constant 0 : i32
      %dma_start3A_1156 = tpu.memref_slice %arg6[%run_scoped3A_502, %dma_start3A_1154, %dma_start3A_1155] : memref<2x128x64xf32, #tpu.memory_space<vmem>> -> memref<1x128x64xf32, #tpu.memory_space<vmem>>
      %dma_start3A_1157 = tpu.memref_squeeze %dma_start3A_1156 : memref<1x128x64xf32, #tpu.memory_space<vmem>> -> memref<128x64xf32, #tpu.memory_space<vmem>>
      %dma_start3A_1158 = arith.constant 0 : i32
      %dma_start3A_1159 = tpu.memref_slice %arg4[%add3A_501, %dma_start3A_1158] : memref<135168x64xf32, #tpu.memory_space<hbm>> -> memref<128x64xf32, #tpu.memory_space<hbm>>
      %dma_start3A_1160 = arith.constant 0 : i32
      %dma_start3A_1161 = tpu.memref_slice %arg4[%add3A_501, %dma_start3A_1160] : memref<135168x64xf32, #tpu.memory_space<hbm>> -> memref<128x64xf32, #tpu.memory_space<hbm>>
      %dma_start3A_1162 = arith.constant 0 : i32
      %dma_start3A_1163 = arith.constant 0 : i32
      %dma_start3A_1164 = tpu.memref_slice %arg6[%run_scoped3A_502, %dma_start3A_1162, %dma_start3A_1163] : memref<2x128x64xf32, #tpu.memory_space<vmem>> -> memref<1x128x64xf32, #tpu.memory_space<vmem>>
      %dma_start3A_1165 = tpu.memref_squeeze %dma_start3A_1164 : memref<1x128x64xf32, #tpu.memory_space<vmem>> -> memref<128x64xf32, #tpu.memory_space<vmem>>
      tpu.enqueue_dma source(%dma_start3A_1165 : memref<128x64xf32, #tpu.memory_space<vmem>>) target(%dma_start3A_1161 : memref<128x64xf32, #tpu.memory_space<hbm>>) target_semaphore(%run_scoped3A_1153 : memref<!tpu.dma_semaphore, #tpu.memory_space<semaphore_mem>>)
      %dma_wait3A_1166 = arith.constant 0 : i32
      %dma_wait3A_1167 = arith.constant 0 : i32
      %dma_wait3A_1168 = tpu.memref_slice %arg6[%run_scoped3A_502, %dma_wait3A_1166, %dma_wait3A_1167] : memref<2x128x64xf32, #tpu.memory_space<vmem>> -> memref<1x128x64xf32, #tpu.memory_space<vmem>>
      %dma_wait3A_1169 = tpu.memref_squeeze %dma_wait3A_1168 : memref<1x128x64xf32, #tpu.memory_space<vmem>> -> memref<128x64xf32, #tpu.memory_space<vmem>>
      %dma_wait3A_1170 = arith.constant 0 : i32
      %dma_wait3A_1171 = tpu.memref_slice %arg4[%add3A_501, %dma_wait3A_1170] : memref<135168x64xf32, #tpu.memory_space<hbm>> -> memref<128x64xf32, #tpu.memory_space<hbm>>
      %dma_wait3A_1172 = arith.constant 0 : i32
      %dma_wait3A_1173 = tpu.memref_slice %arg4[%add3A_501, %dma_wait3A_1172] : memref<135168x64xf32, #tpu.memory_space<hbm>> -> memref<128x64xf32, #tpu.memory_space<hbm>>
      %dma_wait3A_1174 = arith.constant 0 : i32
      %dma_wait3A_1175 = arith.constant 0 : i32
      %dma_wait3A_1176 = tpu.memref_slice %arg6[%run_scoped3A_502, %dma_wait3A_1174, %dma_wait3A_1175] : memref<2x128x64xf32, #tpu.memory_space<vmem>> -> memref<1x128x64xf32, #tpu.memory_space<vmem>>
      %dma_wait3A_1177 = tpu.memref_squeeze %dma_wait3A_1176 : memref<1x128x64xf32, #tpu.memory_space<vmem>> -> memref<128x64xf32, #tpu.memory_space<vmem>>
      tpu.wait_dma2 semaphore(%run_scoped3A_1153 : memref<!tpu.dma_semaphore, #tpu.memory_space<semaphore_mem>>) src(%dma_wait3A_1177 : memref<128x64xf32, #tpu.memory_space<vmem>>) dst(%dma_wait3A_1173 : memref<128x64xf32, #tpu.memory_space<hbm>>)
      tpu.yield
    }) : () -> ()
    %dma_start3A_503 = arith.constant 15 : i32
    %dma_start3A_504 = arith.constant 1 : i32
    %dma_start3A_505 = arith.constant 1 : i32
    %dma_start3A_506 = arith.constant 0 : i32
    %dma_start3A_507 = arith.constant 0 : i32
    %dma_start3A_508 = tpu.memref_slice %arg6[%dma_start3A_504, %dma_start3A_506, %dma_start3A_507] : memref<2x128x64xf32, #tpu.memory_space<vmem>> -> memref<1x128x64xf32, #tpu.memory_space<vmem>>
    %dma_start3A_509 = tpu.memref_squeeze %dma_start3A_508 : memref<1x128x64xf32, #tpu.memory_space<vmem>> -> memref<128x64xf32, #tpu.memory_space<vmem>>
    %dma_start3A_510 = arith.constant 0 : i32
    %dma_start3A_511 = tpu.memref_slice %arg5[%dma_start3A_503, %dma_start3A_510] : memref<33x128xi32, #tpu.memory_space<vmem>> -> memref<1x128xi32, #tpu.memory_space<vmem>>
    %dma_start3A_512 = tpu.memref_squeeze %dma_start3A_511 : memref<1x128xi32, #tpu.memory_space<vmem>> -> memref<128xi32, #tpu.memory_space<vmem>>
    %dma_start3A_513 = arith.constant 0 : i32
    %dma_start3A_514 = arith.constant 0 : i32
    %dma_start3A_515 = tpu.memref_slice %arg2[%dma_start3A_513, %dma_start3A_514] : memref<500000x64xf32, #tpu.memory_space<hbm>> -> memref<500000x64xf32, #tpu.memory_space<hbm>>
    %dma_start3A_516 = tpu.memref_slice %arg7[%dma_start3A_505] : memref<2x!tpu.dma_semaphore, #tpu.memory_space<semaphore_mem>> -> memref<1x!tpu.dma_semaphore, #tpu.memory_space<semaphore_mem>>
    %dma_start3A_517 = tpu.memref_squeeze %dma_start3A_516 : memref<1x!tpu.dma_semaphore, #tpu.memory_space<semaphore_mem>> -> memref<!tpu.dma_semaphore, #tpu.memory_space<semaphore_mem>>
    tpu.enqueue_indirect_dma source(%dma_start3A_515 : memref<500000x64xf32, #tpu.memory_space<hbm>>) target(%dma_start3A_509 : memref<128x64xf32, #tpu.memory_space<vmem>>) offsets(%dma_start3A_512 : memref<128xi32, #tpu.memory_space<vmem>>) semaphore(%dma_start3A_517 : memref<!tpu.dma_semaphore, #tpu.memory_space<semaphore_mem>>)
    %dma_wait3A_518 = arith.constant 14 : i32
    %dma_wait3A_519 = arith.constant 0 : i32
    %dma_wait3A_520 = arith.constant 0 : i32
    %dma_wait3A_521 = arith.constant 0 : i32
    %dma_wait3A_522 = arith.constant 0 : i32
    %dma_wait3A_523 = tpu.memref_slice %arg6[%dma_wait3A_519, %dma_wait3A_521, %dma_wait3A_522] : memref<2x128x64xf32, #tpu.memory_space<vmem>> -> memref<1x128x64xf32, #tpu.memory_space<vmem>>
    %dma_wait3A_524 = tpu.memref_squeeze %dma_wait3A_523 : memref<1x128x64xf32, #tpu.memory_space<vmem>> -> memref<128x64xf32, #tpu.memory_space<vmem>>
    %dma_wait3A_525 = arith.constant 0 : i32
    %dma_wait3A_526 = tpu.memref_slice %arg5[%dma_wait3A_518, %dma_wait3A_525] : memref<33x128xi32, #tpu.memory_space<vmem>> -> memref<1x128xi32, #tpu.memory_space<vmem>>
    %dma_wait3A_527 = tpu.memref_squeeze %dma_wait3A_526 : memref<1x128xi32, #tpu.memory_space<vmem>> -> memref<128xi32, #tpu.memory_space<vmem>>
    %dma_wait3A_528 = arith.constant 0 : i32
    %dma_wait3A_529 = arith.constant 0 : i32
    %dma_wait3A_530 = tpu.memref_slice %arg2[%dma_wait3A_528, %dma_wait3A_529] : memref<500000x64xf32, #tpu.memory_space<hbm>> -> memref<500000x64xf32, #tpu.memory_space<hbm>>
    %dma_wait3A_531 = tpu.memref_slice %arg7[%dma_wait3A_520] : memref<2x!tpu.dma_semaphore, #tpu.memory_space<semaphore_mem>> -> memref<1x!tpu.dma_semaphore, #tpu.memory_space<semaphore_mem>>
    %dma_wait3A_532 = tpu.memref_squeeze %dma_wait3A_531 : memref<1x!tpu.dma_semaphore, #tpu.memory_space<semaphore_mem>> -> memref<!tpu.dma_semaphore, #tpu.memory_space<semaphore_mem>>
    tpu.wait_indirect_dma semaphore(%dma_wait3A_532 : memref<!tpu.dma_semaphore, #tpu.memory_space<semaphore_mem>>) src(%dma_wait3A_530 : memref<500000x64xf32, #tpu.memory_space<hbm>>) dst(%dma_wait3A_524 : memref<128x64xf32, #tpu.memory_space<vmem>>)
    %mul3A_533 = arith.constant 4224 : i32
    %mul3A_534 = arith.muli %add3A, %mul3A_533 : i32
    %add3A_535 = arith.constant 1792 : i32
    %add3A_536 = arith.addi %mul3A_534, %add3A_535 : i32
    %run_scoped3A_537 = arith.constant 0 : i32
    "tpu.region"() ({
      %run_scoped3A_1153 = tpu.sem_alloc : memref<!tpu.dma_semaphore, #tpu.memory_space<semaphore_mem>>
      %dma_start3A_1154 = arith.constant 0 : i32
      %dma_start3A_1155 = arith.constant 0 : i32
      %dma_start3A_1156 = tpu.memref_slice %arg6[%run_scoped3A_537, %dma_start3A_1154, %dma_start3A_1155] : memref<2x128x64xf32, #tpu.memory_space<vmem>> -> memref<1x128x64xf32, #tpu.memory_space<vmem>>
      %dma_start3A_1157 = tpu.memref_squeeze %dma_start3A_1156 : memref<1x128x64xf32, #tpu.memory_space<vmem>> -> memref<128x64xf32, #tpu.memory_space<vmem>>
      %dma_start3A_1158 = arith.constant 0 : i32
      %dma_start3A_1159 = tpu.memref_slice %arg4[%add3A_536, %dma_start3A_1158] : memref<135168x64xf32, #tpu.memory_space<hbm>> -> memref<128x64xf32, #tpu.memory_space<hbm>>
      %dma_start3A_1160 = arith.constant 0 : i32
      %dma_start3A_1161 = tpu.memref_slice %arg4[%add3A_536, %dma_start3A_1160] : memref<135168x64xf32, #tpu.memory_space<hbm>> -> memref<128x64xf32, #tpu.memory_space<hbm>>
      %dma_start3A_1162 = arith.constant 0 : i32
      %dma_start3A_1163 = arith.constant 0 : i32
      %dma_start3A_1164 = tpu.memref_slice %arg6[%run_scoped3A_537, %dma_start3A_1162, %dma_start3A_1163] : memref<2x128x64xf32, #tpu.memory_space<vmem>> -> memref<1x128x64xf32, #tpu.memory_space<vmem>>
      %dma_start3A_1165 = tpu.memref_squeeze %dma_start3A_1164 : memref<1x128x64xf32, #tpu.memory_space<vmem>> -> memref<128x64xf32, #tpu.memory_space<vmem>>
      tpu.enqueue_dma source(%dma_start3A_1165 : memref<128x64xf32, #tpu.memory_space<vmem>>) target(%dma_start3A_1161 : memref<128x64xf32, #tpu.memory_space<hbm>>) target_semaphore(%run_scoped3A_1153 : memref<!tpu.dma_semaphore, #tpu.memory_space<semaphore_mem>>)
      %dma_wait3A_1166 = arith.constant 0 : i32
      %dma_wait3A_1167 = arith.constant 0 : i32
      %dma_wait3A_1168 = tpu.memref_slice %arg6[%run_scoped3A_537, %dma_wait3A_1166, %dma_wait3A_1167] : memref<2x128x64xf32, #tpu.memory_space<vmem>> -> memref<1x128x64xf32, #tpu.memory_space<vmem>>
      %dma_wait3A_1169 = tpu.memref_squeeze %dma_wait3A_1168 : memref<1x128x64xf32, #tpu.memory_space<vmem>> -> memref<128x64xf32, #tpu.memory_space<vmem>>
      %dma_wait3A_1170 = arith.constant 0 : i32
      %dma_wait3A_1171 = tpu.memref_slice %arg4[%add3A_536, %dma_wait3A_1170] : memref<135168x64xf32, #tpu.memory_space<hbm>> -> memref<128x64xf32, #tpu.memory_space<hbm>>
      %dma_wait3A_1172 = arith.constant 0 : i32
      %dma_wait3A_1173 = tpu.memref_slice %arg4[%add3A_536, %dma_wait3A_1172] : memref<135168x64xf32, #tpu.memory_space<hbm>> -> memref<128x64xf32, #tpu.memory_space<hbm>>
      %dma_wait3A_1174 = arith.constant 0 : i32
      %dma_wait3A_1175 = arith.constant 0 : i32
      %dma_wait3A_1176 = tpu.memref_slice %arg6[%run_scoped3A_537, %dma_wait3A_1174, %dma_wait3A_1175] : memref<2x128x64xf32, #tpu.memory_space<vmem>> -> memref<1x128x64xf32, #tpu.memory_space<vmem>>
      %dma_wait3A_1177 = tpu.memref_squeeze %dma_wait3A_1176 : memref<1x128x64xf32, #tpu.memory_space<vmem>> -> memref<128x64xf32, #tpu.memory_space<vmem>>
      tpu.wait_dma2 semaphore(%run_scoped3A_1153 : memref<!tpu.dma_semaphore, #tpu.memory_space<semaphore_mem>>) src(%dma_wait3A_1177 : memref<128x64xf32, #tpu.memory_space<vmem>>) dst(%dma_wait3A_1173 : memref<128x64xf32, #tpu.memory_space<hbm>>)
      tpu.yield
    }) : () -> ()
    %dma_start3A_538 = arith.constant 16 : i32
    %dma_start3A_539 = arith.constant 0 : i32
    %dma_start3A_540 = arith.constant 0 : i32
    %dma_start3A_541 = arith.constant 0 : i32
    %dma_start3A_542 = arith.constant 0 : i32
    %dma_start3A_543 = tpu.memref_slice %arg6[%dma_start3A_539, %dma_start3A_541, %dma_start3A_542] : memref<2x128x64xf32, #tpu.memory_space<vmem>> -> memref<1x128x64xf32, #tpu.memory_space<vmem>>
    %dma_start3A_544 = tpu.memref_squeeze %dma_start3A_543 : memref<1x128x64xf32, #tpu.memory_space<vmem>> -> memref<128x64xf32, #tpu.memory_space<vmem>>
    %dma_start3A_545 = arith.constant 0 : i32
    %dma_start3A_546 = tpu.memref_slice %arg5[%dma_start3A_538, %dma_start3A_545] : memref<33x128xi32, #tpu.memory_space<vmem>> -> memref<1x128xi32, #tpu.memory_space<vmem>>
    %dma_start3A_547 = tpu.memref_squeeze %dma_start3A_546 : memref<1x128xi32, #tpu.memory_space<vmem>> -> memref<128xi32, #tpu.memory_space<vmem>>
    %dma_start3A_548 = arith.constant 0 : i32
    %dma_start3A_549 = arith.constant 0 : i32
    %dma_start3A_550 = tpu.memref_slice %arg2[%dma_start3A_548, %dma_start3A_549] : memref<500000x64xf32, #tpu.memory_space<hbm>> -> memref<500000x64xf32, #tpu.memory_space<hbm>>
    %dma_start3A_551 = tpu.memref_slice %arg7[%dma_start3A_540] : memref<2x!tpu.dma_semaphore, #tpu.memory_space<semaphore_mem>> -> memref<1x!tpu.dma_semaphore, #tpu.memory_space<semaphore_mem>>
    %dma_start3A_552 = tpu.memref_squeeze %dma_start3A_551 : memref<1x!tpu.dma_semaphore, #tpu.memory_space<semaphore_mem>> -> memref<!tpu.dma_semaphore, #tpu.memory_space<semaphore_mem>>
    tpu.enqueue_indirect_dma source(%dma_start3A_550 : memref<500000x64xf32, #tpu.memory_space<hbm>>) target(%dma_start3A_544 : memref<128x64xf32, #tpu.memory_space<vmem>>) offsets(%dma_start3A_547 : memref<128xi32, #tpu.memory_space<vmem>>) semaphore(%dma_start3A_552 : memref<!tpu.dma_semaphore, #tpu.memory_space<semaphore_mem>>)
    %dma_wait3A_553 = arith.constant 15 : i32
    %dma_wait3A_554 = arith.constant 1 : i32
    %dma_wait3A_555 = arith.constant 1 : i32
    %dma_wait3A_556 = arith.constant 0 : i32
    %dma_wait3A_557 = arith.constant 0 : i32
    %dma_wait3A_558 = tpu.memref_slice %arg6[%dma_wait3A_554, %dma_wait3A_556, %dma_wait3A_557] : memref<2x128x64xf32, #tpu.memory_space<vmem>> -> memref<1x128x64xf32, #tpu.memory_space<vmem>>
    %dma_wait3A_559 = tpu.memref_squeeze %dma_wait3A_558 : memref<1x128x64xf32, #tpu.memory_space<vmem>> -> memref<128x64xf32, #tpu.memory_space<vmem>>
    %dma_wait3A_560 = arith.constant 0 : i32
    %dma_wait3A_561 = tpu.memref_slice %arg5[%dma_wait3A_553, %dma_wait3A_560] : memref<33x128xi32, #tpu.memory_space<vmem>> -> memref<1x128xi32, #tpu.memory_space<vmem>>
    %dma_wait3A_562 = tpu.memref_squeeze %dma_wait3A_561 : memref<1x128xi32, #tpu.memory_space<vmem>> -> memref<128xi32, #tpu.memory_space<vmem>>
    %dma_wait3A_563 = arith.constant 0 : i32
    %dma_wait3A_564 = arith.constant 0 : i32
    %dma_wait3A_565 = tpu.memref_slice %arg2[%dma_wait3A_563, %dma_wait3A_564] : memref<500000x64xf32, #tpu.memory_space<hbm>> -> memref<500000x64xf32, #tpu.memory_space<hbm>>
    %dma_wait3A_566 = tpu.memref_slice %arg7[%dma_wait3A_555] : memref<2x!tpu.dma_semaphore, #tpu.memory_space<semaphore_mem>> -> memref<1x!tpu.dma_semaphore, #tpu.memory_space<semaphore_mem>>
    %dma_wait3A_567 = tpu.memref_squeeze %dma_wait3A_566 : memref<1x!tpu.dma_semaphore, #tpu.memory_space<semaphore_mem>> -> memref<!tpu.dma_semaphore, #tpu.memory_space<semaphore_mem>>
    tpu.wait_indirect_dma semaphore(%dma_wait3A_567 : memref<!tpu.dma_semaphore, #tpu.memory_space<semaphore_mem>>) src(%dma_wait3A_565 : memref<500000x64xf32, #tpu.memory_space<hbm>>) dst(%dma_wait3A_559 : memref<128x64xf32, #tpu.memory_space<vmem>>)
    %mul3A_568 = arith.constant 4224 : i32
    %mul3A_569 = arith.muli %add3A, %mul3A_568 : i32
    %add3A_570 = arith.constant 1920 : i32
    %add3A_571 = arith.addi %mul3A_569, %add3A_570 : i32
    %run_scoped3A_572 = arith.constant 1 : i32
    "tpu.region"() ({
      %run_scoped3A_1153 = tpu.sem_alloc : memref<!tpu.dma_semaphore, #tpu.memory_space<semaphore_mem>>
      %dma_start3A_1154 = arith.constant 0 : i32
      %dma_start3A_1155 = arith.constant 0 : i32
      %dma_start3A_1156 = tpu.memref_slice %arg6[%run_scoped3A_572, %dma_start3A_1154, %dma_start3A_1155] : memref<2x128x64xf32, #tpu.memory_space<vmem>> -> memref<1x128x64xf32, #tpu.memory_space<vmem>>
      %dma_start3A_1157 = tpu.memref_squeeze %dma_start3A_1156 : memref<1x128x64xf32, #tpu.memory_space<vmem>> -> memref<128x64xf32, #tpu.memory_space<vmem>>
      %dma_start3A_1158 = arith.constant 0 : i32
      %dma_start3A_1159 = tpu.memref_slice %arg4[%add3A_571, %dma_start3A_1158] : memref<135168x64xf32, #tpu.memory_space<hbm>> -> memref<128x64xf32, #tpu.memory_space<hbm>>
      %dma_start3A_1160 = arith.constant 0 : i32
      %dma_start3A_1161 = tpu.memref_slice %arg4[%add3A_571, %dma_start3A_1160] : memref<135168x64xf32, #tpu.memory_space<hbm>> -> memref<128x64xf32, #tpu.memory_space<hbm>>
      %dma_start3A_1162 = arith.constant 0 : i32
      %dma_start3A_1163 = arith.constant 0 : i32
      %dma_start3A_1164 = tpu.memref_slice %arg6[%run_scoped3A_572, %dma_start3A_1162, %dma_start3A_1163] : memref<2x128x64xf32, #tpu.memory_space<vmem>> -> memref<1x128x64xf32, #tpu.memory_space<vmem>>
      %dma_start3A_1165 = tpu.memref_squeeze %dma_start3A_1164 : memref<1x128x64xf32, #tpu.memory_space<vmem>> -> memref<128x64xf32, #tpu.memory_space<vmem>>
      tpu.enqueue_dma source(%dma_start3A_1165 : memref<128x64xf32, #tpu.memory_space<vmem>>) target(%dma_start3A_1161 : memref<128x64xf32, #tpu.memory_space<hbm>>) target_semaphore(%run_scoped3A_1153 : memref<!tpu.dma_semaphore, #tpu.memory_space<semaphore_mem>>)
      %dma_wait3A_1166 = arith.constant 0 : i32
      %dma_wait3A_1167 = arith.constant 0 : i32
      %dma_wait3A_1168 = tpu.memref_slice %arg6[%run_scoped3A_572, %dma_wait3A_1166, %dma_wait3A_1167] : memref<2x128x64xf32, #tpu.memory_space<vmem>> -> memref<1x128x64xf32, #tpu.memory_space<vmem>>
      %dma_wait3A_1169 = tpu.memref_squeeze %dma_wait3A_1168 : memref<1x128x64xf32, #tpu.memory_space<vmem>> -> memref<128x64xf32, #tpu.memory_space<vmem>>
      %dma_wait3A_1170 = arith.constant 0 : i32
      %dma_wait3A_1171 = tpu.memref_slice %arg4[%add3A_571, %dma_wait3A_1170] : memref<135168x64xf32, #tpu.memory_space<hbm>> -> memref<128x64xf32, #tpu.memory_space<hbm>>
      %dma_wait3A_1172 = arith.constant 0 : i32
      %dma_wait3A_1173 = tpu.memref_slice %arg4[%add3A_571, %dma_wait3A_1172] : memref<135168x64xf32, #tpu.memory_space<hbm>> -> memref<128x64xf32, #tpu.memory_space<hbm>>
      %dma_wait3A_1174 = arith.constant 0 : i32
      %dma_wait3A_1175 = arith.constant 0 : i32
      %dma_wait3A_1176 = tpu.memref_slice %arg6[%run_scoped3A_572, %dma_wait3A_1174, %dma_wait3A_1175] : memref<2x128x64xf32, #tpu.memory_space<vmem>> -> memref<1x128x64xf32, #tpu.memory_space<vmem>>
      %dma_wait3A_1177 = tpu.memref_squeeze %dma_wait3A_1176 : memref<1x128x64xf32, #tpu.memory_space<vmem>> -> memref<128x64xf32, #tpu.memory_space<vmem>>
      tpu.wait_dma2 semaphore(%run_scoped3A_1153 : memref<!tpu.dma_semaphore, #tpu.memory_space<semaphore_mem>>) src(%dma_wait3A_1177 : memref<128x64xf32, #tpu.memory_space<vmem>>) dst(%dma_wait3A_1173 : memref<128x64xf32, #tpu.memory_space<hbm>>)
      tpu.yield
    }) : () -> ()
    %dma_start3A_573 = arith.constant 17 : i32
    %dma_start3A_574 = arith.constant 1 : i32
    %dma_start3A_575 = arith.constant 1 : i32
    %dma_start3A_576 = arith.constant 0 : i32
    %dma_start3A_577 = arith.constant 0 : i32
    %dma_start3A_578 = tpu.memref_slice %arg6[%dma_start3A_574, %dma_start3A_576, %dma_start3A_577] : memref<2x128x64xf32, #tpu.memory_space<vmem>> -> memref<1x128x64xf32, #tpu.memory_space<vmem>>
    %dma_start3A_579 = tpu.memref_squeeze %dma_start3A_578 : memref<1x128x64xf32, #tpu.memory_space<vmem>> -> memref<128x64xf32, #tpu.memory_space<vmem>>
    %dma_start3A_580 = arith.constant 0 : i32
    %dma_start3A_581 = tpu.memref_slice %arg5[%dma_start3A_573, %dma_start3A_580] : memref<33x128xi32, #tpu.memory_space<vmem>> -> memref<1x128xi32, #tpu.memory_space<vmem>>
    %dma_start3A_582 = tpu.memref_squeeze %dma_start3A_581 : memref<1x128xi32, #tpu.memory_space<vmem>> -> memref<128xi32, #tpu.memory_space<vmem>>
    %dma_start3A_583 = arith.constant 0 : i32
    %dma_start3A_584 = arith.constant 0 : i32
    %dma_start3A_585 = tpu.memref_slice %arg2[%dma_start3A_583, %dma_start3A_584] : memref<500000x64xf32, #tpu.memory_space<hbm>> -> memref<500000x64xf32, #tpu.memory_space<hbm>>
    %dma_start3A_586 = tpu.memref_slice %arg7[%dma_start3A_575] : memref<2x!tpu.dma_semaphore, #tpu.memory_space<semaphore_mem>> -> memref<1x!tpu.dma_semaphore, #tpu.memory_space<semaphore_mem>>
    %dma_start3A_587 = tpu.memref_squeeze %dma_start3A_586 : memref<1x!tpu.dma_semaphore, #tpu.memory_space<semaphore_mem>> -> memref<!tpu.dma_semaphore, #tpu.memory_space<semaphore_mem>>
    tpu.enqueue_indirect_dma source(%dma_start3A_585 : memref<500000x64xf32, #tpu.memory_space<hbm>>) target(%dma_start3A_579 : memref<128x64xf32, #tpu.memory_space<vmem>>) offsets(%dma_start3A_582 : memref<128xi32, #tpu.memory_space<vmem>>) semaphore(%dma_start3A_587 : memref<!tpu.dma_semaphore, #tpu.memory_space<semaphore_mem>>)
    %dma_wait3A_588 = arith.constant 16 : i32
    %dma_wait3A_589 = arith.constant 0 : i32
    %dma_wait3A_590 = arith.constant 0 : i32
    %dma_wait3A_591 = arith.constant 0 : i32
    %dma_wait3A_592 = arith.constant 0 : i32
    %dma_wait3A_593 = tpu.memref_slice %arg6[%dma_wait3A_589, %dma_wait3A_591, %dma_wait3A_592] : memref<2x128x64xf32, #tpu.memory_space<vmem>> -> memref<1x128x64xf32, #tpu.memory_space<vmem>>
    %dma_wait3A_594 = tpu.memref_squeeze %dma_wait3A_593 : memref<1x128x64xf32, #tpu.memory_space<vmem>> -> memref<128x64xf32, #tpu.memory_space<vmem>>
    %dma_wait3A_595 = arith.constant 0 : i32
    %dma_wait3A_596 = tpu.memref_slice %arg5[%dma_wait3A_588, %dma_wait3A_595] : memref<33x128xi32, #tpu.memory_space<vmem>> -> memref<1x128xi32, #tpu.memory_space<vmem>>
    %dma_wait3A_597 = tpu.memref_squeeze %dma_wait3A_596 : memref<1x128xi32, #tpu.memory_space<vmem>> -> memref<128xi32, #tpu.memory_space<vmem>>
    %dma_wait3A_598 = arith.constant 0 : i32
    %dma_wait3A_599 = arith.constant 0 : i32
    %dma_wait3A_600 = tpu.memref_slice %arg2[%dma_wait3A_598, %dma_wait3A_599] : memref<500000x64xf32, #tpu.memory_space<hbm>> -> memref<500000x64xf32, #tpu.memory_space<hbm>>
    %dma_wait3A_601 = tpu.memref_slice %arg7[%dma_wait3A_590] : memref<2x!tpu.dma_semaphore, #tpu.memory_space<semaphore_mem>> -> memref<1x!tpu.dma_semaphore, #tpu.memory_space<semaphore_mem>>
    %dma_wait3A_602 = tpu.memref_squeeze %dma_wait3A_601 : memref<1x!tpu.dma_semaphore, #tpu.memory_space<semaphore_mem>> -> memref<!tpu.dma_semaphore, #tpu.memory_space<semaphore_mem>>
    tpu.wait_indirect_dma semaphore(%dma_wait3A_602 : memref<!tpu.dma_semaphore, #tpu.memory_space<semaphore_mem>>) src(%dma_wait3A_600 : memref<500000x64xf32, #tpu.memory_space<hbm>>) dst(%dma_wait3A_594 : memref<128x64xf32, #tpu.memory_space<vmem>>)
    %mul3A_603 = arith.constant 4224 : i32
    %mul3A_604 = arith.muli %add3A, %mul3A_603 : i32
    %add3A_605 = arith.constant 2048 : i32
    %add3A_606 = arith.addi %mul3A_604, %add3A_605 : i32
    %run_scoped3A_607 = arith.constant 0 : i32
    "tpu.region"() ({
      %run_scoped3A_1153 = tpu.sem_alloc : memref<!tpu.dma_semaphore, #tpu.memory_space<semaphore_mem>>
      %dma_start3A_1154 = arith.constant 0 : i32
      %dma_start3A_1155 = arith.constant 0 : i32
      %dma_start3A_1156 = tpu.memref_slice %arg6[%run_scoped3A_607, %dma_start3A_1154, %dma_start3A_1155] : memref<2x128x64xf32, #tpu.memory_space<vmem>> -> memref<1x128x64xf32, #tpu.memory_space<vmem>>
      %dma_start3A_1157 = tpu.memref_squeeze %dma_start3A_1156 : memref<1x128x64xf32, #tpu.memory_space<vmem>> -> memref<128x64xf32, #tpu.memory_space<vmem>>
      %dma_start3A_1158 = arith.constant 0 : i32
      %dma_start3A_1159 = tpu.memref_slice %arg4[%add3A_606, %dma_start3A_1158] : memref<135168x64xf32, #tpu.memory_space<hbm>> -> memref<128x64xf32, #tpu.memory_space<hbm>>
      %dma_start3A_1160 = arith.constant 0 : i32
      %dma_start3A_1161 = tpu.memref_slice %arg4[%add3A_606, %dma_start3A_1160] : memref<135168x64xf32, #tpu.memory_space<hbm>> -> memref<128x64xf32, #tpu.memory_space<hbm>>
      %dma_start3A_1162 = arith.constant 0 : i32
      %dma_start3A_1163 = arith.constant 0 : i32
      %dma_start3A_1164 = tpu.memref_slice %arg6[%run_scoped3A_607, %dma_start3A_1162, %dma_start3A_1163] : memref<2x128x64xf32, #tpu.memory_space<vmem>> -> memref<1x128x64xf32, #tpu.memory_space<vmem>>
      %dma_start3A_1165 = tpu.memref_squeeze %dma_start3A_1164 : memref<1x128x64xf32, #tpu.memory_space<vmem>> -> memref<128x64xf32, #tpu.memory_space<vmem>>
      tpu.enqueue_dma source(%dma_start3A_1165 : memref<128x64xf32, #tpu.memory_space<vmem>>) target(%dma_start3A_1161 : memref<128x64xf32, #tpu.memory_space<hbm>>) target_semaphore(%run_scoped3A_1153 : memref<!tpu.dma_semaphore, #tpu.memory_space<semaphore_mem>>)
      %dma_wait3A_1166 = arith.constant 0 : i32
      %dma_wait3A_1167 = arith.constant 0 : i32
      %dma_wait3A_1168 = tpu.memref_slice %arg6[%run_scoped3A_607, %dma_wait3A_1166, %dma_wait3A_1167] : memref<2x128x64xf32, #tpu.memory_space<vmem>> -> memref<1x128x64xf32, #tpu.memory_space<vmem>>
      %dma_wait3A_1169 = tpu.memref_squeeze %dma_wait3A_1168 : memref<1x128x64xf32, #tpu.memory_space<vmem>> -> memref<128x64xf32, #tpu.memory_space<vmem>>
      %dma_wait3A_1170 = arith.constant 0 : i32
      %dma_wait3A_1171 = tpu.memref_slice %arg4[%add3A_606, %dma_wait3A_1170] : memref<135168x64xf32, #tpu.memory_space<hbm>> -> memref<128x64xf32, #tpu.memory_space<hbm>>
      %dma_wait3A_1172 = arith.constant 0 : i32
      %dma_wait3A_1173 = tpu.memref_slice %arg4[%add3A_606, %dma_wait3A_1172] : memref<135168x64xf32, #tpu.memory_space<hbm>> -> memref<128x64xf32, #tpu.memory_space<hbm>>
      %dma_wait3A_1174 = arith.constant 0 : i32
      %dma_wait3A_1175 = arith.constant 0 : i32
      %dma_wait3A_1176 = tpu.memref_slice %arg6[%run_scoped3A_607, %dma_wait3A_1174, %dma_wait3A_1175] : memref<2x128x64xf32, #tpu.memory_space<vmem>> -> memref<1x128x64xf32, #tpu.memory_space<vmem>>
      %dma_wait3A_1177 = tpu.memref_squeeze %dma_wait3A_1176 : memref<1x128x64xf32, #tpu.memory_space<vmem>> -> memref<128x64xf32, #tpu.memory_space<vmem>>
      tpu.wait_dma2 semaphore(%run_scoped3A_1153 : memref<!tpu.dma_semaphore, #tpu.memory_space<semaphore_mem>>) src(%dma_wait3A_1177 : memref<128x64xf32, #tpu.memory_space<vmem>>) dst(%dma_wait3A_1173 : memref<128x64xf32, #tpu.memory_space<hbm>>)
      tpu.yield
    }) : () -> ()
    %dma_start3A_608 = arith.constant 18 : i32
    %dma_start3A_609 = arith.constant 0 : i32
    %dma_start3A_610 = arith.constant 0 : i32
    %dma_start3A_611 = arith.constant 0 : i32
    %dma_start3A_612 = arith.constant 0 : i32
    %dma_start3A_613 = tpu.memref_slice %arg6[%dma_start3A_609, %dma_start3A_611, %dma_start3A_612] : memref<2x128x64xf32, #tpu.memory_space<vmem>> -> memref<1x128x64xf32, #tpu.memory_space<vmem>>
    %dma_start3A_614 = tpu.memref_squeeze %dma_start3A_613 : memref<1x128x64xf32, #tpu.memory_space<vmem>> -> memref<128x64xf32, #tpu.memory_space<vmem>>
    %dma_start3A_615 = arith.constant 0 : i32
    %dma_start3A_616 = tpu.memref_slice %arg5[%dma_start3A_608, %dma_start3A_615] : memref<33x128xi32, #tpu.memory_space<vmem>> -> memref<1x128xi32, #tpu.memory_space<vmem>>
    %dma_start3A_617 = tpu.memref_squeeze %dma_start3A_616 : memref<1x128xi32, #tpu.memory_space<vmem>> -> memref<128xi32, #tpu.memory_space<vmem>>
    %dma_start3A_618 = arith.constant 0 : i32
    %dma_start3A_619 = arith.constant 0 : i32
    %dma_start3A_620 = tpu.memref_slice %arg2[%dma_start3A_618, %dma_start3A_619] : memref<500000x64xf32, #tpu.memory_space<hbm>> -> memref<500000x64xf32, #tpu.memory_space<hbm>>
    %dma_start3A_621 = tpu.memref_slice %arg7[%dma_start3A_610] : memref<2x!tpu.dma_semaphore, #tpu.memory_space<semaphore_mem>> -> memref<1x!tpu.dma_semaphore, #tpu.memory_space<semaphore_mem>>
    %dma_start3A_622 = tpu.memref_squeeze %dma_start3A_621 : memref<1x!tpu.dma_semaphore, #tpu.memory_space<semaphore_mem>> -> memref<!tpu.dma_semaphore, #tpu.memory_space<semaphore_mem>>
    tpu.enqueue_indirect_dma source(%dma_start3A_620 : memref<500000x64xf32, #tpu.memory_space<hbm>>) target(%dma_start3A_614 : memref<128x64xf32, #tpu.memory_space<vmem>>) offsets(%dma_start3A_617 : memref<128xi32, #tpu.memory_space<vmem>>) semaphore(%dma_start3A_622 : memref<!tpu.dma_semaphore, #tpu.memory_space<semaphore_mem>>)
    %dma_wait3A_623 = arith.constant 17 : i32
    %dma_wait3A_624 = arith.constant 1 : i32
    %dma_wait3A_625 = arith.constant 1 : i32
    %dma_wait3A_626 = arith.constant 0 : i32
    %dma_wait3A_627 = arith.constant 0 : i32
    %dma_wait3A_628 = tpu.memref_slice %arg6[%dma_wait3A_624, %dma_wait3A_626, %dma_wait3A_627] : memref<2x128x64xf32, #tpu.memory_space<vmem>> -> memref<1x128x64xf32, #tpu.memory_space<vmem>>
    %dma_wait3A_629 = tpu.memref_squeeze %dma_wait3A_628 : memref<1x128x64xf32, #tpu.memory_space<vmem>> -> memref<128x64xf32, #tpu.memory_space<vmem>>
    %dma_wait3A_630 = arith.constant 0 : i32
    %dma_wait3A_631 = tpu.memref_slice %arg5[%dma_wait3A_623, %dma_wait3A_630] : memref<33x128xi32, #tpu.memory_space<vmem>> -> memref<1x128xi32, #tpu.memory_space<vmem>>
    %dma_wait3A_632 = tpu.memref_squeeze %dma_wait3A_631 : memref<1x128xi32, #tpu.memory_space<vmem>> -> memref<128xi32, #tpu.memory_space<vmem>>
    %dma_wait3A_633 = arith.constant 0 : i32
    %dma_wait3A_634 = arith.constant 0 : i32
    %dma_wait3A_635 = tpu.memref_slice %arg2[%dma_wait3A_633, %dma_wait3A_634] : memref<500000x64xf32, #tpu.memory_space<hbm>> -> memref<500000x64xf32, #tpu.memory_space<hbm>>
    %dma_wait3A_636 = tpu.memref_slice %arg7[%dma_wait3A_625] : memref<2x!tpu.dma_semaphore, #tpu.memory_space<semaphore_mem>> -> memref<1x!tpu.dma_semaphore, #tpu.memory_space<semaphore_mem>>
    %dma_wait3A_637 = tpu.memref_squeeze %dma_wait3A_636 : memref<1x!tpu.dma_semaphore, #tpu.memory_space<semaphore_mem>> -> memref<!tpu.dma_semaphore, #tpu.memory_space<semaphore_mem>>
    tpu.wait_indirect_dma semaphore(%dma_wait3A_637 : memref<!tpu.dma_semaphore, #tpu.memory_space<semaphore_mem>>) src(%dma_wait3A_635 : memref<500000x64xf32, #tpu.memory_space<hbm>>) dst(%dma_wait3A_629 : memref<128x64xf32, #tpu.memory_space<vmem>>)
    %mul3A_638 = arith.constant 4224 : i32
    %mul3A_639 = arith.muli %add3A, %mul3A_638 : i32
    %add3A_640 = arith.constant 2176 : i32
    %add3A_641 = arith.addi %mul3A_639, %add3A_640 : i32
    %run_scoped3A_642 = arith.constant 1 : i32
    "tpu.region"() ({
      %run_scoped3A_1153 = tpu.sem_alloc : memref<!tpu.dma_semaphore, #tpu.memory_space<semaphore_mem>>
      %dma_start3A_1154 = arith.constant 0 : i32
      %dma_start3A_1155 = arith.constant 0 : i32
      %dma_start3A_1156 = tpu.memref_slice %arg6[%run_scoped3A_642, %dma_start3A_1154, %dma_start3A_1155] : memref<2x128x64xf32, #tpu.memory_space<vmem>> -> memref<1x128x64xf32, #tpu.memory_space<vmem>>
      %dma_start3A_1157 = tpu.memref_squeeze %dma_start3A_1156 : memref<1x128x64xf32, #tpu.memory_space<vmem>> -> memref<128x64xf32, #tpu.memory_space<vmem>>
      %dma_start3A_1158 = arith.constant 0 : i32
      %dma_start3A_1159 = tpu.memref_slice %arg4[%add3A_641, %dma_start3A_1158] : memref<135168x64xf32, #tpu.memory_space<hbm>> -> memref<128x64xf32, #tpu.memory_space<hbm>>
      %dma_start3A_1160 = arith.constant 0 : i32
      %dma_start3A_1161 = tpu.memref_slice %arg4[%add3A_641, %dma_start3A_1160] : memref<135168x64xf32, #tpu.memory_space<hbm>> -> memref<128x64xf32, #tpu.memory_space<hbm>>
      %dma_start3A_1162 = arith.constant 0 : i32
      %dma_start3A_1163 = arith.constant 0 : i32
      %dma_start3A_1164 = tpu.memref_slice %arg6[%run_scoped3A_642, %dma_start3A_1162, %dma_start3A_1163] : memref<2x128x64xf32, #tpu.memory_space<vmem>> -> memref<1x128x64xf32, #tpu.memory_space<vmem>>
      %dma_start3A_1165 = tpu.memref_squeeze %dma_start3A_1164 : memref<1x128x64xf32, #tpu.memory_space<vmem>> -> memref<128x64xf32, #tpu.memory_space<vmem>>
      tpu.enqueue_dma source(%dma_start3A_1165 : memref<128x64xf32, #tpu.memory_space<vmem>>) target(%dma_start3A_1161 : memref<128x64xf32, #tpu.memory_space<hbm>>) target_semaphore(%run_scoped3A_1153 : memref<!tpu.dma_semaphore, #tpu.memory_space<semaphore_mem>>)
      %dma_wait3A_1166 = arith.constant 0 : i32
      %dma_wait3A_1167 = arith.constant 0 : i32
      %dma_wait3A_1168 = tpu.memref_slice %arg6[%run_scoped3A_642, %dma_wait3A_1166, %dma_wait3A_1167] : memref<2x128x64xf32, #tpu.memory_space<vmem>> -> memref<1x128x64xf32, #tpu.memory_space<vmem>>
      %dma_wait3A_1169 = tpu.memref_squeeze %dma_wait3A_1168 : memref<1x128x64xf32, #tpu.memory_space<vmem>> -> memref<128x64xf32, #tpu.memory_space<vmem>>
      %dma_wait3A_1170 = arith.constant 0 : i32
      %dma_wait3A_1171 = tpu.memref_slice %arg4[%add3A_641, %dma_wait3A_1170] : memref<135168x64xf32, #tpu.memory_space<hbm>> -> memref<128x64xf32, #tpu.memory_space<hbm>>
      %dma_wait3A_1172 = arith.constant 0 : i32
      %dma_wait3A_1173 = tpu.memref_slice %arg4[%add3A_641, %dma_wait3A_1172] : memref<135168x64xf32, #tpu.memory_space<hbm>> -> memref<128x64xf32, #tpu.memory_space<hbm>>
      %dma_wait3A_1174 = arith.constant 0 : i32
      %dma_wait3A_1175 = arith.constant 0 : i32
      %dma_wait3A_1176 = tpu.memref_slice %arg6[%run_scoped3A_642, %dma_wait3A_1174, %dma_wait3A_1175] : memref<2x128x64xf32, #tpu.memory_space<vmem>> -> memref<1x128x64xf32, #tpu.memory_space<vmem>>
      %dma_wait3A_1177 = tpu.memref_squeeze %dma_wait3A_1176 : memref<1x128x64xf32, #tpu.memory_space<vmem>> -> memref<128x64xf32, #tpu.memory_space<vmem>>
      tpu.wait_dma2 semaphore(%run_scoped3A_1153 : memref<!tpu.dma_semaphore, #tpu.memory_space<semaphore_mem>>) src(%dma_wait3A_1177 : memref<128x64xf32, #tpu.memory_space<vmem>>) dst(%dma_wait3A_1173 : memref<128x64xf32, #tpu.memory_space<hbm>>)
      tpu.yield
    }) : () -> ()
    %dma_start3A_643 = arith.constant 19 : i32
    %dma_start3A_644 = arith.constant 1 : i32
    %dma_start3A_645 = arith.constant 1 : i32
    %dma_start3A_646 = arith.constant 0 : i32
    %dma_start3A_647 = arith.constant 0 : i32
    %dma_start3A_648 = tpu.memref_slice %arg6[%dma_start3A_644, %dma_start3A_646, %dma_start3A_647] : memref<2x128x64xf32, #tpu.memory_space<vmem>> -> memref<1x128x64xf32, #tpu.memory_space<vmem>>
    %dma_start3A_649 = tpu.memref_squeeze %dma_start3A_648 : memref<1x128x64xf32, #tpu.memory_space<vmem>> -> memref<128x64xf32, #tpu.memory_space<vmem>>
    %dma_start3A_650 = arith.constant 0 : i32
    %dma_start3A_651 = tpu.memref_slice %arg5[%dma_start3A_643, %dma_start3A_650] : memref<33x128xi32, #tpu.memory_space<vmem>> -> memref<1x128xi32, #tpu.memory_space<vmem>>
    %dma_start3A_652 = tpu.memref_squeeze %dma_start3A_651 : memref<1x128xi32, #tpu.memory_space<vmem>> -> memref<128xi32, #tpu.memory_space<vmem>>
    %dma_start3A_653 = arith.constant 0 : i32
    %dma_start3A_654 = arith.constant 0 : i32
    %dma_start3A_655 = tpu.memref_slice %arg2[%dma_start3A_653, %dma_start3A_654] : memref<500000x64xf32, #tpu.memory_space<hbm>> -> memref<500000x64xf32, #tpu.memory_space<hbm>>
    %dma_start3A_656 = tpu.memref_slice %arg7[%dma_start3A_645] : memref<2x!tpu.dma_semaphore, #tpu.memory_space<semaphore_mem>> -> memref<1x!tpu.dma_semaphore, #tpu.memory_space<semaphore_mem>>
    %dma_start3A_657 = tpu.memref_squeeze %dma_start3A_656 : memref<1x!tpu.dma_semaphore, #tpu.memory_space<semaphore_mem>> -> memref<!tpu.dma_semaphore, #tpu.memory_space<semaphore_mem>>
    tpu.enqueue_indirect_dma source(%dma_start3A_655 : memref<500000x64xf32, #tpu.memory_space<hbm>>) target(%dma_start3A_649 : memref<128x64xf32, #tpu.memory_space<vmem>>) offsets(%dma_start3A_652 : memref<128xi32, #tpu.memory_space<vmem>>) semaphore(%dma_start3A_657 : memref<!tpu.dma_semaphore, #tpu.memory_space<semaphore_mem>>)
    %dma_wait3A_658 = arith.constant 18 : i32
    %dma_wait3A_659 = arith.constant 0 : i32
    %dma_wait3A_660 = arith.constant 0 : i32
    %dma_wait3A_661 = arith.constant 0 : i32
    %dma_wait3A_662 = arith.constant 0 : i32
    %dma_wait3A_663 = tpu.memref_slice %arg6[%dma_wait3A_659, %dma_wait3A_661, %dma_wait3A_662] : memref<2x128x64xf32, #tpu.memory_space<vmem>> -> memref<1x128x64xf32, #tpu.memory_space<vmem>>
    %dma_wait3A_664 = tpu.memref_squeeze %dma_wait3A_663 : memref<1x128x64xf32, #tpu.memory_space<vmem>> -> memref<128x64xf32, #tpu.memory_space<vmem>>
    %dma_wait3A_665 = arith.constant 0 : i32
    %dma_wait3A_666 = tpu.memref_slice %arg5[%dma_wait3A_658, %dma_wait3A_665] : memref<33x128xi32, #tpu.memory_space<vmem>> -> memref<1x128xi32, #tpu.memory_space<vmem>>
    %dma_wait3A_667 = tpu.memref_squeeze %dma_wait3A_666 : memref<1x128xi32, #tpu.memory_space<vmem>> -> memref<128xi32, #tpu.memory_space<vmem>>
    %dma_wait3A_668 = arith.constant 0 : i32
    %dma_wait3A_669 = arith.constant 0 : i32
    %dma_wait3A_670 = tpu.memref_slice %arg2[%dma_wait3A_668, %dma_wait3A_669] : memref<500000x64xf32, #tpu.memory_space<hbm>> -> memref<500000x64xf32, #tpu.memory_space<hbm>>
    %dma_wait3A_671 = tpu.memref_slice %arg7[%dma_wait3A_660] : memref<2x!tpu.dma_semaphore, #tpu.memory_space<semaphore_mem>> -> memref<1x!tpu.dma_semaphore, #tpu.memory_space<semaphore_mem>>
    %dma_wait3A_672 = tpu.memref_squeeze %dma_wait3A_671 : memref<1x!tpu.dma_semaphore, #tpu.memory_space<semaphore_mem>> -> memref<!tpu.dma_semaphore, #tpu.memory_space<semaphore_mem>>
    tpu.wait_indirect_dma semaphore(%dma_wait3A_672 : memref<!tpu.dma_semaphore, #tpu.memory_space<semaphore_mem>>) src(%dma_wait3A_670 : memref<500000x64xf32, #tpu.memory_space<hbm>>) dst(%dma_wait3A_664 : memref<128x64xf32, #tpu.memory_space<vmem>>)
    %mul3A_673 = arith.constant 4224 : i32
    %mul3A_674 = arith.muli %add3A, %mul3A_673 : i32
    %add3A_675 = arith.constant 2304 : i32
    %add3A_676 = arith.addi %mul3A_674, %add3A_675 : i32
    %run_scoped3A_677 = arith.constant 0 : i32
    "tpu.region"() ({
      %run_scoped3A_1153 = tpu.sem_alloc : memref<!tpu.dma_semaphore, #tpu.memory_space<semaphore_mem>>
      %dma_start3A_1154 = arith.constant 0 : i32
      %dma_start3A_1155 = arith.constant 0 : i32
      %dma_start3A_1156 = tpu.memref_slice %arg6[%run_scoped3A_677, %dma_start3A_1154, %dma_start3A_1155] : memref<2x128x64xf32, #tpu.memory_space<vmem>> -> memref<1x128x64xf32, #tpu.memory_space<vmem>>
      %dma_start3A_1157 = tpu.memref_squeeze %dma_start3A_1156 : memref<1x128x64xf32, #tpu.memory_space<vmem>> -> memref<128x64xf32, #tpu.memory_space<vmem>>
      %dma_start3A_1158 = arith.constant 0 : i32
      %dma_start3A_1159 = tpu.memref_slice %arg4[%add3A_676, %dma_start3A_1158] : memref<135168x64xf32, #tpu.memory_space<hbm>> -> memref<128x64xf32, #tpu.memory_space<hbm>>
      %dma_start3A_1160 = arith.constant 0 : i32
      %dma_start3A_1161 = tpu.memref_slice %arg4[%add3A_676, %dma_start3A_1160] : memref<135168x64xf32, #tpu.memory_space<hbm>> -> memref<128x64xf32, #tpu.memory_space<hbm>>
      %dma_start3A_1162 = arith.constant 0 : i32
      %dma_start3A_1163 = arith.constant 0 : i32
      %dma_start3A_1164 = tpu.memref_slice %arg6[%run_scoped3A_677, %dma_start3A_1162, %dma_start3A_1163] : memref<2x128x64xf32, #tpu.memory_space<vmem>> -> memref<1x128x64xf32, #tpu.memory_space<vmem>>
      %dma_start3A_1165 = tpu.memref_squeeze %dma_start3A_1164 : memref<1x128x64xf32, #tpu.memory_space<vmem>> -> memref<128x64xf32, #tpu.memory_space<vmem>>
      tpu.enqueue_dma source(%dma_start3A_1165 : memref<128x64xf32, #tpu.memory_space<vmem>>) target(%dma_start3A_1161 : memref<128x64xf32, #tpu.memory_space<hbm>>) target_semaphore(%run_scoped3A_1153 : memref<!tpu.dma_semaphore, #tpu.memory_space<semaphore_mem>>)
      %dma_wait3A_1166 = arith.constant 0 : i32
      %dma_wait3A_1167 = arith.constant 0 : i32
      %dma_wait3A_1168 = tpu.memref_slice %arg6[%run_scoped3A_677, %dma_wait3A_1166, %dma_wait3A_1167] : memref<2x128x64xf32, #tpu.memory_space<vmem>> -> memref<1x128x64xf32, #tpu.memory_space<vmem>>
      %dma_wait3A_1169 = tpu.memref_squeeze %dma_wait3A_1168 : memref<1x128x64xf32, #tpu.memory_space<vmem>> -> memref<128x64xf32, #tpu.memory_space<vmem>>
      %dma_wait3A_1170 = arith.constant 0 : i32
      %dma_wait3A_1171 = tpu.memref_slice %arg4[%add3A_676, %dma_wait3A_1170] : memref<135168x64xf32, #tpu.memory_space<hbm>> -> memref<128x64xf32, #tpu.memory_space<hbm>>
      %dma_wait3A_1172 = arith.constant 0 : i32
      %dma_wait3A_1173 = tpu.memref_slice %arg4[%add3A_676, %dma_wait3A_1172] : memref<135168x64xf32, #tpu.memory_space<hbm>> -> memref<128x64xf32, #tpu.memory_space<hbm>>
      %dma_wait3A_1174 = arith.constant 0 : i32
      %dma_wait3A_1175 = arith.constant 0 : i32
      %dma_wait3A_1176 = tpu.memref_slice %arg6[%run_scoped3A_677, %dma_wait3A_1174, %dma_wait3A_1175] : memref<2x128x64xf32, #tpu.memory_space<vmem>> -> memref<1x128x64xf32, #tpu.memory_space<vmem>>
      %dma_wait3A_1177 = tpu.memref_squeeze %dma_wait3A_1176 : memref<1x128x64xf32, #tpu.memory_space<vmem>> -> memref<128x64xf32, #tpu.memory_space<vmem>>
      tpu.wait_dma2 semaphore(%run_scoped3A_1153 : memref<!tpu.dma_semaphore, #tpu.memory_space<semaphore_mem>>) src(%dma_wait3A_1177 : memref<128x64xf32, #tpu.memory_space<vmem>>) dst(%dma_wait3A_1173 : memref<128x64xf32, #tpu.memory_space<hbm>>)
      tpu.yield
    }) : () -> ()
    %dma_start3A_678 = arith.constant 20 : i32
    %dma_start3A_679 = arith.constant 0 : i32
    %dma_start3A_680 = arith.constant 0 : i32
    %dma_start3A_681 = arith.constant 0 : i32
    %dma_start3A_682 = arith.constant 0 : i32
    %dma_start3A_683 = tpu.memref_slice %arg6[%dma_start3A_679, %dma_start3A_681, %dma_start3A_682] : memref<2x128x64xf32, #tpu.memory_space<vmem>> -> memref<1x128x64xf32, #tpu.memory_space<vmem>>
    %dma_start3A_684 = tpu.memref_squeeze %dma_start3A_683 : memref<1x128x64xf32, #tpu.memory_space<vmem>> -> memref<128x64xf32, #tpu.memory_space<vmem>>
    %dma_start3A_685 = arith.constant 0 : i32
    %dma_start3A_686 = tpu.memref_slice %arg5[%dma_start3A_678, %dma_start3A_685] : memref<33x128xi32, #tpu.memory_space<vmem>> -> memref<1x128xi32, #tpu.memory_space<vmem>>
    %dma_start3A_687 = tpu.memref_squeeze %dma_start3A_686 : memref<1x128xi32, #tpu.memory_space<vmem>> -> memref<128xi32, #tpu.memory_space<vmem>>
    %dma_start3A_688 = arith.constant 0 : i32
    %dma_start3A_689 = arith.constant 0 : i32
    %dma_start3A_690 = tpu.memref_slice %arg2[%dma_start3A_688, %dma_start3A_689] : memref<500000x64xf32, #tpu.memory_space<hbm>> -> memref<500000x64xf32, #tpu.memory_space<hbm>>
    %dma_start3A_691 = tpu.memref_slice %arg7[%dma_start3A_680] : memref<2x!tpu.dma_semaphore, #tpu.memory_space<semaphore_mem>> -> memref<1x!tpu.dma_semaphore, #tpu.memory_space<semaphore_mem>>
    %dma_start3A_692 = tpu.memref_squeeze %dma_start3A_691 : memref<1x!tpu.dma_semaphore, #tpu.memory_space<semaphore_mem>> -> memref<!tpu.dma_semaphore, #tpu.memory_space<semaphore_mem>>
    tpu.enqueue_indirect_dma source(%dma_start3A_690 : memref<500000x64xf32, #tpu.memory_space<hbm>>) target(%dma_start3A_684 : memref<128x64xf32, #tpu.memory_space<vmem>>) offsets(%dma_start3A_687 : memref<128xi32, #tpu.memory_space<vmem>>) semaphore(%dma_start3A_692 : memref<!tpu.dma_semaphore, #tpu.memory_space<semaphore_mem>>)
    %dma_wait3A_693 = arith.constant 19 : i32
    %dma_wait3A_694 = arith.constant 1 : i32
    %dma_wait3A_695 = arith.constant 1 : i32
    %dma_wait3A_696 = arith.constant 0 : i32
    %dma_wait3A_697 = arith.constant 0 : i32
    %dma_wait3A_698 = tpu.memref_slice %arg6[%dma_wait3A_694, %dma_wait3A_696, %dma_wait3A_697] : memref<2x128x64xf32, #tpu.memory_space<vmem>> -> memref<1x128x64xf32, #tpu.memory_space<vmem>>
    %dma_wait3A_699 = tpu.memref_squeeze %dma_wait3A_698 : memref<1x128x64xf32, #tpu.memory_space<vmem>> -> memref<128x64xf32, #tpu.memory_space<vmem>>
    %dma_wait3A_700 = arith.constant 0 : i32
    %dma_wait3A_701 = tpu.memref_slice %arg5[%dma_wait3A_693, %dma_wait3A_700] : memref<33x128xi32, #tpu.memory_space<vmem>> -> memref<1x128xi32, #tpu.memory_space<vmem>>
    %dma_wait3A_702 = tpu.memref_squeeze %dma_wait3A_701 : memref<1x128xi32, #tpu.memory_space<vmem>> -> memref<128xi32, #tpu.memory_space<vmem>>
    %dma_wait3A_703 = arith.constant 0 : i32
    %dma_wait3A_704 = arith.constant 0 : i32
    %dma_wait3A_705 = tpu.memref_slice %arg2[%dma_wait3A_703, %dma_wait3A_704] : memref<500000x64xf32, #tpu.memory_space<hbm>> -> memref<500000x64xf32, #tpu.memory_space<hbm>>
    %dma_wait3A_706 = tpu.memref_slice %arg7[%dma_wait3A_695] : memref<2x!tpu.dma_semaphore, #tpu.memory_space<semaphore_mem>> -> memref<1x!tpu.dma_semaphore, #tpu.memory_space<semaphore_mem>>
    %dma_wait3A_707 = tpu.memref_squeeze %dma_wait3A_706 : memref<1x!tpu.dma_semaphore, #tpu.memory_space<semaphore_mem>> -> memref<!tpu.dma_semaphore, #tpu.memory_space<semaphore_mem>>
    tpu.wait_indirect_dma semaphore(%dma_wait3A_707 : memref<!tpu.dma_semaphore, #tpu.memory_space<semaphore_mem>>) src(%dma_wait3A_705 : memref<500000x64xf32, #tpu.memory_space<hbm>>) dst(%dma_wait3A_699 : memref<128x64xf32, #tpu.memory_space<vmem>>)
    %mul3A_708 = arith.constant 4224 : i32
    %mul3A_709 = arith.muli %add3A, %mul3A_708 : i32
    %add3A_710 = arith.constant 2432 : i32
    %add3A_711 = arith.addi %mul3A_709, %add3A_710 : i32
    %run_scoped3A_712 = arith.constant 1 : i32
    "tpu.region"() ({
      %run_scoped3A_1153 = tpu.sem_alloc : memref<!tpu.dma_semaphore, #tpu.memory_space<semaphore_mem>>
      %dma_start3A_1154 = arith.constant 0 : i32
      %dma_start3A_1155 = arith.constant 0 : i32
      %dma_start3A_1156 = tpu.memref_slice %arg6[%run_scoped3A_712, %dma_start3A_1154, %dma_start3A_1155] : memref<2x128x64xf32, #tpu.memory_space<vmem>> -> memref<1x128x64xf32, #tpu.memory_space<vmem>>
      %dma_start3A_1157 = tpu.memref_squeeze %dma_start3A_1156 : memref<1x128x64xf32, #tpu.memory_space<vmem>> -> memref<128x64xf32, #tpu.memory_space<vmem>>
      %dma_start3A_1158 = arith.constant 0 : i32
      %dma_start3A_1159 = tpu.memref_slice %arg4[%add3A_711, %dma_start3A_1158] : memref<135168x64xf32, #tpu.memory_space<hbm>> -> memref<128x64xf32, #tpu.memory_space<hbm>>
      %dma_start3A_1160 = arith.constant 0 : i32
      %dma_start3A_1161 = tpu.memref_slice %arg4[%add3A_711, %dma_start3A_1160] : memref<135168x64xf32, #tpu.memory_space<hbm>> -> memref<128x64xf32, #tpu.memory_space<hbm>>
      %dma_start3A_1162 = arith.constant 0 : i32
      %dma_start3A_1163 = arith.constant 0 : i32
      %dma_start3A_1164 = tpu.memref_slice %arg6[%run_scoped3A_712, %dma_start3A_1162, %dma_start3A_1163] : memref<2x128x64xf32, #tpu.memory_space<vmem>> -> memref<1x128x64xf32, #tpu.memory_space<vmem>>
      %dma_start3A_1165 = tpu.memref_squeeze %dma_start3A_1164 : memref<1x128x64xf32, #tpu.memory_space<vmem>> -> memref<128x64xf32, #tpu.memory_space<vmem>>
      tpu.enqueue_dma source(%dma_start3A_1165 : memref<128x64xf32, #tpu.memory_space<vmem>>) target(%dma_start3A_1161 : memref<128x64xf32, #tpu.memory_space<hbm>>) target_semaphore(%run_scoped3A_1153 : memref<!tpu.dma_semaphore, #tpu.memory_space<semaphore_mem>>)
      %dma_wait3A_1166 = arith.constant 0 : i32
      %dma_wait3A_1167 = arith.constant 0 : i32
      %dma_wait3A_1168 = tpu.memref_slice %arg6[%run_scoped3A_712, %dma_wait3A_1166, %dma_wait3A_1167] : memref<2x128x64xf32, #tpu.memory_space<vmem>> -> memref<1x128x64xf32, #tpu.memory_space<vmem>>
      %dma_wait3A_1169 = tpu.memref_squeeze %dma_wait3A_1168 : memref<1x128x64xf32, #tpu.memory_space<vmem>> -> memref<128x64xf32, #tpu.memory_space<vmem>>
      %dma_wait3A_1170 = arith.constant 0 : i32
      %dma_wait3A_1171 = tpu.memref_slice %arg4[%add3A_711, %dma_wait3A_1170] : memref<135168x64xf32, #tpu.memory_space<hbm>> -> memref<128x64xf32, #tpu.memory_space<hbm>>
      %dma_wait3A_1172 = arith.constant 0 : i32
      %dma_wait3A_1173 = tpu.memref_slice %arg4[%add3A_711, %dma_wait3A_1172] : memref<135168x64xf32, #tpu.memory_space<hbm>> -> memref<128x64xf32, #tpu.memory_space<hbm>>
      %dma_wait3A_1174 = arith.constant 0 : i32
      %dma_wait3A_1175 = arith.constant 0 : i32
      %dma_wait3A_1176 = tpu.memref_slice %arg6[%run_scoped3A_712, %dma_wait3A_1174, %dma_wait3A_1175] : memref<2x128x64xf32, #tpu.memory_space<vmem>> -> memref<1x128x64xf32, #tpu.memory_space<vmem>>
      %dma_wait3A_1177 = tpu.memref_squeeze %dma_wait3A_1176 : memref<1x128x64xf32, #tpu.memory_space<vmem>> -> memref<128x64xf32, #tpu.memory_space<vmem>>
      tpu.wait_dma2 semaphore(%run_scoped3A_1153 : memref<!tpu.dma_semaphore, #tpu.memory_space<semaphore_mem>>) src(%dma_wait3A_1177 : memref<128x64xf32, #tpu.memory_space<vmem>>) dst(%dma_wait3A_1173 : memref<128x64xf32, #tpu.memory_space<hbm>>)
      tpu.yield
    }) : () -> ()
    %dma_start3A_713 = arith.constant 21 : i32
    %dma_start3A_714 = arith.constant 1 : i32
    %dma_start3A_715 = arith.constant 1 : i32
    %dma_start3A_716 = arith.constant 0 : i32
    %dma_start3A_717 = arith.constant 0 : i32
    %dma_start3A_718 = tpu.memref_slice %arg6[%dma_start3A_714, %dma_start3A_716, %dma_start3A_717] : memref<2x128x64xf32, #tpu.memory_space<vmem>> -> memref<1x128x64xf32, #tpu.memory_space<vmem>>
    %dma_start3A_719 = tpu.memref_squeeze %dma_start3A_718 : memref<1x128x64xf32, #tpu.memory_space<vmem>> -> memref<128x64xf32, #tpu.memory_space<vmem>>
    %dma_start3A_720 = arith.constant 0 : i32
    %dma_start3A_721 = tpu.memref_slice %arg5[%dma_start3A_713, %dma_start3A_720] : memref<33x128xi32, #tpu.memory_space<vmem>> -> memref<1x128xi32, #tpu.memory_space<vmem>>
    %dma_start3A_722 = tpu.memref_squeeze %dma_start3A_721 : memref<1x128xi32, #tpu.memory_space<vmem>> -> memref<128xi32, #tpu.memory_space<vmem>>
    %dma_start3A_723 = arith.constant 0 : i32
    %dma_start3A_724 = arith.constant 0 : i32
    %dma_start3A_725 = tpu.memref_slice %arg2[%dma_start3A_723, %dma_start3A_724] : memref<500000x64xf32, #tpu.memory_space<hbm>> -> memref<500000x64xf32, #tpu.memory_space<hbm>>
    %dma_start3A_726 = tpu.memref_slice %arg7[%dma_start3A_715] : memref<2x!tpu.dma_semaphore, #tpu.memory_space<semaphore_mem>> -> memref<1x!tpu.dma_semaphore, #tpu.memory_space<semaphore_mem>>
    %dma_start3A_727 = tpu.memref_squeeze %dma_start3A_726 : memref<1x!tpu.dma_semaphore, #tpu.memory_space<semaphore_mem>> -> memref<!tpu.dma_semaphore, #tpu.memory_space<semaphore_mem>>
    tpu.enqueue_indirect_dma source(%dma_start3A_725 : memref<500000x64xf32, #tpu.memory_space<hbm>>) target(%dma_start3A_719 : memref<128x64xf32, #tpu.memory_space<vmem>>) offsets(%dma_start3A_722 : memref<128xi32, #tpu.memory_space<vmem>>) semaphore(%dma_start3A_727 : memref<!tpu.dma_semaphore, #tpu.memory_space<semaphore_mem>>)
    %dma_wait3A_728 = arith.constant 20 : i32
    %dma_wait3A_729 = arith.constant 0 : i32
    %dma_wait3A_730 = arith.constant 0 : i32
    %dma_wait3A_731 = arith.constant 0 : i32
    %dma_wait3A_732 = arith.constant 0 : i32
    %dma_wait3A_733 = tpu.memref_slice %arg6[%dma_wait3A_729, %dma_wait3A_731, %dma_wait3A_732] : memref<2x128x64xf32, #tpu.memory_space<vmem>> -> memref<1x128x64xf32, #tpu.memory_space<vmem>>
    %dma_wait3A_734 = tpu.memref_squeeze %dma_wait3A_733 : memref<1x128x64xf32, #tpu.memory_space<vmem>> -> memref<128x64xf32, #tpu.memory_space<vmem>>
    %dma_wait3A_735 = arith.constant 0 : i32
    %dma_wait3A_736 = tpu.memref_slice %arg5[%dma_wait3A_728, %dma_wait3A_735] : memref<33x128xi32, #tpu.memory_space<vmem>> -> memref<1x128xi32, #tpu.memory_space<vmem>>
    %dma_wait3A_737 = tpu.memref_squeeze %dma_wait3A_736 : memref<1x128xi32, #tpu.memory_space<vmem>> -> memref<128xi32, #tpu.memory_space<vmem>>
    %dma_wait3A_738 = arith.constant 0 : i32
    %dma_wait3A_739 = arith.constant 0 : i32
    %dma_wait3A_740 = tpu.memref_slice %arg2[%dma_wait3A_738, %dma_wait3A_739] : memref<500000x64xf32, #tpu.memory_space<hbm>> -> memref<500000x64xf32, #tpu.memory_space<hbm>>
    %dma_wait3A_741 = tpu.memref_slice %arg7[%dma_wait3A_730] : memref<2x!tpu.dma_semaphore, #tpu.memory_space<semaphore_mem>> -> memref<1x!tpu.dma_semaphore, #tpu.memory_space<semaphore_mem>>
    %dma_wait3A_742 = tpu.memref_squeeze %dma_wait3A_741 : memref<1x!tpu.dma_semaphore, #tpu.memory_space<semaphore_mem>> -> memref<!tpu.dma_semaphore, #tpu.memory_space<semaphore_mem>>
    tpu.wait_indirect_dma semaphore(%dma_wait3A_742 : memref<!tpu.dma_semaphore, #tpu.memory_space<semaphore_mem>>) src(%dma_wait3A_740 : memref<500000x64xf32, #tpu.memory_space<hbm>>) dst(%dma_wait3A_734 : memref<128x64xf32, #tpu.memory_space<vmem>>)
    %mul3A_743 = arith.constant 4224 : i32
    %mul3A_744 = arith.muli %add3A, %mul3A_743 : i32
    %add3A_745 = arith.constant 2560 : i32
    %add3A_746 = arith.addi %mul3A_744, %add3A_745 : i32
    %run_scoped3A_747 = arith.constant 0 : i32
    "tpu.region"() ({
      %run_scoped3A_1153 = tpu.sem_alloc : memref<!tpu.dma_semaphore, #tpu.memory_space<semaphore_mem>>
      %dma_start3A_1154 = arith.constant 0 : i32
      %dma_start3A_1155 = arith.constant 0 : i32
      %dma_start3A_1156 = tpu.memref_slice %arg6[%run_scoped3A_747, %dma_start3A_1154, %dma_start3A_1155] : memref<2x128x64xf32, #tpu.memory_space<vmem>> -> memref<1x128x64xf32, #tpu.memory_space<vmem>>
      %dma_start3A_1157 = tpu.memref_squeeze %dma_start3A_1156 : memref<1x128x64xf32, #tpu.memory_space<vmem>> -> memref<128x64xf32, #tpu.memory_space<vmem>>
      %dma_start3A_1158 = arith.constant 0 : i32
      %dma_start3A_1159 = tpu.memref_slice %arg4[%add3A_746, %dma_start3A_1158] : memref<135168x64xf32, #tpu.memory_space<hbm>> -> memref<128x64xf32, #tpu.memory_space<hbm>>
      %dma_start3A_1160 = arith.constant 0 : i32
      %dma_start3A_1161 = tpu.memref_slice %arg4[%add3A_746, %dma_start3A_1160] : memref<135168x64xf32, #tpu.memory_space<hbm>> -> memref<128x64xf32, #tpu.memory_space<hbm>>
      %dma_start3A_1162 = arith.constant 0 : i32
      %dma_start3A_1163 = arith.constant 0 : i32
      %dma_start3A_1164 = tpu.memref_slice %arg6[%run_scoped3A_747, %dma_start3A_1162, %dma_start3A_1163] : memref<2x128x64xf32, #tpu.memory_space<vmem>> -> memref<1x128x64xf32, #tpu.memory_space<vmem>>
      %dma_start3A_1165 = tpu.memref_squeeze %dma_start3A_1164 : memref<1x128x64xf32, #tpu.memory_space<vmem>> -> memref<128x64xf32, #tpu.memory_space<vmem>>
      tpu.enqueue_dma source(%dma_start3A_1165 : memref<128x64xf32, #tpu.memory_space<vmem>>) target(%dma_start3A_1161 : memref<128x64xf32, #tpu.memory_space<hbm>>) target_semaphore(%run_scoped3A_1153 : memref<!tpu.dma_semaphore, #tpu.memory_space<semaphore_mem>>)
      %dma_wait3A_1166 = arith.constant 0 : i32
      %dma_wait3A_1167 = arith.constant 0 : i32
      %dma_wait3A_1168 = tpu.memref_slice %arg6[%run_scoped3A_747, %dma_wait3A_1166, %dma_wait3A_1167] : memref<2x128x64xf32, #tpu.memory_space<vmem>> -> memref<1x128x64xf32, #tpu.memory_space<vmem>>
      %dma_wait3A_1169 = tpu.memref_squeeze %dma_wait3A_1168 : memref<1x128x64xf32, #tpu.memory_space<vmem>> -> memref<128x64xf32, #tpu.memory_space<vmem>>
      %dma_wait3A_1170 = arith.constant 0 : i32
      %dma_wait3A_1171 = tpu.memref_slice %arg4[%add3A_746, %dma_wait3A_1170] : memref<135168x64xf32, #tpu.memory_space<hbm>> -> memref<128x64xf32, #tpu.memory_space<hbm>>
      %dma_wait3A_1172 = arith.constant 0 : i32
      %dma_wait3A_1173 = tpu.memref_slice %arg4[%add3A_746, %dma_wait3A_1172] : memref<135168x64xf32, #tpu.memory_space<hbm>> -> memref<128x64xf32, #tpu.memory_space<hbm>>
      %dma_wait3A_1174 = arith.constant 0 : i32
      %dma_wait3A_1175 = arith.constant 0 : i32
      %dma_wait3A_1176 = tpu.memref_slice %arg6[%run_scoped3A_747, %dma_wait3A_1174, %dma_wait3A_1175] : memref<2x128x64xf32, #tpu.memory_space<vmem>> -> memref<1x128x64xf32, #tpu.memory_space<vmem>>
      %dma_wait3A_1177 = tpu.memref_squeeze %dma_wait3A_1176 : memref<1x128x64xf32, #tpu.memory_space<vmem>> -> memref<128x64xf32, #tpu.memory_space<vmem>>
      tpu.wait_dma2 semaphore(%run_scoped3A_1153 : memref<!tpu.dma_semaphore, #tpu.memory_space<semaphore_mem>>) src(%dma_wait3A_1177 : memref<128x64xf32, #tpu.memory_space<vmem>>) dst(%dma_wait3A_1173 : memref<128x64xf32, #tpu.memory_space<hbm>>)
      tpu.yield
    }) : () -> ()
    %dma_start3A_748 = arith.constant 22 : i32
    %dma_start3A_749 = arith.constant 0 : i32
    %dma_start3A_750 = arith.constant 0 : i32
    %dma_start3A_751 = arith.constant 0 : i32
    %dma_start3A_752 = arith.constant 0 : i32
    %dma_start3A_753 = tpu.memref_slice %arg6[%dma_start3A_749, %dma_start3A_751, %dma_start3A_752] : memref<2x128x64xf32, #tpu.memory_space<vmem>> -> memref<1x128x64xf32, #tpu.memory_space<vmem>>
    %dma_start3A_754 = tpu.memref_squeeze %dma_start3A_753 : memref<1x128x64xf32, #tpu.memory_space<vmem>> -> memref<128x64xf32, #tpu.memory_space<vmem>>
    %dma_start3A_755 = arith.constant 0 : i32
    %dma_start3A_756 = tpu.memref_slice %arg5[%dma_start3A_748, %dma_start3A_755] : memref<33x128xi32, #tpu.memory_space<vmem>> -> memref<1x128xi32, #tpu.memory_space<vmem>>
    %dma_start3A_757 = tpu.memref_squeeze %dma_start3A_756 : memref<1x128xi32, #tpu.memory_space<vmem>> -> memref<128xi32, #tpu.memory_space<vmem>>
    %dma_start3A_758 = arith.constant 0 : i32
    %dma_start3A_759 = arith.constant 0 : i32
    %dma_start3A_760 = tpu.memref_slice %arg2[%dma_start3A_758, %dma_start3A_759] : memref<500000x64xf32, #tpu.memory_space<hbm>> -> memref<500000x64xf32, #tpu.memory_space<hbm>>
    %dma_start3A_761 = tpu.memref_slice %arg7[%dma_start3A_750] : memref<2x!tpu.dma_semaphore, #tpu.memory_space<semaphore_mem>> -> memref<1x!tpu.dma_semaphore, #tpu.memory_space<semaphore_mem>>
    %dma_start3A_762 = tpu.memref_squeeze %dma_start3A_761 : memref<1x!tpu.dma_semaphore, #tpu.memory_space<semaphore_mem>> -> memref<!tpu.dma_semaphore, #tpu.memory_space<semaphore_mem>>
    tpu.enqueue_indirect_dma source(%dma_start3A_760 : memref<500000x64xf32, #tpu.memory_space<hbm>>) target(%dma_start3A_754 : memref<128x64xf32, #tpu.memory_space<vmem>>) offsets(%dma_start3A_757 : memref<128xi32, #tpu.memory_space<vmem>>) semaphore(%dma_start3A_762 : memref<!tpu.dma_semaphore, #tpu.memory_space<semaphore_mem>>)
    %dma_wait3A_763 = arith.constant 21 : i32
    %dma_wait3A_764 = arith.constant 1 : i32
    %dma_wait3A_765 = arith.constant 1 : i32
    %dma_wait3A_766 = arith.constant 0 : i32
    %dma_wait3A_767 = arith.constant 0 : i32
    %dma_wait3A_768 = tpu.memref_slice %arg6[%dma_wait3A_764, %dma_wait3A_766, %dma_wait3A_767] : memref<2x128x64xf32, #tpu.memory_space<vmem>> -> memref<1x128x64xf32, #tpu.memory_space<vmem>>
    %dma_wait3A_769 = tpu.memref_squeeze %dma_wait3A_768 : memref<1x128x64xf32, #tpu.memory_space<vmem>> -> memref<128x64xf32, #tpu.memory_space<vmem>>
    %dma_wait3A_770 = arith.constant 0 : i32
    %dma_wait3A_771 = tpu.memref_slice %arg5[%dma_wait3A_763, %dma_wait3A_770] : memref<33x128xi32, #tpu.memory_space<vmem>> -> memref<1x128xi32, #tpu.memory_space<vmem>>
    %dma_wait3A_772 = tpu.memref_squeeze %dma_wait3A_771 : memref<1x128xi32, #tpu.memory_space<vmem>> -> memref<128xi32, #tpu.memory_space<vmem>>
    %dma_wait3A_773 = arith.constant 0 : i32
    %dma_wait3A_774 = arith.constant 0 : i32
    %dma_wait3A_775 = tpu.memref_slice %arg2[%dma_wait3A_773, %dma_wait3A_774] : memref<500000x64xf32, #tpu.memory_space<hbm>> -> memref<500000x64xf32, #tpu.memory_space<hbm>>
    %dma_wait3A_776 = tpu.memref_slice %arg7[%dma_wait3A_765] : memref<2x!tpu.dma_semaphore, #tpu.memory_space<semaphore_mem>> -> memref<1x!tpu.dma_semaphore, #tpu.memory_space<semaphore_mem>>
    %dma_wait3A_777 = tpu.memref_squeeze %dma_wait3A_776 : memref<1x!tpu.dma_semaphore, #tpu.memory_space<semaphore_mem>> -> memref<!tpu.dma_semaphore, #tpu.memory_space<semaphore_mem>>
    tpu.wait_indirect_dma semaphore(%dma_wait3A_777 : memref<!tpu.dma_semaphore, #tpu.memory_space<semaphore_mem>>) src(%dma_wait3A_775 : memref<500000x64xf32, #tpu.memory_space<hbm>>) dst(%dma_wait3A_769 : memref<128x64xf32, #tpu.memory_space<vmem>>)
    %mul3A_778 = arith.constant 4224 : i32
    %mul3A_779 = arith.muli %add3A, %mul3A_778 : i32
    %add3A_780 = arith.constant 2688 : i32
    %add3A_781 = arith.addi %mul3A_779, %add3A_780 : i32
    %run_scoped3A_782 = arith.constant 1 : i32
    "tpu.region"() ({
      %run_scoped3A_1153 = tpu.sem_alloc : memref<!tpu.dma_semaphore, #tpu.memory_space<semaphore_mem>>
      %dma_start3A_1154 = arith.constant 0 : i32
      %dma_start3A_1155 = arith.constant 0 : i32
      %dma_start3A_1156 = tpu.memref_slice %arg6[%run_scoped3A_782, %dma_start3A_1154, %dma_start3A_1155] : memref<2x128x64xf32, #tpu.memory_space<vmem>> -> memref<1x128x64xf32, #tpu.memory_space<vmem>>
      %dma_start3A_1157 = tpu.memref_squeeze %dma_start3A_1156 : memref<1x128x64xf32, #tpu.memory_space<vmem>> -> memref<128x64xf32, #tpu.memory_space<vmem>>
      %dma_start3A_1158 = arith.constant 0 : i32
      %dma_start3A_1159 = tpu.memref_slice %arg4[%add3A_781, %dma_start3A_1158] : memref<135168x64xf32, #tpu.memory_space<hbm>> -> memref<128x64xf32, #tpu.memory_space<hbm>>
      %dma_start3A_1160 = arith.constant 0 : i32
      %dma_start3A_1161 = tpu.memref_slice %arg4[%add3A_781, %dma_start3A_1160] : memref<135168x64xf32, #tpu.memory_space<hbm>> -> memref<128x64xf32, #tpu.memory_space<hbm>>
      %dma_start3A_1162 = arith.constant 0 : i32
      %dma_start3A_1163 = arith.constant 0 : i32
      %dma_start3A_1164 = tpu.memref_slice %arg6[%run_scoped3A_782, %dma_start3A_1162, %dma_start3A_1163] : memref<2x128x64xf32, #tpu.memory_space<vmem>> -> memref<1x128x64xf32, #tpu.memory_space<vmem>>
      %dma_start3A_1165 = tpu.memref_squeeze %dma_start3A_1164 : memref<1x128x64xf32, #tpu.memory_space<vmem>> -> memref<128x64xf32, #tpu.memory_space<vmem>>
      tpu.enqueue_dma source(%dma_start3A_1165 : memref<128x64xf32, #tpu.memory_space<vmem>>) target(%dma_start3A_1161 : memref<128x64xf32, #tpu.memory_space<hbm>>) target_semaphore(%run_scoped3A_1153 : memref<!tpu.dma_semaphore, #tpu.memory_space<semaphore_mem>>)
      %dma_wait3A_1166 = arith.constant 0 : i32
      %dma_wait3A_1167 = arith.constant 0 : i32
      %dma_wait3A_1168 = tpu.memref_slice %arg6[%run_scoped3A_782, %dma_wait3A_1166, %dma_wait3A_1167] : memref<2x128x64xf32, #tpu.memory_space<vmem>> -> memref<1x128x64xf32, #tpu.memory_space<vmem>>
      %dma_wait3A_1169 = tpu.memref_squeeze %dma_wait3A_1168 : memref<1x128x64xf32, #tpu.memory_space<vmem>> -> memref<128x64xf32, #tpu.memory_space<vmem>>
      %dma_wait3A_1170 = arith.constant 0 : i32
      %dma_wait3A_1171 = tpu.memref_slice %arg4[%add3A_781, %dma_wait3A_1170] : memref<135168x64xf32, #tpu.memory_space<hbm>> -> memref<128x64xf32, #tpu.memory_space<hbm>>
      %dma_wait3A_1172 = arith.constant 0 : i32
      %dma_wait3A_1173 = tpu.memref_slice %arg4[%add3A_781, %dma_wait3A_1172] : memref<135168x64xf32, #tpu.memory_space<hbm>> -> memref<128x64xf32, #tpu.memory_space<hbm>>
      %dma_wait3A_1174 = arith.constant 0 : i32
      %dma_wait3A_1175 = arith.constant 0 : i32
      %dma_wait3A_1176 = tpu.memref_slice %arg6[%run_scoped3A_782, %dma_wait3A_1174, %dma_wait3A_1175] : memref<2x128x64xf32, #tpu.memory_space<vmem>> -> memref<1x128x64xf32, #tpu.memory_space<vmem>>
      %dma_wait3A_1177 = tpu.memref_squeeze %dma_wait3A_1176 : memref<1x128x64xf32, #tpu.memory_space<vmem>> -> memref<128x64xf32, #tpu.memory_space<vmem>>
      tpu.wait_dma2 semaphore(%run_scoped3A_1153 : memref<!tpu.dma_semaphore, #tpu.memory_space<semaphore_mem>>) src(%dma_wait3A_1177 : memref<128x64xf32, #tpu.memory_space<vmem>>) dst(%dma_wait3A_1173 : memref<128x64xf32, #tpu.memory_space<hbm>>)
      tpu.yield
    }) : () -> ()
    %dma_start3A_783 = arith.constant 23 : i32
    %dma_start3A_784 = arith.constant 1 : i32
    %dma_start3A_785 = arith.constant 1 : i32
    %dma_start3A_786 = arith.constant 0 : i32
    %dma_start3A_787 = arith.constant 0 : i32
    %dma_start3A_788 = tpu.memref_slice %arg6[%dma_start3A_784, %dma_start3A_786, %dma_start3A_787] : memref<2x128x64xf32, #tpu.memory_space<vmem>> -> memref<1x128x64xf32, #tpu.memory_space<vmem>>
    %dma_start3A_789 = tpu.memref_squeeze %dma_start3A_788 : memref<1x128x64xf32, #tpu.memory_space<vmem>> -> memref<128x64xf32, #tpu.memory_space<vmem>>
    %dma_start3A_790 = arith.constant 0 : i32
    %dma_start3A_791 = tpu.memref_slice %arg5[%dma_start3A_783, %dma_start3A_790] : memref<33x128xi32, #tpu.memory_space<vmem>> -> memref<1x128xi32, #tpu.memory_space<vmem>>
    %dma_start3A_792 = tpu.memref_squeeze %dma_start3A_791 : memref<1x128xi32, #tpu.memory_space<vmem>> -> memref<128xi32, #tpu.memory_space<vmem>>
    %dma_start3A_793 = arith.constant 0 : i32
    %dma_start3A_794 = arith.constant 0 : i32
    %dma_start3A_795 = tpu.memref_slice %arg2[%dma_start3A_793, %dma_start3A_794] : memref<500000x64xf32, #tpu.memory_space<hbm>> -> memref<500000x64xf32, #tpu.memory_space<hbm>>
    %dma_start3A_796 = tpu.memref_slice %arg7[%dma_start3A_785] : memref<2x!tpu.dma_semaphore, #tpu.memory_space<semaphore_mem>> -> memref<1x!tpu.dma_semaphore, #tpu.memory_space<semaphore_mem>>
    %dma_start3A_797 = tpu.memref_squeeze %dma_start3A_796 : memref<1x!tpu.dma_semaphore, #tpu.memory_space<semaphore_mem>> -> memref<!tpu.dma_semaphore, #tpu.memory_space<semaphore_mem>>
    tpu.enqueue_indirect_dma source(%dma_start3A_795 : memref<500000x64xf32, #tpu.memory_space<hbm>>) target(%dma_start3A_789 : memref<128x64xf32, #tpu.memory_space<vmem>>) offsets(%dma_start3A_792 : memref<128xi32, #tpu.memory_space<vmem>>) semaphore(%dma_start3A_797 : memref<!tpu.dma_semaphore, #tpu.memory_space<semaphore_mem>>)
    %dma_wait3A_798 = arith.constant 22 : i32
    %dma_wait3A_799 = arith.constant 0 : i32
    %dma_wait3A_800 = arith.constant 0 : i32
    %dma_wait3A_801 = arith.constant 0 : i32
    %dma_wait3A_802 = arith.constant 0 : i32
    %dma_wait3A_803 = tpu.memref_slice %arg6[%dma_wait3A_799, %dma_wait3A_801, %dma_wait3A_802] : memref<2x128x64xf32, #tpu.memory_space<vmem>> -> memref<1x128x64xf32, #tpu.memory_space<vmem>>
    %dma_wait3A_804 = tpu.memref_squeeze %dma_wait3A_803 : memref<1x128x64xf32, #tpu.memory_space<vmem>> -> memref<128x64xf32, #tpu.memory_space<vmem>>
    %dma_wait3A_805 = arith.constant 0 : i32
    %dma_wait3A_806 = tpu.memref_slice %arg5[%dma_wait3A_798, %dma_wait3A_805] : memref<33x128xi32, #tpu.memory_space<vmem>> -> memref<1x128xi32, #tpu.memory_space<vmem>>
    %dma_wait3A_807 = tpu.memref_squeeze %dma_wait3A_806 : memref<1x128xi32, #tpu.memory_space<vmem>> -> memref<128xi32, #tpu.memory_space<vmem>>
    %dma_wait3A_808 = arith.constant 0 : i32
    %dma_wait3A_809 = arith.constant 0 : i32
    %dma_wait3A_810 = tpu.memref_slice %arg2[%dma_wait3A_808, %dma_wait3A_809] : memref<500000x64xf32, #tpu.memory_space<hbm>> -> memref<500000x64xf32, #tpu.memory_space<hbm>>
    %dma_wait3A_811 = tpu.memref_slice %arg7[%dma_wait3A_800] : memref<2x!tpu.dma_semaphore, #tpu.memory_space<semaphore_mem>> -> memref<1x!tpu.dma_semaphore, #tpu.memory_space<semaphore_mem>>
    %dma_wait3A_812 = tpu.memref_squeeze %dma_wait3A_811 : memref<1x!tpu.dma_semaphore, #tpu.memory_space<semaphore_mem>> -> memref<!tpu.dma_semaphore, #tpu.memory_space<semaphore_mem>>
    tpu.wait_indirect_dma semaphore(%dma_wait3A_812 : memref<!tpu.dma_semaphore, #tpu.memory_space<semaphore_mem>>) src(%dma_wait3A_810 : memref<500000x64xf32, #tpu.memory_space<hbm>>) dst(%dma_wait3A_804 : memref<128x64xf32, #tpu.memory_space<vmem>>)
    %mul3A_813 = arith.constant 4224 : i32
    %mul3A_814 = arith.muli %add3A, %mul3A_813 : i32
    %add3A_815 = arith.constant 2816 : i32
    %add3A_816 = arith.addi %mul3A_814, %add3A_815 : i32
    %run_scoped3A_817 = arith.constant 0 : i32
    "tpu.region"() ({
      %run_scoped3A_1153 = tpu.sem_alloc : memref<!tpu.dma_semaphore, #tpu.memory_space<semaphore_mem>>
      %dma_start3A_1154 = arith.constant 0 : i32
      %dma_start3A_1155 = arith.constant 0 : i32
      %dma_start3A_1156 = tpu.memref_slice %arg6[%run_scoped3A_817, %dma_start3A_1154, %dma_start3A_1155] : memref<2x128x64xf32, #tpu.memory_space<vmem>> -> memref<1x128x64xf32, #tpu.memory_space<vmem>>
      %dma_start3A_1157 = tpu.memref_squeeze %dma_start3A_1156 : memref<1x128x64xf32, #tpu.memory_space<vmem>> -> memref<128x64xf32, #tpu.memory_space<vmem>>
      %dma_start3A_1158 = arith.constant 0 : i32
      %dma_start3A_1159 = tpu.memref_slice %arg4[%add3A_816, %dma_start3A_1158] : memref<135168x64xf32, #tpu.memory_space<hbm>> -> memref<128x64xf32, #tpu.memory_space<hbm>>
      %dma_start3A_1160 = arith.constant 0 : i32
      %dma_start3A_1161 = tpu.memref_slice %arg4[%add3A_816, %dma_start3A_1160] : memref<135168x64xf32, #tpu.memory_space<hbm>> -> memref<128x64xf32, #tpu.memory_space<hbm>>
      %dma_start3A_1162 = arith.constant 0 : i32
      %dma_start3A_1163 = arith.constant 0 : i32
      %dma_start3A_1164 = tpu.memref_slice %arg6[%run_scoped3A_817, %dma_start3A_1162, %dma_start3A_1163] : memref<2x128x64xf32, #tpu.memory_space<vmem>> -> memref<1x128x64xf32, #tpu.memory_space<vmem>>
      %dma_start3A_1165 = tpu.memref_squeeze %dma_start3A_1164 : memref<1x128x64xf32, #tpu.memory_space<vmem>> -> memref<128x64xf32, #tpu.memory_space<vmem>>
      tpu.enqueue_dma source(%dma_start3A_1165 : memref<128x64xf32, #tpu.memory_space<vmem>>) target(%dma_start3A_1161 : memref<128x64xf32, #tpu.memory_space<hbm>>) target_semaphore(%run_scoped3A_1153 : memref<!tpu.dma_semaphore, #tpu.memory_space<semaphore_mem>>)
      %dma_wait3A_1166 = arith.constant 0 : i32
      %dma_wait3A_1167 = arith.constant 0 : i32
      %dma_wait3A_1168 = tpu.memref_slice %arg6[%run_scoped3A_817, %dma_wait3A_1166, %dma_wait3A_1167] : memref<2x128x64xf32, #tpu.memory_space<vmem>> -> memref<1x128x64xf32, #tpu.memory_space<vmem>>
      %dma_wait3A_1169 = tpu.memref_squeeze %dma_wait3A_1168 : memref<1x128x64xf32, #tpu.memory_space<vmem>> -> memref<128x64xf32, #tpu.memory_space<vmem>>
      %dma_wait3A_1170 = arith.constant 0 : i32
      %dma_wait3A_1171 = tpu.memref_slice %arg4[%add3A_816, %dma_wait3A_1170] : memref<135168x64xf32, #tpu.memory_space<hbm>> -> memref<128x64xf32, #tpu.memory_space<hbm>>
      %dma_wait3A_1172 = arith.constant 0 : i32
      %dma_wait3A_1173 = tpu.memref_slice %arg4[%add3A_816, %dma_wait3A_1172] : memref<135168x64xf32, #tpu.memory_space<hbm>> -> memref<128x64xf32, #tpu.memory_space<hbm>>
      %dma_wait3A_1174 = arith.constant 0 : i32
      %dma_wait3A_1175 = arith.constant 0 : i32
      %dma_wait3A_1176 = tpu.memref_slice %arg6[%run_scoped3A_817, %dma_wait3A_1174, %dma_wait3A_1175] : memref<2x128x64xf32, #tpu.memory_space<vmem>> -> memref<1x128x64xf32, #tpu.memory_space<vmem>>
      %dma_wait3A_1177 = tpu.memref_squeeze %dma_wait3A_1176 : memref<1x128x64xf32, #tpu.memory_space<vmem>> -> memref<128x64xf32, #tpu.memory_space<vmem>>
      tpu.wait_dma2 semaphore(%run_scoped3A_1153 : memref<!tpu.dma_semaphore, #tpu.memory_space<semaphore_mem>>) src(%dma_wait3A_1177 : memref<128x64xf32, #tpu.memory_space<vmem>>) dst(%dma_wait3A_1173 : memref<128x64xf32, #tpu.memory_space<hbm>>)
      tpu.yield
    }) : () -> ()
    %dma_start3A_818 = arith.constant 24 : i32
    %dma_start3A_819 = arith.constant 0 : i32
    %dma_start3A_820 = arith.constant 0 : i32
    %dma_start3A_821 = arith.constant 0 : i32
    %dma_start3A_822 = arith.constant 0 : i32
    %dma_start3A_823 = tpu.memref_slice %arg6[%dma_start3A_819, %dma_start3A_821, %dma_start3A_822] : memref<2x128x64xf32, #tpu.memory_space<vmem>> -> memref<1x128x64xf32, #tpu.memory_space<vmem>>
    %dma_start3A_824 = tpu.memref_squeeze %dma_start3A_823 : memref<1x128x64xf32, #tpu.memory_space<vmem>> -> memref<128x64xf32, #tpu.memory_space<vmem>>
    %dma_start3A_825 = arith.constant 0 : i32
    %dma_start3A_826 = tpu.memref_slice %arg5[%dma_start3A_818, %dma_start3A_825] : memref<33x128xi32, #tpu.memory_space<vmem>> -> memref<1x128xi32, #tpu.memory_space<vmem>>
    %dma_start3A_827 = tpu.memref_squeeze %dma_start3A_826 : memref<1x128xi32, #tpu.memory_space<vmem>> -> memref<128xi32, #tpu.memory_space<vmem>>
    %dma_start3A_828 = arith.constant 0 : i32
    %dma_start3A_829 = arith.constant 0 : i32
    %dma_start3A_830 = tpu.memref_slice %arg2[%dma_start3A_828, %dma_start3A_829] : memref<500000x64xf32, #tpu.memory_space<hbm>> -> memref<500000x64xf32, #tpu.memory_space<hbm>>
    %dma_start3A_831 = tpu.memref_slice %arg7[%dma_start3A_820] : memref<2x!tpu.dma_semaphore, #tpu.memory_space<semaphore_mem>> -> memref<1x!tpu.dma_semaphore, #tpu.memory_space<semaphore_mem>>
    %dma_start3A_832 = tpu.memref_squeeze %dma_start3A_831 : memref<1x!tpu.dma_semaphore, #tpu.memory_space<semaphore_mem>> -> memref<!tpu.dma_semaphore, #tpu.memory_space<semaphore_mem>>
    tpu.enqueue_indirect_dma source(%dma_start3A_830 : memref<500000x64xf32, #tpu.memory_space<hbm>>) target(%dma_start3A_824 : memref<128x64xf32, #tpu.memory_space<vmem>>) offsets(%dma_start3A_827 : memref<128xi32, #tpu.memory_space<vmem>>) semaphore(%dma_start3A_832 : memref<!tpu.dma_semaphore, #tpu.memory_space<semaphore_mem>>)
    %dma_wait3A_833 = arith.constant 23 : i32
    %dma_wait3A_834 = arith.constant 1 : i32
    %dma_wait3A_835 = arith.constant 1 : i32
    %dma_wait3A_836 = arith.constant 0 : i32
    %dma_wait3A_837 = arith.constant 0 : i32
    %dma_wait3A_838 = tpu.memref_slice %arg6[%dma_wait3A_834, %dma_wait3A_836, %dma_wait3A_837] : memref<2x128x64xf32, #tpu.memory_space<vmem>> -> memref<1x128x64xf32, #tpu.memory_space<vmem>>
    %dma_wait3A_839 = tpu.memref_squeeze %dma_wait3A_838 : memref<1x128x64xf32, #tpu.memory_space<vmem>> -> memref<128x64xf32, #tpu.memory_space<vmem>>
    %dma_wait3A_840 = arith.constant 0 : i32
    %dma_wait3A_841 = tpu.memref_slice %arg5[%dma_wait3A_833, %dma_wait3A_840] : memref<33x128xi32, #tpu.memory_space<vmem>> -> memref<1x128xi32, #tpu.memory_space<vmem>>
    %dma_wait3A_842 = tpu.memref_squeeze %dma_wait3A_841 : memref<1x128xi32, #tpu.memory_space<vmem>> -> memref<128xi32, #tpu.memory_space<vmem>>
    %dma_wait3A_843 = arith.constant 0 : i32
    %dma_wait3A_844 = arith.constant 0 : i32
    %dma_wait3A_845 = tpu.memref_slice %arg2[%dma_wait3A_843, %dma_wait3A_844] : memref<500000x64xf32, #tpu.memory_space<hbm>> -> memref<500000x64xf32, #tpu.memory_space<hbm>>
    %dma_wait3A_846 = tpu.memref_slice %arg7[%dma_wait3A_835] : memref<2x!tpu.dma_semaphore, #tpu.memory_space<semaphore_mem>> -> memref<1x!tpu.dma_semaphore, #tpu.memory_space<semaphore_mem>>
    %dma_wait3A_847 = tpu.memref_squeeze %dma_wait3A_846 : memref<1x!tpu.dma_semaphore, #tpu.memory_space<semaphore_mem>> -> memref<!tpu.dma_semaphore, #tpu.memory_space<semaphore_mem>>
    tpu.wait_indirect_dma semaphore(%dma_wait3A_847 : memref<!tpu.dma_semaphore, #tpu.memory_space<semaphore_mem>>) src(%dma_wait3A_845 : memref<500000x64xf32, #tpu.memory_space<hbm>>) dst(%dma_wait3A_839 : memref<128x64xf32, #tpu.memory_space<vmem>>)
    %mul3A_848 = arith.constant 4224 : i32
    %mul3A_849 = arith.muli %add3A, %mul3A_848 : i32
    %add3A_850 = arith.constant 2944 : i32
    %add3A_851 = arith.addi %mul3A_849, %add3A_850 : i32
    %run_scoped3A_852 = arith.constant 1 : i32
    "tpu.region"() ({
      %run_scoped3A_1153 = tpu.sem_alloc : memref<!tpu.dma_semaphore, #tpu.memory_space<semaphore_mem>>
      %dma_start3A_1154 = arith.constant 0 : i32
      %dma_start3A_1155 = arith.constant 0 : i32
      %dma_start3A_1156 = tpu.memref_slice %arg6[%run_scoped3A_852, %dma_start3A_1154, %dma_start3A_1155] : memref<2x128x64xf32, #tpu.memory_space<vmem>> -> memref<1x128x64xf32, #tpu.memory_space<vmem>>
      %dma_start3A_1157 = tpu.memref_squeeze %dma_start3A_1156 : memref<1x128x64xf32, #tpu.memory_space<vmem>> -> memref<128x64xf32, #tpu.memory_space<vmem>>
      %dma_start3A_1158 = arith.constant 0 : i32
      %dma_start3A_1159 = tpu.memref_slice %arg4[%add3A_851, %dma_start3A_1158] : memref<135168x64xf32, #tpu.memory_space<hbm>> -> memref<128x64xf32, #tpu.memory_space<hbm>>
      %dma_start3A_1160 = arith.constant 0 : i32
      %dma_start3A_1161 = tpu.memref_slice %arg4[%add3A_851, %dma_start3A_1160] : memref<135168x64xf32, #tpu.memory_space<hbm>> -> memref<128x64xf32, #tpu.memory_space<hbm>>
      %dma_start3A_1162 = arith.constant 0 : i32
      %dma_start3A_1163 = arith.constant 0 : i32
      %dma_start3A_1164 = tpu.memref_slice %arg6[%run_scoped3A_852, %dma_start3A_1162, %dma_start3A_1163] : memref<2x128x64xf32, #tpu.memory_space<vmem>> -> memref<1x128x64xf32, #tpu.memory_space<vmem>>
      %dma_start3A_1165 = tpu.memref_squeeze %dma_start3A_1164 : memref<1x128x64xf32, #tpu.memory_space<vmem>> -> memref<128x64xf32, #tpu.memory_space<vmem>>
      tpu.enqueue_dma source(%dma_start3A_1165 : memref<128x64xf32, #tpu.memory_space<vmem>>) target(%dma_start3A_1161 : memref<128x64xf32, #tpu.memory_space<hbm>>) target_semaphore(%run_scoped3A_1153 : memref<!tpu.dma_semaphore, #tpu.memory_space<semaphore_mem>>)
      %dma_wait3A_1166 = arith.constant 0 : i32
      %dma_wait3A_1167 = arith.constant 0 : i32
      %dma_wait3A_1168 = tpu.memref_slice %arg6[%run_scoped3A_852, %dma_wait3A_1166, %dma_wait3A_1167] : memref<2x128x64xf32, #tpu.memory_space<vmem>> -> memref<1x128x64xf32, #tpu.memory_space<vmem>>
      %dma_wait3A_1169 = tpu.memref_squeeze %dma_wait3A_1168 : memref<1x128x64xf32, #tpu.memory_space<vmem>> -> memref<128x64xf32, #tpu.memory_space<vmem>>
      %dma_wait3A_1170 = arith.constant 0 : i32
      %dma_wait3A_1171 = tpu.memref_slice %arg4[%add3A_851, %dma_wait3A_1170] : memref<135168x64xf32, #tpu.memory_space<hbm>> -> memref<128x64xf32, #tpu.memory_space<hbm>>
      %dma_wait3A_1172 = arith.constant 0 : i32
      %dma_wait3A_1173 = tpu.memref_slice %arg4[%add3A_851, %dma_wait3A_1172] : memref<135168x64xf32, #tpu.memory_space<hbm>> -> memref<128x64xf32, #tpu.memory_space<hbm>>
      %dma_wait3A_1174 = arith.constant 0 : i32
      %dma_wait3A_1175 = arith.constant 0 : i32
      %dma_wait3A_1176 = tpu.memref_slice %arg6[%run_scoped3A_852, %dma_wait3A_1174, %dma_wait3A_1175] : memref<2x128x64xf32, #tpu.memory_space<vmem>> -> memref<1x128x64xf32, #tpu.memory_space<vmem>>
      %dma_wait3A_1177 = tpu.memref_squeeze %dma_wait3A_1176 : memref<1x128x64xf32, #tpu.memory_space<vmem>> -> memref<128x64xf32, #tpu.memory_space<vmem>>
      tpu.wait_dma2 semaphore(%run_scoped3A_1153 : memref<!tpu.dma_semaphore, #tpu.memory_space<semaphore_mem>>) src(%dma_wait3A_1177 : memref<128x64xf32, #tpu.memory_space<vmem>>) dst(%dma_wait3A_1173 : memref<128x64xf32, #tpu.memory_space<hbm>>)
      tpu.yield
    }) : () -> ()
    %dma_start3A_853 = arith.constant 25 : i32
    %dma_start3A_854 = arith.constant 1 : i32
    %dma_start3A_855 = arith.constant 1 : i32
    %dma_start3A_856 = arith.constant 0 : i32
    %dma_start3A_857 = arith.constant 0 : i32
    %dma_start3A_858 = tpu.memref_slice %arg6[%dma_start3A_854, %dma_start3A_856, %dma_start3A_857] : memref<2x128x64xf32, #tpu.memory_space<vmem>> -> memref<1x128x64xf32, #tpu.memory_space<vmem>>
    %dma_start3A_859 = tpu.memref_squeeze %dma_start3A_858 : memref<1x128x64xf32, #tpu.memory_space<vmem>> -> memref<128x64xf32, #tpu.memory_space<vmem>>
    %dma_start3A_860 = arith.constant 0 : i32
    %dma_start3A_861 = tpu.memref_slice %arg5[%dma_start3A_853, %dma_start3A_860] : memref<33x128xi32, #tpu.memory_space<vmem>> -> memref<1x128xi32, #tpu.memory_space<vmem>>
    %dma_start3A_862 = tpu.memref_squeeze %dma_start3A_861 : memref<1x128xi32, #tpu.memory_space<vmem>> -> memref<128xi32, #tpu.memory_space<vmem>>
    %dma_start3A_863 = arith.constant 0 : i32
    %dma_start3A_864 = arith.constant 0 : i32
    %dma_start3A_865 = tpu.memref_slice %arg2[%dma_start3A_863, %dma_start3A_864] : memref<500000x64xf32, #tpu.memory_space<hbm>> -> memref<500000x64xf32, #tpu.memory_space<hbm>>
    %dma_start3A_866 = tpu.memref_slice %arg7[%dma_start3A_855] : memref<2x!tpu.dma_semaphore, #tpu.memory_space<semaphore_mem>> -> memref<1x!tpu.dma_semaphore, #tpu.memory_space<semaphore_mem>>
    %dma_start3A_867 = tpu.memref_squeeze %dma_start3A_866 : memref<1x!tpu.dma_semaphore, #tpu.memory_space<semaphore_mem>> -> memref<!tpu.dma_semaphore, #tpu.memory_space<semaphore_mem>>
    tpu.enqueue_indirect_dma source(%dma_start3A_865 : memref<500000x64xf32, #tpu.memory_space<hbm>>) target(%dma_start3A_859 : memref<128x64xf32, #tpu.memory_space<vmem>>) offsets(%dma_start3A_862 : memref<128xi32, #tpu.memory_space<vmem>>) semaphore(%dma_start3A_867 : memref<!tpu.dma_semaphore, #tpu.memory_space<semaphore_mem>>)
    %dma_wait3A_868 = arith.constant 24 : i32
    %dma_wait3A_869 = arith.constant 0 : i32
    %dma_wait3A_870 = arith.constant 0 : i32
    %dma_wait3A_871 = arith.constant 0 : i32
    %dma_wait3A_872 = arith.constant 0 : i32
    %dma_wait3A_873 = tpu.memref_slice %arg6[%dma_wait3A_869, %dma_wait3A_871, %dma_wait3A_872] : memref<2x128x64xf32, #tpu.memory_space<vmem>> -> memref<1x128x64xf32, #tpu.memory_space<vmem>>
    %dma_wait3A_874 = tpu.memref_squeeze %dma_wait3A_873 : memref<1x128x64xf32, #tpu.memory_space<vmem>> -> memref<128x64xf32, #tpu.memory_space<vmem>>
    %dma_wait3A_875 = arith.constant 0 : i32
    %dma_wait3A_876 = tpu.memref_slice %arg5[%dma_wait3A_868, %dma_wait3A_875] : memref<33x128xi32, #tpu.memory_space<vmem>> -> memref<1x128xi32, #tpu.memory_space<vmem>>
    %dma_wait3A_877 = tpu.memref_squeeze %dma_wait3A_876 : memref<1x128xi32, #tpu.memory_space<vmem>> -> memref<128xi32, #tpu.memory_space<vmem>>
    %dma_wait3A_878 = arith.constant 0 : i32
    %dma_wait3A_879 = arith.constant 0 : i32
    %dma_wait3A_880 = tpu.memref_slice %arg2[%dma_wait3A_878, %dma_wait3A_879] : memref<500000x64xf32, #tpu.memory_space<hbm>> -> memref<500000x64xf32, #tpu.memory_space<hbm>>
    %dma_wait3A_881 = tpu.memref_slice %arg7[%dma_wait3A_870] : memref<2x!tpu.dma_semaphore, #tpu.memory_space<semaphore_mem>> -> memref<1x!tpu.dma_semaphore, #tpu.memory_space<semaphore_mem>>
    %dma_wait3A_882 = tpu.memref_squeeze %dma_wait3A_881 : memref<1x!tpu.dma_semaphore, #tpu.memory_space<semaphore_mem>> -> memref<!tpu.dma_semaphore, #tpu.memory_space<semaphore_mem>>
    tpu.wait_indirect_dma semaphore(%dma_wait3A_882 : memref<!tpu.dma_semaphore, #tpu.memory_space<semaphore_mem>>) src(%dma_wait3A_880 : memref<500000x64xf32, #tpu.memory_space<hbm>>) dst(%dma_wait3A_874 : memref<128x64xf32, #tpu.memory_space<vmem>>)
    %mul3A_883 = arith.constant 4224 : i32
    %mul3A_884 = arith.muli %add3A, %mul3A_883 : i32
    %add3A_885 = arith.constant 3072 : i32
    %add3A_886 = arith.addi %mul3A_884, %add3A_885 : i32
    %run_scoped3A_887 = arith.constant 0 : i32
    "tpu.region"() ({
      %run_scoped3A_1153 = tpu.sem_alloc : memref<!tpu.dma_semaphore, #tpu.memory_space<semaphore_mem>>
      %dma_start3A_1154 = arith.constant 0 : i32
      %dma_start3A_1155 = arith.constant 0 : i32
      %dma_start3A_1156 = tpu.memref_slice %arg6[%run_scoped3A_887, %dma_start3A_1154, %dma_start3A_1155] : memref<2x128x64xf32, #tpu.memory_space<vmem>> -> memref<1x128x64xf32, #tpu.memory_space<vmem>>
      %dma_start3A_1157 = tpu.memref_squeeze %dma_start3A_1156 : memref<1x128x64xf32, #tpu.memory_space<vmem>> -> memref<128x64xf32, #tpu.memory_space<vmem>>
      %dma_start3A_1158 = arith.constant 0 : i32
      %dma_start3A_1159 = tpu.memref_slice %arg4[%add3A_886, %dma_start3A_1158] : memref<135168x64xf32, #tpu.memory_space<hbm>> -> memref<128x64xf32, #tpu.memory_space<hbm>>
      %dma_start3A_1160 = arith.constant 0 : i32
      %dma_start3A_1161 = tpu.memref_slice %arg4[%add3A_886, %dma_start3A_1160] : memref<135168x64xf32, #tpu.memory_space<hbm>> -> memref<128x64xf32, #tpu.memory_space<hbm>>
      %dma_start3A_1162 = arith.constant 0 : i32
      %dma_start3A_1163 = arith.constant 0 : i32
      %dma_start3A_1164 = tpu.memref_slice %arg6[%run_scoped3A_887, %dma_start3A_1162, %dma_start3A_1163] : memref<2x128x64xf32, #tpu.memory_space<vmem>> -> memref<1x128x64xf32, #tpu.memory_space<vmem>>
      %dma_start3A_1165 = tpu.memref_squeeze %dma_start3A_1164 : memref<1x128x64xf32, #tpu.memory_space<vmem>> -> memref<128x64xf32, #tpu.memory_space<vmem>>
      tpu.enqueue_dma source(%dma_start3A_1165 : memref<128x64xf32, #tpu.memory_space<vmem>>) target(%dma_start3A_1161 : memref<128x64xf32, #tpu.memory_space<hbm>>) target_semaphore(%run_scoped3A_1153 : memref<!tpu.dma_semaphore, #tpu.memory_space<semaphore_mem>>)
      %dma_wait3A_1166 = arith.constant 0 : i32
      %dma_wait3A_1167 = arith.constant 0 : i32
      %dma_wait3A_1168 = tpu.memref_slice %arg6[%run_scoped3A_887, %dma_wait3A_1166, %dma_wait3A_1167] : memref<2x128x64xf32, #tpu.memory_space<vmem>> -> memref<1x128x64xf32, #tpu.memory_space<vmem>>
      %dma_wait3A_1169 = tpu.memref_squeeze %dma_wait3A_1168 : memref<1x128x64xf32, #tpu.memory_space<vmem>> -> memref<128x64xf32, #tpu.memory_space<vmem>>
      %dma_wait3A_1170 = arith.constant 0 : i32
      %dma_wait3A_1171 = tpu.memref_slice %arg4[%add3A_886, %dma_wait3A_1170] : memref<135168x64xf32, #tpu.memory_space<hbm>> -> memref<128x64xf32, #tpu.memory_space<hbm>>
      %dma_wait3A_1172 = arith.constant 0 : i32
      %dma_wait3A_1173 = tpu.memref_slice %arg4[%add3A_886, %dma_wait3A_1172] : memref<135168x64xf32, #tpu.memory_space<hbm>> -> memref<128x64xf32, #tpu.memory_space<hbm>>
      %dma_wait3A_1174 = arith.constant 0 : i32
      %dma_wait3A_1175 = arith.constant 0 : i32
      %dma_wait3A_1176 = tpu.memref_slice %arg6[%run_scoped3A_887, %dma_wait3A_1174, %dma_wait3A_1175] : memref<2x128x64xf32, #tpu.memory_space<vmem>> -> memref<1x128x64xf32, #tpu.memory_space<vmem>>
      %dma_wait3A_1177 = tpu.memref_squeeze %dma_wait3A_1176 : memref<1x128x64xf32, #tpu.memory_space<vmem>> -> memref<128x64xf32, #tpu.memory_space<vmem>>
      tpu.wait_dma2 semaphore(%run_scoped3A_1153 : memref<!tpu.dma_semaphore, #tpu.memory_space<semaphore_mem>>) src(%dma_wait3A_1177 : memref<128x64xf32, #tpu.memory_space<vmem>>) dst(%dma_wait3A_1173 : memref<128x64xf32, #tpu.memory_space<hbm>>)
      tpu.yield
    }) : () -> ()
    %dma_start3A_888 = arith.constant 26 : i32
    %dma_start3A_889 = arith.constant 0 : i32
    %dma_start3A_890 = arith.constant 0 : i32
    %dma_start3A_891 = arith.constant 0 : i32
    %dma_start3A_892 = arith.constant 0 : i32
    %dma_start3A_893 = tpu.memref_slice %arg6[%dma_start3A_889, %dma_start3A_891, %dma_start3A_892] : memref<2x128x64xf32, #tpu.memory_space<vmem>> -> memref<1x128x64xf32, #tpu.memory_space<vmem>>
    %dma_start3A_894 = tpu.memref_squeeze %dma_start3A_893 : memref<1x128x64xf32, #tpu.memory_space<vmem>> -> memref<128x64xf32, #tpu.memory_space<vmem>>
    %dma_start3A_895 = arith.constant 0 : i32
    %dma_start3A_896 = tpu.memref_slice %arg5[%dma_start3A_888, %dma_start3A_895] : memref<33x128xi32, #tpu.memory_space<vmem>> -> memref<1x128xi32, #tpu.memory_space<vmem>>
    %dma_start3A_897 = tpu.memref_squeeze %dma_start3A_896 : memref<1x128xi32, #tpu.memory_space<vmem>> -> memref<128xi32, #tpu.memory_space<vmem>>
    %dma_start3A_898 = arith.constant 0 : i32
    %dma_start3A_899 = arith.constant 0 : i32
    %dma_start3A_900 = tpu.memref_slice %arg2[%dma_start3A_898, %dma_start3A_899] : memref<500000x64xf32, #tpu.memory_space<hbm>> -> memref<500000x64xf32, #tpu.memory_space<hbm>>
    %dma_start3A_901 = tpu.memref_slice %arg7[%dma_start3A_890] : memref<2x!tpu.dma_semaphore, #tpu.memory_space<semaphore_mem>> -> memref<1x!tpu.dma_semaphore, #tpu.memory_space<semaphore_mem>>
    %dma_start3A_902 = tpu.memref_squeeze %dma_start3A_901 : memref<1x!tpu.dma_semaphore, #tpu.memory_space<semaphore_mem>> -> memref<!tpu.dma_semaphore, #tpu.memory_space<semaphore_mem>>
    tpu.enqueue_indirect_dma source(%dma_start3A_900 : memref<500000x64xf32, #tpu.memory_space<hbm>>) target(%dma_start3A_894 : memref<128x64xf32, #tpu.memory_space<vmem>>) offsets(%dma_start3A_897 : memref<128xi32, #tpu.memory_space<vmem>>) semaphore(%dma_start3A_902 : memref<!tpu.dma_semaphore, #tpu.memory_space<semaphore_mem>>)
    %dma_wait3A_903 = arith.constant 25 : i32
    %dma_wait3A_904 = arith.constant 1 : i32
    %dma_wait3A_905 = arith.constant 1 : i32
    %dma_wait3A_906 = arith.constant 0 : i32
    %dma_wait3A_907 = arith.constant 0 : i32
    %dma_wait3A_908 = tpu.memref_slice %arg6[%dma_wait3A_904, %dma_wait3A_906, %dma_wait3A_907] : memref<2x128x64xf32, #tpu.memory_space<vmem>> -> memref<1x128x64xf32, #tpu.memory_space<vmem>>
    %dma_wait3A_909 = tpu.memref_squeeze %dma_wait3A_908 : memref<1x128x64xf32, #tpu.memory_space<vmem>> -> memref<128x64xf32, #tpu.memory_space<vmem>>
    %dma_wait3A_910 = arith.constant 0 : i32
    %dma_wait3A_911 = tpu.memref_slice %arg5[%dma_wait3A_903, %dma_wait3A_910] : memref<33x128xi32, #tpu.memory_space<vmem>> -> memref<1x128xi32, #tpu.memory_space<vmem>>
    %dma_wait3A_912 = tpu.memref_squeeze %dma_wait3A_911 : memref<1x128xi32, #tpu.memory_space<vmem>> -> memref<128xi32, #tpu.memory_space<vmem>>
    %dma_wait3A_913 = arith.constant 0 : i32
    %dma_wait3A_914 = arith.constant 0 : i32
    %dma_wait3A_915 = tpu.memref_slice %arg2[%dma_wait3A_913, %dma_wait3A_914] : memref<500000x64xf32, #tpu.memory_space<hbm>> -> memref<500000x64xf32, #tpu.memory_space<hbm>>
    %dma_wait3A_916 = tpu.memref_slice %arg7[%dma_wait3A_905] : memref<2x!tpu.dma_semaphore, #tpu.memory_space<semaphore_mem>> -> memref<1x!tpu.dma_semaphore, #tpu.memory_space<semaphore_mem>>
    %dma_wait3A_917 = tpu.memref_squeeze %dma_wait3A_916 : memref<1x!tpu.dma_semaphore, #tpu.memory_space<semaphore_mem>> -> memref<!tpu.dma_semaphore, #tpu.memory_space<semaphore_mem>>
    tpu.wait_indirect_dma semaphore(%dma_wait3A_917 : memref<!tpu.dma_semaphore, #tpu.memory_space<semaphore_mem>>) src(%dma_wait3A_915 : memref<500000x64xf32, #tpu.memory_space<hbm>>) dst(%dma_wait3A_909 : memref<128x64xf32, #tpu.memory_space<vmem>>)
    %mul3A_918 = arith.constant 4224 : i32
    %mul3A_919 = arith.muli %add3A, %mul3A_918 : i32
    %add3A_920 = arith.constant 3200 : i32
    %add3A_921 = arith.addi %mul3A_919, %add3A_920 : i32
    %run_scoped3A_922 = arith.constant 1 : i32
    "tpu.region"() ({
      %run_scoped3A_1153 = tpu.sem_alloc : memref<!tpu.dma_semaphore, #tpu.memory_space<semaphore_mem>>
      %dma_start3A_1154 = arith.constant 0 : i32
      %dma_start3A_1155 = arith.constant 0 : i32
      %dma_start3A_1156 = tpu.memref_slice %arg6[%run_scoped3A_922, %dma_start3A_1154, %dma_start3A_1155] : memref<2x128x64xf32, #tpu.memory_space<vmem>> -> memref<1x128x64xf32, #tpu.memory_space<vmem>>
      %dma_start3A_1157 = tpu.memref_squeeze %dma_start3A_1156 : memref<1x128x64xf32, #tpu.memory_space<vmem>> -> memref<128x64xf32, #tpu.memory_space<vmem>>
      %dma_start3A_1158 = arith.constant 0 : i32
      %dma_start3A_1159 = tpu.memref_slice %arg4[%add3A_921, %dma_start3A_1158] : memref<135168x64xf32, #tpu.memory_space<hbm>> -> memref<128x64xf32, #tpu.memory_space<hbm>>
      %dma_start3A_1160 = arith.constant 0 : i32
      %dma_start3A_1161 = tpu.memref_slice %arg4[%add3A_921, %dma_start3A_1160] : memref<135168x64xf32, #tpu.memory_space<hbm>> -> memref<128x64xf32, #tpu.memory_space<hbm>>
      %dma_start3A_1162 = arith.constant 0 : i32
      %dma_start3A_1163 = arith.constant 0 : i32
      %dma_start3A_1164 = tpu.memref_slice %arg6[%run_scoped3A_922, %dma_start3A_1162, %dma_start3A_1163] : memref<2x128x64xf32, #tpu.memory_space<vmem>> -> memref<1x128x64xf32, #tpu.memory_space<vmem>>
      %dma_start3A_1165 = tpu.memref_squeeze %dma_start3A_1164 : memref<1x128x64xf32, #tpu.memory_space<vmem>> -> memref<128x64xf32, #tpu.memory_space<vmem>>
      tpu.enqueue_dma source(%dma_start3A_1165 : memref<128x64xf32, #tpu.memory_space<vmem>>) target(%dma_start3A_1161 : memref<128x64xf32, #tpu.memory_space<hbm>>) target_semaphore(%run_scoped3A_1153 : memref<!tpu.dma_semaphore, #tpu.memory_space<semaphore_mem>>)
      %dma_wait3A_1166 = arith.constant 0 : i32
      %dma_wait3A_1167 = arith.constant 0 : i32
      %dma_wait3A_1168 = tpu.memref_slice %arg6[%run_scoped3A_922, %dma_wait3A_1166, %dma_wait3A_1167] : memref<2x128x64xf32, #tpu.memory_space<vmem>> -> memref<1x128x64xf32, #tpu.memory_space<vmem>>
      %dma_wait3A_1169 = tpu.memref_squeeze %dma_wait3A_1168 : memref<1x128x64xf32, #tpu.memory_space<vmem>> -> memref<128x64xf32, #tpu.memory_space<vmem>>
      %dma_wait3A_1170 = arith.constant 0 : i32
      %dma_wait3A_1171 = tpu.memref_slice %arg4[%add3A_921, %dma_wait3A_1170] : memref<135168x64xf32, #tpu.memory_space<hbm>> -> memref<128x64xf32, #tpu.memory_space<hbm>>
      %dma_wait3A_1172 = arith.constant 0 : i32
      %dma_wait3A_1173 = tpu.memref_slice %arg4[%add3A_921, %dma_wait3A_1172] : memref<135168x64xf32, #tpu.memory_space<hbm>> -> memref<128x64xf32, #tpu.memory_space<hbm>>
      %dma_wait3A_1174 = arith.constant 0 : i32
      %dma_wait3A_1175 = arith.constant 0 : i32
      %dma_wait3A_1176 = tpu.memref_slice %arg6[%run_scoped3A_922, %dma_wait3A_1174, %dma_wait3A_1175] : memref<2x128x64xf32, #tpu.memory_space<vmem>> -> memref<1x128x64xf32, #tpu.memory_space<vmem>>
      %dma_wait3A_1177 = tpu.memref_squeeze %dma_wait3A_1176 : memref<1x128x64xf32, #tpu.memory_space<vmem>> -> memref<128x64xf32, #tpu.memory_space<vmem>>
      tpu.wait_dma2 semaphore(%run_scoped3A_1153 : memref<!tpu.dma_semaphore, #tpu.memory_space<semaphore_mem>>) src(%dma_wait3A_1177 : memref<128x64xf32, #tpu.memory_space<vmem>>) dst(%dma_wait3A_1173 : memref<128x64xf32, #tpu.memory_space<hbm>>)
      tpu.yield
    }) : () -> ()
    %dma_start3A_923 = arith.constant 27 : i32
    %dma_start3A_924 = arith.constant 1 : i32
    %dma_start3A_925 = arith.constant 1 : i32
    %dma_start3A_926 = arith.constant 0 : i32
    %dma_start3A_927 = arith.constant 0 : i32
    %dma_start3A_928 = tpu.memref_slice %arg6[%dma_start3A_924, %dma_start3A_926, %dma_start3A_927] : memref<2x128x64xf32, #tpu.memory_space<vmem>> -> memref<1x128x64xf32, #tpu.memory_space<vmem>>
    %dma_start3A_929 = tpu.memref_squeeze %dma_start3A_928 : memref<1x128x64xf32, #tpu.memory_space<vmem>> -> memref<128x64xf32, #tpu.memory_space<vmem>>
    %dma_start3A_930 = arith.constant 0 : i32
    %dma_start3A_931 = tpu.memref_slice %arg5[%dma_start3A_923, %dma_start3A_930] : memref<33x128xi32, #tpu.memory_space<vmem>> -> memref<1x128xi32, #tpu.memory_space<vmem>>
    %dma_start3A_932 = tpu.memref_squeeze %dma_start3A_931 : memref<1x128xi32, #tpu.memory_space<vmem>> -> memref<128xi32, #tpu.memory_space<vmem>>
    %dma_start3A_933 = arith.constant 0 : i32
    %dma_start3A_934 = arith.constant 0 : i32
    %dma_start3A_935 = tpu.memref_slice %arg2[%dma_start3A_933, %dma_start3A_934] : memref<500000x64xf32, #tpu.memory_space<hbm>> -> memref<500000x64xf32, #tpu.memory_space<hbm>>
    %dma_start3A_936 = tpu.memref_slice %arg7[%dma_start3A_925] : memref<2x!tpu.dma_semaphore, #tpu.memory_space<semaphore_mem>> -> memref<1x!tpu.dma_semaphore, #tpu.memory_space<semaphore_mem>>
    %dma_start3A_937 = tpu.memref_squeeze %dma_start3A_936 : memref<1x!tpu.dma_semaphore, #tpu.memory_space<semaphore_mem>> -> memref<!tpu.dma_semaphore, #tpu.memory_space<semaphore_mem>>
    tpu.enqueue_indirect_dma source(%dma_start3A_935 : memref<500000x64xf32, #tpu.memory_space<hbm>>) target(%dma_start3A_929 : memref<128x64xf32, #tpu.memory_space<vmem>>) offsets(%dma_start3A_932 : memref<128xi32, #tpu.memory_space<vmem>>) semaphore(%dma_start3A_937 : memref<!tpu.dma_semaphore, #tpu.memory_space<semaphore_mem>>)
    %dma_wait3A_938 = arith.constant 26 : i32
    %dma_wait3A_939 = arith.constant 0 : i32
    %dma_wait3A_940 = arith.constant 0 : i32
    %dma_wait3A_941 = arith.constant 0 : i32
    %dma_wait3A_942 = arith.constant 0 : i32
    %dma_wait3A_943 = tpu.memref_slice %arg6[%dma_wait3A_939, %dma_wait3A_941, %dma_wait3A_942] : memref<2x128x64xf32, #tpu.memory_space<vmem>> -> memref<1x128x64xf32, #tpu.memory_space<vmem>>
    %dma_wait3A_944 = tpu.memref_squeeze %dma_wait3A_943 : memref<1x128x64xf32, #tpu.memory_space<vmem>> -> memref<128x64xf32, #tpu.memory_space<vmem>>
    %dma_wait3A_945 = arith.constant 0 : i32
    %dma_wait3A_946 = tpu.memref_slice %arg5[%dma_wait3A_938, %dma_wait3A_945] : memref<33x128xi32, #tpu.memory_space<vmem>> -> memref<1x128xi32, #tpu.memory_space<vmem>>
    %dma_wait3A_947 = tpu.memref_squeeze %dma_wait3A_946 : memref<1x128xi32, #tpu.memory_space<vmem>> -> memref<128xi32, #tpu.memory_space<vmem>>
    %dma_wait3A_948 = arith.constant 0 : i32
    %dma_wait3A_949 = arith.constant 0 : i32
    %dma_wait3A_950 = tpu.memref_slice %arg2[%dma_wait3A_948, %dma_wait3A_949] : memref<500000x64xf32, #tpu.memory_space<hbm>> -> memref<500000x64xf32, #tpu.memory_space<hbm>>
    %dma_wait3A_951 = tpu.memref_slice %arg7[%dma_wait3A_940] : memref<2x!tpu.dma_semaphore, #tpu.memory_space<semaphore_mem>> -> memref<1x!tpu.dma_semaphore, #tpu.memory_space<semaphore_mem>>
    %dma_wait3A_952 = tpu.memref_squeeze %dma_wait3A_951 : memref<1x!tpu.dma_semaphore, #tpu.memory_space<semaphore_mem>> -> memref<!tpu.dma_semaphore, #tpu.memory_space<semaphore_mem>>
    tpu.wait_indirect_dma semaphore(%dma_wait3A_952 : memref<!tpu.dma_semaphore, #tpu.memory_space<semaphore_mem>>) src(%dma_wait3A_950 : memref<500000x64xf32, #tpu.memory_space<hbm>>) dst(%dma_wait3A_944 : memref<128x64xf32, #tpu.memory_space<vmem>>)
    %mul3A_953 = arith.constant 4224 : i32
    %mul3A_954 = arith.muli %add3A, %mul3A_953 : i32
    %add3A_955 = arith.constant 3328 : i32
    %add3A_956 = arith.addi %mul3A_954, %add3A_955 : i32
    %run_scoped3A_957 = arith.constant 0 : i32
    "tpu.region"() ({
      %run_scoped3A_1153 = tpu.sem_alloc : memref<!tpu.dma_semaphore, #tpu.memory_space<semaphore_mem>>
      %dma_start3A_1154 = arith.constant 0 : i32
      %dma_start3A_1155 = arith.constant 0 : i32
      %dma_start3A_1156 = tpu.memref_slice %arg6[%run_scoped3A_957, %dma_start3A_1154, %dma_start3A_1155] : memref<2x128x64xf32, #tpu.memory_space<vmem>> -> memref<1x128x64xf32, #tpu.memory_space<vmem>>
      %dma_start3A_1157 = tpu.memref_squeeze %dma_start3A_1156 : memref<1x128x64xf32, #tpu.memory_space<vmem>> -> memref<128x64xf32, #tpu.memory_space<vmem>>
      %dma_start3A_1158 = arith.constant 0 : i32
      %dma_start3A_1159 = tpu.memref_slice %arg4[%add3A_956, %dma_start3A_1158] : memref<135168x64xf32, #tpu.memory_space<hbm>> -> memref<128x64xf32, #tpu.memory_space<hbm>>
      %dma_start3A_1160 = arith.constant 0 : i32
      %dma_start3A_1161 = tpu.memref_slice %arg4[%add3A_956, %dma_start3A_1160] : memref<135168x64xf32, #tpu.memory_space<hbm>> -> memref<128x64xf32, #tpu.memory_space<hbm>>
      %dma_start3A_1162 = arith.constant 0 : i32
      %dma_start3A_1163 = arith.constant 0 : i32
      %dma_start3A_1164 = tpu.memref_slice %arg6[%run_scoped3A_957, %dma_start3A_1162, %dma_start3A_1163] : memref<2x128x64xf32, #tpu.memory_space<vmem>> -> memref<1x128x64xf32, #tpu.memory_space<vmem>>
      %dma_start3A_1165 = tpu.memref_squeeze %dma_start3A_1164 : memref<1x128x64xf32, #tpu.memory_space<vmem>> -> memref<128x64xf32, #tpu.memory_space<vmem>>
      tpu.enqueue_dma source(%dma_start3A_1165 : memref<128x64xf32, #tpu.memory_space<vmem>>) target(%dma_start3A_1161 : memref<128x64xf32, #tpu.memory_space<hbm>>) target_semaphore(%run_scoped3A_1153 : memref<!tpu.dma_semaphore, #tpu.memory_space<semaphore_mem>>)
      %dma_wait3A_1166 = arith.constant 0 : i32
      %dma_wait3A_1167 = arith.constant 0 : i32
      %dma_wait3A_1168 = tpu.memref_slice %arg6[%run_scoped3A_957, %dma_wait3A_1166, %dma_wait3A_1167] : memref<2x128x64xf32, #tpu.memory_space<vmem>> -> memref<1x128x64xf32, #tpu.memory_space<vmem>>
      %dma_wait3A_1169 = tpu.memref_squeeze %dma_wait3A_1168 : memref<1x128x64xf32, #tpu.memory_space<vmem>> -> memref<128x64xf32, #tpu.memory_space<vmem>>
      %dma_wait3A_1170 = arith.constant 0 : i32
      %dma_wait3A_1171 = tpu.memref_slice %arg4[%add3A_956, %dma_wait3A_1170] : memref<135168x64xf32, #tpu.memory_space<hbm>> -> memref<128x64xf32, #tpu.memory_space<hbm>>
      %dma_wait3A_1172 = arith.constant 0 : i32
      %dma_wait3A_1173 = tpu.memref_slice %arg4[%add3A_956, %dma_wait3A_1172] : memref<135168x64xf32, #tpu.memory_space<hbm>> -> memref<128x64xf32, #tpu.memory_space<hbm>>
      %dma_wait3A_1174 = arith.constant 0 : i32
      %dma_wait3A_1175 = arith.constant 0 : i32
      %dma_wait3A_1176 = tpu.memref_slice %arg6[%run_scoped3A_957, %dma_wait3A_1174, %dma_wait3A_1175] : memref<2x128x64xf32, #tpu.memory_space<vmem>> -> memref<1x128x64xf32, #tpu.memory_space<vmem>>
      %dma_wait3A_1177 = tpu.memref_squeeze %dma_wait3A_1176 : memref<1x128x64xf32, #tpu.memory_space<vmem>> -> memref<128x64xf32, #tpu.memory_space<vmem>>
      tpu.wait_dma2 semaphore(%run_scoped3A_1153 : memref<!tpu.dma_semaphore, #tpu.memory_space<semaphore_mem>>) src(%dma_wait3A_1177 : memref<128x64xf32, #tpu.memory_space<vmem>>) dst(%dma_wait3A_1173 : memref<128x64xf32, #tpu.memory_space<hbm>>)
      tpu.yield
    }) : () -> ()
    %dma_start3A_958 = arith.constant 28 : i32
    %dma_start3A_959 = arith.constant 0 : i32
    %dma_start3A_960 = arith.constant 0 : i32
    %dma_start3A_961 = arith.constant 0 : i32
    %dma_start3A_962 = arith.constant 0 : i32
    %dma_start3A_963 = tpu.memref_slice %arg6[%dma_start3A_959, %dma_start3A_961, %dma_start3A_962] : memref<2x128x64xf32, #tpu.memory_space<vmem>> -> memref<1x128x64xf32, #tpu.memory_space<vmem>>
    %dma_start3A_964 = tpu.memref_squeeze %dma_start3A_963 : memref<1x128x64xf32, #tpu.memory_space<vmem>> -> memref<128x64xf32, #tpu.memory_space<vmem>>
    %dma_start3A_965 = arith.constant 0 : i32
    %dma_start3A_966 = tpu.memref_slice %arg5[%dma_start3A_958, %dma_start3A_965] : memref<33x128xi32, #tpu.memory_space<vmem>> -> memref<1x128xi32, #tpu.memory_space<vmem>>
    %dma_start3A_967 = tpu.memref_squeeze %dma_start3A_966 : memref<1x128xi32, #tpu.memory_space<vmem>> -> memref<128xi32, #tpu.memory_space<vmem>>
    %dma_start3A_968 = arith.constant 0 : i32
    %dma_start3A_969 = arith.constant 0 : i32
    %dma_start3A_970 = tpu.memref_slice %arg2[%dma_start3A_968, %dma_start3A_969] : memref<500000x64xf32, #tpu.memory_space<hbm>> -> memref<500000x64xf32, #tpu.memory_space<hbm>>
    %dma_start3A_971 = tpu.memref_slice %arg7[%dma_start3A_960] : memref<2x!tpu.dma_semaphore, #tpu.memory_space<semaphore_mem>> -> memref<1x!tpu.dma_semaphore, #tpu.memory_space<semaphore_mem>>
    %dma_start3A_972 = tpu.memref_squeeze %dma_start3A_971 : memref<1x!tpu.dma_semaphore, #tpu.memory_space<semaphore_mem>> -> memref<!tpu.dma_semaphore, #tpu.memory_space<semaphore_mem>>
    tpu.enqueue_indirect_dma source(%dma_start3A_970 : memref<500000x64xf32, #tpu.memory_space<hbm>>) target(%dma_start3A_964 : memref<128x64xf32, #tpu.memory_space<vmem>>) offsets(%dma_start3A_967 : memref<128xi32, #tpu.memory_space<vmem>>) semaphore(%dma_start3A_972 : memref<!tpu.dma_semaphore, #tpu.memory_space<semaphore_mem>>)
    %dma_wait3A_973 = arith.constant 27 : i32
    %dma_wait3A_974 = arith.constant 1 : i32
    %dma_wait3A_975 = arith.constant 1 : i32
    %dma_wait3A_976 = arith.constant 0 : i32
    %dma_wait3A_977 = arith.constant 0 : i32
    %dma_wait3A_978 = tpu.memref_slice %arg6[%dma_wait3A_974, %dma_wait3A_976, %dma_wait3A_977] : memref<2x128x64xf32, #tpu.memory_space<vmem>> -> memref<1x128x64xf32, #tpu.memory_space<vmem>>
    %dma_wait3A_979 = tpu.memref_squeeze %dma_wait3A_978 : memref<1x128x64xf32, #tpu.memory_space<vmem>> -> memref<128x64xf32, #tpu.memory_space<vmem>>
    %dma_wait3A_980 = arith.constant 0 : i32
    %dma_wait3A_981 = tpu.memref_slice %arg5[%dma_wait3A_973, %dma_wait3A_980] : memref<33x128xi32, #tpu.memory_space<vmem>> -> memref<1x128xi32, #tpu.memory_space<vmem>>
    %dma_wait3A_982 = tpu.memref_squeeze %dma_wait3A_981 : memref<1x128xi32, #tpu.memory_space<vmem>> -> memref<128xi32, #tpu.memory_space<vmem>>
    %dma_wait3A_983 = arith.constant 0 : i32
    %dma_wait3A_984 = arith.constant 0 : i32
    %dma_wait3A_985 = tpu.memref_slice %arg2[%dma_wait3A_983, %dma_wait3A_984] : memref<500000x64xf32, #tpu.memory_space<hbm>> -> memref<500000x64xf32, #tpu.memory_space<hbm>>
    %dma_wait3A_986 = tpu.memref_slice %arg7[%dma_wait3A_975] : memref<2x!tpu.dma_semaphore, #tpu.memory_space<semaphore_mem>> -> memref<1x!tpu.dma_semaphore, #tpu.memory_space<semaphore_mem>>
    %dma_wait3A_987 = tpu.memref_squeeze %dma_wait3A_986 : memref<1x!tpu.dma_semaphore, #tpu.memory_space<semaphore_mem>> -> memref<!tpu.dma_semaphore, #tpu.memory_space<semaphore_mem>>
    tpu.wait_indirect_dma semaphore(%dma_wait3A_987 : memref<!tpu.dma_semaphore, #tpu.memory_space<semaphore_mem>>) src(%dma_wait3A_985 : memref<500000x64xf32, #tpu.memory_space<hbm>>) dst(%dma_wait3A_979 : memref<128x64xf32, #tpu.memory_space<vmem>>)
    %mul3A_988 = arith.constant 4224 : i32
    %mul3A_989 = arith.muli %add3A, %mul3A_988 : i32
    %add3A_990 = arith.constant 3456 : i32
    %add3A_991 = arith.addi %mul3A_989, %add3A_990 : i32
    %run_scoped3A_992 = arith.constant 1 : i32
    "tpu.region"() ({
      %run_scoped3A_1153 = tpu.sem_alloc : memref<!tpu.dma_semaphore, #tpu.memory_space<semaphore_mem>>
      %dma_start3A_1154 = arith.constant 0 : i32
      %dma_start3A_1155 = arith.constant 0 : i32
      %dma_start3A_1156 = tpu.memref_slice %arg6[%run_scoped3A_992, %dma_start3A_1154, %dma_start3A_1155] : memref<2x128x64xf32, #tpu.memory_space<vmem>> -> memref<1x128x64xf32, #tpu.memory_space<vmem>>
      %dma_start3A_1157 = tpu.memref_squeeze %dma_start3A_1156 : memref<1x128x64xf32, #tpu.memory_space<vmem>> -> memref<128x64xf32, #tpu.memory_space<vmem>>
      %dma_start3A_1158 = arith.constant 0 : i32
      %dma_start3A_1159 = tpu.memref_slice %arg4[%add3A_991, %dma_start3A_1158] : memref<135168x64xf32, #tpu.memory_space<hbm>> -> memref<128x64xf32, #tpu.memory_space<hbm>>
      %dma_start3A_1160 = arith.constant 0 : i32
      %dma_start3A_1161 = tpu.memref_slice %arg4[%add3A_991, %dma_start3A_1160] : memref<135168x64xf32, #tpu.memory_space<hbm>> -> memref<128x64xf32, #tpu.memory_space<hbm>>
      %dma_start3A_1162 = arith.constant 0 : i32
      %dma_start3A_1163 = arith.constant 0 : i32
      %dma_start3A_1164 = tpu.memref_slice %arg6[%run_scoped3A_992, %dma_start3A_1162, %dma_start3A_1163] : memref<2x128x64xf32, #tpu.memory_space<vmem>> -> memref<1x128x64xf32, #tpu.memory_space<vmem>>
      %dma_start3A_1165 = tpu.memref_squeeze %dma_start3A_1164 : memref<1x128x64xf32, #tpu.memory_space<vmem>> -> memref<128x64xf32, #tpu.memory_space<vmem>>
      tpu.enqueue_dma source(%dma_start3A_1165 : memref<128x64xf32, #tpu.memory_space<vmem>>) target(%dma_start3A_1161 : memref<128x64xf32, #tpu.memory_space<hbm>>) target_semaphore(%run_scoped3A_1153 : memref<!tpu.dma_semaphore, #tpu.memory_space<semaphore_mem>>)
      %dma_wait3A_1166 = arith.constant 0 : i32
      %dma_wait3A_1167 = arith.constant 0 : i32
      %dma_wait3A_1168 = tpu.memref_slice %arg6[%run_scoped3A_992, %dma_wait3A_1166, %dma_wait3A_1167] : memref<2x128x64xf32, #tpu.memory_space<vmem>> -> memref<1x128x64xf32, #tpu.memory_space<vmem>>
      %dma_wait3A_1169 = tpu.memref_squeeze %dma_wait3A_1168 : memref<1x128x64xf32, #tpu.memory_space<vmem>> -> memref<128x64xf32, #tpu.memory_space<vmem>>
      %dma_wait3A_1170 = arith.constant 0 : i32
      %dma_wait3A_1171 = tpu.memref_slice %arg4[%add3A_991, %dma_wait3A_1170] : memref<135168x64xf32, #tpu.memory_space<hbm>> -> memref<128x64xf32, #tpu.memory_space<hbm>>
      %dma_wait3A_1172 = arith.constant 0 : i32
      %dma_wait3A_1173 = tpu.memref_slice %arg4[%add3A_991, %dma_wait3A_1172] : memref<135168x64xf32, #tpu.memory_space<hbm>> -> memref<128x64xf32, #tpu.memory_space<hbm>>
      %dma_wait3A_1174 = arith.constant 0 : i32
      %dma_wait3A_1175 = arith.constant 0 : i32
      %dma_wait3A_1176 = tpu.memref_slice %arg6[%run_scoped3A_992, %dma_wait3A_1174, %dma_wait3A_1175] : memref<2x128x64xf32, #tpu.memory_space<vmem>> -> memref<1x128x64xf32, #tpu.memory_space<vmem>>
      %dma_wait3A_1177 = tpu.memref_squeeze %dma_wait3A_1176 : memref<1x128x64xf32, #tpu.memory_space<vmem>> -> memref<128x64xf32, #tpu.memory_space<vmem>>
      tpu.wait_dma2 semaphore(%run_scoped3A_1153 : memref<!tpu.dma_semaphore, #tpu.memory_space<semaphore_mem>>) src(%dma_wait3A_1177 : memref<128x64xf32, #tpu.memory_space<vmem>>) dst(%dma_wait3A_1173 : memref<128x64xf32, #tpu.memory_space<hbm>>)
      tpu.yield
    }) : () -> ()
    %dma_start3A_993 = arith.constant 29 : i32
    %dma_start3A_994 = arith.constant 1 : i32
    %dma_start3A_995 = arith.constant 1 : i32
    %dma_start3A_996 = arith.constant 0 : i32
    %dma_start3A_997 = arith.constant 0 : i32
    %dma_start3A_998 = tpu.memref_slice %arg6[%dma_start3A_994, %dma_start3A_996, %dma_start3A_997] : memref<2x128x64xf32, #tpu.memory_space<vmem>> -> memref<1x128x64xf32, #tpu.memory_space<vmem>>
    %dma_start3A_999 = tpu.memref_squeeze %dma_start3A_998 : memref<1x128x64xf32, #tpu.memory_space<vmem>> -> memref<128x64xf32, #tpu.memory_space<vmem>>
    %dma_start3A_1000 = arith.constant 0 : i32
    %dma_start3A_1001 = tpu.memref_slice %arg5[%dma_start3A_993, %dma_start3A_1000] : memref<33x128xi32, #tpu.memory_space<vmem>> -> memref<1x128xi32, #tpu.memory_space<vmem>>
    %dma_start3A_1002 = tpu.memref_squeeze %dma_start3A_1001 : memref<1x128xi32, #tpu.memory_space<vmem>> -> memref<128xi32, #tpu.memory_space<vmem>>
    %dma_start3A_1003 = arith.constant 0 : i32
    %dma_start3A_1004 = arith.constant 0 : i32
    %dma_start3A_1005 = tpu.memref_slice %arg2[%dma_start3A_1003, %dma_start3A_1004] : memref<500000x64xf32, #tpu.memory_space<hbm>> -> memref<500000x64xf32, #tpu.memory_space<hbm>>
    %dma_start3A_1006 = tpu.memref_slice %arg7[%dma_start3A_995] : memref<2x!tpu.dma_semaphore, #tpu.memory_space<semaphore_mem>> -> memref<1x!tpu.dma_semaphore, #tpu.memory_space<semaphore_mem>>
    %dma_start3A_1007 = tpu.memref_squeeze %dma_start3A_1006 : memref<1x!tpu.dma_semaphore, #tpu.memory_space<semaphore_mem>> -> memref<!tpu.dma_semaphore, #tpu.memory_space<semaphore_mem>>
    tpu.enqueue_indirect_dma source(%dma_start3A_1005 : memref<500000x64xf32, #tpu.memory_space<hbm>>) target(%dma_start3A_999 : memref<128x64xf32, #tpu.memory_space<vmem>>) offsets(%dma_start3A_1002 : memref<128xi32, #tpu.memory_space<vmem>>) semaphore(%dma_start3A_1007 : memref<!tpu.dma_semaphore, #tpu.memory_space<semaphore_mem>>)
    %dma_wait3A_1008 = arith.constant 28 : i32
    %dma_wait3A_1009 = arith.constant 0 : i32
    %dma_wait3A_1010 = arith.constant 0 : i32
    %dma_wait3A_1011 = arith.constant 0 : i32
    %dma_wait3A_1012 = arith.constant 0 : i32
    %dma_wait3A_1013 = tpu.memref_slice %arg6[%dma_wait3A_1009, %dma_wait3A_1011, %dma_wait3A_1012] : memref<2x128x64xf32, #tpu.memory_space<vmem>> -> memref<1x128x64xf32, #tpu.memory_space<vmem>>
    %dma_wait3A_1014 = tpu.memref_squeeze %dma_wait3A_1013 : memref<1x128x64xf32, #tpu.memory_space<vmem>> -> memref<128x64xf32, #tpu.memory_space<vmem>>
    %dma_wait3A_1015 = arith.constant 0 : i32
    %dma_wait3A_1016 = tpu.memref_slice %arg5[%dma_wait3A_1008, %dma_wait3A_1015] : memref<33x128xi32, #tpu.memory_space<vmem>> -> memref<1x128xi32, #tpu.memory_space<vmem>>
    %dma_wait3A_1017 = tpu.memref_squeeze %dma_wait3A_1016 : memref<1x128xi32, #tpu.memory_space<vmem>> -> memref<128xi32, #tpu.memory_space<vmem>>
    %dma_wait3A_1018 = arith.constant 0 : i32
    %dma_wait3A_1019 = arith.constant 0 : i32
    %dma_wait3A_1020 = tpu.memref_slice %arg2[%dma_wait3A_1018, %dma_wait3A_1019] : memref<500000x64xf32, #tpu.memory_space<hbm>> -> memref<500000x64xf32, #tpu.memory_space<hbm>>
    %dma_wait3A_1021 = tpu.memref_slice %arg7[%dma_wait3A_1010] : memref<2x!tpu.dma_semaphore, #tpu.memory_space<semaphore_mem>> -> memref<1x!tpu.dma_semaphore, #tpu.memory_space<semaphore_mem>>
    %dma_wait3A_1022 = tpu.memref_squeeze %dma_wait3A_1021 : memref<1x!tpu.dma_semaphore, #tpu.memory_space<semaphore_mem>> -> memref<!tpu.dma_semaphore, #tpu.memory_space<semaphore_mem>>
    tpu.wait_indirect_dma semaphore(%dma_wait3A_1022 : memref<!tpu.dma_semaphore, #tpu.memory_space<semaphore_mem>>) src(%dma_wait3A_1020 : memref<500000x64xf32, #tpu.memory_space<hbm>>) dst(%dma_wait3A_1014 : memref<128x64xf32, #tpu.memory_space<vmem>>)
    %mul3A_1023 = arith.constant 4224 : i32
    %mul3A_1024 = arith.muli %add3A, %mul3A_1023 : i32
    %add3A_1025 = arith.constant 3584 : i32
    %add3A_1026 = arith.addi %mul3A_1024, %add3A_1025 : i32
    %run_scoped3A_1027 = arith.constant 0 : i32
    "tpu.region"() ({
      %run_scoped3A_1153 = tpu.sem_alloc : memref<!tpu.dma_semaphore, #tpu.memory_space<semaphore_mem>>
      %dma_start3A_1154 = arith.constant 0 : i32
      %dma_start3A_1155 = arith.constant 0 : i32
      %dma_start3A_1156 = tpu.memref_slice %arg6[%run_scoped3A_1027, %dma_start3A_1154, %dma_start3A_1155] : memref<2x128x64xf32, #tpu.memory_space<vmem>> -> memref<1x128x64xf32, #tpu.memory_space<vmem>>
      %dma_start3A_1157 = tpu.memref_squeeze %dma_start3A_1156 : memref<1x128x64xf32, #tpu.memory_space<vmem>> -> memref<128x64xf32, #tpu.memory_space<vmem>>
      %dma_start3A_1158 = arith.constant 0 : i32
      %dma_start3A_1159 = tpu.memref_slice %arg4[%add3A_1026, %dma_start3A_1158] : memref<135168x64xf32, #tpu.memory_space<hbm>> -> memref<128x64xf32, #tpu.memory_space<hbm>>
      %dma_start3A_1160 = arith.constant 0 : i32
      %dma_start3A_1161 = tpu.memref_slice %arg4[%add3A_1026, %dma_start3A_1160] : memref<135168x64xf32, #tpu.memory_space<hbm>> -> memref<128x64xf32, #tpu.memory_space<hbm>>
      %dma_start3A_1162 = arith.constant 0 : i32
      %dma_start3A_1163 = arith.constant 0 : i32
      %dma_start3A_1164 = tpu.memref_slice %arg6[%run_scoped3A_1027, %dma_start3A_1162, %dma_start3A_1163] : memref<2x128x64xf32, #tpu.memory_space<vmem>> -> memref<1x128x64xf32, #tpu.memory_space<vmem>>
      %dma_start3A_1165 = tpu.memref_squeeze %dma_start3A_1164 : memref<1x128x64xf32, #tpu.memory_space<vmem>> -> memref<128x64xf32, #tpu.memory_space<vmem>>
      tpu.enqueue_dma source(%dma_start3A_1165 : memref<128x64xf32, #tpu.memory_space<vmem>>) target(%dma_start3A_1161 : memref<128x64xf32, #tpu.memory_space<hbm>>) target_semaphore(%run_scoped3A_1153 : memref<!tpu.dma_semaphore, #tpu.memory_space<semaphore_mem>>)
      %dma_wait3A_1166 = arith.constant 0 : i32
      %dma_wait3A_1167 = arith.constant 0 : i32
      %dma_wait3A_1168 = tpu.memref_slice %arg6[%run_scoped3A_1027, %dma_wait3A_1166, %dma_wait3A_1167] : memref<2x128x64xf32, #tpu.memory_space<vmem>> -> memref<1x128x64xf32, #tpu.memory_space<vmem>>
      %dma_wait3A_1169 = tpu.memref_squeeze %dma_wait3A_1168 : memref<1x128x64xf32, #tpu.memory_space<vmem>> -> memref<128x64xf32, #tpu.memory_space<vmem>>
      %dma_wait3A_1170 = arith.constant 0 : i32
      %dma_wait3A_1171 = tpu.memref_slice %arg4[%add3A_1026, %dma_wait3A_1170] : memref<135168x64xf32, #tpu.memory_space<hbm>> -> memref<128x64xf32, #tpu.memory_space<hbm>>
      %dma_wait3A_1172 = arith.constant 0 : i32
      %dma_wait3A_1173 = tpu.memref_slice %arg4[%add3A_1026, %dma_wait3A_1172] : memref<135168x64xf32, #tpu.memory_space<hbm>> -> memref<128x64xf32, #tpu.memory_space<hbm>>
      %dma_wait3A_1174 = arith.constant 0 : i32
      %dma_wait3A_1175 = arith.constant 0 : i32
      %dma_wait3A_1176 = tpu.memref_slice %arg6[%run_scoped3A_1027, %dma_wait3A_1174, %dma_wait3A_1175] : memref<2x128x64xf32, #tpu.memory_space<vmem>> -> memref<1x128x64xf32, #tpu.memory_space<vmem>>
      %dma_wait3A_1177 = tpu.memref_squeeze %dma_wait3A_1176 : memref<1x128x64xf32, #tpu.memory_space<vmem>> -> memref<128x64xf32, #tpu.memory_space<vmem>>
      tpu.wait_dma2 semaphore(%run_scoped3A_1153 : memref<!tpu.dma_semaphore, #tpu.memory_space<semaphore_mem>>) src(%dma_wait3A_1177 : memref<128x64xf32, #tpu.memory_space<vmem>>) dst(%dma_wait3A_1173 : memref<128x64xf32, #tpu.memory_space<hbm>>)
      tpu.yield
    }) : () -> ()
    %dma_start3A_1028 = arith.constant 30 : i32
    %dma_start3A_1029 = arith.constant 0 : i32
    %dma_start3A_1030 = arith.constant 0 : i32
    %dma_start3A_1031 = arith.constant 0 : i32
    %dma_start3A_1032 = arith.constant 0 : i32
    %dma_start3A_1033 = tpu.memref_slice %arg6[%dma_start3A_1029, %dma_start3A_1031, %dma_start3A_1032] : memref<2x128x64xf32, #tpu.memory_space<vmem>> -> memref<1x128x64xf32, #tpu.memory_space<vmem>>
    %dma_start3A_1034 = tpu.memref_squeeze %dma_start3A_1033 : memref<1x128x64xf32, #tpu.memory_space<vmem>> -> memref<128x64xf32, #tpu.memory_space<vmem>>
    %dma_start3A_1035 = arith.constant 0 : i32
    %dma_start3A_1036 = tpu.memref_slice %arg5[%dma_start3A_1028, %dma_start3A_1035] : memref<33x128xi32, #tpu.memory_space<vmem>> -> memref<1x128xi32, #tpu.memory_space<vmem>>
    %dma_start3A_1037 = tpu.memref_squeeze %dma_start3A_1036 : memref<1x128xi32, #tpu.memory_space<vmem>> -> memref<128xi32, #tpu.memory_space<vmem>>
    %dma_start3A_1038 = arith.constant 0 : i32
    %dma_start3A_1039 = arith.constant 0 : i32
    %dma_start3A_1040 = tpu.memref_slice %arg2[%dma_start3A_1038, %dma_start3A_1039] : memref<500000x64xf32, #tpu.memory_space<hbm>> -> memref<500000x64xf32, #tpu.memory_space<hbm>>
    %dma_start3A_1041 = tpu.memref_slice %arg7[%dma_start3A_1030] : memref<2x!tpu.dma_semaphore, #tpu.memory_space<semaphore_mem>> -> memref<1x!tpu.dma_semaphore, #tpu.memory_space<semaphore_mem>>
    %dma_start3A_1042 = tpu.memref_squeeze %dma_start3A_1041 : memref<1x!tpu.dma_semaphore, #tpu.memory_space<semaphore_mem>> -> memref<!tpu.dma_semaphore, #tpu.memory_space<semaphore_mem>>
    tpu.enqueue_indirect_dma source(%dma_start3A_1040 : memref<500000x64xf32, #tpu.memory_space<hbm>>) target(%dma_start3A_1034 : memref<128x64xf32, #tpu.memory_space<vmem>>) offsets(%dma_start3A_1037 : memref<128xi32, #tpu.memory_space<vmem>>) semaphore(%dma_start3A_1042 : memref<!tpu.dma_semaphore, #tpu.memory_space<semaphore_mem>>)
    %dma_wait3A_1043 = arith.constant 29 : i32
    %dma_wait3A_1044 = arith.constant 1 : i32
    %dma_wait3A_1045 = arith.constant 1 : i32
    %dma_wait3A_1046 = arith.constant 0 : i32
    %dma_wait3A_1047 = arith.constant 0 : i32
    %dma_wait3A_1048 = tpu.memref_slice %arg6[%dma_wait3A_1044, %dma_wait3A_1046, %dma_wait3A_1047] : memref<2x128x64xf32, #tpu.memory_space<vmem>> -> memref<1x128x64xf32, #tpu.memory_space<vmem>>
    %dma_wait3A_1049 = tpu.memref_squeeze %dma_wait3A_1048 : memref<1x128x64xf32, #tpu.memory_space<vmem>> -> memref<128x64xf32, #tpu.memory_space<vmem>>
    %dma_wait3A_1050 = arith.constant 0 : i32
    %dma_wait3A_1051 = tpu.memref_slice %arg5[%dma_wait3A_1043, %dma_wait3A_1050] : memref<33x128xi32, #tpu.memory_space<vmem>> -> memref<1x128xi32, #tpu.memory_space<vmem>>
    %dma_wait3A_1052 = tpu.memref_squeeze %dma_wait3A_1051 : memref<1x128xi32, #tpu.memory_space<vmem>> -> memref<128xi32, #tpu.memory_space<vmem>>
    %dma_wait3A_1053 = arith.constant 0 : i32
    %dma_wait3A_1054 = arith.constant 0 : i32
    %dma_wait3A_1055 = tpu.memref_slice %arg2[%dma_wait3A_1053, %dma_wait3A_1054] : memref<500000x64xf32, #tpu.memory_space<hbm>> -> memref<500000x64xf32, #tpu.memory_space<hbm>>
    %dma_wait3A_1056 = tpu.memref_slice %arg7[%dma_wait3A_1045] : memref<2x!tpu.dma_semaphore, #tpu.memory_space<semaphore_mem>> -> memref<1x!tpu.dma_semaphore, #tpu.memory_space<semaphore_mem>>
    %dma_wait3A_1057 = tpu.memref_squeeze %dma_wait3A_1056 : memref<1x!tpu.dma_semaphore, #tpu.memory_space<semaphore_mem>> -> memref<!tpu.dma_semaphore, #tpu.memory_space<semaphore_mem>>
    tpu.wait_indirect_dma semaphore(%dma_wait3A_1057 : memref<!tpu.dma_semaphore, #tpu.memory_space<semaphore_mem>>) src(%dma_wait3A_1055 : memref<500000x64xf32, #tpu.memory_space<hbm>>) dst(%dma_wait3A_1049 : memref<128x64xf32, #tpu.memory_space<vmem>>)
    %mul3A_1058 = arith.constant 4224 : i32
    %mul3A_1059 = arith.muli %add3A, %mul3A_1058 : i32
    %add3A_1060 = arith.constant 3712 : i32
    %add3A_1061 = arith.addi %mul3A_1059, %add3A_1060 : i32
    %run_scoped3A_1062 = arith.constant 1 : i32
    "tpu.region"() ({
      %run_scoped3A_1153 = tpu.sem_alloc : memref<!tpu.dma_semaphore, #tpu.memory_space<semaphore_mem>>
      %dma_start3A_1154 = arith.constant 0 : i32
      %dma_start3A_1155 = arith.constant 0 : i32
      %dma_start3A_1156 = tpu.memref_slice %arg6[%run_scoped3A_1062, %dma_start3A_1154, %dma_start3A_1155] : memref<2x128x64xf32, #tpu.memory_space<vmem>> -> memref<1x128x64xf32, #tpu.memory_space<vmem>>
      %dma_start3A_1157 = tpu.memref_squeeze %dma_start3A_1156 : memref<1x128x64xf32, #tpu.memory_space<vmem>> -> memref<128x64xf32, #tpu.memory_space<vmem>>
      %dma_start3A_1158 = arith.constant 0 : i32
      %dma_start3A_1159 = tpu.memref_slice %arg4[%add3A_1061, %dma_start3A_1158] : memref<135168x64xf32, #tpu.memory_space<hbm>> -> memref<128x64xf32, #tpu.memory_space<hbm>>
      %dma_start3A_1160 = arith.constant 0 : i32
      %dma_start3A_1161 = tpu.memref_slice %arg4[%add3A_1061, %dma_start3A_1160] : memref<135168x64xf32, #tpu.memory_space<hbm>> -> memref<128x64xf32, #tpu.memory_space<hbm>>
      %dma_start3A_1162 = arith.constant 0 : i32
      %dma_start3A_1163 = arith.constant 0 : i32
      %dma_start3A_1164 = tpu.memref_slice %arg6[%run_scoped3A_1062, %dma_start3A_1162, %dma_start3A_1163] : memref<2x128x64xf32, #tpu.memory_space<vmem>> -> memref<1x128x64xf32, #tpu.memory_space<vmem>>
      %dma_start3A_1165 = tpu.memref_squeeze %dma_start3A_1164 : memref<1x128x64xf32, #tpu.memory_space<vmem>> -> memref<128x64xf32, #tpu.memory_space<vmem>>
      tpu.enqueue_dma source(%dma_start3A_1165 : memref<128x64xf32, #tpu.memory_space<vmem>>) target(%dma_start3A_1161 : memref<128x64xf32, #tpu.memory_space<hbm>>) target_semaphore(%run_scoped3A_1153 : memref<!tpu.dma_semaphore, #tpu.memory_space<semaphore_mem>>)
      %dma_wait3A_1166 = arith.constant 0 : i32
      %dma_wait3A_1167 = arith.constant 0 : i32
      %dma_wait3A_1168 = tpu.memref_slice %arg6[%run_scoped3A_1062, %dma_wait3A_1166, %dma_wait3A_1167] : memref<2x128x64xf32, #tpu.memory_space<vmem>> -> memref<1x128x64xf32, #tpu.memory_space<vmem>>
      %dma_wait3A_1169 = tpu.memref_squeeze %dma_wait3A_1168 : memref<1x128x64xf32, #tpu.memory_space<vmem>> -> memref<128x64xf32, #tpu.memory_space<vmem>>
      %dma_wait3A_1170 = arith.constant 0 : i32
      %dma_wait3A_1171 = tpu.memref_slice %arg4[%add3A_1061, %dma_wait3A_1170] : memref<135168x64xf32, #tpu.memory_space<hbm>> -> memref<128x64xf32, #tpu.memory_space<hbm>>
      %dma_wait3A_1172 = arith.constant 0 : i32
      %dma_wait3A_1173 = tpu.memref_slice %arg4[%add3A_1061, %dma_wait3A_1172] : memref<135168x64xf32, #tpu.memory_space<hbm>> -> memref<128x64xf32, #tpu.memory_space<hbm>>
      %dma_wait3A_1174 = arith.constant 0 : i32
      %dma_wait3A_1175 = arith.constant 0 : i32
      %dma_wait3A_1176 = tpu.memref_slice %arg6[%run_scoped3A_1062, %dma_wait3A_1174, %dma_wait3A_1175] : memref<2x128x64xf32, #tpu.memory_space<vmem>> -> memref<1x128x64xf32, #tpu.memory_space<vmem>>
      %dma_wait3A_1177 = tpu.memref_squeeze %dma_wait3A_1176 : memref<1x128x64xf32, #tpu.memory_space<vmem>> -> memref<128x64xf32, #tpu.memory_space<vmem>>
      tpu.wait_dma2 semaphore(%run_scoped3A_1153 : memref<!tpu.dma_semaphore, #tpu.memory_space<semaphore_mem>>) src(%dma_wait3A_1177 : memref<128x64xf32, #tpu.memory_space<vmem>>) dst(%dma_wait3A_1173 : memref<128x64xf32, #tpu.memory_space<hbm>>)
      tpu.yield
    }) : () -> ()
    %dma_start3A_1063 = arith.constant 31 : i32
    %dma_start3A_1064 = arith.constant 1 : i32
    %dma_start3A_1065 = arith.constant 1 : i32
    %dma_start3A_1066 = arith.constant 0 : i32
    %dma_start3A_1067 = arith.constant 0 : i32
    %dma_start3A_1068 = tpu.memref_slice %arg6[%dma_start3A_1064, %dma_start3A_1066, %dma_start3A_1067] : memref<2x128x64xf32, #tpu.memory_space<vmem>> -> memref<1x128x64xf32, #tpu.memory_space<vmem>>
    %dma_start3A_1069 = tpu.memref_squeeze %dma_start3A_1068 : memref<1x128x64xf32, #tpu.memory_space<vmem>> -> memref<128x64xf32, #tpu.memory_space<vmem>>
    %dma_start3A_1070 = arith.constant 0 : i32
    %dma_start3A_1071 = tpu.memref_slice %arg5[%dma_start3A_1063, %dma_start3A_1070] : memref<33x128xi32, #tpu.memory_space<vmem>> -> memref<1x128xi32, #tpu.memory_space<vmem>>
    %dma_start3A_1072 = tpu.memref_squeeze %dma_start3A_1071 : memref<1x128xi32, #tpu.memory_space<vmem>> -> memref<128xi32, #tpu.memory_space<vmem>>
    %dma_start3A_1073 = arith.constant 0 : i32
    %dma_start3A_1074 = arith.constant 0 : i32
    %dma_start3A_1075 = tpu.memref_slice %arg2[%dma_start3A_1073, %dma_start3A_1074] : memref<500000x64xf32, #tpu.memory_space<hbm>> -> memref<500000x64xf32, #tpu.memory_space<hbm>>
    %dma_start3A_1076 = tpu.memref_slice %arg7[%dma_start3A_1065] : memref<2x!tpu.dma_semaphore, #tpu.memory_space<semaphore_mem>> -> memref<1x!tpu.dma_semaphore, #tpu.memory_space<semaphore_mem>>
    %dma_start3A_1077 = tpu.memref_squeeze %dma_start3A_1076 : memref<1x!tpu.dma_semaphore, #tpu.memory_space<semaphore_mem>> -> memref<!tpu.dma_semaphore, #tpu.memory_space<semaphore_mem>>
    tpu.enqueue_indirect_dma source(%dma_start3A_1075 : memref<500000x64xf32, #tpu.memory_space<hbm>>) target(%dma_start3A_1069 : memref<128x64xf32, #tpu.memory_space<vmem>>) offsets(%dma_start3A_1072 : memref<128xi32, #tpu.memory_space<vmem>>) semaphore(%dma_start3A_1077 : memref<!tpu.dma_semaphore, #tpu.memory_space<semaphore_mem>>)
    %dma_wait3A_1078 = arith.constant 30 : i32
    %dma_wait3A_1079 = arith.constant 0 : i32
    %dma_wait3A_1080 = arith.constant 0 : i32
    %dma_wait3A_1081 = arith.constant 0 : i32
    %dma_wait3A_1082 = arith.constant 0 : i32
    %dma_wait3A_1083 = tpu.memref_slice %arg6[%dma_wait3A_1079, %dma_wait3A_1081, %dma_wait3A_1082] : memref<2x128x64xf32, #tpu.memory_space<vmem>> -> memref<1x128x64xf32, #tpu.memory_space<vmem>>
    %dma_wait3A_1084 = tpu.memref_squeeze %dma_wait3A_1083 : memref<1x128x64xf32, #tpu.memory_space<vmem>> -> memref<128x64xf32, #tpu.memory_space<vmem>>
    %dma_wait3A_1085 = arith.constant 0 : i32
    %dma_wait3A_1086 = tpu.memref_slice %arg5[%dma_wait3A_1078, %dma_wait3A_1085] : memref<33x128xi32, #tpu.memory_space<vmem>> -> memref<1x128xi32, #tpu.memory_space<vmem>>
    %dma_wait3A_1087 = tpu.memref_squeeze %dma_wait3A_1086 : memref<1x128xi32, #tpu.memory_space<vmem>> -> memref<128xi32, #tpu.memory_space<vmem>>
    %dma_wait3A_1088 = arith.constant 0 : i32
    %dma_wait3A_1089 = arith.constant 0 : i32
    %dma_wait3A_1090 = tpu.memref_slice %arg2[%dma_wait3A_1088, %dma_wait3A_1089] : memref<500000x64xf32, #tpu.memory_space<hbm>> -> memref<500000x64xf32, #tpu.memory_space<hbm>>
    %dma_wait3A_1091 = tpu.memref_slice %arg7[%dma_wait3A_1080] : memref<2x!tpu.dma_semaphore, #tpu.memory_space<semaphore_mem>> -> memref<1x!tpu.dma_semaphore, #tpu.memory_space<semaphore_mem>>
    %dma_wait3A_1092 = tpu.memref_squeeze %dma_wait3A_1091 : memref<1x!tpu.dma_semaphore, #tpu.memory_space<semaphore_mem>> -> memref<!tpu.dma_semaphore, #tpu.memory_space<semaphore_mem>>
    tpu.wait_indirect_dma semaphore(%dma_wait3A_1092 : memref<!tpu.dma_semaphore, #tpu.memory_space<semaphore_mem>>) src(%dma_wait3A_1090 : memref<500000x64xf32, #tpu.memory_space<hbm>>) dst(%dma_wait3A_1084 : memref<128x64xf32, #tpu.memory_space<vmem>>)
    %mul3A_1093 = arith.constant 4224 : i32
    %mul3A_1094 = arith.muli %add3A, %mul3A_1093 : i32
    %add3A_1095 = arith.constant 3840 : i32
    %add3A_1096 = arith.addi %mul3A_1094, %add3A_1095 : i32
    %run_scoped3A_1097 = arith.constant 0 : i32
    "tpu.region"() ({
      %run_scoped3A_1153 = tpu.sem_alloc : memref<!tpu.dma_semaphore, #tpu.memory_space<semaphore_mem>>
      %dma_start3A_1154 = arith.constant 0 : i32
      %dma_start3A_1155 = arith.constant 0 : i32
      %dma_start3A_1156 = tpu.memref_slice %arg6[%run_scoped3A_1097, %dma_start3A_1154, %dma_start3A_1155] : memref<2x128x64xf32, #tpu.memory_space<vmem>> -> memref<1x128x64xf32, #tpu.memory_space<vmem>>
      %dma_start3A_1157 = tpu.memref_squeeze %dma_start3A_1156 : memref<1x128x64xf32, #tpu.memory_space<vmem>> -> memref<128x64xf32, #tpu.memory_space<vmem>>
      %dma_start3A_1158 = arith.constant 0 : i32
      %dma_start3A_1159 = tpu.memref_slice %arg4[%add3A_1096, %dma_start3A_1158] : memref<135168x64xf32, #tpu.memory_space<hbm>> -> memref<128x64xf32, #tpu.memory_space<hbm>>
      %dma_start3A_1160 = arith.constant 0 : i32
      %dma_start3A_1161 = tpu.memref_slice %arg4[%add3A_1096, %dma_start3A_1160] : memref<135168x64xf32, #tpu.memory_space<hbm>> -> memref<128x64xf32, #tpu.memory_space<hbm>>
      %dma_start3A_1162 = arith.constant 0 : i32
      %dma_start3A_1163 = arith.constant 0 : i32
      %dma_start3A_1164 = tpu.memref_slice %arg6[%run_scoped3A_1097, %dma_start3A_1162, %dma_start3A_1163] : memref<2x128x64xf32, #tpu.memory_space<vmem>> -> memref<1x128x64xf32, #tpu.memory_space<vmem>>
      %dma_start3A_1165 = tpu.memref_squeeze %dma_start3A_1164 : memref<1x128x64xf32, #tpu.memory_space<vmem>> -> memref<128x64xf32, #tpu.memory_space<vmem>>
      tpu.enqueue_dma source(%dma_start3A_1165 : memref<128x64xf32, #tpu.memory_space<vmem>>) target(%dma_start3A_1161 : memref<128x64xf32, #tpu.memory_space<hbm>>) target_semaphore(%run_scoped3A_1153 : memref<!tpu.dma_semaphore, #tpu.memory_space<semaphore_mem>>)
      %dma_wait3A_1166 = arith.constant 0 : i32
      %dma_wait3A_1167 = arith.constant 0 : i32
      %dma_wait3A_1168 = tpu.memref_slice %arg6[%run_scoped3A_1097, %dma_wait3A_1166, %dma_wait3A_1167] : memref<2x128x64xf32, #tpu.memory_space<vmem>> -> memref<1x128x64xf32, #tpu.memory_space<vmem>>
      %dma_wait3A_1169 = tpu.memref_squeeze %dma_wait3A_1168 : memref<1x128x64xf32, #tpu.memory_space<vmem>> -> memref<128x64xf32, #tpu.memory_space<vmem>>
      %dma_wait3A_1170 = arith.constant 0 : i32
      %dma_wait3A_1171 = tpu.memref_slice %arg4[%add3A_1096, %dma_wait3A_1170] : memref<135168x64xf32, #tpu.memory_space<hbm>> -> memref<128x64xf32, #tpu.memory_space<hbm>>
      %dma_wait3A_1172 = arith.constant 0 : i32
      %dma_wait3A_1173 = tpu.memref_slice %arg4[%add3A_1096, %dma_wait3A_1172] : memref<135168x64xf32, #tpu.memory_space<hbm>> -> memref<128x64xf32, #tpu.memory_space<hbm>>
      %dma_wait3A_1174 = arith.constant 0 : i32
      %dma_wait3A_1175 = arith.constant 0 : i32
      %dma_wait3A_1176 = tpu.memref_slice %arg6[%run_scoped3A_1097, %dma_wait3A_1174, %dma_wait3A_1175] : memref<2x128x64xf32, #tpu.memory_space<vmem>> -> memref<1x128x64xf32, #tpu.memory_space<vmem>>
      %dma_wait3A_1177 = tpu.memref_squeeze %dma_wait3A_1176 : memref<1x128x64xf32, #tpu.memory_space<vmem>> -> memref<128x64xf32, #tpu.memory_space<vmem>>
      tpu.wait_dma2 semaphore(%run_scoped3A_1153 : memref<!tpu.dma_semaphore, #tpu.memory_space<semaphore_mem>>) src(%dma_wait3A_1177 : memref<128x64xf32, #tpu.memory_space<vmem>>) dst(%dma_wait3A_1173 : memref<128x64xf32, #tpu.memory_space<hbm>>)
      tpu.yield
    }) : () -> ()
    %dma_start3A_1098 = arith.constant 32 : i32
    %dma_start3A_1099 = arith.constant 0 : i32
    %dma_start3A_1100 = arith.constant 0 : i32
    %dma_start3A_1101 = arith.constant 0 : i32
    %dma_start3A_1102 = arith.constant 0 : i32
    %dma_start3A_1103 = tpu.memref_slice %arg6[%dma_start3A_1099, %dma_start3A_1101, %dma_start3A_1102] : memref<2x128x64xf32, #tpu.memory_space<vmem>> -> memref<1x128x64xf32, #tpu.memory_space<vmem>>
    %dma_start3A_1104 = tpu.memref_squeeze %dma_start3A_1103 : memref<1x128x64xf32, #tpu.memory_space<vmem>> -> memref<128x64xf32, #tpu.memory_space<vmem>>
    %dma_start3A_1105 = arith.constant 0 : i32
    %dma_start3A_1106 = tpu.memref_slice %arg5[%dma_start3A_1098, %dma_start3A_1105] : memref<33x128xi32, #tpu.memory_space<vmem>> -> memref<1x128xi32, #tpu.memory_space<vmem>>
    %dma_start3A_1107 = tpu.memref_squeeze %dma_start3A_1106 : memref<1x128xi32, #tpu.memory_space<vmem>> -> memref<128xi32, #tpu.memory_space<vmem>>
    %dma_start3A_1108 = arith.constant 0 : i32
    %dma_start3A_1109 = arith.constant 0 : i32
    %dma_start3A_1110 = tpu.memref_slice %arg2[%dma_start3A_1108, %dma_start3A_1109] : memref<500000x64xf32, #tpu.memory_space<hbm>> -> memref<500000x64xf32, #tpu.memory_space<hbm>>
    %dma_start3A_1111 = tpu.memref_slice %arg7[%dma_start3A_1100] : memref<2x!tpu.dma_semaphore, #tpu.memory_space<semaphore_mem>> -> memref<1x!tpu.dma_semaphore, #tpu.memory_space<semaphore_mem>>
    %dma_start3A_1112 = tpu.memref_squeeze %dma_start3A_1111 : memref<1x!tpu.dma_semaphore, #tpu.memory_space<semaphore_mem>> -> memref<!tpu.dma_semaphore, #tpu.memory_space<semaphore_mem>>
    tpu.enqueue_indirect_dma source(%dma_start3A_1110 : memref<500000x64xf32, #tpu.memory_space<hbm>>) target(%dma_start3A_1104 : memref<128x64xf32, #tpu.memory_space<vmem>>) offsets(%dma_start3A_1107 : memref<128xi32, #tpu.memory_space<vmem>>) semaphore(%dma_start3A_1112 : memref<!tpu.dma_semaphore, #tpu.memory_space<semaphore_mem>>)
    %dma_wait3A_1113 = arith.constant 31 : i32
    %dma_wait3A_1114 = arith.constant 1 : i32
    %dma_wait3A_1115 = arith.constant 1 : i32
    %dma_wait3A_1116 = arith.constant 0 : i32
    %dma_wait3A_1117 = arith.constant 0 : i32
    %dma_wait3A_1118 = tpu.memref_slice %arg6[%dma_wait3A_1114, %dma_wait3A_1116, %dma_wait3A_1117] : memref<2x128x64xf32, #tpu.memory_space<vmem>> -> memref<1x128x64xf32, #tpu.memory_space<vmem>>
    %dma_wait3A_1119 = tpu.memref_squeeze %dma_wait3A_1118 : memref<1x128x64xf32, #tpu.memory_space<vmem>> -> memref<128x64xf32, #tpu.memory_space<vmem>>
    %dma_wait3A_1120 = arith.constant 0 : i32
    %dma_wait3A_1121 = tpu.memref_slice %arg5[%dma_wait3A_1113, %dma_wait3A_1120] : memref<33x128xi32, #tpu.memory_space<vmem>> -> memref<1x128xi32, #tpu.memory_space<vmem>>
    %dma_wait3A_1122 = tpu.memref_squeeze %dma_wait3A_1121 : memref<1x128xi32, #tpu.memory_space<vmem>> -> memref<128xi32, #tpu.memory_space<vmem>>
    %dma_wait3A_1123 = arith.constant 0 : i32
    %dma_wait3A_1124 = arith.constant 0 : i32
    %dma_wait3A_1125 = tpu.memref_slice %arg2[%dma_wait3A_1123, %dma_wait3A_1124] : memref<500000x64xf32, #tpu.memory_space<hbm>> -> memref<500000x64xf32, #tpu.memory_space<hbm>>
    %dma_wait3A_1126 = tpu.memref_slice %arg7[%dma_wait3A_1115] : memref<2x!tpu.dma_semaphore, #tpu.memory_space<semaphore_mem>> -> memref<1x!tpu.dma_semaphore, #tpu.memory_space<semaphore_mem>>
    %dma_wait3A_1127 = tpu.memref_squeeze %dma_wait3A_1126 : memref<1x!tpu.dma_semaphore, #tpu.memory_space<semaphore_mem>> -> memref<!tpu.dma_semaphore, #tpu.memory_space<semaphore_mem>>
    tpu.wait_indirect_dma semaphore(%dma_wait3A_1127 : memref<!tpu.dma_semaphore, #tpu.memory_space<semaphore_mem>>) src(%dma_wait3A_1125 : memref<500000x64xf32, #tpu.memory_space<hbm>>) dst(%dma_wait3A_1119 : memref<128x64xf32, #tpu.memory_space<vmem>>)
    %mul3A_1128 = arith.constant 4224 : i32
    %mul3A_1129 = arith.muli %add3A, %mul3A_1128 : i32
    %add3A_1130 = arith.constant 3968 : i32
    %add3A_1131 = arith.addi %mul3A_1129, %add3A_1130 : i32
    %run_scoped3A_1132 = arith.constant 1 : i32
    "tpu.region"() ({
      %run_scoped3A_1153 = tpu.sem_alloc : memref<!tpu.dma_semaphore, #tpu.memory_space<semaphore_mem>>
      %dma_start3A_1154 = arith.constant 0 : i32
      %dma_start3A_1155 = arith.constant 0 : i32
      %dma_start3A_1156 = tpu.memref_slice %arg6[%run_scoped3A_1132, %dma_start3A_1154, %dma_start3A_1155] : memref<2x128x64xf32, #tpu.memory_space<vmem>> -> memref<1x128x64xf32, #tpu.memory_space<vmem>>
      %dma_start3A_1157 = tpu.memref_squeeze %dma_start3A_1156 : memref<1x128x64xf32, #tpu.memory_space<vmem>> -> memref<128x64xf32, #tpu.memory_space<vmem>>
      %dma_start3A_1158 = arith.constant 0 : i32
      %dma_start3A_1159 = tpu.memref_slice %arg4[%add3A_1131, %dma_start3A_1158] : memref<135168x64xf32, #tpu.memory_space<hbm>> -> memref<128x64xf32, #tpu.memory_space<hbm>>
      %dma_start3A_1160 = arith.constant 0 : i32
      %dma_start3A_1161 = tpu.memref_slice %arg4[%add3A_1131, %dma_start3A_1160] : memref<135168x64xf32, #tpu.memory_space<hbm>> -> memref<128x64xf32, #tpu.memory_space<hbm>>
      %dma_start3A_1162 = arith.constant 0 : i32
      %dma_start3A_1163 = arith.constant 0 : i32
      %dma_start3A_1164 = tpu.memref_slice %arg6[%run_scoped3A_1132, %dma_start3A_1162, %dma_start3A_1163] : memref<2x128x64xf32, #tpu.memory_space<vmem>> -> memref<1x128x64xf32, #tpu.memory_space<vmem>>
      %dma_start3A_1165 = tpu.memref_squeeze %dma_start3A_1164 : memref<1x128x64xf32, #tpu.memory_space<vmem>> -> memref<128x64xf32, #tpu.memory_space<vmem>>
      tpu.enqueue_dma source(%dma_start3A_1165 : memref<128x64xf32, #tpu.memory_space<vmem>>) target(%dma_start3A_1161 : memref<128x64xf32, #tpu.memory_space<hbm>>) target_semaphore(%run_scoped3A_1153 : memref<!tpu.dma_semaphore, #tpu.memory_space<semaphore_mem>>)
      %dma_wait3A_1166 = arith.constant 0 : i32
      %dma_wait3A_1167 = arith.constant 0 : i32
      %dma_wait3A_1168 = tpu.memref_slice %arg6[%run_scoped3A_1132, %dma_wait3A_1166, %dma_wait3A_1167] : memref<2x128x64xf32, #tpu.memory_space<vmem>> -> memref<1x128x64xf32, #tpu.memory_space<vmem>>
      %dma_wait3A_1169 = tpu.memref_squeeze %dma_wait3A_1168 : memref<1x128x64xf32, #tpu.memory_space<vmem>> -> memref<128x64xf32, #tpu.memory_space<vmem>>
      %dma_wait3A_1170 = arith.constant 0 : i32
      %dma_wait3A_1171 = tpu.memref_slice %arg4[%add3A_1131, %dma_wait3A_1170] : memref<135168x64xf32, #tpu.memory_space<hbm>> -> memref<128x64xf32, #tpu.memory_space<hbm>>
      %dma_wait3A_1172 = arith.constant 0 : i32
      %dma_wait3A_1173 = tpu.memref_slice %arg4[%add3A_1131, %dma_wait3A_1172] : memref<135168x64xf32, #tpu.memory_space<hbm>> -> memref<128x64xf32, #tpu.memory_space<hbm>>
      %dma_wait3A_1174 = arith.constant 0 : i32
      %dma_wait3A_1175 = arith.constant 0 : i32
      %dma_wait3A_1176 = tpu.memref_slice %arg6[%run_scoped3A_1132, %dma_wait3A_1174, %dma_wait3A_1175] : memref<2x128x64xf32, #tpu.memory_space<vmem>> -> memref<1x128x64xf32, #tpu.memory_space<vmem>>
      %dma_wait3A_1177 = tpu.memref_squeeze %dma_wait3A_1176 : memref<1x128x64xf32, #tpu.memory_space<vmem>> -> memref<128x64xf32, #tpu.memory_space<vmem>>
      tpu.wait_dma2 semaphore(%run_scoped3A_1153 : memref<!tpu.dma_semaphore, #tpu.memory_space<semaphore_mem>>) src(%dma_wait3A_1177 : memref<128x64xf32, #tpu.memory_space<vmem>>) dst(%dma_wait3A_1173 : memref<128x64xf32, #tpu.memory_space<hbm>>)
      tpu.yield
    }) : () -> ()
    %dma_wait3A_1133 = arith.constant 32 : i32
    %dma_wait3A_1134 = arith.constant 0 : i32
    %dma_wait3A_1135 = arith.constant 0 : i32
    %dma_wait3A_1136 = arith.constant 0 : i32
    %dma_wait3A_1137 = arith.constant 0 : i32
    %dma_wait3A_1138 = tpu.memref_slice %arg6[%dma_wait3A_1134, %dma_wait3A_1136, %dma_wait3A_1137] : memref<2x128x64xf32, #tpu.memory_space<vmem>> -> memref<1x128x64xf32, #tpu.memory_space<vmem>>
    %dma_wait3A_1139 = tpu.memref_squeeze %dma_wait3A_1138 : memref<1x128x64xf32, #tpu.memory_space<vmem>> -> memref<128x64xf32, #tpu.memory_space<vmem>>
    %dma_wait3A_1140 = arith.constant 0 : i32
    %dma_wait3A_1141 = tpu.memref_slice %arg5[%dma_wait3A_1133, %dma_wait3A_1140] : memref<33x128xi32, #tpu.memory_space<vmem>> -> memref<1x128xi32, #tpu.memory_space<vmem>>
    %dma_wait3A_1142 = tpu.memref_squeeze %dma_wait3A_1141 : memref<1x128xi32, #tpu.memory_space<vmem>> -> memref<128xi32, #tpu.memory_space<vmem>>
    %dma_wait3A_1143 = arith.constant 0 : i32
    %dma_wait3A_1144 = arith.constant 0 : i32
    %dma_wait3A_1145 = tpu.memref_slice %arg2[%dma_wait3A_1143, %dma_wait3A_1144] : memref<500000x64xf32, #tpu.memory_space<hbm>> -> memref<500000x64xf32, #tpu.memory_space<hbm>>
    %dma_wait3A_1146 = tpu.memref_slice %arg7[%dma_wait3A_1135] : memref<2x!tpu.dma_semaphore, #tpu.memory_space<semaphore_mem>> -> memref<1x!tpu.dma_semaphore, #tpu.memory_space<semaphore_mem>>
    %dma_wait3A_1147 = tpu.memref_squeeze %dma_wait3A_1146 : memref<1x!tpu.dma_semaphore, #tpu.memory_space<semaphore_mem>> -> memref<!tpu.dma_semaphore, #tpu.memory_space<semaphore_mem>>
    tpu.wait_indirect_dma semaphore(%dma_wait3A_1147 : memref<!tpu.dma_semaphore, #tpu.memory_space<semaphore_mem>>) src(%dma_wait3A_1145 : memref<500000x64xf32, #tpu.memory_space<hbm>>) dst(%dma_wait3A_1139 : memref<128x64xf32, #tpu.memory_space<vmem>>)
    %mul3A_1148 = arith.constant 4224 : i32
    %mul3A_1149 = arith.muli %add3A, %mul3A_1148 : i32
    %add3A_1150 = arith.constant 4096 : i32
    %add3A_1151 = arith.addi %mul3A_1149, %add3A_1150 : i32
    %run_scoped3A_1152 = arith.constant 0 : i32
    "tpu.region"() ({
      %run_scoped3A_1153 = tpu.sem_alloc : memref<!tpu.dma_semaphore, #tpu.memory_space<semaphore_mem>>
      %dma_start3A_1154 = arith.constant 0 : i32
      %dma_start3A_1155 = arith.constant 0 : i32
      %dma_start3A_1156 = tpu.memref_slice %arg6[%run_scoped3A_1152, %dma_start3A_1154, %dma_start3A_1155] : memref<2x128x64xf32, #tpu.memory_space<vmem>> -> memref<1x128x64xf32, #tpu.memory_space<vmem>>
      %dma_start3A_1157 = tpu.memref_squeeze %dma_start3A_1156 : memref<1x128x64xf32, #tpu.memory_space<vmem>> -> memref<128x64xf32, #tpu.memory_space<vmem>>
      %dma_start3A_1158 = arith.constant 0 : i32
      %dma_start3A_1159 = tpu.memref_slice %arg4[%add3A_1151, %dma_start3A_1158] : memref<135168x64xf32, #tpu.memory_space<hbm>> -> memref<128x64xf32, #tpu.memory_space<hbm>>
      %dma_start3A_1160 = arith.constant 0 : i32
      %dma_start3A_1161 = tpu.memref_slice %arg4[%add3A_1151, %dma_start3A_1160] : memref<135168x64xf32, #tpu.memory_space<hbm>> -> memref<128x64xf32, #tpu.memory_space<hbm>>
      %dma_start3A_1162 = arith.constant 0 : i32
      %dma_start3A_1163 = arith.constant 0 : i32
      %dma_start3A_1164 = tpu.memref_slice %arg6[%run_scoped3A_1152, %dma_start3A_1162, %dma_start3A_1163] : memref<2x128x64xf32, #tpu.memory_space<vmem>> -> memref<1x128x64xf32, #tpu.memory_space<vmem>>
      %dma_start3A_1165 = tpu.memref_squeeze %dma_start3A_1164 : memref<1x128x64xf32, #tpu.memory_space<vmem>> -> memref<128x64xf32, #tpu.memory_space<vmem>>
      tpu.enqueue_dma source(%dma_start3A_1165 : memref<128x64xf32, #tpu.memory_space<vmem>>) target(%dma_start3A_1161 : memref<128x64xf32, #tpu.memory_space<hbm>>) target_semaphore(%run_scoped3A_1153 : memref<!tpu.dma_semaphore, #tpu.memory_space<semaphore_mem>>)
      %dma_wait3A_1166 = arith.constant 0 : i32
      %dma_wait3A_1167 = arith.constant 0 : i32
      %dma_wait3A_1168 = tpu.memref_slice %arg6[%run_scoped3A_1152, %dma_wait3A_1166, %dma_wait3A_1167] : memref<2x128x64xf32, #tpu.memory_space<vmem>> -> memref<1x128x64xf32, #tpu.memory_space<vmem>>
      %dma_wait3A_1169 = tpu.memref_squeeze %dma_wait3A_1168 : memref<1x128x64xf32, #tpu.memory_space<vmem>> -> memref<128x64xf32, #tpu.memory_space<vmem>>
      %dma_wait3A_1170 = arith.constant 0 : i32
      %dma_wait3A_1171 = tpu.memref_slice %arg4[%add3A_1151, %dma_wait3A_1170] : memref<135168x64xf32, #tpu.memory_space<hbm>> -> memref<128x64xf32, #tpu.memory_space<hbm>>
      %dma_wait3A_1172 = arith.constant 0 : i32
      %dma_wait3A_1173 = tpu.memref_slice %arg4[%add3A_1151, %dma_wait3A_1172] : memref<135168x64xf32, #tpu.memory_space<hbm>> -> memref<128x64xf32, #tpu.memory_space<hbm>>
      %dma_wait3A_1174 = arith.constant 0 : i32
      %dma_wait3A_1175 = arith.constant 0 : i32
      %dma_wait3A_1176 = tpu.memref_slice %arg6[%run_scoped3A_1152, %dma_wait3A_1174, %dma_wait3A_1175] : memref<2x128x64xf32, #tpu.memory_space<vmem>> -> memref<1x128x64xf32, #tpu.memory_space<vmem>>
      %dma_wait3A_1177 = tpu.memref_squeeze %dma_wait3A_1176 : memref<1x128x64xf32, #tpu.memory_space<vmem>> -> memref<128x64xf32, #tpu.memory_space<vmem>>
      tpu.wait_dma2 semaphore(%run_scoped3A_1153 : memref<!tpu.dma_semaphore, #tpu.memory_space<semaphore_mem>>) src(%dma_wait3A_1177 : memref<128x64xf32, #tpu.memory_space<vmem>>) dst(%dma_wait3A_1173 : memref<128x64xf32, #tpu.memory_space<hbm>>)
      tpu.yield
    }) : () -> ()
    return
  }
}

#map = affine_map<(d0, d1) -> (0, 0, 0)>
#map1 = affine_map<(d0, d1) -> (0, 0)>
module attributes {stable_mosaic.version = 14 : i64} {
  func.func @new_body(%arg0: i32, %arg1: i32, %arg2: memref<16x66x128xi32, #tpu.memory_space<hbm>>, %arg3: memref<16x66x128xi32, #tpu.memory_space<hbm>>, %arg4: memref<135168x64xf32, #tpu.memory_space<hbm>>, %arg5: memref<500000x64xf32, #tpu.memory_space<hbm>>, %arg6: memref<500000x64xf32, #tpu.memory_space<hbm>>, %arg7: memref<66x128xi32, #tpu.memory_space<vmem>>, %arg8: memref<66x128xi32, #tpu.memory_space<vmem>>, %arg9: memref<66x128xi32, #tpu.memory_space<vmem>>, %arg10: memref<66x128xi32, #tpu.memory_space<vmem>>, %arg11: memref<66x128xi32, #tpu.memory_space<vmem>>, %arg12: memref<4352xi32, #tpu.memory_space<vmem>>, %arg13: memref<4352xi32, #tpu.memory_space<vmem>>, %arg14: memref<33x128xi32, #tpu.memory_space<vmem>>, %arg15: memref<33x128xi32, #tpu.memory_space<vmem>>, %arg16: memref<2x128x64xf32, #tpu.memory_space<vmem>>, %arg17: memref<16xi32, #tpu.memory_space<vmem>>, %arg18: memref<16x16xi32, #tpu.memory_space<vmem>>, %arg19: memref<1xi32, #tpu.memory_space<smem>>, %arg20: memref<500128xi32, #tpu.memory_space<vmem_shared>>, %arg21: memref<16x16xi32, #tpu.memory_space<vmem_shared>>, %arg22: memref<!tpu.dma_semaphore, #tpu.memory_space<semaphore_mem>>, %arg23: memref<!tpu.dma_semaphore, #tpu.memory_space<semaphore_mem>>) attributes {dimension_semantics = [#tpu.dimension_semantics<core_parallel>, #tpu.dimension_semantics<subcore_parallel>], iteration_bounds = array<i64: 2, 16>, scalar_prefetch = 0 : i64, scratch_operands = 17 : i64, tpu.core_type = #tpu.core_type<sc_vector_subcore>, window_params = [{transform_indices = #map}, {transform_indices = #map}, {transform_indices = #map1}, {transform_indices = #map1}, {transform_indices = #map1}]} {
    "tpu.region"() ({
      %run_scoped3A = tpu.sem_alloc : memref<!tpu.dma_semaphore, #tpu.memory_space<semaphore_mem>>
      %dma_start3A = arith.constant 0 : i32
      %dma_start3A_145 = arith.constant 0 : i32
      %dma_start3A_146 = tpu.memref_slice %arg2[%arg1, %dma_start3A, %dma_start3A_145] : memref<16x66x128xi32, #tpu.memory_space<hbm>> -> memref<1x66x128xi32, #tpu.memory_space<hbm>>
      %dma_start3A_147 = tpu.memref_squeeze %dma_start3A_146 : memref<1x66x128xi32, #tpu.memory_space<hbm>> -> memref<66x128xi32, #tpu.memory_space<hbm>>
      %dma_start3A_148 = arith.constant 0 : i32
      %dma_start3A_149 = arith.constant 0 : i32
      %dma_start3A_150 = tpu.memref_slice %arg2[%arg1, %dma_start3A_148, %dma_start3A_149] : memref<16x66x128xi32, #tpu.memory_space<hbm>> -> memref<1x66x128xi32, #tpu.memory_space<hbm>>
      %dma_start3A_151 = tpu.memref_squeeze %dma_start3A_150 : memref<1x66x128xi32, #tpu.memory_space<hbm>> -> memref<66x128xi32, #tpu.memory_space<hbm>>
      tpu.enqueue_dma source(%dma_start3A_151 : memref<66x128xi32, #tpu.memory_space<hbm>>) target(%arg7 : memref<66x128xi32, #tpu.memory_space<vmem>>) target_semaphore(%run_scoped3A : memref<!tpu.dma_semaphore, #tpu.memory_space<semaphore_mem>>)
      %dma_wait3A = arith.constant 0 : i32
      %dma_wait3A_152 = arith.constant 0 : i32
      %dma_wait3A_153 = tpu.memref_slice %arg2[%arg1, %dma_wait3A, %dma_wait3A_152] : memref<16x66x128xi32, #tpu.memory_space<hbm>> -> memref<1x66x128xi32, #tpu.memory_space<hbm>>
      %dma_wait3A_154 = tpu.memref_squeeze %dma_wait3A_153 : memref<1x66x128xi32, #tpu.memory_space<hbm>> -> memref<66x128xi32, #tpu.memory_space<hbm>>
      %dma_wait3A_155 = arith.constant 0 : i32
      %dma_wait3A_156 = arith.constant 0 : i32
      %dma_wait3A_157 = tpu.memref_slice %arg2[%arg1, %dma_wait3A_155, %dma_wait3A_156] : memref<16x66x128xi32, #tpu.memory_space<hbm>> -> memref<1x66x128xi32, #tpu.memory_space<hbm>>
      %dma_wait3A_158 = tpu.memref_squeeze %dma_wait3A_157 : memref<1x66x128xi32, #tpu.memory_space<hbm>> -> memref<66x128xi32, #tpu.memory_space<hbm>>
      tpu.wait_dma2 semaphore(%run_scoped3A : memref<!tpu.dma_semaphore, #tpu.memory_space<semaphore_mem>>) src(%dma_wait3A_158 : memref<66x128xi32, #tpu.memory_space<hbm>>) dst(%arg7 : memref<66x128xi32, #tpu.memory_space<vmem>>)
      tpu.yield
    }) : () -> ()
    "tpu.region"() ({
      %run_scoped3A = tpu.sem_alloc : memref<!tpu.dma_semaphore, #tpu.memory_space<semaphore_mem>>
      %dma_start3A = arith.constant 0 : i32
      %dma_start3A_145 = arith.constant 0 : i32
      %dma_start3A_146 = tpu.memref_slice %arg3[%arg1, %dma_start3A, %dma_start3A_145] : memref<16x66x128xi32, #tpu.memory_space<hbm>> -> memref<1x66x128xi32, #tpu.memory_space<hbm>>
      %dma_start3A_147 = tpu.memref_squeeze %dma_start3A_146 : memref<1x66x128xi32, #tpu.memory_space<hbm>> -> memref<66x128xi32, #tpu.memory_space<hbm>>
      %dma_start3A_148 = arith.constant 0 : i32
      %dma_start3A_149 = arith.constant 0 : i32
      %dma_start3A_150 = tpu.memref_slice %arg3[%arg1, %dma_start3A_148, %dma_start3A_149] : memref<16x66x128xi32, #tpu.memory_space<hbm>> -> memref<1x66x128xi32, #tpu.memory_space<hbm>>
      %dma_start3A_151 = tpu.memref_squeeze %dma_start3A_150 : memref<1x66x128xi32, #tpu.memory_space<hbm>> -> memref<66x128xi32, #tpu.memory_space<hbm>>
      tpu.enqueue_dma source(%dma_start3A_151 : memref<66x128xi32, #tpu.memory_space<hbm>>) target(%arg8 : memref<66x128xi32, #tpu.memory_space<vmem>>) target_semaphore(%run_scoped3A : memref<!tpu.dma_semaphore, #tpu.memory_space<semaphore_mem>>)
      %dma_wait3A = arith.constant 0 : i32
      %dma_wait3A_152 = arith.constant 0 : i32
      %dma_wait3A_153 = tpu.memref_slice %arg3[%arg1, %dma_wait3A, %dma_wait3A_152] : memref<16x66x128xi32, #tpu.memory_space<hbm>> -> memref<1x66x128xi32, #tpu.memory_space<hbm>>
      %dma_wait3A_154 = tpu.memref_squeeze %dma_wait3A_153 : memref<1x66x128xi32, #tpu.memory_space<hbm>> -> memref<66x128xi32, #tpu.memory_space<hbm>>
      %dma_wait3A_155 = arith.constant 0 : i32
      %dma_wait3A_156 = arith.constant 0 : i32
      %dma_wait3A_157 = tpu.memref_slice %arg3[%arg1, %dma_wait3A_155, %dma_wait3A_156] : memref<16x66x128xi32, #tpu.memory_space<hbm>> -> memref<1x66x128xi32, #tpu.memory_space<hbm>>
      %dma_wait3A_158 = tpu.memref_squeeze %dma_wait3A_157 : memref<1x66x128xi32, #tpu.memory_space<hbm>> -> memref<66x128xi32, #tpu.memory_space<hbm>>
      tpu.wait_dma2 semaphore(%run_scoped3A : memref<!tpu.dma_semaphore, #tpu.memory_space<semaphore_mem>>) src(%dma_wait3A_158 : memref<66x128xi32, #tpu.memory_space<hbm>>) dst(%arg8 : memref<66x128xi32, #tpu.memory_space<vmem>>)
      tpu.yield
    }) : () -> ()
    %mul3A = arith.constant 8 : i32
    %mul3A_0 = arith.muli %arg1, %mul3A : i32
    %add3A = arith.constant 500000 : i32
    %add3A_1 = arith.addi %add3A, %mul3A_0 : i32
    %scan3A = arith.constant 0 : i32
    %scan3A_2 = arith.constant 0 : i32
    %scan3A_3 = arith.constant 528 : i32
    %scan3A_4 = arith.addi %scan3A_2, %scan3A_3 : i32
    %scan3A_5 = arith.constant 1 : i32
    %scan3A_6 = scf.for %scan3A_145 = %scan3A_2 to %scan3A_4 step %scan3A_5 iter_args(%scan3A_146 = %scan3A) -> (i32)  : i32 {
      %jit3A_147 = arith.constant 8 : i32
      %div3A_148 = arith.divsi %scan3A_145, %jit3A_147 : i32
      %sign3A_149 = arith.constant 0 : i32
      %sign3A_150 = arith.cmpi sgt, %scan3A_145, %sign3A_149 : i32
      %sign3A_151 = arith.extui %sign3A_150 : i1 to i32
      %sign3A_152 = arith.constant 0 : i32
      %sign3A_153 = arith.cmpi slt, %scan3A_145, %sign3A_152 : i32
      %sign3A_154 = arith.extui %sign3A_153 : i1 to i32
      %sign3A_155 = arith.subi %sign3A_151, %sign3A_154 : i32
      %sign3A_156 = arith.constant 0 : i32
      %sign3A_157 = arith.cmpi sgt, %jit3A_147, %sign3A_156 : i32
      %sign3A_158 = arith.extui %sign3A_157 : i1 to i32
      %sign3A_159 = arith.constant 0 : i32
      %sign3A_160 = arith.cmpi slt, %jit3A_147, %sign3A_159 : i32
      %sign3A_161 = arith.extui %sign3A_160 : i1 to i32
      %sign3A_162 = arith.subi %sign3A_158, %sign3A_161 : i32
      %ne3A_163 = arith.cmpi ne, %sign3A_155, %sign3A_162 : i32
      %rem3A_164 = arith.remsi %scan3A_145, %jit3A_147 : i32
      %ne3A_165 = arith.constant 0 : i32
      %ne3A_166 = arith.cmpi ne, %rem3A_164, %ne3A_165 : i32
      %and3A_167 = arith.andi %ne3A_163, %ne3A_166 : i1
      %sub3A_168 = arith.constant 1 : i32
      %sub3A_169 = arith.subi %div3A_148, %sub3A_168 : i32
      %select_n3A_170 = arith.select %and3A_167, %sub3A_169, %div3A_148 : i32
      %jit3A_171 = arith.constant 8 : i32
      %eq3A = arith.constant 0 : i32
      %eq3A_172 = arith.cmpi eq, %jit3A_171, %eq3A : i32
      %jit3A_173 = arith.constant 1 : i32
      %select_n3A_174 = arith.select %eq3A_172, %jit3A_173, %jit3A_171 : i32
      %rem3A_175 = arith.remsi %scan3A_145, %select_n3A_174 : i32
      %ne3A_176 = arith.constant 0 : i32
      %ne3A_177 = arith.cmpi ne, %rem3A_175, %ne3A_176 : i32
      %lt3A_178 = arith.constant 0 : i32
      %lt3A_179 = arith.cmpi slt, %rem3A_175, %lt3A_178 : i32
      %lt3A_180 = arith.constant 0 : i32
      %lt3A_181 = arith.cmpi slt, %select_n3A_174, %lt3A_180 : i32
      %ne3A_182 = arith.xori %lt3A_179, %lt3A_181 : i1
      %and3A_183 = arith.andi %ne3A_182, %ne3A_177 : i1
      %add3A_184 = arith.addi %rem3A_175, %select_n3A_174 : i32
      %select_n3A_185 = arith.select %and3A_183, %add3A_184, %rem3A_175 : i32
      %broadcast_in_dim3A_186 = arith.constant 1 : i32
      %broadcast_in_dim3A_187 = vector.broadcast %broadcast_in_dim3A_186 : i32 to vector<16xi32>
      %mul3A_188 = arith.constant 16 : i32
      %mul3A_189 = arith.muli %select_n3A_185, %mul3A_188 : i32
      %swap3A = arith.index_cast %select_n3A_170 : i32 to index
      %swap3A_190 = arith.index_cast %mul3A_189 : i32 to index
      %swap3A_191 = tpu.vector_load %arg10[%swap3A, %swap3A_190] {strides = array<i32>} : memref<66x128xi32, #tpu.memory_space<vmem>>, vector<16xi32>,
      tpu.vector_store %arg10[%swap3A, %swap3A_190], %broadcast_in_dim3A_187 {strides = array<i32>} : memref<66x128xi32, #tpu.memory_space<vmem>>, vector<16xi32>,
      %scan3A_192 = arith.constant 0 : i32
      scf.yield %scan3A_192 : i32
    }
    %scan3A_7 = arith.constant 528 : i32
    %scan3A_8 = arith.constant 1 : i32
    %scan3A_9 = arith.constant 0 : i32
    %scan3A_10 = arith.constant 64 : i32
    %scan3A_11 = arith.addi %scan3A_9, %scan3A_10 : i32
    %scan3A_12 = arith.constant 1 : i32
    %scan3A_13 = scf.for %scan3A_145 = %scan3A_9 to %scan3A_11 step %scan3A_12 iter_args(%scan3A_146 = %scan3A_8) -> (i32)  : i32 {
      %gt3A_147 = arith.constant 0 : i32
      %gt3A_148 = arith.cmpi sgt, %scan3A_146, %gt3A_147 : i32
      %convert_element_type3A_149 = arith.extui %gt3A_148 : i1 to i32
      %cond3A_150 = arith.constant 0 : i32
      %cond3A_151 = arith.cmpi ne, %convert_element_type3A_149, %cond3A_150 : i32
      scf.if %cond3A_151 {
        %scan3A_171 = arith.constant 0 : i32
        %scan3A_172 = arith.constant 0 : i32
        %scan3A_173 = arith.constant 528 : i32
        %scan3A_174 = arith.addi %scan3A_172, %scan3A_173 : i32
        %scan3A_175 = arith.constant 1 : i32
        %scan3A_176 = scf.for %scan3A_192 = %scan3A_172 to %scan3A_174 step %scan3A_175 iter_args(%scan3A_193 = %scan3A_171) -> (i32)  : i32 {
          %jit3A_194 = arith.constant 8 : i32
          %div3A_195 = arith.divsi %scan3A_192, %jit3A_194 : i32
          %sign3A_196 = arith.constant 0 : i32
          %sign3A_197 = arith.cmpi sgt, %scan3A_192, %sign3A_196 : i32
          %sign3A_198 = arith.extui %sign3A_197 : i1 to i32
          %sign3A_199 = arith.constant 0 : i32
          %sign3A_200 = arith.cmpi slt, %scan3A_192, %sign3A_199 : i32
          %sign3A_201 = arith.extui %sign3A_200 : i1 to i32
          %sign3A_202 = arith.subi %sign3A_198, %sign3A_201 : i32
          %sign3A_203 = arith.constant 0 : i32
          %sign3A_204 = arith.cmpi sgt, %jit3A_194, %sign3A_203 : i32
          %sign3A_205 = arith.extui %sign3A_204 : i1 to i32
          %sign3A_206 = arith.constant 0 : i32
          %sign3A_207 = arith.cmpi slt, %jit3A_194, %sign3A_206 : i32
          %sign3A_208 = arith.extui %sign3A_207 : i1 to i32
          %sign3A_209 = arith.subi %sign3A_205, %sign3A_208 : i32
          %ne3A_210 = arith.cmpi ne, %sign3A_202, %sign3A_209 : i32
          %rem3A_211 = arith.remsi %scan3A_192, %jit3A_194 : i32
          %ne3A_212 = arith.constant 0 : i32
          %ne3A_213 = arith.cmpi ne, %rem3A_211, %ne3A_212 : i32
          %and3A_214 = arith.andi %ne3A_210, %ne3A_213 : i1
          %sub3A_215 = arith.constant 1 : i32
          %sub3A_216 = arith.subi %div3A_195, %sub3A_215 : i32
          %select_n3A_217 = arith.select %and3A_214, %sub3A_216, %div3A_195 : i32
          %jit3A_218 = arith.constant 8 : i32
          %eq3A = arith.constant 0 : i32
          %eq3A_219 = arith.cmpi eq, %jit3A_218, %eq3A : i32
          %jit3A_220 = arith.constant 1 : i32
          %select_n3A_221 = arith.select %eq3A_219, %jit3A_220, %jit3A_218 : i32
          %rem3A_222 = arith.remsi %scan3A_192, %select_n3A_221 : i32
          %ne3A_223 = arith.constant 0 : i32
          %ne3A_224 = arith.cmpi ne, %rem3A_222, %ne3A_223 : i32
          %lt3A_225 = arith.constant 0 : i32
          %lt3A_226 = arith.cmpi slt, %rem3A_222, %lt3A_225 : i32
          %lt3A_227 = arith.constant 0 : i32
          %lt3A_228 = arith.cmpi slt, %select_n3A_221, %lt3A_227 : i32
          %ne3A_229 = arith.xori %lt3A_226, %lt3A_228 : i1
          %and3A_230 = arith.andi %ne3A_229, %ne3A_224 : i1
          %add3A_231 = arith.addi %rem3A_222, %select_n3A_221 : i32
          %select_n3A_232 = arith.select %and3A_230, %add3A_231, %rem3A_222 : i32
          %mul3A_233 = arith.constant 16 : i32
          %mul3A_234 = arith.muli %select_n3A_232, %mul3A_233 : i32
          %get3A_235 = arith.index_cast %select_n3A_217 : i32 to index
          %get3A_236 = arith.index_cast %mul3A_234 : i32 to index
          %get3A_237 = tpu.vector_load %arg10[%get3A_235, %get3A_236] {strides = array<i32>} : memref<66x128xi32, #tpu.memory_space<vmem>>, vector<16xi32>,
          %mul3A_238 = arith.constant 16 : i32
          %mul3A_239 = arith.muli %select_n3A_232, %mul3A_238 : i32
          %get3A_240 = arith.index_cast %select_n3A_217 : i32 to index
          %get3A_241 = arith.index_cast %mul3A_239 : i32 to index
          %get3A_242 = tpu.vector_load %arg7[%get3A_240, %get3A_241] {strides = array<i32>} : memref<66x128xi32, #tpu.memory_space<vmem>>, vector<16xi32>,
          %gt3A_243 = arith.constant 0 : i32
          %gt3A_244 = vector.broadcast %gt3A_243 : i32 to vector<16xi32>
          %gt3A_245 = arith.cmpi sgt, %get3A_237, %gt3A_244 : vector<16xi32>
          %broadcast_in_dim3A_246 = vector.broadcast %add3A_1 : i32 to vector<16xi32>
          %select_n3A_247 = arith.select %gt3A_245, %get3A_242, %broadcast_in_dim3A_246 : vector<16xi1>, vector<16xi32>
          %mul3A_248 = arith.constant 16 : i32
          %mul3A_249 = arith.muli %select_n3A_232, %mul3A_248 : i32
          %swap3A = arith.index_cast %select_n3A_217 : i32 to index
          %swap3A_250 = arith.index_cast %mul3A_249 : i32 to index
          %swap3A_251 = tpu.vector_load %arg11[%swap3A, %swap3A_250] {strides = array<i32>} : memref<66x128xi32, #tpu.memory_space<vmem>>, vector<16xi32>,
          tpu.vector_store %arg11[%swap3A, %swap3A_250], %select_n3A_247 {strides = array<i32>} : memref<66x128xi32, #tpu.memory_space<vmem>>, vector<16xi32>,
          %scan3A_252 = arith.constant 0 : i32
          scf.yield %scan3A_252 : i32
        }
        %scan3A_177 = arith.constant 528 : i32
        %scan3A_178 = arith.constant 0 : i32
        %scan3A_179 = arith.constant 0 : i32
        %scan3A_180 = arith.constant 66 : i32
        %scan3A_181 = arith.addi %scan3A_179, %scan3A_180 : i32
        %scan3A_182 = arith.constant 1 : i32
        %scan3A_183 = scf.for %scan3A_192 = %scan3A_179 to %scan3A_181 step %scan3A_182 iter_args(%scan3A_193 = %scan3A_178) -> (i32)  : i32 {
          %dma_start3A = arith.constant 0 : i32
          %dma_start3A_194 = tpu.memref_slice %arg8[%scan3A_192, %dma_start3A] : memref<66x128xi32, #tpu.memory_space<vmem>> -> memref<1x128xi32, #tpu.memory_space<vmem>>
          %dma_start3A_195 = tpu.memref_squeeze %dma_start3A_194 : memref<1x128xi32, #tpu.memory_space<vmem>> -> memref<128xi32, #tpu.memory_space<vmem>>
          %dma_start3A_196 = arith.constant 0 : i32
          %dma_start3A_197 = tpu.memref_slice %arg11[%scan3A_192, %dma_start3A_196] : memref<66x128xi32, #tpu.memory_space<vmem>> -> memref<1x128xi32, #tpu.memory_space<vmem>>
          %dma_start3A_198 = tpu.memref_squeeze %dma_start3A_197 : memref<1x128xi32, #tpu.memory_space<vmem>> -> memref<128xi32, #tpu.memory_space<vmem>>
          %dma_start3A_199 = arith.constant 0 : i32
          %dma_start3A_200 = tpu.memref_slice %arg20[%dma_start3A_199] : memref<500128xi32, #tpu.memory_space<vmem_shared>> -> memref<500128xi32, #tpu.memory_space<vmem_shared>>
          tpu.enqueue_indirect_dma source(%dma_start3A_195 : memref<128xi32, #tpu.memory_space<vmem>>) target(%dma_start3A_200 : memref<500128xi32, #tpu.memory_space<vmem_shared>>) offsets(%dma_start3A_198 : memref<128xi32, #tpu.memory_space<vmem>>) semaphore(%arg23 : memref<!tpu.dma_semaphore, #tpu.memory_space<semaphore_mem>>)
          %scan3A_201 = arith.constant 0 : i32
          scf.yield %scan3A_201 : i32
        }
        %scan3A_184 = arith.constant 66 : i32
        %scan3A_185 = arith.constant 0 : i32
        %scan3A_186 = arith.constant 0 : i32
        %scan3A_187 = arith.constant 66 : i32
        %scan3A_188 = arith.addi %scan3A_186, %scan3A_187 : i32
        %scan3A_189 = arith.constant 1 : i32
        %scan3A_190 = scf.for %scan3A_192 = %scan3A_186 to %scan3A_188 step %scan3A_189 iter_args(%scan3A_193 = %scan3A_185) -> (i32)  : i32 {
          %dma_wait3A = arith.constant 0 : i32
          %dma_wait3A_194 = arith.constant 0 : i32
          %dma_wait3A_195 = arith.constant 0 : i32
          %dma_wait3A_196 = tpu.memref_slice %arg8[%dma_wait3A, %dma_wait3A_195] : memref<66x128xi32, #tpu.memory_space<vmem>> -> memref<1x128xi32, #tpu.memory_space<vmem>>
          %dma_wait3A_197 = tpu.memref_squeeze %dma_wait3A_196 : memref<1x128xi32, #tpu.memory_space<vmem>> -> memref<128xi32, #tpu.memory_space<vmem>>
          %dma_wait3A_198 = arith.constant 0 : i32
          %dma_wait3A_199 = tpu.memref_slice %arg11[%dma_wait3A_194, %dma_wait3A_198] : memref<66x128xi32, #tpu.memory_space<vmem>> -> memref<1x128xi32, #tpu.memory_space<vmem>>
          %dma_wait3A_200 = tpu.memref_squeeze %dma_wait3A_199 : memref<1x128xi32, #tpu.memory_space<vmem>> -> memref<128xi32, #tpu.memory_space<vmem>>
          %dma_wait3A_201 = arith.constant 0 : i32
          %dma_wait3A_202 = tpu.memref_slice %arg20[%dma_wait3A_201] : memref<500128xi32, #tpu.memory_space<vmem_shared>> -> memref<500128xi32, #tpu.memory_space<vmem_shared>>
          tpu.wait_indirect_dma semaphore(%arg23 : memref<!tpu.dma_semaphore, #tpu.memory_space<semaphore_mem>>) src(%dma_wait3A_197 : memref<128xi32, #tpu.memory_space<vmem>>) dst(%dma_wait3A_202 : memref<500128xi32, #tpu.memory_space<vmem_shared>>)
          %scan3A_203 = arith.constant 0 : i32
          scf.yield %scan3A_203 : i32
        }
        %scan3A_191 = arith.constant 66 : i32
      } else {
      }
      %barrier3A = arith.constant 0 : index
      tpu.barrier barrier_id(%barrier3A)
      %gt3A_152 = arith.constant 0 : i32
      %gt3A_153 = arith.cmpi sgt, %scan3A_146, %gt3A_152 : i32
      %convert_element_type3A_154 = arith.extui %gt3A_153 : i1 to i32
      %cond3A_155 = arith.constant 0 : i32
      %cond3A_156 = arith.cmpi ne, %convert_element_type3A_154, %cond3A_155 : i32
      scf.if %cond3A_156 {
        %scan3A_171 = arith.constant 0 : i32
        %scan3A_172 = arith.constant 0 : i32
        %scan3A_173 = arith.constant 66 : i32
        %scan3A_174 = arith.addi %scan3A_172, %scan3A_173 : i32
        %scan3A_175 = arith.constant 1 : i32
        %scan3A_176 = scf.for %scan3A_198 = %scan3A_172 to %scan3A_174 step %scan3A_175 iter_args(%scan3A_199 = %scan3A_171) -> (i32)  : i32 {
          %dma_start3A = arith.constant 0 : i32
          %dma_start3A_200 = tpu.memref_slice %arg9[%scan3A_198, %dma_start3A] : memref<66x128xi32, #tpu.memory_space<vmem>> -> memref<1x128xi32, #tpu.memory_space<vmem>>
          %dma_start3A_201 = tpu.memref_squeeze %dma_start3A_200 : memref<1x128xi32, #tpu.memory_space<vmem>> -> memref<128xi32, #tpu.memory_space<vmem>>
          %dma_start3A_202 = arith.constant 0 : i32
          %dma_start3A_203 = tpu.memref_slice %arg11[%scan3A_198, %dma_start3A_202] : memref<66x128xi32, #tpu.memory_space<vmem>> -> memref<1x128xi32, #tpu.memory_space<vmem>>
          %dma_start3A_204 = tpu.memref_squeeze %dma_start3A_203 : memref<1x128xi32, #tpu.memory_space<vmem>> -> memref<128xi32, #tpu.memory_space<vmem>>
          %dma_start3A_205 = arith.constant 0 : i32
          %dma_start3A_206 = tpu.memref_slice %arg20[%dma_start3A_205] : memref<500128xi32, #tpu.memory_space<vmem_shared>> -> memref<500128xi32, #tpu.memory_space<vmem_shared>>
          tpu.enqueue_indirect_dma source(%dma_start3A_206 : memref<500128xi32, #tpu.memory_space<vmem_shared>>) target(%dma_start3A_201 : memref<128xi32, #tpu.memory_space<vmem>>) offsets(%dma_start3A_204 : memref<128xi32, #tpu.memory_space<vmem>>) semaphore(%arg23 : memref<!tpu.dma_semaphore, #tpu.memory_space<semaphore_mem>>)
          %scan3A_207 = arith.constant 0 : i32
          scf.yield %scan3A_207 : i32
        }
        %scan3A_177 = arith.constant 66 : i32
        %scan3A_178 = arith.constant 0 : i32
        %scan3A_179 = arith.constant 0 : i32
        %scan3A_180 = arith.constant 66 : i32
        %scan3A_181 = arith.addi %scan3A_179, %scan3A_180 : i32
        %scan3A_182 = arith.constant 1 : i32
        %scan3A_183 = scf.for %scan3A_198 = %scan3A_179 to %scan3A_181 step %scan3A_182 iter_args(%scan3A_199 = %scan3A_178) -> (i32)  : i32 {
          %dma_wait3A = arith.constant 0 : i32
          %dma_wait3A_200 = arith.constant 0 : i32
          %dma_wait3A_201 = arith.constant 0 : i32
          %dma_wait3A_202 = tpu.memref_slice %arg9[%dma_wait3A_200, %dma_wait3A_201] : memref<66x128xi32, #tpu.memory_space<vmem>> -> memref<1x128xi32, #tpu.memory_space<vmem>>
          %dma_wait3A_203 = tpu.memref_squeeze %dma_wait3A_202 : memref<1x128xi32, #tpu.memory_space<vmem>> -> memref<128xi32, #tpu.memory_space<vmem>>
          %dma_wait3A_204 = arith.constant 0 : i32
          %dma_wait3A_205 = tpu.memref_slice %arg11[%dma_wait3A, %dma_wait3A_204] : memref<66x128xi32, #tpu.memory_space<vmem>> -> memref<1x128xi32, #tpu.memory_space<vmem>>
          %dma_wait3A_206 = tpu.memref_squeeze %dma_wait3A_205 : memref<1x128xi32, #tpu.memory_space<vmem>> -> memref<128xi32, #tpu.memory_space<vmem>>
          %dma_wait3A_207 = arith.constant 0 : i32
          %dma_wait3A_208 = tpu.memref_slice %arg20[%dma_wait3A_207] : memref<500128xi32, #tpu.memory_space<vmem_shared>> -> memref<500128xi32, #tpu.memory_space<vmem_shared>>
          tpu.wait_indirect_dma semaphore(%arg23 : memref<!tpu.dma_semaphore, #tpu.memory_space<semaphore_mem>>) src(%dma_wait3A_208 : memref<500128xi32, #tpu.memory_space<vmem_shared>>) dst(%dma_wait3A_203 : memref<128xi32, #tpu.memory_space<vmem>>)
          %scan3A_209 = arith.constant 0 : i32
          scf.yield %scan3A_209 : i32
        }
        %scan3A_184 = arith.constant 66 : i32
        %broadcast_in_dim3A_185 = arith.constant 0 : i32
        %broadcast_in_dim3A_186 = vector.broadcast %broadcast_in_dim3A_185 : i32 to vector<16xi32>
        %scan3A_187 = arith.constant 0 : i32
        %scan3A_188 = arith.constant 528 : i32
        %scan3A_189 = arith.addi %scan3A_187, %scan3A_188 : i32
        %scan3A_190 = arith.constant 1 : i32
        %scan3A_191 = scf.for %scan3A_198 = %scan3A_187 to %scan3A_189 step %scan3A_190 iter_args(%scan3A_199 = %broadcast_in_dim3A_186) -> (vector<16xi32>)  : i32 {
          %jit3A_200 = arith.constant 8 : i32
          %div3A_201 = arith.divsi %scan3A_198, %jit3A_200 : i32
          %sign3A_202 = arith.constant 0 : i32
          %sign3A_203 = arith.cmpi sgt, %scan3A_198, %sign3A_202 : i32
          %sign3A_204 = arith.extui %sign3A_203 : i1 to i32
          %sign3A_205 = arith.constant 0 : i32
          %sign3A_206 = arith.cmpi slt, %scan3A_198, %sign3A_205 : i32
          %sign3A_207 = arith.extui %sign3A_206 : i1 to i32
          %sign3A_208 = arith.subi %sign3A_204, %sign3A_207 : i32
          %sign3A_209 = arith.constant 0 : i32
          %sign3A_210 = arith.cmpi sgt, %jit3A_200, %sign3A_209 : i32
          %sign3A_211 = arith.extui %sign3A_210 : i1 to i32
          %sign3A_212 = arith.constant 0 : i32
          %sign3A_213 = arith.cmpi slt, %jit3A_200, %sign3A_212 : i32
          %sign3A_214 = arith.extui %sign3A_213 : i1 to i32
          %sign3A_215 = arith.subi %sign3A_211, %sign3A_214 : i32
          %ne3A_216 = arith.cmpi ne, %sign3A_208, %sign3A_215 : i32
          %rem3A_217 = arith.remsi %scan3A_198, %jit3A_200 : i32
          %ne3A_218 = arith.constant 0 : i32
          %ne3A_219 = arith.cmpi ne, %rem3A_217, %ne3A_218 : i32
          %and3A_220 = arith.andi %ne3A_216, %ne3A_219 : i1
          %sub3A_221 = arith.constant 1 : i32
          %sub3A_222 = arith.subi %div3A_201, %sub3A_221 : i32
          %select_n3A_223 = arith.select %and3A_220, %sub3A_222, %div3A_201 : i32
          %jit3A_224 = arith.constant 8 : i32
          %eq3A = arith.constant 0 : i32
          %eq3A_225 = arith.cmpi eq, %jit3A_224, %eq3A : i32
          %jit3A_226 = arith.constant 1 : i32
          %select_n3A_227 = arith.select %eq3A_225, %jit3A_226, %jit3A_224 : i32
          %rem3A_228 = arith.remsi %scan3A_198, %select_n3A_227 : i32
          %ne3A_229 = arith.constant 0 : i32
          %ne3A_230 = arith.cmpi ne, %rem3A_228, %ne3A_229 : i32
          %lt3A_231 = arith.constant 0 : i32
          %lt3A_232 = arith.cmpi slt, %rem3A_228, %lt3A_231 : i32
          %lt3A_233 = arith.constant 0 : i32
          %lt3A_234 = arith.cmpi slt, %select_n3A_227, %lt3A_233 : i32
          %ne3A_235 = arith.xori %lt3A_232, %lt3A_234 : i1
          %and3A_236 = arith.andi %ne3A_235, %ne3A_230 : i1
          %add3A_237 = arith.addi %rem3A_228, %select_n3A_227 : i32
          %select_n3A_238 = arith.select %and3A_236, %add3A_237, %rem3A_228 : i32
          %mul3A_239 = arith.constant 16 : i32
          %mul3A_240 = arith.muli %select_n3A_238, %mul3A_239 : i32
          %get3A_241 = arith.index_cast %select_n3A_223 : i32 to index
          %get3A_242 = arith.index_cast %mul3A_240 : i32 to index
          %get3A_243 = tpu.vector_load %arg9[%get3A_241, %get3A_242] {strides = array<i32>} : memref<66x128xi32, #tpu.memory_space<vmem>>, vector<16xi32>,
          %mul3A_244 = arith.constant 16 : i32
          %mul3A_245 = arith.muli %select_n3A_238, %mul3A_244 : i32
          %get3A_246 = arith.index_cast %select_n3A_223 : i32 to index
          %get3A_247 = arith.index_cast %mul3A_245 : i32 to index
          %get3A_248 = tpu.vector_load %arg8[%get3A_246, %get3A_247] {strides = array<i32>} : memref<66x128xi32, #tpu.memory_space<vmem>>, vector<16xi32>,
          %mul3A_249 = arith.constant 16 : i32
          %mul3A_250 = arith.muli %select_n3A_238, %mul3A_249 : i32
          %get3A_251 = arith.index_cast %select_n3A_223 : i32 to index
          %get3A_252 = arith.index_cast %mul3A_250 : i32 to index
          %get3A_253 = tpu.vector_load %arg10[%get3A_251, %get3A_252] {strides = array<i32>} : memref<66x128xi32, #tpu.memory_space<vmem>>, vector<16xi32>,
          %lt3A_254 = arith.cmpi slt, %get3A_243, %get3A_248 : vector<16xi32>
          %gt3A_255 = arith.constant 0 : i32
          %gt3A_256 = vector.broadcast %gt3A_255 : i32 to vector<16xi32>
          %gt3A_257 = arith.cmpi sgt, %get3A_253, %gt3A_256 : vector<16xi32>
          %and3A_258 = arith.andi %lt3A_254, %gt3A_257 : vector<16xi1>
          %jit3A_259 = arith.constant 1 : i32
          %jit3A_260 = arith.constant 0 : i32
          %broadcast_in_dim3A_261 = vector.broadcast %jit3A_259 : i32 to vector<16xi32>
          %broadcast_in_dim3A_262 = vector.broadcast %jit3A_260 : i32 to vector<16xi32>
          %select_n3A_263 = arith.select %and3A_258, %broadcast_in_dim3A_261, %broadcast_in_dim3A_262 : vector<16xi1>, vector<16xi32>
          %mul3A_264 = arith.constant 16 : i32
          %mul3A_265 = arith.muli %select_n3A_238, %mul3A_264 : i32
          %swap3A_266 = arith.index_cast %select_n3A_223 : i32 to index
          %swap3A_267 = arith.index_cast %mul3A_265 : i32 to index
          %swap3A_268 = tpu.vector_load %arg10[%swap3A_266, %swap3A_267] {strides = array<i32>} : memref<66x128xi32, #tpu.memory_space<vmem>>, vector<16xi32>,
          tpu.vector_store %arg10[%swap3A_266, %swap3A_267], %select_n3A_263 {strides = array<i32>} : memref<66x128xi32, #tpu.memory_space<vmem>>, vector<16xi32>,
          %add3A_269 = arith.addi %scan3A_199, %select_n3A_263 : vector<16xi32>
          scf.yield %add3A_269 : vector<16xi32>
        }
        %scan3A_192 = arith.constant 528 : i32
        %reduce_sum3A = arith.constant true
        %reduce_sum3A_193 = vector.broadcast %reduce_sum3A : i1 to vector<16xi1>
        %reduce_sum3A_194 = tpu.scan <sum>, %scan3A_191 masked %reduce_sum3A_193 : vector<16xi32>, vector<16xi1> -> vector<16xi32>
        %reduce_sum3A_195 = vector.extract %reduce_sum3A_194[15] : i32 from vector<16xi32>
        %broadcast_in_dim3A_196 = vector.broadcast %reduce_sum3A_195 : i32 to vector<16xi32>
        %swap3A = arith.constant 0 : index
        %swap3A_197 = tpu.vector_load %arg17[%swap3A] {strides = array<i32>} : memref<16xi32, #tpu.memory_space<vmem>>, vector<16xi32>,
        tpu.vector_store %arg17[%swap3A], %broadcast_in_dim3A_196 {strides = array<i32>} : memref<16xi32, #tpu.memory_space<vmem>>, vector<16xi32>,
        "tpu.region"() ({
          %run_scoped3A = tpu.sem_alloc : memref<!tpu.dma_semaphore, #tpu.memory_space<semaphore_mem>>
          %dma_start3A = arith.constant 0 : i32
          %dma_start3A_198 = tpu.memref_slice %arg21[%arg1, %dma_start3A] : memref<16x16xi32, #tpu.memory_space<vmem_shared>> -> memref<1x16xi32, #tpu.memory_space<vmem_shared>>
          %dma_start3A_199 = tpu.memref_squeeze %dma_start3A_198 : memref<1x16xi32, #tpu.memory_space<vmem_shared>> -> memref<16xi32, #tpu.memory_space<vmem_shared>>
          %dma_start3A_200 = arith.constant 0 : i32
          %dma_start3A_201 = tpu.memref_slice %arg21[%arg1, %dma_start3A_200] : memref<16x16xi32, #tpu.memory_space<vmem_shared>> -> memref<1x16xi32, #tpu.memory_space<vmem_shared>>
          %dma_start3A_202 = tpu.memref_squeeze %dma_start3A_201 : memref<1x16xi32, #tpu.memory_space<vmem_shared>> -> memref<16xi32, #tpu.memory_space<vmem_shared>>
          tpu.enqueue_dma source(%arg17 : memref<16xi32, #tpu.memory_space<vmem>>) target(%dma_start3A_202 : memref<16xi32, #tpu.memory_space<vmem_shared>>) target_semaphore(%run_scoped3A : memref<!tpu.dma_semaphore, #tpu.memory_space<semaphore_mem>>)
          %dma_wait3A = arith.constant 0 : i32
          %dma_wait3A_203 = tpu.memref_slice %arg21[%arg1, %dma_wait3A] : memref<16x16xi32, #tpu.memory_space<vmem_shared>> -> memref<1x16xi32, #tpu.memory_space<vmem_shared>>
          %dma_wait3A_204 = tpu.memref_squeeze %dma_wait3A_203 : memref<1x16xi32, #tpu.memory_space<vmem_shared>> -> memref<16xi32, #tpu.memory_space<vmem_shared>>
          %dma_wait3A_205 = arith.constant 0 : i32
          %dma_wait3A_206 = tpu.memref_slice %arg21[%arg1, %dma_wait3A_205] : memref<16x16xi32, #tpu.memory_space<vmem_shared>> -> memref<1x16xi32, #tpu.memory_space<vmem_shared>>
          %dma_wait3A_207 = tpu.memref_squeeze %dma_wait3A_206 : memref<1x16xi32, #tpu.memory_space<vmem_shared>> -> memref<16xi32, #tpu.memory_space<vmem_shared>>
          tpu.wait_dma2 semaphore(%run_scoped3A : memref<!tpu.dma_semaphore, #tpu.memory_space<semaphore_mem>>) src(%arg17 : memref<16xi32, #tpu.memory_space<vmem>>) dst(%dma_wait3A_207 : memref<16xi32, #tpu.memory_space<vmem_shared>>)
          tpu.yield
        }) : () -> ()
      } else {
      }
      %barrier3A_157 = arith.constant 0 : index
      tpu.barrier barrier_id(%barrier3A_157)
      %gt3A_158 = arith.constant 0 : i32
      %gt3A_159 = arith.cmpi sgt, %scan3A_146, %gt3A_158 : i32
      %convert_element_type3A_160 = arith.extui %gt3A_159 : i1 to i32
      %cond3A_161 = arith.constant 0 : i32
      %cond3A_162 = arith.cmpi ne, %convert_element_type3A_160, %cond3A_161 : i32
      scf.if %cond3A_162 {
        "tpu.region"() ({
          %run_scoped3A = tpu.sem_alloc : memref<!tpu.dma_semaphore, #tpu.memory_space<semaphore_mem>>
          tpu.enqueue_dma source(%arg21 : memref<16x16xi32, #tpu.memory_space<vmem_shared>>) target(%arg18 : memref<16x16xi32, #tpu.memory_space<vmem>>) target_semaphore(%run_scoped3A : memref<!tpu.dma_semaphore, #tpu.memory_space<semaphore_mem>>)
          tpu.wait_dma2 semaphore(%run_scoped3A : memref<!tpu.dma_semaphore, #tpu.memory_space<semaphore_mem>>) src(%arg21 : memref<16x16xi32, #tpu.memory_space<vmem_shared>>) dst(%arg18 : memref<16x16xi32, #tpu.memory_space<vmem>>)
          tpu.yield
        }) : () -> ()
        %broadcast_in_dim3A_171 = arith.constant 0 : i32
        %broadcast_in_dim3A_172 = vector.broadcast %broadcast_in_dim3A_171 : i32 to vector<16xi32>
        %scan3A_173 = arith.constant 0 : i32
        %scan3A_174 = arith.constant 16 : i32
        %scan3A_175 = arith.addi %scan3A_173, %scan3A_174 : i32
        %scan3A_176 = arith.constant 1 : i32
        %scan3A_177 = scf.for %scan3A_188 = %scan3A_173 to %scan3A_175 step %scan3A_176 iter_args(%scan3A_189 = %broadcast_in_dim3A_172) -> (vector<16xi32>)  : i32 {
          %get3A_190 = arith.index_cast %scan3A_188 : i32 to index
          %get3A_191 = arith.constant 0 : index
          %get3A_192 = tpu.vector_load %arg18[%get3A_190, %get3A_191] {strides = array<i32>} : memref<16x16xi32, #tpu.memory_space<vmem>>, vector<16xi32>,
          %add3A_193 = arith.addi %scan3A_189, %get3A_192 : vector<16xi32>
          scf.yield %add3A_193 : vector<16xi32>
        }
        %scan3A_178 = arith.constant 16 : i32
        %reduce_max3A = arith.constant true
        %reduce_max3A_179 = vector.broadcast %reduce_max3A : i1 to vector<16xi1>
        %reduce_max3A_180 = arith.constant -2147483648 : i32
        %reduce_max3A_181 = vector.broadcast %reduce_max3A_180 : i32 to vector<16xi32>
        %reduce_max3A_182 = arith.xori %scan3A_177, %reduce_max3A_181 : vector<16xi32>
        %reduce_max3A_183 = tpu.scan <max>, %reduce_max3A_182 masked %reduce_max3A_179 : vector<16xi32>, vector<16xi1> -> vector<16xi32>
        %reduce_max3A_184 = arith.xori %reduce_max3A_183, %reduce_max3A_181 : vector<16xi32>
        %reduce_max3A_185 = vector.extract %reduce_max3A_184[15] : i32 from vector<16xi32>
        %swap3A = arith.constant 0 : i32
        %swap3A_186 = arith.index_cast %swap3A : i32 to index
        %swap3A_187 = memref.load %arg19[%swap3A_186] : memref<1xi32, #tpu.memory_space<smem>>
        memref.store %reduce_max3A_185, %arg19[%swap3A_186] : memref<1xi32, #tpu.memory_space<smem>>
      } else {
      }
      %barrier3A_163 = arith.constant 0 : index
      tpu.barrier barrier_id(%barrier3A_163)
      %gt3A_164 = arith.constant 0 : i32
      %gt3A_165 = arith.cmpi sgt, %scan3A_146, %gt3A_164 : i32
      %get3A_166 = arith.constant 0 : i32
      %get3A_167 = arith.index_cast %get3A_166 : i32 to index
      %get3A_168 = memref.load %arg19[%get3A_167] : memref<1xi32, #tpu.memory_space<smem>>
      %jit3A_169 = arith.constant 0 : i32
      %select_n3A_170 = arith.select %gt3A_165, %get3A_168, %jit3A_169 : i32
      scf.yield %select_n3A_170 : i32
    }
    %scan3A_14 = arith.constant 64 : i32
    %scan3A_15 = arith.constant 0 : i32
    %scan3A_16 = arith.constant 0 : i32
    %scan3A_17 = arith.constant 66 : i32
    %scan3A_18 = arith.addi %scan3A_16, %scan3A_17 : i32
    %scan3A_19 = arith.constant 1 : i32
    %scan3A_20 = scf.for %scan3A_145 = %scan3A_16 to %scan3A_18 step %scan3A_19 iter_args(%scan3A_146 = %scan3A_15) -> (i32)  : i32 {
      %dma_start3A = arith.constant 0 : i32
      %dma_start3A_147 = tpu.memref_slice %arg9[%scan3A_145, %dma_start3A] : memref<66x128xi32, #tpu.memory_space<vmem>> -> memref<1x128xi32, #tpu.memory_space<vmem>>
      %dma_start3A_148 = tpu.memref_squeeze %dma_start3A_147 : memref<1x128xi32, #tpu.memory_space<vmem>> -> memref<128xi32, #tpu.memory_space<vmem>>
      %dma_start3A_149 = arith.constant 0 : i32
      %dma_start3A_150 = tpu.memref_slice %arg7[%scan3A_145, %dma_start3A_149] : memref<66x128xi32, #tpu.memory_space<vmem>> -> memref<1x128xi32, #tpu.memory_space<vmem>>
      %dma_start3A_151 = tpu.memref_squeeze %dma_start3A_150 : memref<1x128xi32, #tpu.memory_space<vmem>> -> memref<128xi32, #tpu.memory_space<vmem>>
      %dma_start3A_152 = arith.constant 0 : i32
      %dma_start3A_153 = tpu.memref_slice %arg20[%dma_start3A_152] : memref<500128xi32, #tpu.memory_space<vmem_shared>> -> memref<500128xi32, #tpu.memory_space<vmem_shared>>
      tpu.enqueue_indirect_dma source(%dma_start3A_153 : memref<500128xi32, #tpu.memory_space<vmem_shared>>) target(%dma_start3A_148 : memref<128xi32, #tpu.memory_space<vmem>>) offsets(%dma_start3A_151 : memref<128xi32, #tpu.memory_space<vmem>>) semaphore(%arg23 : memref<!tpu.dma_semaphore, #tpu.memory_space<semaphore_mem>>)
      %scan3A_154 = arith.constant 0 : i32
      scf.yield %scan3A_154 : i32
    }
    %scan3A_21 = arith.constant 66 : i32
    %scan3A_22 = arith.constant 0 : i32
    %scan3A_23 = arith.constant 0 : i32
    %scan3A_24 = arith.constant 66 : i32
    %scan3A_25 = arith.addi %scan3A_23, %scan3A_24 : i32
    %scan3A_26 = arith.constant 1 : i32
    %scan3A_27 = scf.for %scan3A_145 = %scan3A_23 to %scan3A_25 step %scan3A_26 iter_args(%scan3A_146 = %scan3A_22) -> (i32)  : i32 {
      %dma_wait3A = arith.constant 0 : i32
      %dma_wait3A_147 = arith.constant 0 : i32
      %dma_wait3A_148 = arith.constant 0 : i32
      %dma_wait3A_149 = tpu.memref_slice %arg9[%dma_wait3A_147, %dma_wait3A_148] : memref<66x128xi32, #tpu.memory_space<vmem>> -> memref<1x128xi32, #tpu.memory_space<vmem>>
      %dma_wait3A_150 = tpu.memref_squeeze %dma_wait3A_149 : memref<1x128xi32, #tpu.memory_space<vmem>> -> memref<128xi32, #tpu.memory_space<vmem>>
      %dma_wait3A_151 = arith.constant 0 : i32
      %dma_wait3A_152 = tpu.memref_slice %arg7[%dma_wait3A, %dma_wait3A_151] : memref<66x128xi32, #tpu.memory_space<vmem>> -> memref<1x128xi32, #tpu.memory_space<vmem>>
      %dma_wait3A_153 = tpu.memref_squeeze %dma_wait3A_152 : memref<1x128xi32, #tpu.memory_space<vmem>> -> memref<128xi32, #tpu.memory_space<vmem>>
      %dma_wait3A_154 = arith.constant 0 : i32
      %dma_wait3A_155 = tpu.memref_slice %arg20[%dma_wait3A_154] : memref<500128xi32, #tpu.memory_space<vmem_shared>> -> memref<500128xi32, #tpu.memory_space<vmem_shared>>
      tpu.wait_indirect_dma semaphore(%arg23 : memref<!tpu.dma_semaphore, #tpu.memory_space<semaphore_mem>>) src(%dma_wait3A_155 : memref<500128xi32, #tpu.memory_space<vmem_shared>>) dst(%dma_wait3A_150 : memref<128xi32, #tpu.memory_space<vmem>>)
      %scan3A_156 = arith.constant 0 : i32
      scf.yield %scan3A_156 : i32
    }
    %scan3A_28 = arith.constant 66 : i32
    %mul3A_29 = arith.constant 8448 : i32
    %mul3A_30 = arith.muli %arg1, %mul3A_29 : i32
    %scan3A_31 = arith.constant 0 : i32
    %scan3A_32 = arith.constant 0 : i32
    %scan3A_33 = arith.constant 264 : i32
    %scan3A_34 = arith.addi %scan3A_32, %scan3A_33 : i32
    %scan3A_35 = arith.constant 1 : i32
    %scan3A_36 = scf.for %scan3A_145 = %scan3A_32 to %scan3A_34 step %scan3A_35 iter_args(%scan3A_146 = %scan3A_31) -> (i32)  : i32 {
      %mul3A_147 = arith.constant 33 : i32
      %mul3A_148 = arith.muli %arg0, %mul3A_147 : i32
      %jit3A_149 = arith.constant 8 : i32
      %div3A_150 = arith.divsi %scan3A_145, %jit3A_149 : i32
      %sign3A_151 = arith.constant 0 : i32
      %sign3A_152 = arith.cmpi sgt, %scan3A_145, %sign3A_151 : i32
      %sign3A_153 = arith.extui %sign3A_152 : i1 to i32
      %sign3A_154 = arith.constant 0 : i32
      %sign3A_155 = arith.cmpi slt, %scan3A_145, %sign3A_154 : i32
      %sign3A_156 = arith.extui %sign3A_155 : i1 to i32
      %sign3A_157 = arith.subi %sign3A_153, %sign3A_156 : i32
      %sign3A_158 = arith.constant 0 : i32
      %sign3A_159 = arith.cmpi sgt, %jit3A_149, %sign3A_158 : i32
      %sign3A_160 = arith.extui %sign3A_159 : i1 to i32
      %sign3A_161 = arith.constant 0 : i32
      %sign3A_162 = arith.cmpi slt, %jit3A_149, %sign3A_161 : i32
      %sign3A_163 = arith.extui %sign3A_162 : i1 to i32
      %sign3A_164 = arith.subi %sign3A_160, %sign3A_163 : i32
      %ne3A_165 = arith.cmpi ne, %sign3A_157, %sign3A_164 : i32
      %rem3A_166 = arith.remsi %scan3A_145, %jit3A_149 : i32
      %ne3A_167 = arith.constant 0 : i32
      %ne3A_168 = arith.cmpi ne, %rem3A_166, %ne3A_167 : i32
      %and3A_169 = arith.andi %ne3A_165, %ne3A_168 : i1
      %sub3A_170 = arith.constant 1 : i32
      %sub3A_171 = arith.subi %div3A_150, %sub3A_170 : i32
      %select_n3A_172 = arith.select %and3A_169, %sub3A_171, %div3A_150 : i32
      %add3A_173 = arith.addi %mul3A_148, %select_n3A_172 : i32
      %jit3A_174 = arith.constant 8 : i32
      %eq3A = arith.constant 0 : i32
      %eq3A_175 = arith.cmpi eq, %jit3A_174, %eq3A : i32
      %jit3A_176 = arith.constant 1 : i32
      %select_n3A_177 = arith.select %eq3A_175, %jit3A_176, %jit3A_174 : i32
      %rem3A_178 = arith.remsi %scan3A_145, %select_n3A_177 : i32
      %ne3A_179 = arith.constant 0 : i32
      %ne3A_180 = arith.cmpi ne, %rem3A_178, %ne3A_179 : i32
      %lt3A_181 = arith.constant 0 : i32
      %lt3A_182 = arith.cmpi slt, %rem3A_178, %lt3A_181 : i32
      %lt3A_183 = arith.constant 0 : i32
      %lt3A_184 = arith.cmpi slt, %select_n3A_177, %lt3A_183 : i32
      %ne3A_185 = arith.xori %lt3A_182, %lt3A_184 : i1
      %and3A_186 = arith.andi %ne3A_185, %ne3A_180 : i1
      %add3A_187 = arith.addi %rem3A_178, %select_n3A_177 : i32
      %select_n3A_188 = arith.select %and3A_186, %add3A_187, %rem3A_178 : i32
      %mul3A_189 = arith.constant 16 : i32
      %mul3A_190 = arith.muli %select_n3A_188, %mul3A_189 : i32
      %get3A_191 = arith.index_cast %add3A_173 : i32 to index
      %get3A_192 = arith.index_cast %mul3A_190 : i32 to index
      %get3A_193 = tpu.vector_load %arg9[%get3A_191, %get3A_192] {strides = array<i32>} : memref<66x128xi32, #tpu.memory_space<vmem>>, vector<16xi32>,
      %mul3A_194 = arith.constant 16 : i32
      %mul3A_195 = arith.muli %select_n3A_188, %mul3A_194 : i32
      %get3A_196 = arith.index_cast %add3A_173 : i32 to index
      %get3A_197 = arith.index_cast %mul3A_195 : i32 to index
      %get3A_198 = tpu.vector_load %arg8[%get3A_196, %get3A_197] {strides = array<i32>} : memref<66x128xi32, #tpu.memory_space<vmem>>, vector<16xi32>,
      %eq3A_199 = arith.cmpi eq, %get3A_193, %get3A_198 : vector<16xi32>
      %mul3A_200 = arith.constant 128 : i32
      %mul3A_201 = arith.muli %add3A_173, %mul3A_200 : i32
      %add3A_202 = arith.addi %mul3A_30, %mul3A_201 : i32
      %mul3A_203 = arith.constant 16 : i32
      %mul3A_204 = arith.muli %select_n3A_188, %mul3A_203 : i32
      %add3A_205 = arith.addi %add3A_202, %mul3A_204 : i32
      %iota3A = tpu.iota {dimensions = array<i32: 0>} : vector<16xi32>
      %add3A_206 = vector.broadcast %add3A_205 : i32 to vector<16xi32>
      %add3A_207 = arith.addi %add3A_206, %iota3A : vector<16xi32>
      %mul3A_208 = arith.constant 16 : i32
      %mul3A_209 = arith.muli %select_n3A_188, %mul3A_208 : i32
      %get3A_210 = arith.index_cast %add3A_173 : i32 to index
      %get3A_211 = arith.index_cast %mul3A_209 : i32 to index
      %get3A_212 = tpu.vector_load %arg7[%get3A_210, %get3A_211] {strides = array<i32>} : memref<66x128xi32, #tpu.memory_space<vmem>>, vector<16xi32>,
      %swap3A = arith.index_cast %scan3A_146 : i32 to index
      %swap3A_213 = tpu.vector_load %arg12[%swap3A] masked %eq3A_199 {strides = array<i32>} : memref<4352xi32, #tpu.memory_space<vmem>>, vector<16xi32>, vector<16xi1>
      tpu.vector_store %arg12[%swap3A], %add3A_207 masked %eq3A_199 {strides = array<i32>} : memref<4352xi32, #tpu.memory_space<vmem>>, vector<16xi32>, vector<16xi1>
      %swap3A_214 = arith.index_cast %scan3A_146 : i32 to index
      %swap3A_215 = tpu.vector_load %arg13[%swap3A_214] masked %eq3A_199 {strides = array<i32>} : memref<4352xi32, #tpu.memory_space<vmem>>, vector<16xi32>, vector<16xi1>
      tpu.vector_store %arg13[%swap3A_214], %get3A_212 masked %eq3A_199 {strides = array<i32>} : memref<4352xi32, #tpu.memory_space<vmem>>, vector<16xi32>, vector<16xi1>
      %convert_element_type3A_216 = arith.extui %eq3A_199 : vector<16xi1> to vector<16xi32>
      %reduce_sum3A = arith.constant true
      %reduce_sum3A_217 = vector.broadcast %reduce_sum3A : i1 to vector<16xi1>
      %reduce_sum3A_218 = tpu.scan <sum>, %convert_element_type3A_216 masked %reduce_sum3A_217 : vector<16xi32>, vector<16xi1> -> vector<16xi32>
      %reduce_sum3A_219 = vector.extract %reduce_sum3A_218[15] : i32 from vector<16xi32>
      %add3A_220 = arith.addi %scan3A_146, %reduce_sum3A_219 : i32
      scf.yield %add3A_220 : i32
    }
    %scan3A_37 = arith.constant 264 : i32
    %add3A_38 = arith.constant 127 : i32
    %add3A_39 = arith.addi %scan3A_36, %add3A_38 : i32
    %jit3A = arith.constant 128 : i32
    %div3A = arith.divsi %add3A_39, %jit3A : i32
    %sign3A = arith.constant 0 : i32
    %sign3A_40 = arith.cmpi sgt, %add3A_39, %sign3A : i32
    %sign3A_41 = arith.extui %sign3A_40 : i1 to i32
    %sign3A_42 = arith.constant 0 : i32
    %sign3A_43 = arith.cmpi slt, %add3A_39, %sign3A_42 : i32
    %sign3A_44 = arith.extui %sign3A_43 : i1 to i32
    %sign3A_45 = arith.subi %sign3A_41, %sign3A_44 : i32
    %sign3A_46 = arith.constant 0 : i32
    %sign3A_47 = arith.cmpi sgt, %jit3A, %sign3A_46 : i32
    %sign3A_48 = arith.extui %sign3A_47 : i1 to i32
    %sign3A_49 = arith.constant 0 : i32
    %sign3A_50 = arith.cmpi slt, %jit3A, %sign3A_49 : i32
    %sign3A_51 = arith.extui %sign3A_50 : i1 to i32
    %sign3A_52 = arith.subi %sign3A_48, %sign3A_51 : i32
    %ne3A = arith.cmpi ne, %sign3A_45, %sign3A_52 : i32
    %rem3A = arith.remsi %add3A_39, %jit3A : i32
    %ne3A_53 = arith.constant 0 : i32
    %ne3A_54 = arith.cmpi ne, %rem3A, %ne3A_53 : i32
    %and3A = arith.andi %ne3A, %ne3A_54 : i1
    %sub3A = arith.constant 1 : i32
    %sub3A_55 = arith.subi %div3A, %sub3A : i32
    %select_n3A = arith.select %and3A, %sub3A_55, %div3A : i32
    %broadcast_in_dim3A = arith.constant 0 : i32
    %broadcast_in_dim3A_56 = vector.broadcast %broadcast_in_dim3A : i32 to vector<16xi32>
    %get3A = arith.constant 0 : index
    %get3A_57 = tpu.vector_load %arg12[%get3A] {strides = array<i32>} : memref<4352xi32, #tpu.memory_space<vmem>>, vector<16xi32>,
    %lt3A = arith.constant 0 : i32
    %lt3A_58 = vector.broadcast %lt3A : i32 to vector<16xi32>
    %lt3A_59 = arith.cmpi slt, %broadcast_in_dim3A_56, %lt3A_58 : vector<16xi32>
    %add3A_60 = arith.constant 16 : i32
    %add3A_61 = vector.broadcast %add3A_60 : i32 to vector<16xi32>
    %add3A_62 = arith.addi %broadcast_in_dim3A_56, %add3A_61 : vector<16xi32>
    %select_n3A_63 = arith.select %lt3A_59, %add3A_62, %broadcast_in_dim3A_56 : vector<16xi1>, vector<16xi32>
    %reshape3A = vector.shape_cast %select_n3A_63 : vector<16xi32> to vector<16x1xi32>
    %gather3A = vector.shape_cast %reshape3A : vector<16x1xi32> to vector<16xi32>
    %gather3A_64 = tpu.dynamic_gather %get3A_57[%gather3A] in [0] : vector<16xi32>, vector<16xi32> -> vector<16xi32>
    %get3A_65 = arith.constant 0 : index
    %get3A_66 = tpu.vector_load %arg13[%get3A_65] {strides = array<i32>} : memref<4352xi32, #tpu.memory_space<vmem>>, vector<16xi32>,
    %lt3A_67 = arith.constant 0 : i32
    %lt3A_68 = vector.broadcast %lt3A_67 : i32 to vector<16xi32>
    %lt3A_69 = arith.cmpi slt, %broadcast_in_dim3A_56, %lt3A_68 : vector<16xi32>
    %add3A_70 = arith.constant 16 : i32
    %add3A_71 = vector.broadcast %add3A_70 : i32 to vector<16xi32>
    %add3A_72 = arith.addi %broadcast_in_dim3A_56, %add3A_71 : vector<16xi32>
    %select_n3A_73 = arith.select %lt3A_69, %add3A_72, %broadcast_in_dim3A_56 : vector<16xi1>, vector<16xi32>
    %reshape3A_74 = vector.shape_cast %select_n3A_73 : vector<16xi32> to vector<16x1xi32>
    %gather3A_75 = vector.shape_cast %reshape3A_74 : vector<16x1xi32> to vector<16xi32>
    %gather3A_76 = tpu.dynamic_gather %get3A_66[%gather3A_75] in [0] : vector<16xi32>, vector<16xi32> -> vector<16xi32>
    %mul3A_77 = arith.constant 128 : i32
    %mul3A_78 = arith.muli %select_n3A, %mul3A_77 : i32
    %sub3A_79 = arith.subi %mul3A_78, %scan3A_36 : i32
    %add3A_80 = arith.constant 15 : i32
    %add3A_81 = arith.addi %sub3A_79, %add3A_80 : i32
    %jit3A_82 = arith.constant 16 : i32
    %div3A_83 = arith.divsi %add3A_81, %jit3A_82 : i32
    %sign3A_84 = arith.constant 0 : i32
    %sign3A_85 = arith.cmpi sgt, %add3A_81, %sign3A_84 : i32
    %sign3A_86 = arith.extui %sign3A_85 : i1 to i32
    %sign3A_87 = arith.constant 0 : i32
    %sign3A_88 = arith.cmpi slt, %add3A_81, %sign3A_87 : i32
    %sign3A_89 = arith.extui %sign3A_88 : i1 to i32
    %sign3A_90 = arith.subi %sign3A_86, %sign3A_89 : i32
    %sign3A_91 = arith.constant 0 : i32
    %sign3A_92 = arith.cmpi sgt, %jit3A_82, %sign3A_91 : i32
    %sign3A_93 = arith.extui %sign3A_92 : i1 to i32
    %sign3A_94 = arith.constant 0 : i32
    %sign3A_95 = arith.cmpi slt, %jit3A_82, %sign3A_94 : i32
    %sign3A_96 = arith.extui %sign3A_95 : i1 to i32
    %sign3A_97 = arith.subi %sign3A_93, %sign3A_96 : i32
    %ne3A_98 = arith.cmpi ne, %sign3A_90, %sign3A_97 : i32
    %rem3A_99 = arith.remsi %add3A_81, %jit3A_82 : i32
    %ne3A_100 = arith.constant 0 : i32
    %ne3A_101 = arith.cmpi ne, %rem3A_99, %ne3A_100 : i32
    %and3A_102 = arith.andi %ne3A_98, %ne3A_101 : i1
    %sub3A_103 = arith.constant 1 : i32
    %sub3A_104 = arith.subi %div3A_83, %sub3A_103 : i32
    %select_n3A_105 = arith.select %and3A_102, %sub3A_104, %div3A_83 : i32
    %while3A = arith.constant 0 : i32
    %while3A_106 = arith.constant 0 : i32
    %while3A_107 = arith.subi %select_n3A_105, %while3A : i32
    %while3A_108 = arith.addi %while3A, %while3A_107 : i32
    %while3A_109 = arith.constant 1 : i32
    %while3A_110 = arith.divsi %while3A_107, %while3A_109 : i32
    %while3A_111 = arith.muli %while3A_110, %while3A_109 : i32
    %while3A_112 = arith.addi %while3A, %while3A_111 : i32
    %while3A_113 = arith.constant 1 : i32
    %while3A_114 = scf.for %while3A_145 = %while3A to %while3A_112 step %while3A_113 iter_args(%while3A_146 = %while3A_106) -> (i32)  : i32 {
      %mul3A_147 = arith.constant 16 : i32
      %mul3A_148 = arith.muli %while3A_145, %mul3A_147 : i32
      %add3A_149 = arith.addi %scan3A_36, %mul3A_148 : i32
      %swap3A = arith.index_cast %add3A_149 : i32 to index
      %swap3A_150 = tpu.vector_load %arg12[%swap3A] {strides = array<i32>} : memref<4352xi32, #tpu.memory_space<vmem>>, vector<16xi32>,
      tpu.vector_store %arg12[%swap3A], %gather3A_64 {strides = array<i32>} : memref<4352xi32, #tpu.memory_space<vmem>>, vector<16xi32>,
      %mul3A_151 = arith.constant 16 : i32
      %mul3A_152 = arith.muli %while3A_145, %mul3A_151 : i32
      %add3A_153 = arith.addi %scan3A_36, %mul3A_152 : i32
      %swap3A_154 = arith.index_cast %add3A_153 : i32 to index
      %swap3A_155 = tpu.vector_load %arg13[%swap3A_154] {strides = array<i32>} : memref<4352xi32, #tpu.memory_space<vmem>>, vector<16xi32>,
      tpu.vector_store %arg13[%swap3A_154], %gather3A_76 {strides = array<i32>} : memref<4352xi32, #tpu.memory_space<vmem>>, vector<16xi32>,
      %while3A_156 = arith.constant 0 : i32
      scf.yield %while3A_156 : i32
    }
    %while3A_115 = arith.constant 1 : i32
    %while3A_116 = scf.for %while3A_145 = %while3A_112 to %while3A_108 step %while3A_115 iter_args(%while3A_146 = %while3A_114) -> (i32)  : i32 {
      %mul3A_147 = arith.constant 16 : i32
      %mul3A_148 = arith.muli %while3A_145, %mul3A_147 : i32
      %add3A_149 = arith.addi %scan3A_36, %mul3A_148 : i32
      %swap3A = arith.index_cast %add3A_149 : i32 to index
      %swap3A_150 = tpu.vector_load %arg12[%swap3A] {strides = array<i32>} : memref<4352xi32, #tpu.memory_space<vmem>>, vector<16xi32>,
      tpu.vector_store %arg12[%swap3A], %gather3A_64 {strides = array<i32>} : memref<4352xi32, #tpu.memory_space<vmem>>, vector<16xi32>,
      %mul3A_151 = arith.constant 16 : i32
      %mul3A_152 = arith.muli %while3A_145, %mul3A_151 : i32
      %add3A_153 = arith.addi %scan3A_36, %mul3A_152 : i32
      %swap3A_154 = arith.index_cast %add3A_153 : i32 to index
      %swap3A_155 = tpu.vector_load %arg13[%swap3A_154] {strides = array<i32>} : memref<4352xi32, #tpu.memory_space<vmem>>, vector<16xi32>,
      tpu.vector_store %arg13[%swap3A_154], %gather3A_76 {strides = array<i32>} : memref<4352xi32, #tpu.memory_space<vmem>>, vector<16xi32>,
      %while3A_156 = arith.constant 0 : i32
      scf.yield %while3A_156 : i32
    }
    %mul3A_117 = arith.constant 8 : i32
    %mul3A_118 = arith.muli %select_n3A, %mul3A_117 : i32
    %while3A_119 = arith.constant 0 : i32
    %while3A_120 = arith.constant 0 : i32
    %while3A_121 = arith.subi %mul3A_118, %while3A_119 : i32
    %while3A_122 = arith.addi %while3A_119, %while3A_121 : i32
    %while3A_123 = arith.constant 1 : i32
    %while3A_124 = arith.divsi %while3A_121, %while3A_123 : i32
    %while3A_125 = arith.muli %while3A_124, %while3A_123 : i32
    %while3A_126 = arith.addi %while3A_119, %while3A_125 : i32
    %while3A_127 = arith.constant 1 : i32
    %while3A_128 = scf.for %while3A_145 = %while3A_119 to %while3A_126 step %while3A_127 iter_args(%while3A_146 = %while3A_120) -> (i32)  : i32 {
      %jit3A_147 = arith.constant 8 : i32
      %div3A_148 = arith.divsi %while3A_145, %jit3A_147 : i32
      %sign3A_149 = arith.constant 0 : i32
      %sign3A_150 = arith.cmpi sgt, %while3A_145, %sign3A_149 : i32
      %sign3A_151 = arith.extui %sign3A_150 : i1 to i32
      %sign3A_152 = arith.constant 0 : i32
      %sign3A_153 = arith.cmpi slt, %while3A_145, %sign3A_152 : i32
      %sign3A_154 = arith.extui %sign3A_153 : i1 to i32
      %sign3A_155 = arith.subi %sign3A_151, %sign3A_154 : i32
      %sign3A_156 = arith.constant 0 : i32
      %sign3A_157 = arith.cmpi sgt, %jit3A_147, %sign3A_156 : i32
      %sign3A_158 = arith.extui %sign3A_157 : i1 to i32
      %sign3A_159 = arith.constant 0 : i32
      %sign3A_160 = arith.cmpi slt, %jit3A_147, %sign3A_159 : i32
      %sign3A_161 = arith.extui %sign3A_160 : i1 to i32
      %sign3A_162 = arith.subi %sign3A_158, %sign3A_161 : i32
      %ne3A_163 = arith.cmpi ne, %sign3A_155, %sign3A_162 : i32
      %rem3A_164 = arith.remsi %while3A_145, %jit3A_147 : i32
      %ne3A_165 = arith.constant 0 : i32
      %ne3A_166 = arith.cmpi ne, %rem3A_164, %ne3A_165 : i32
      %and3A_167 = arith.andi %ne3A_163, %ne3A_166 : i1
      %sub3A_168 = arith.constant 1 : i32
      %sub3A_169 = arith.subi %div3A_148, %sub3A_168 : i32
      %select_n3A_170 = arith.select %and3A_167, %sub3A_169, %div3A_148 : i32
      %jit3A_171 = arith.constant 8 : i32
      %eq3A = arith.constant 0 : i32
      %eq3A_172 = arith.cmpi eq, %jit3A_171, %eq3A : i32
      %jit3A_173 = arith.constant 1 : i32
      %select_n3A_174 = arith.select %eq3A_172, %jit3A_173, %jit3A_171 : i32
      %rem3A_175 = arith.remsi %while3A_145, %select_n3A_174 : i32
      %ne3A_176 = arith.constant 0 : i32
      %ne3A_177 = arith.cmpi ne, %rem3A_175, %ne3A_176 : i32
      %lt3A_178 = arith.constant 0 : i32
      %lt3A_179 = arith.cmpi slt, %rem3A_175, %lt3A_178 : i32
      %lt3A_180 = arith.constant 0 : i32
      %lt3A_181 = arith.cmpi slt, %select_n3A_174, %lt3A_180 : i32
      %ne3A_182 = arith.xori %lt3A_179, %lt3A_181 : i1
      %and3A_183 = arith.andi %ne3A_182, %ne3A_177 : i1
      %add3A_184 = arith.addi %rem3A_175, %select_n3A_174 : i32
      %select_n3A_185 = arith.select %and3A_183, %add3A_184, %rem3A_175 : i32
      %mul3A_186 = arith.constant 128 : i32
      %mul3A_187 = arith.muli %select_n3A_170, %mul3A_186 : i32
      %mul3A_188 = arith.constant 16 : i32
      %mul3A_189 = arith.muli %select_n3A_185, %mul3A_188 : i32
      %add3A_190 = arith.addi %mul3A_187, %mul3A_189 : i32
      %get3A_191 = arith.index_cast %add3A_190 : i32 to index
      %get3A_192 = tpu.vector_load %arg12[%get3A_191] {strides = array<i32>} : memref<4352xi32, #tpu.memory_space<vmem>>, vector<16xi32>,
      %mul3A_193 = arith.constant 16 : i32
      %mul3A_194 = arith.muli %select_n3A_185, %mul3A_193 : i32
      %swap3A = arith.index_cast %select_n3A_170 : i32 to index
      %swap3A_195 = arith.index_cast %mul3A_194 : i32 to index
      %swap3A_196 = tpu.vector_load %arg14[%swap3A, %swap3A_195] {strides = array<i32>} : memref<33x128xi32, #tpu.memory_space<vmem>>, vector<16xi32>,
      tpu.vector_store %arg14[%swap3A, %swap3A_195], %get3A_192 {strides = array<i32>} : memref<33x128xi32, #tpu.memory_space<vmem>>, vector<16xi32>,
      %mul3A_197 = arith.constant 128 : i32
      %mul3A_198 = arith.muli %select_n3A_170, %mul3A_197 : i32
      %mul3A_199 = arith.constant 16 : i32
      %mul3A_200 = arith.muli %select_n3A_185, %mul3A_199 : i32
      %add3A_201 = arith.addi %mul3A_198, %mul3A_200 : i32
      %get3A_202 = arith.index_cast %add3A_201 : i32 to index
      %get3A_203 = tpu.vector_load %arg13[%get3A_202] {strides = array<i32>} : memref<4352xi32, #tpu.memory_space<vmem>>, vector<16xi32>,
      %mul3A_204 = arith.constant 16 : i32
      %mul3A_205 = arith.muli %select_n3A_185, %mul3A_204 : i32
      %swap3A_206 = arith.index_cast %select_n3A_170 : i32 to index
      %swap3A_207 = arith.index_cast %mul3A_205 : i32 to index
      %swap3A_208 = tpu.vector_load %arg15[%swap3A_206, %swap3A_207] {strides = array<i32>} : memref<33x128xi32, #tpu.memory_space<vmem>>, vector<16xi32>,
      tpu.vector_store %arg15[%swap3A_206, %swap3A_207], %get3A_203 {strides = array<i32>} : memref<33x128xi32, #tpu.memory_space<vmem>>, vector<16xi32>,
      %while3A_209 = arith.constant 0 : i32
      scf.yield %while3A_209 : i32
    }
    %while3A_129 = arith.constant 1 : i32
    %while3A_130 = scf.for %while3A_145 = %while3A_126 to %while3A_122 step %while3A_129 iter_args(%while3A_146 = %while3A_128) -> (i32)  : i32 {
      %jit3A_147 = arith.constant 8 : i32
      %div3A_148 = arith.divsi %while3A_145, %jit3A_147 : i32
      %sign3A_149 = arith.constant 0 : i32
      %sign3A_150 = arith.cmpi sgt, %while3A_145, %sign3A_149 : i32
      %sign3A_151 = arith.extui %sign3A_150 : i1 to i32
      %sign3A_152 = arith.constant 0 : i32
      %sign3A_153 = arith.cmpi slt, %while3A_145, %sign3A_152 : i32
      %sign3A_154 = arith.extui %sign3A_153 : i1 to i32
      %sign3A_155 = arith.subi %sign3A_151, %sign3A_154 : i32
      %sign3A_156 = arith.constant 0 : i32
      %sign3A_157 = arith.cmpi sgt, %jit3A_147, %sign3A_156 : i32
      %sign3A_158 = arith.extui %sign3A_157 : i1 to i32
      %sign3A_159 = arith.constant 0 : i32
      %sign3A_160 = arith.cmpi slt, %jit3A_147, %sign3A_159 : i32
      %sign3A_161 = arith.extui %sign3A_160 : i1 to i32
      %sign3A_162 = arith.subi %sign3A_158, %sign3A_161 : i32
      %ne3A_163 = arith.cmpi ne, %sign3A_155, %sign3A_162 : i32
      %rem3A_164 = arith.remsi %while3A_145, %jit3A_147 : i32
      %ne3A_165 = arith.constant 0 : i32
      %ne3A_166 = arith.cmpi ne, %rem3A_164, %ne3A_165 : i32
      %and3A_167 = arith.andi %ne3A_163, %ne3A_166 : i1
      %sub3A_168 = arith.constant 1 : i32
      %sub3A_169 = arith.subi %div3A_148, %sub3A_168 : i32
      %select_n3A_170 = arith.select %and3A_167, %sub3A_169, %div3A_148 : i32
      %jit3A_171 = arith.constant 8 : i32
      %eq3A = arith.constant 0 : i32
      %eq3A_172 = arith.cmpi eq, %jit3A_171, %eq3A : i32
      %jit3A_173 = arith.constant 1 : i32
      %select_n3A_174 = arith.select %eq3A_172, %jit3A_173, %jit3A_171 : i32
      %rem3A_175 = arith.remsi %while3A_145, %select_n3A_174 : i32
      %ne3A_176 = arith.constant 0 : i32
      %ne3A_177 = arith.cmpi ne, %rem3A_175, %ne3A_176 : i32
      %lt3A_178 = arith.constant 0 : i32
      %lt3A_179 = arith.cmpi slt, %rem3A_175, %lt3A_178 : i32
      %lt3A_180 = arith.constant 0 : i32
      %lt3A_181 = arith.cmpi slt, %select_n3A_174, %lt3A_180 : i32
      %ne3A_182 = arith.xori %lt3A_179, %lt3A_181 : i1
      %and3A_183 = arith.andi %ne3A_182, %ne3A_177 : i1
      %add3A_184 = arith.addi %rem3A_175, %select_n3A_174 : i32
      %select_n3A_185 = arith.select %and3A_183, %add3A_184, %rem3A_175 : i32
      %mul3A_186 = arith.constant 128 : i32
      %mul3A_187 = arith.muli %select_n3A_170, %mul3A_186 : i32
      %mul3A_188 = arith.constant 16 : i32
      %mul3A_189 = arith.muli %select_n3A_185, %mul3A_188 : i32
      %add3A_190 = arith.addi %mul3A_187, %mul3A_189 : i32
      %get3A_191 = arith.index_cast %add3A_190 : i32 to index
      %get3A_192 = tpu.vector_load %arg12[%get3A_191] {strides = array<i32>} : memref<4352xi32, #tpu.memory_space<vmem>>, vector<16xi32>,
      %mul3A_193 = arith.constant 16 : i32
      %mul3A_194 = arith.muli %select_n3A_185, %mul3A_193 : i32
      %swap3A = arith.index_cast %select_n3A_170 : i32 to index
      %swap3A_195 = arith.index_cast %mul3A_194 : i32 to index
      %swap3A_196 = tpu.vector_load %arg14[%swap3A, %swap3A_195] {strides = array<i32>} : memref<33x128xi32, #tpu.memory_space<vmem>>, vector<16xi32>,
      tpu.vector_store %arg14[%swap3A, %swap3A_195], %get3A_192 {strides = array<i32>} : memref<33x128xi32, #tpu.memory_space<vmem>>, vector<16xi32>,
      %mul3A_197 = arith.constant 128 : i32
      %mul3A_198 = arith.muli %select_n3A_170, %mul3A_197 : i32
      %mul3A_199 = arith.constant 16 : i32
      %mul3A_200 = arith.muli %select_n3A_185, %mul3A_199 : i32
      %add3A_201 = arith.addi %mul3A_198, %mul3A_200 : i32
      %get3A_202 = arith.index_cast %add3A_201 : i32 to index
      %get3A_203 = tpu.vector_load %arg13[%get3A_202] {strides = array<i32>} : memref<4352xi32, #tpu.memory_space<vmem>>, vector<16xi32>,
      %mul3A_204 = arith.constant 16 : i32
      %mul3A_205 = arith.muli %select_n3A_185, %mul3A_204 : i32
      %swap3A_206 = arith.index_cast %select_n3A_170 : i32 to index
      %swap3A_207 = arith.index_cast %mul3A_205 : i32 to index
      %swap3A_208 = tpu.vector_load %arg15[%swap3A_206, %swap3A_207] {strides = array<i32>} : memref<33x128xi32, #tpu.memory_space<vmem>>, vector<16xi32>,
      tpu.vector_store %arg15[%swap3A_206, %swap3A_207], %get3A_203 {strides = array<i32>} : memref<33x128xi32, #tpu.memory_space<vmem>>, vector<16xi32>,
      %while3A_209 = arith.constant 0 : i32
      scf.yield %while3A_209 : i32
    }
    %gt3A = arith.constant 0 : i32
    %gt3A_131 = arith.cmpi sgt, %select_n3A, %gt3A : i32
    %convert_element_type3A = arith.extui %gt3A_131 : i1 to i32
    %cond3A = arith.constant 0 : i32
    %cond3A_132 = arith.cmpi ne, %convert_element_type3A, %cond3A : i32
    scf.if %cond3A_132 {
      %dma_start3A = arith.constant 0 : i32
      %dma_start3A_145 = arith.constant 0 : i32
      %dma_start3A_146 = arith.constant 0 : i32
      %dma_start3A_147 = arith.constant 0 : i32
      %dma_start3A_148 = tpu.memref_slice %arg16[%dma_start3A_145, %dma_start3A_146, %dma_start3A_147] : memref<2x128x64xf32, #tpu.memory_space<vmem>> -> memref<1x128x64xf32, #tpu.memory_space<vmem>>
      %dma_start3A_149 = tpu.memref_squeeze %dma_start3A_148 : memref<1x128x64xf32, #tpu.memory_space<vmem>> -> memref<128x64xf32, #tpu.memory_space<vmem>>
      %dma_start3A_150 = arith.constant 0 : i32
      %dma_start3A_151 = tpu.memref_slice %arg14[%dma_start3A, %dma_start3A_150] : memref<33x128xi32, #tpu.memory_space<vmem>> -> memref<1x128xi32, #tpu.memory_space<vmem>>
      %dma_start3A_152 = tpu.memref_squeeze %dma_start3A_151 : memref<1x128xi32, #tpu.memory_space<vmem>> -> memref<128xi32, #tpu.memory_space<vmem>>
      %dma_start3A_153 = arith.constant 0 : i32
      %dma_start3A_154 = arith.constant 0 : i32
      %dma_start3A_155 = tpu.memref_slice %arg4[%dma_start3A_153, %dma_start3A_154] : memref<135168x64xf32, #tpu.memory_space<hbm>> -> memref<135168x64xf32, #tpu.memory_space<hbm>>
      tpu.enqueue_indirect_dma source(%dma_start3A_155 : memref<135168x64xf32, #tpu.memory_space<hbm>>) target(%dma_start3A_149 : memref<128x64xf32, #tpu.memory_space<vmem>>) offsets(%dma_start3A_152 : memref<128xi32, #tpu.memory_space<vmem>>) semaphore(%arg22 : memref<!tpu.dma_semaphore, #tpu.memory_space<semaphore_mem>>)
    } else {
    }
    %while3A_133 = arith.constant 0 : i32
    %while3A_134 = arith.constant 0 : i32
    %while3A_135 = arith.subi %select_n3A, %while3A_133 : i32
    %while3A_136 = arith.addi %while3A_133, %while3A_135 : i32
    %while3A_137 = arith.constant 1 : i32
    %while3A_138 = arith.divsi %while3A_135, %while3A_137 : i32
    %while3A_139 = arith.muli %while3A_138, %while3A_137 : i32
    %while3A_140 = arith.addi %while3A_133, %while3A_139 : i32
    %while3A_141 = arith.constant 1 : i32
    %while3A_142 = scf.for %while3A_145 = %while3A_133 to %while3A_140 step %while3A_141 iter_args(%while3A_146 = %while3A_134) -> (i32)  : i32 {
      %jit3A_147 = arith.constant 2 : i32
      %eq3A = arith.constant 0 : i32
      %eq3A_148 = arith.cmpi eq, %jit3A_147, %eq3A : i32
      %jit3A_149 = arith.constant 1 : i32
      %select_n3A_150 = arith.select %eq3A_148, %jit3A_149, %jit3A_147 : i32
      %rem3A_151 = arith.remsi %while3A_145, %select_n3A_150 : i32
      %ne3A_152 = arith.constant 0 : i32
      %ne3A_153 = arith.cmpi ne, %rem3A_151, %ne3A_152 : i32
      %lt3A_154 = arith.constant 0 : i32
      %lt3A_155 = arith.cmpi slt, %rem3A_151, %lt3A_154 : i32
      %lt3A_156 = arith.constant 0 : i32
      %lt3A_157 = arith.cmpi slt, %select_n3A_150, %lt3A_156 : i32
      %ne3A_158 = arith.xori %lt3A_155, %lt3A_157 : i1
      %and3A_159 = arith.andi %ne3A_158, %ne3A_153 : i1
      %add3A_160 = arith.addi %rem3A_151, %select_n3A_150 : i32
      %select_n3A_161 = arith.select %and3A_159, %add3A_160, %rem3A_151 : i32
      %eq3A_162 = arith.constant 0 : i32
      %eq3A_163 = arith.cmpi eq, %select_n3A_161, %eq3A_162 : i32
      %convert_element_type3A_164 = arith.extui %eq3A_163 : i1 to i32
      %cond3A_165 = arith.constant 0 : i32
      %cond3A_166 = arith.cmpi ne, %convert_element_type3A_164, %cond3A_165 : i32
      scf.if %cond3A_166 {
        %dma_wait3A = arith.constant 0 : i32
        %dma_wait3A_189 = arith.constant 0 : i32
        %dma_wait3A_190 = arith.constant 0 : i32
        %dma_wait3A_191 = tpu.memref_slice %arg16[%dma_wait3A, %dma_wait3A_189, %dma_wait3A_190] : memref<2x128x64xf32, #tpu.memory_space<vmem>> -> memref<1x128x64xf32, #tpu.memory_space<vmem>>
        %dma_wait3A_192 = tpu.memref_squeeze %dma_wait3A_191 : memref<1x128x64xf32, #tpu.memory_space<vmem>> -> memref<128x64xf32, #tpu.memory_space<vmem>>
        %dma_wait3A_193 = arith.constant 0 : i32
        %dma_wait3A_194 = tpu.memref_slice %arg14[%while3A_145, %dma_wait3A_193] : memref<33x128xi32, #tpu.memory_space<vmem>> -> memref<1x128xi32, #tpu.memory_space<vmem>>
        %dma_wait3A_195 = tpu.memref_squeeze %dma_wait3A_194 : memref<1x128xi32, #tpu.memory_space<vmem>> -> memref<128xi32, #tpu.memory_space<vmem>>
        %dma_wait3A_196 = arith.constant 0 : i32
        %dma_wait3A_197 = arith.constant 0 : i32
        %dma_wait3A_198 = tpu.memref_slice %arg4[%dma_wait3A_196, %dma_wait3A_197] : memref<135168x64xf32, #tpu.memory_space<hbm>> -> memref<135168x64xf32, #tpu.memory_space<hbm>>
        tpu.wait_indirect_dma semaphore(%arg22 : memref<!tpu.dma_semaphore, #tpu.memory_space<semaphore_mem>>) src(%dma_wait3A_198 : memref<135168x64xf32, #tpu.memory_space<hbm>>) dst(%dma_wait3A_192 : memref<128x64xf32, #tpu.memory_space<vmem>>)
        %add3A_199 = arith.constant 1 : i32
        %add3A_200 = arith.addi %while3A_145, %add3A_199 : i32
        %lt3A_201 = arith.cmpi slt, %add3A_200, %select_n3A : i32
        %convert_element_type3A_202 = arith.extui %lt3A_201 : i1 to i32
        %cond3A_203 = arith.constant 0 : i32
        %cond3A_204 = arith.cmpi ne, %convert_element_type3A_202, %cond3A_203 : i32
        scf.if %cond3A_204 {
          %add3A_205 = arith.constant 1 : i32
          %add3A_206 = arith.addi %while3A_145, %add3A_205 : i32
          %dma_start3A = arith.constant 1 : i32
          %dma_start3A_207 = arith.constant 0 : i32
          %dma_start3A_208 = arith.constant 0 : i32
          %dma_start3A_209 = tpu.memref_slice %arg16[%dma_start3A, %dma_start3A_207, %dma_start3A_208] : memref<2x128x64xf32, #tpu.memory_space<vmem>> -> memref<1x128x64xf32, #tpu.memory_space<vmem>>
          %dma_start3A_210 = tpu.memref_squeeze %dma_start3A_209 : memref<1x128x64xf32, #tpu.memory_space<vmem>> -> memref<128x64xf32, #tpu.memory_space<vmem>>
          %dma_start3A_211 = arith.constant 0 : i32
          %dma_start3A_212 = tpu.memref_slice %arg14[%add3A_206, %dma_start3A_211] : memref<33x128xi32, #tpu.memory_space<vmem>> -> memref<1x128xi32, #tpu.memory_space<vmem>>
          %dma_start3A_213 = tpu.memref_squeeze %dma_start3A_212 : memref<1x128xi32, #tpu.memory_space<vmem>> -> memref<128xi32, #tpu.memory_space<vmem>>
          %dma_start3A_214 = arith.constant 0 : i32
          %dma_start3A_215 = arith.constant 0 : i32
          %dma_start3A_216 = tpu.memref_slice %arg4[%dma_start3A_214, %dma_start3A_215] : memref<135168x64xf32, #tpu.memory_space<hbm>> -> memref<135168x64xf32, #tpu.memory_space<hbm>>
          tpu.enqueue_indirect_dma source(%dma_start3A_216 : memref<135168x64xf32, #tpu.memory_space<hbm>>) target(%dma_start3A_210 : memref<128x64xf32, #tpu.memory_space<vmem>>) offsets(%dma_start3A_213 : memref<128xi32, #tpu.memory_space<vmem>>) semaphore(%arg22 : memref<!tpu.dma_semaphore, #tpu.memory_space<semaphore_mem>>)
        } else {
        }
        %run_scoped3A = arith.constant 0 : i32
        "tpu.region"() ({
          %run_scoped3A_205 = tpu.sem_alloc : memref<!tpu.dma_semaphore, #tpu.memory_space<semaphore_mem>>
          %dma_start3A = arith.constant 0 : i32
          %dma_start3A_206 = arith.constant 0 : i32
          %dma_start3A_207 = tpu.memref_slice %arg16[%run_scoped3A, %dma_start3A, %dma_start3A_206] : memref<2x128x64xf32, #tpu.memory_space<vmem>> -> memref<1x128x64xf32, #tpu.memory_space<vmem>>
          %dma_start3A_208 = tpu.memref_squeeze %dma_start3A_207 : memref<1x128x64xf32, #tpu.memory_space<vmem>> -> memref<128x64xf32, #tpu.memory_space<vmem>>
          %dma_start3A_209 = arith.constant 0 : i32
          %dma_start3A_210 = tpu.memref_slice %arg15[%while3A_145, %dma_start3A_209] : memref<33x128xi32, #tpu.memory_space<vmem>> -> memref<1x128xi32, #tpu.memory_space<vmem>>
          %dma_start3A_211 = tpu.memref_squeeze %dma_start3A_210 : memref<1x128xi32, #tpu.memory_space<vmem>> -> memref<128xi32, #tpu.memory_space<vmem>>
          %dma_start3A_212 = arith.constant 0 : i32
          %dma_start3A_213 = arith.constant 0 : i32
          %dma_start3A_214 = tpu.memref_slice %arg5[%dma_start3A_212, %dma_start3A_213] : memref<500000x64xf32, #tpu.memory_space<hbm>> -> memref<500000x64xf32, #tpu.memory_space<hbm>>
          tpu.enqueue_indirect_dma source(%dma_start3A_208 : memref<128x64xf32, #tpu.memory_space<vmem>>) target(%dma_start3A_214 : memref<500000x64xf32, #tpu.memory_space<hbm>>) offsets(%dma_start3A_211 : memref<128xi32, #tpu.memory_space<vmem>>) semaphore(%run_scoped3A_205 : memref<!tpu.dma_semaphore, #tpu.memory_space<semaphore_mem>>)
          %dma_wait3A_215 = arith.constant 0 : i32
          %dma_wait3A_216 = arith.constant 0 : i32
          %dma_wait3A_217 = tpu.memref_slice %arg16[%run_scoped3A, %dma_wait3A_215, %dma_wait3A_216] : memref<2x128x64xf32, #tpu.memory_space<vmem>> -> memref<1x128x64xf32, #tpu.memory_space<vmem>>
          %dma_wait3A_218 = tpu.memref_squeeze %dma_wait3A_217 : memref<1x128x64xf32, #tpu.memory_space<vmem>> -> memref<128x64xf32, #tpu.memory_space<vmem>>
          %dma_wait3A_219 = arith.constant 0 : i32
          %dma_wait3A_220 = tpu.memref_slice %arg15[%while3A_145, %dma_wait3A_219] : memref<33x128xi32, #tpu.memory_space<vmem>> -> memref<1x128xi32, #tpu.memory_space<vmem>>
          %dma_wait3A_221 = tpu.memref_squeeze %dma_wait3A_220 : memref<1x128xi32, #tpu.memory_space<vmem>> -> memref<128xi32, #tpu.memory_space<vmem>>
          %dma_wait3A_222 = arith.constant 0 : i32
          %dma_wait3A_223 = arith.constant 0 : i32
          %dma_wait3A_224 = tpu.memref_slice %arg5[%dma_wait3A_222, %dma_wait3A_223] : memref<500000x64xf32, #tpu.memory_space<hbm>> -> memref<500000x64xf32, #tpu.memory_space<hbm>>
          tpu.wait_indirect_dma semaphore(%run_scoped3A_205 : memref<!tpu.dma_semaphore, #tpu.memory_space<semaphore_mem>>) src(%dma_wait3A_218 : memref<128x64xf32, #tpu.memory_space<vmem>>) dst(%dma_wait3A_224 : memref<500000x64xf32, #tpu.memory_space<hbm>>)
          tpu.yield
        }) : () -> ()
      } else {
      }
      %jit3A_167 = arith.constant 2 : i32
      %eq3A_168 = arith.constant 0 : i32
      %eq3A_169 = arith.cmpi eq, %jit3A_167, %eq3A_168 : i32
      %jit3A_170 = arith.constant 1 : i32
      %select_n3A_171 = arith.select %eq3A_169, %jit3A_170, %jit3A_167 : i32
      %rem3A_172 = arith.remsi %while3A_145, %select_n3A_171 : i32
      %ne3A_173 = arith.constant 0 : i32
      %ne3A_174 = arith.cmpi ne, %rem3A_172, %ne3A_173 : i32
      %lt3A_175 = arith.constant 0 : i32
      %lt3A_176 = arith.cmpi slt, %rem3A_172, %lt3A_175 : i32
      %lt3A_177 = arith.constant 0 : i32
      %lt3A_178 = arith.cmpi slt, %select_n3A_171, %lt3A_177 : i32
      %ne3A_179 = arith.xori %lt3A_176, %lt3A_178 : i1
      %and3A_180 = arith.andi %ne3A_179, %ne3A_174 : i1
      %add3A_181 = arith.addi %rem3A_172, %select_n3A_171 : i32
      %select_n3A_182 = arith.select %and3A_180, %add3A_181, %rem3A_172 : i32
      %eq3A_183 = arith.constant 1 : i32
      %eq3A_184 = arith.cmpi eq, %select_n3A_182, %eq3A_183 : i32
      %convert_element_type3A_185 = arith.extui %eq3A_184 : i1 to i32
      %cond3A_186 = arith.constant 0 : i32
      %cond3A_187 = arith.cmpi ne, %convert_element_type3A_185, %cond3A_186 : i32
      scf.if %cond3A_187 {
        %dma_wait3A = arith.constant 1 : i32
        %dma_wait3A_189 = arith.constant 0 : i32
        %dma_wait3A_190 = arith.constant 0 : i32
        %dma_wait3A_191 = tpu.memref_slice %arg16[%dma_wait3A, %dma_wait3A_189, %dma_wait3A_190] : memref<2x128x64xf32, #tpu.memory_space<vmem>> -> memref<1x128x64xf32, #tpu.memory_space<vmem>>
        %dma_wait3A_192 = tpu.memref_squeeze %dma_wait3A_191 : memref<1x128x64xf32, #tpu.memory_space<vmem>> -> memref<128x64xf32, #tpu.memory_space<vmem>>
        %dma_wait3A_193 = arith.constant 0 : i32
        %dma_wait3A_194 = tpu.memref_slice %arg14[%while3A_145, %dma_wait3A_193] : memref<33x128xi32, #tpu.memory_space<vmem>> -> memref<1x128xi32, #tpu.memory_space<vmem>>
        %dma_wait3A_195 = tpu.memref_squeeze %dma_wait3A_194 : memref<1x128xi32, #tpu.memory_space<vmem>> -> memref<128xi32, #tpu.memory_space<vmem>>
        %dma_wait3A_196 = arith.constant 0 : i32
        %dma_wait3A_197 = arith.constant 0 : i32
        %dma_wait3A_198 = tpu.memref_slice %arg4[%dma_wait3A_196, %dma_wait3A_197] : memref<135168x64xf32, #tpu.memory_space<hbm>> -> memref<135168x64xf32, #tpu.memory_space<hbm>>
        tpu.wait_indirect_dma semaphore(%arg22 : memref<!tpu.dma_semaphore, #tpu.memory_space<semaphore_mem>>) src(%dma_wait3A_198 : memref<135168x64xf32, #tpu.memory_space<hbm>>) dst(%dma_wait3A_192 : memref<128x64xf32, #tpu.memory_space<vmem>>)
        %add3A_199 = arith.constant 1 : i32
        %add3A_200 = arith.addi %while3A_145, %add3A_199 : i32
        %lt3A_201 = arith.cmpi slt, %add3A_200, %select_n3A : i32
        %convert_element_type3A_202 = arith.extui %lt3A_201 : i1 to i32
        %cond3A_203 = arith.constant 0 : i32
        %cond3A_204 = arith.cmpi ne, %convert_element_type3A_202, %cond3A_203 : i32
        scf.if %cond3A_204 {
          %add3A_205 = arith.constant 1 : i32
          %add3A_206 = arith.addi %while3A_145, %add3A_205 : i32
          %dma_start3A = arith.constant 0 : i32
          %dma_start3A_207 = arith.constant 0 : i32
          %dma_start3A_208 = arith.constant 0 : i32
          %dma_start3A_209 = tpu.memref_slice %arg16[%dma_start3A, %dma_start3A_207, %dma_start3A_208] : memref<2x128x64xf32, #tpu.memory_space<vmem>> -> memref<1x128x64xf32, #tpu.memory_space<vmem>>
          %dma_start3A_210 = tpu.memref_squeeze %dma_start3A_209 : memref<1x128x64xf32, #tpu.memory_space<vmem>> -> memref<128x64xf32, #tpu.memory_space<vmem>>
          %dma_start3A_211 = arith.constant 0 : i32
          %dma_start3A_212 = tpu.memref_slice %arg14[%add3A_206, %dma_start3A_211] : memref<33x128xi32, #tpu.memory_space<vmem>> -> memref<1x128xi32, #tpu.memory_space<vmem>>
          %dma_start3A_213 = tpu.memref_squeeze %dma_start3A_212 : memref<1x128xi32, #tpu.memory_space<vmem>> -> memref<128xi32, #tpu.memory_space<vmem>>
          %dma_start3A_214 = arith.constant 0 : i32
          %dma_start3A_215 = arith.constant 0 : i32
          %dma_start3A_216 = tpu.memref_slice %arg4[%dma_start3A_214, %dma_start3A_215] : memref<135168x64xf32, #tpu.memory_space<hbm>> -> memref<135168x64xf32, #tpu.memory_space<hbm>>
          tpu.enqueue_indirect_dma source(%dma_start3A_216 : memref<135168x64xf32, #tpu.memory_space<hbm>>) target(%dma_start3A_210 : memref<128x64xf32, #tpu.memory_space<vmem>>) offsets(%dma_start3A_213 : memref<128xi32, #tpu.memory_space<vmem>>) semaphore(%arg22 : memref<!tpu.dma_semaphore, #tpu.memory_space<semaphore_mem>>)
        } else {
        }
        %run_scoped3A = arith.constant 1 : i32
        "tpu.region"() ({
          %run_scoped3A_205 = tpu.sem_alloc : memref<!tpu.dma_semaphore, #tpu.memory_space<semaphore_mem>>
          %dma_start3A = arith.constant 0 : i32
          %dma_start3A_206 = arith.constant 0 : i32
          %dma_start3A_207 = tpu.memref_slice %arg16[%run_scoped3A, %dma_start3A, %dma_start3A_206] : memref<2x128x64xf32, #tpu.memory_space<vmem>> -> memref<1x128x64xf32, #tpu.memory_space<vmem>>
          %dma_start3A_208 = tpu.memref_squeeze %dma_start3A_207 : memref<1x128x64xf32, #tpu.memory_space<vmem>> -> memref<128x64xf32, #tpu.memory_space<vmem>>
          %dma_start3A_209 = arith.constant 0 : i32
          %dma_start3A_210 = tpu.memref_slice %arg15[%while3A_145, %dma_start3A_209] : memref<33x128xi32, #tpu.memory_space<vmem>> -> memref<1x128xi32, #tpu.memory_space<vmem>>
          %dma_start3A_211 = tpu.memref_squeeze %dma_start3A_210 : memref<1x128xi32, #tpu.memory_space<vmem>> -> memref<128xi32, #tpu.memory_space<vmem>>
          %dma_start3A_212 = arith.constant 0 : i32
          %dma_start3A_213 = arith.constant 0 : i32
          %dma_start3A_214 = tpu.memref_slice %arg5[%dma_start3A_212, %dma_start3A_213] : memref<500000x64xf32, #tpu.memory_space<hbm>> -> memref<500000x64xf32, #tpu.memory_space<hbm>>
          tpu.enqueue_indirect_dma source(%dma_start3A_208 : memref<128x64xf32, #tpu.memory_space<vmem>>) target(%dma_start3A_214 : memref<500000x64xf32, #tpu.memory_space<hbm>>) offsets(%dma_start3A_211 : memref<128xi32, #tpu.memory_space<vmem>>) semaphore(%run_scoped3A_205 : memref<!tpu.dma_semaphore, #tpu.memory_space<semaphore_mem>>)
          %dma_wait3A_215 = arith.constant 0 : i32
          %dma_wait3A_216 = arith.constant 0 : i32
          %dma_wait3A_217 = tpu.memref_slice %arg16[%run_scoped3A, %dma_wait3A_215, %dma_wait3A_216] : memref<2x128x64xf32, #tpu.memory_space<vmem>> -> memref<1x128x64xf32, #tpu.memory_space<vmem>>
          %dma_wait3A_218 = tpu.memref_squeeze %dma_wait3A_217 : memref<1x128x64xf32, #tpu.memory_space<vmem>> -> memref<128x64xf32, #tpu.memory_space<vmem>>
          %dma_wait3A_219 = arith.constant 0 : i32
          %dma_wait3A_220 = tpu.memref_slice %arg15[%while3A_145, %dma_wait3A_219] : memref<33x128xi32, #tpu.memory_space<vmem>> -> memref<1x128xi32, #tpu.memory_space<vmem>>
          %dma_wait3A_221 = tpu.memref_squeeze %dma_wait3A_220 : memref<1x128xi32, #tpu.memory_space<vmem>> -> memref<128xi32, #tpu.memory_space<vmem>>
          %dma_wait3A_222 = arith.constant 0 : i32
          %dma_wait3A_223 = arith.constant 0 : i32
          %dma_wait3A_224 = tpu.memref_slice %arg5[%dma_wait3A_222, %dma_wait3A_223] : memref<500000x64xf32, #tpu.memory_space<hbm>> -> memref<500000x64xf32, #tpu.memory_space<hbm>>
          tpu.wait_indirect_dma semaphore(%run_scoped3A_205 : memref<!tpu.dma_semaphore, #tpu.memory_space<semaphore_mem>>) src(%dma_wait3A_218 : memref<128x64xf32, #tpu.memory_space<vmem>>) dst(%dma_wait3A_224 : memref<500000x64xf32, #tpu.memory_space<hbm>>)
          tpu.yield
        }) : () -> ()
      } else {
      }
      %while3A_188 = arith.constant 0 : i32
      scf.yield %while3A_188 : i32
    }
    %while3A_143 = arith.constant 1 : i32
    %while3A_144 = scf.for %while3A_145 = %while3A_140 to %while3A_136 step %while3A_143 iter_args(%while3A_146 = %while3A_142) -> (i32)  : i32 {
      %jit3A_147 = arith.constant 2 : i32
      %eq3A = arith.constant 0 : i32
      %eq3A_148 = arith.cmpi eq, %jit3A_147, %eq3A : i32
      %jit3A_149 = arith.constant 1 : i32
      %select_n3A_150 = arith.select %eq3A_148, %jit3A_149, %jit3A_147 : i32
      %rem3A_151 = arith.remsi %while3A_145, %select_n3A_150 : i32
      %ne3A_152 = arith.constant 0 : i32
      %ne3A_153 = arith.cmpi ne, %rem3A_151, %ne3A_152 : i32
      %lt3A_154 = arith.constant 0 : i32
      %lt3A_155 = arith.cmpi slt, %rem3A_151, %lt3A_154 : i32
      %lt3A_156 = arith.constant 0 : i32
      %lt3A_157 = arith.cmpi slt, %select_n3A_150, %lt3A_156 : i32
      %ne3A_158 = arith.xori %lt3A_155, %lt3A_157 : i1
      %and3A_159 = arith.andi %ne3A_158, %ne3A_153 : i1
      %add3A_160 = arith.addi %rem3A_151, %select_n3A_150 : i32
      %select_n3A_161 = arith.select %and3A_159, %add3A_160, %rem3A_151 : i32
      %eq3A_162 = arith.constant 0 : i32
      %eq3A_163 = arith.cmpi eq, %select_n3A_161, %eq3A_162 : i32
      %convert_element_type3A_164 = arith.extui %eq3A_163 : i1 to i32
      %cond3A_165 = arith.constant 0 : i32
      %cond3A_166 = arith.cmpi ne, %convert_element_type3A_164, %cond3A_165 : i32
      scf.if %cond3A_166 {
        %dma_wait3A = arith.constant 0 : i32
        %dma_wait3A_189 = arith.constant 0 : i32
        %dma_wait3A_190 = arith.constant 0 : i32
        %dma_wait3A_191 = tpu.memref_slice %arg16[%dma_wait3A, %dma_wait3A_189, %dma_wait3A_190] : memref<2x128x64xf32, #tpu.memory_space<vmem>> -> memref<1x128x64xf32, #tpu.memory_space<vmem>>
        %dma_wait3A_192 = tpu.memref_squeeze %dma_wait3A_191 : memref<1x128x64xf32, #tpu.memory_space<vmem>> -> memref<128x64xf32, #tpu.memory_space<vmem>>
        %dma_wait3A_193 = arith.constant 0 : i32
        %dma_wait3A_194 = tpu.memref_slice %arg14[%while3A_145, %dma_wait3A_193] : memref<33x128xi32, #tpu.memory_space<vmem>> -> memref<1x128xi32, #tpu.memory_space<vmem>>
        %dma_wait3A_195 = tpu.memref_squeeze %dma_wait3A_194 : memref<1x128xi32, #tpu.memory_space<vmem>> -> memref<128xi32, #tpu.memory_space<vmem>>
        %dma_wait3A_196 = arith.constant 0 : i32
        %dma_wait3A_197 = arith.constant 0 : i32
        %dma_wait3A_198 = tpu.memref_slice %arg4[%dma_wait3A_196, %dma_wait3A_197] : memref<135168x64xf32, #tpu.memory_space<hbm>> -> memref<135168x64xf32, #tpu.memory_space<hbm>>
        tpu.wait_indirect_dma semaphore(%arg22 : memref<!tpu.dma_semaphore, #tpu.memory_space<semaphore_mem>>) src(%dma_wait3A_198 : memref<135168x64xf32, #tpu.memory_space<hbm>>) dst(%dma_wait3A_192 : memref<128x64xf32, #tpu.memory_space<vmem>>)
        %add3A_199 = arith.constant 1 : i32
        %add3A_200 = arith.addi %while3A_145, %add3A_199 : i32
        %lt3A_201 = arith.cmpi slt, %add3A_200, %select_n3A : i32
        %convert_element_type3A_202 = arith.extui %lt3A_201 : i1 to i32
        %cond3A_203 = arith.constant 0 : i32
        %cond3A_204 = arith.cmpi ne, %convert_element_type3A_202, %cond3A_203 : i32
        scf.if %cond3A_204 {
          %add3A_205 = arith.constant 1 : i32
          %add3A_206 = arith.addi %while3A_145, %add3A_205 : i32
          %dma_start3A = arith.constant 1 : i32
          %dma_start3A_207 = arith.constant 0 : i32
          %dma_start3A_208 = arith.constant 0 : i32
          %dma_start3A_209 = tpu.memref_slice %arg16[%dma_start3A, %dma_start3A_207, %dma_start3A_208] : memref<2x128x64xf32, #tpu.memory_space<vmem>> -> memref<1x128x64xf32, #tpu.memory_space<vmem>>
          %dma_start3A_210 = tpu.memref_squeeze %dma_start3A_209 : memref<1x128x64xf32, #tpu.memory_space<vmem>> -> memref<128x64xf32, #tpu.memory_space<vmem>>
          %dma_start3A_211 = arith.constant 0 : i32
          %dma_start3A_212 = tpu.memref_slice %arg14[%add3A_206, %dma_start3A_211] : memref<33x128xi32, #tpu.memory_space<vmem>> -> memref<1x128xi32, #tpu.memory_space<vmem>>
          %dma_start3A_213 = tpu.memref_squeeze %dma_start3A_212 : memref<1x128xi32, #tpu.memory_space<vmem>> -> memref<128xi32, #tpu.memory_space<vmem>>
          %dma_start3A_214 = arith.constant 0 : i32
          %dma_start3A_215 = arith.constant 0 : i32
          %dma_start3A_216 = tpu.memref_slice %arg4[%dma_start3A_214, %dma_start3A_215] : memref<135168x64xf32, #tpu.memory_space<hbm>> -> memref<135168x64xf32, #tpu.memory_space<hbm>>
          tpu.enqueue_indirect_dma source(%dma_start3A_216 : memref<135168x64xf32, #tpu.memory_space<hbm>>) target(%dma_start3A_210 : memref<128x64xf32, #tpu.memory_space<vmem>>) offsets(%dma_start3A_213 : memref<128xi32, #tpu.memory_space<vmem>>) semaphore(%arg22 : memref<!tpu.dma_semaphore, #tpu.memory_space<semaphore_mem>>)
        } else {
        }
        %run_scoped3A = arith.constant 0 : i32
        "tpu.region"() ({
          %run_scoped3A_205 = tpu.sem_alloc : memref<!tpu.dma_semaphore, #tpu.memory_space<semaphore_mem>>
          %dma_start3A = arith.constant 0 : i32
          %dma_start3A_206 = arith.constant 0 : i32
          %dma_start3A_207 = tpu.memref_slice %arg16[%run_scoped3A, %dma_start3A, %dma_start3A_206] : memref<2x128x64xf32, #tpu.memory_space<vmem>> -> memref<1x128x64xf32, #tpu.memory_space<vmem>>
          %dma_start3A_208 = tpu.memref_squeeze %dma_start3A_207 : memref<1x128x64xf32, #tpu.memory_space<vmem>> -> memref<128x64xf32, #tpu.memory_space<vmem>>
          %dma_start3A_209 = arith.constant 0 : i32
          %dma_start3A_210 = tpu.memref_slice %arg15[%while3A_145, %dma_start3A_209] : memref<33x128xi32, #tpu.memory_space<vmem>> -> memref<1x128xi32, #tpu.memory_space<vmem>>
          %dma_start3A_211 = tpu.memref_squeeze %dma_start3A_210 : memref<1x128xi32, #tpu.memory_space<vmem>> -> memref<128xi32, #tpu.memory_space<vmem>>
          %dma_start3A_212 = arith.constant 0 : i32
          %dma_start3A_213 = arith.constant 0 : i32
          %dma_start3A_214 = tpu.memref_slice %arg5[%dma_start3A_212, %dma_start3A_213] : memref<500000x64xf32, #tpu.memory_space<hbm>> -> memref<500000x64xf32, #tpu.memory_space<hbm>>
          tpu.enqueue_indirect_dma source(%dma_start3A_208 : memref<128x64xf32, #tpu.memory_space<vmem>>) target(%dma_start3A_214 : memref<500000x64xf32, #tpu.memory_space<hbm>>) offsets(%dma_start3A_211 : memref<128xi32, #tpu.memory_space<vmem>>) semaphore(%run_scoped3A_205 : memref<!tpu.dma_semaphore, #tpu.memory_space<semaphore_mem>>)
          %dma_wait3A_215 = arith.constant 0 : i32
          %dma_wait3A_216 = arith.constant 0 : i32
          %dma_wait3A_217 = tpu.memref_slice %arg16[%run_scoped3A, %dma_wait3A_215, %dma_wait3A_216] : memref<2x128x64xf32, #tpu.memory_space<vmem>> -> memref<1x128x64xf32, #tpu.memory_space<vmem>>
          %dma_wait3A_218 = tpu.memref_squeeze %dma_wait3A_217 : memref<1x128x64xf32, #tpu.memory_space<vmem>> -> memref<128x64xf32, #tpu.memory_space<vmem>>
          %dma_wait3A_219 = arith.constant 0 : i32
          %dma_wait3A_220 = tpu.memref_slice %arg15[%while3A_145, %dma_wait3A_219] : memref<33x128xi32, #tpu.memory_space<vmem>> -> memref<1x128xi32, #tpu.memory_space<vmem>>
          %dma_wait3A_221 = tpu.memref_squeeze %dma_wait3A_220 : memref<1x128xi32, #tpu.memory_space<vmem>> -> memref<128xi32, #tpu.memory_space<vmem>>
          %dma_wait3A_222 = arith.constant 0 : i32
          %dma_wait3A_223 = arith.constant 0 : i32
          %dma_wait3A_224 = tpu.memref_slice %arg5[%dma_wait3A_222, %dma_wait3A_223] : memref<500000x64xf32, #tpu.memory_space<hbm>> -> memref<500000x64xf32, #tpu.memory_space<hbm>>
          tpu.wait_indirect_dma semaphore(%run_scoped3A_205 : memref<!tpu.dma_semaphore, #tpu.memory_space<semaphore_mem>>) src(%dma_wait3A_218 : memref<128x64xf32, #tpu.memory_space<vmem>>) dst(%dma_wait3A_224 : memref<500000x64xf32, #tpu.memory_space<hbm>>)
          tpu.yield
        }) : () -> ()
      } else {
      }
      %jit3A_167 = arith.constant 2 : i32
      %eq3A_168 = arith.constant 0 : i32
      %eq3A_169 = arith.cmpi eq, %jit3A_167, %eq3A_168 : i32
      %jit3A_170 = arith.constant 1 : i32
      %select_n3A_171 = arith.select %eq3A_169, %jit3A_170, %jit3A_167 : i32
      %rem3A_172 = arith.remsi %while3A_145, %select_n3A_171 : i32
      %ne3A_173 = arith.constant 0 : i32
      %ne3A_174 = arith.cmpi ne, %rem3A_172, %ne3A_173 : i32
      %lt3A_175 = arith.constant 0 : i32
      %lt3A_176 = arith.cmpi slt, %rem3A_172, %lt3A_175 : i32
      %lt3A_177 = arith.constant 0 : i32
      %lt3A_178 = arith.cmpi slt, %select_n3A_171, %lt3A_177 : i32
      %ne3A_179 = arith.xori %lt3A_176, %lt3A_178 : i1
      %and3A_180 = arith.andi %ne3A_179, %ne3A_174 : i1
      %add3A_181 = arith.addi %rem3A_172, %select_n3A_171 : i32
      %select_n3A_182 = arith.select %and3A_180, %add3A_181, %rem3A_172 : i32
      %eq3A_183 = arith.constant 1 : i32
      %eq3A_184 = arith.cmpi eq, %select_n3A_182, %eq3A_183 : i32
      %convert_element_type3A_185 = arith.extui %eq3A_184 : i1 to i32
      %cond3A_186 = arith.constant 0 : i32
      %cond3A_187 = arith.cmpi ne, %convert_element_type3A_185, %cond3A_186 : i32
      scf.if %cond3A_187 {
        %dma_wait3A = arith.constant 1 : i32
        %dma_wait3A_189 = arith.constant 0 : i32
        %dma_wait3A_190 = arith.constant 0 : i32
        %dma_wait3A_191 = tpu.memref_slice %arg16[%dma_wait3A, %dma_wait3A_189, %dma_wait3A_190] : memref<2x128x64xf32, #tpu.memory_space<vmem>> -> memref<1x128x64xf32, #tpu.memory_space<vmem>>
        %dma_wait3A_192 = tpu.memref_squeeze %dma_wait3A_191 : memref<1x128x64xf32, #tpu.memory_space<vmem>> -> memref<128x64xf32, #tpu.memory_space<vmem>>
        %dma_wait3A_193 = arith.constant 0 : i32
        %dma_wait3A_194 = tpu.memref_slice %arg14[%while3A_145, %dma_wait3A_193] : memref<33x128xi32, #tpu.memory_space<vmem>> -> memref<1x128xi32, #tpu.memory_space<vmem>>
        %dma_wait3A_195 = tpu.memref_squeeze %dma_wait3A_194 : memref<1x128xi32, #tpu.memory_space<vmem>> -> memref<128xi32, #tpu.memory_space<vmem>>
        %dma_wait3A_196 = arith.constant 0 : i32
        %dma_wait3A_197 = arith.constant 0 : i32
        %dma_wait3A_198 = tpu.memref_slice %arg4[%dma_wait3A_196, %dma_wait3A_197] : memref<135168x64xf32, #tpu.memory_space<hbm>> -> memref<135168x64xf32, #tpu.memory_space<hbm>>
        tpu.wait_indirect_dma semaphore(%arg22 : memref<!tpu.dma_semaphore, #tpu.memory_space<semaphore_mem>>) src(%dma_wait3A_198 : memref<135168x64xf32, #tpu.memory_space<hbm>>) dst(%dma_wait3A_192 : memref<128x64xf32, #tpu.memory_space<vmem>>)
        %add3A_199 = arith.constant 1 : i32
        %add3A_200 = arith.addi %while3A_145, %add3A_199 : i32
        %lt3A_201 = arith.cmpi slt, %add3A_200, %select_n3A : i32
        %convert_element_type3A_202 = arith.extui %lt3A_201 : i1 to i32
        %cond3A_203 = arith.constant 0 : i32
        %cond3A_204 = arith.cmpi ne, %convert_element_type3A_202, %cond3A_203 : i32
        scf.if %cond3A_204 {
          %add3A_205 = arith.constant 1 : i32
          %add3A_206 = arith.addi %while3A_145, %add3A_205 : i32
          %dma_start3A = arith.constant 0 : i32
          %dma_start3A_207 = arith.constant 0 : i32
          %dma_start3A_208 = arith.constant 0 : i32
          %dma_start3A_209 = tpu.memref_slice %arg16[%dma_start3A, %dma_start3A_207, %dma_start3A_208] : memref<2x128x64xf32, #tpu.memory_space<vmem>> -> memref<1x128x64xf32, #tpu.memory_space<vmem>>
          %dma_start3A_210 = tpu.memref_squeeze %dma_start3A_209 : memref<1x128x64xf32, #tpu.memory_space<vmem>> -> memref<128x64xf32, #tpu.memory_space<vmem>>
          %dma_start3A_211 = arith.constant 0 : i32
          %dma_start3A_212 = tpu.memref_slice %arg14[%add3A_206, %dma_start3A_211] : memref<33x128xi32, #tpu.memory_space<vmem>> -> memref<1x128xi32, #tpu.memory_space<vmem>>
          %dma_start3A_213 = tpu.memref_squeeze %dma_start3A_212 : memref<1x128xi32, #tpu.memory_space<vmem>> -> memref<128xi32, #tpu.memory_space<vmem>>
          %dma_start3A_214 = arith.constant 0 : i32
          %dma_start3A_215 = arith.constant 0 : i32
          %dma_start3A_216 = tpu.memref_slice %arg4[%dma_start3A_214, %dma_start3A_215] : memref<135168x64xf32, #tpu.memory_space<hbm>> -> memref<135168x64xf32, #tpu.memory_space<hbm>>
          tpu.enqueue_indirect_dma source(%dma_start3A_216 : memref<135168x64xf32, #tpu.memory_space<hbm>>) target(%dma_start3A_210 : memref<128x64xf32, #tpu.memory_space<vmem>>) offsets(%dma_start3A_213 : memref<128xi32, #tpu.memory_space<vmem>>) semaphore(%arg22 : memref<!tpu.dma_semaphore, #tpu.memory_space<semaphore_mem>>)
        } else {
        }
        %run_scoped3A = arith.constant 1 : i32
        "tpu.region"() ({
          %run_scoped3A_205 = tpu.sem_alloc : memref<!tpu.dma_semaphore, #tpu.memory_space<semaphore_mem>>
          %dma_start3A = arith.constant 0 : i32
          %dma_start3A_206 = arith.constant 0 : i32
          %dma_start3A_207 = tpu.memref_slice %arg16[%run_scoped3A, %dma_start3A, %dma_start3A_206] : memref<2x128x64xf32, #tpu.memory_space<vmem>> -> memref<1x128x64xf32, #tpu.memory_space<vmem>>
          %dma_start3A_208 = tpu.memref_squeeze %dma_start3A_207 : memref<1x128x64xf32, #tpu.memory_space<vmem>> -> memref<128x64xf32, #tpu.memory_space<vmem>>
          %dma_start3A_209 = arith.constant 0 : i32
          %dma_start3A_210 = tpu.memref_slice %arg15[%while3A_145, %dma_start3A_209] : memref<33x128xi32, #tpu.memory_space<vmem>> -> memref<1x128xi32, #tpu.memory_space<vmem>>
          %dma_start3A_211 = tpu.memref_squeeze %dma_start3A_210 : memref<1x128xi32, #tpu.memory_space<vmem>> -> memref<128xi32, #tpu.memory_space<vmem>>
          %dma_start3A_212 = arith.constant 0 : i32
          %dma_start3A_213 = arith.constant 0 : i32
          %dma_start3A_214 = tpu.memref_slice %arg5[%dma_start3A_212, %dma_start3A_213] : memref<500000x64xf32, #tpu.memory_space<hbm>> -> memref<500000x64xf32, #tpu.memory_space<hbm>>
          tpu.enqueue_indirect_dma source(%dma_start3A_208 : memref<128x64xf32, #tpu.memory_space<vmem>>) target(%dma_start3A_214 : memref<500000x64xf32, #tpu.memory_space<hbm>>) offsets(%dma_start3A_211 : memref<128xi32, #tpu.memory_space<vmem>>) semaphore(%run_scoped3A_205 : memref<!tpu.dma_semaphore, #tpu.memory_space<semaphore_mem>>)
          %dma_wait3A_215 = arith.constant 0 : i32
          %dma_wait3A_216 = arith.constant 0 : i32
          %dma_wait3A_217 = tpu.memref_slice %arg16[%run_scoped3A, %dma_wait3A_215, %dma_wait3A_216] : memref<2x128x64xf32, #tpu.memory_space<vmem>> -> memref<1x128x64xf32, #tpu.memory_space<vmem>>
          %dma_wait3A_218 = tpu.memref_squeeze %dma_wait3A_217 : memref<1x128x64xf32, #tpu.memory_space<vmem>> -> memref<128x64xf32, #tpu.memory_space<vmem>>
          %dma_wait3A_219 = arith.constant 0 : i32
          %dma_wait3A_220 = tpu.memref_slice %arg15[%while3A_145, %dma_wait3A_219] : memref<33x128xi32, #tpu.memory_space<vmem>> -> memref<1x128xi32, #tpu.memory_space<vmem>>
          %dma_wait3A_221 = tpu.memref_squeeze %dma_wait3A_220 : memref<1x128xi32, #tpu.memory_space<vmem>> -> memref<128xi32, #tpu.memory_space<vmem>>
          %dma_wait3A_222 = arith.constant 0 : i32
          %dma_wait3A_223 = arith.constant 0 : i32
          %dma_wait3A_224 = tpu.memref_slice %arg5[%dma_wait3A_222, %dma_wait3A_223] : memref<500000x64xf32, #tpu.memory_space<hbm>> -> memref<500000x64xf32, #tpu.memory_space<hbm>>
          tpu.wait_indirect_dma semaphore(%run_scoped3A_205 : memref<!tpu.dma_semaphore, #tpu.memory_space<semaphore_mem>>) src(%dma_wait3A_218 : memref<128x64xf32, #tpu.memory_space<vmem>>) dst(%dma_wait3A_224 : memref<500000x64xf32, #tpu.memory_space<hbm>>)
          tpu.yield
        }) : () -> ()
      } else {
      }
      %while3A_188 = arith.constant 0 : i32
      scf.yield %while3A_188 : i32
    }
    return
  }
}

module attributes {stable_mosaic.version = 14 : i64} {
  func.func @_dense_body(%arg0: i32, %arg1: memref<33x128x128xf32, #tpu.memory_space<vmem>>, %arg2: memref<33x128x8xf32, #tpu.memory_space<vmem>>, %arg3: memref<128x2xf32, #tpu.memory_space<vmem>>, %arg4: memref<8x128xf32, #tpu.memory_space<vmem>>, %arg5: memref<128xf32, #tpu.memory_space<vmem>>, %arg6: memref<128x128xf32, #tpu.memory_space<vmem>>, %arg7: memref<128xf32, #tpu.memory_space<vmem>>, %arg8: memref<128x128xf32, #tpu.memory_space<vmem>>, %arg9: memref<128xf32, #tpu.memory_space<vmem>>, %arg10: memref<128x128xf32, #tpu.memory_space<vmem>>, %arg11: memref<128xf32, #tpu.memory_space<vmem>>, %arg12: memref<128x2xf32, #tpu.memory_space<vmem>>, %arg13: memref<1xf32, #tpu.memory_space<smem>>, %arg14: memref<1xf32, #tpu.memory_space<smem>>, %arg15: memref<1xf32, #tpu.memory_space<smem>>, %arg16: memref<1xf32, #tpu.memory_space<smem>>, %arg17: memref<33x128x128xf32, #tpu.memory_space<vmem>>, %arg18: memref<128x2xf32, #tpu.memory_space<vmem>>) attributes {dimension_semantics = [#tpu.dimension_semantics<arbitrary>], iteration_bounds = array<i64: 16>, scalar_prefetch = 0 : i64, scratch_operands = 0 : i64, tpu.core_type = #tpu.core_type<tc>, window_params = [{transform_indices = @transform_0, window_bounds = array<i64: 33, 128, 128>}, {transform_indices = @transform_1, window_bounds = array<i64: 33, 128, 8>}, {transform_indices = @transform_2, window_bounds = array<i64: 128, 2>}, {pipeline_mode = #tpu.pipeline_mode<synchronous>, transform_indices = @transform_3, window_bounds = array<i64: 8, 128>}, {pipeline_mode = #tpu.pipeline_mode<synchronous>, transform_indices = @transform_4, window_bounds = array<i64: 128>}, {pipeline_mode = #tpu.pipeline_mode<synchronous>, transform_indices = @transform_5, window_bounds = array<i64: 128, 128>}, {pipeline_mode = #tpu.pipeline_mode<synchronous>, transform_indices = @transform_6, window_bounds = array<i64: 128>}, {pipeline_mode = #tpu.pipeline_mode<synchronous>, transform_indices = @transform_7, window_bounds = array<i64: 128, 128>}, {pipeline_mode = #tpu.pipeline_mode<synchronous>, transform_indices = @transform_8, window_bounds = array<i64: 128>}, {pipeline_mode = #tpu.pipeline_mode<synchronous>, transform_indices = @transform_9, window_bounds = array<i64: 128, 128>}, {pipeline_mode = #tpu.pipeline_mode<synchronous>, transform_indices = @transform_10, window_bounds = array<i64: 128>}, {pipeline_mode = #tpu.pipeline_mode<synchronous>, transform_indices = @transform_11, window_bounds = array<i64: 128, 2>}, {transform_indices = @transform_12, window_bounds = array<i64: 1>}, {transform_indices = @transform_13, window_bounds = array<i64: 1>}, {transform_indices = @transform_14, window_bounds = array<i64: 1>}, {transform_indices = @transform_15, window_bounds = array<i64: 1>}, {transform_indices = @transform_16, window_bounds = array<i64: 33, 128, 128>}, {transform_indices = @transform_17, window_bounds = array<i64: 128, 2>}]} {
    %get3A = arith.constant 0 : index
    %get3A_0 = arith.constant 0 : index
    %get3A_1 = arith.constant 0 : index
    %get3A_2 = vector.load %arg2[%get3A, %get3A_0, %get3A_1] : memref<33x128x8xf32, #tpu.memory_space<vmem>>, vector<33x128x8xf32>
    %get3A_3 = arith.constant 0 : index
    %get3A_4 = arith.constant 0 : index
    %get3A_5 = vector.load %arg4[%get3A_3, %get3A_4] : memref<8x128xf32, #tpu.memory_space<vmem>>, vector<8x128xf32>
    %dot_general3A = arith.constant dense<0.000000e+00> : vector<33x128x128xf32>
    %dot_general3A_6 = tpu.matmul %get3A_2, %get3A_5, %dot_general3A {dimension_numbers = #tpu.dot_dimension_numbers<[2], [0], [0, 1], [1], [0, 0, 0, 1, 1, 1], [], []>, transpose_lhs_hint = false} : vector<33x128x8xf32>, vector<8x128xf32>, vector<33x128x128xf32> -> vector<33x128x128xf32>
    %get3A_7 = arith.constant 0 : index
    %get3A_8 = vector.load %arg5[%get3A_7] : memref<128xf32, #tpu.memory_space<vmem>>, vector<128xf32>
    %broadcast_in_dim3A = vector.shape_cast %get3A_8 : vector<128xf32> to vector<1x1x128xf32>
    %add3A = vector.broadcast %broadcast_in_dim3A : vector<1x1x128xf32> to vector<33x128x128xf32>
    %add3A_9 = arith.addf %dot_general3A_6, %add3A : vector<33x128x128xf32>
    %get3A_10 = arith.constant 0 : index
    %get3A_11 = arith.constant 0 : index
    %get3A_12 = arith.constant 0 : index
    %get3A_13 = vector.load %arg1[%get3A_10, %get3A_11, %get3A_12] : memref<33x128x128xf32, #tpu.memory_space<vmem>>, vector<33x128x128xf32>
    %slice3A = vector.extract_strided_slice %get3A_13 {offsets = [0, 0, 0], sizes = [1, 128, 128], strides = [1, 1, 1]} : vector<33x128x128xf32> to vector<1x128x128xf32>
    %squeeze3A = vector.shape_cast %slice3A : vector<1x128x128xf32> to vector<128x128xf32>
    %get3A_14 = arith.constant 0 : index
    %get3A_15 = arith.constant 0 : index
    %get3A_16 = vector.load %arg6[%get3A_14, %get3A_15] : memref<128x128xf32, #tpu.memory_space<vmem>>, vector<128x128xf32>
    %dot_general3A_17 = arith.constant dense<0.000000e+00> : vector<128x128xf32>
    %dot_general3A_18 = tpu.matmul %squeeze3A, %get3A_16, %dot_general3A_17 {dimension_numbers = #tpu.dot_dimension_numbers<[1], [0], [0], [1], [0, 0, 1, 1], [], []>, transpose_lhs_hint = false} : vector<128x128xf32>, vector<128x128xf32>, vector<128x128xf32> -> vector<128x128xf32>
    %get3A_19 = arith.constant 0 : index
    %get3A_20 = vector.load %arg7[%get3A_19] : memref<128xf32, #tpu.memory_space<vmem>>, vector<128xf32>
    %broadcast_in_dim3A_21 = vector.shape_cast %get3A_20 : vector<128xf32> to vector<1x128xf32>
    %add3A_22 = vector.broadcast %broadcast_in_dim3A_21 : vector<1x128xf32> to vector<128x128xf32>
    %add3A_23 = arith.addf %dot_general3A_18, %add3A_22 : vector<128x128xf32>
    %slice3A_24 = vector.extract_strided_slice %add3A_9 {offsets = [0, 0, 0], sizes = [1, 128, 128], strides = [1, 1, 1]} : vector<33x128x128xf32> to vector<1x128x128xf32>
    %squeeze3A_25 = vector.shape_cast %slice3A_24 : vector<1x128x128xf32> to vector<128x128xf32>
    %add3A_26 = arith.addf %add3A_23, %squeeze3A_25 : vector<128x128xf32>
    %logistic3A = arith.negf %add3A_26 : vector<128x128xf32>
    %logistic3A_27 = math.exp %logistic3A : vector<128x128xf32>
    %logistic3A_28 = arith.constant 1.000000e+00 : f32
    %logistic3A_29 = vector.broadcast %logistic3A_28 : f32 to vector<128x128xf32>
    %logistic3A_30 = arith.addf %logistic3A_29, %logistic3A_27 : vector<128x128xf32>
    %logistic3A_31 = arith.divf %logistic3A_29, %logistic3A_30 : vector<128x128xf32>
    %get3A_32 = arith.constant 0 : index
    %get3A_33 = arith.constant 0 : index
    %get3A_34 = vector.load %arg10[%get3A_32, %get3A_33] : memref<128x128xf32, #tpu.memory_space<vmem>>, vector<128x128xf32>
    %dot_general3A_35 = arith.constant dense<0.000000e+00> : vector<128x128xf32>
    %dot_general3A_36 = tpu.matmul %squeeze3A, %get3A_34, %dot_general3A_35 {dimension_numbers = #tpu.dot_dimension_numbers<[1], [0], [0], [1], [0, 0, 1, 1], [], []>, transpose_lhs_hint = false} : vector<128x128xf32>, vector<128x128xf32>, vector<128x128xf32> -> vector<128x128xf32>
    %get3A_37 = arith.constant 0 : index
    %get3A_38 = vector.load %arg11[%get3A_37] : memref<128xf32, #tpu.memory_space<vmem>>, vector<128xf32>
    %broadcast_in_dim3A_39 = vector.shape_cast %get3A_38 : vector<128xf32> to vector<1x128xf32>
    %add3A_40 = vector.broadcast %broadcast_in_dim3A_39 : vector<1x128xf32> to vector<128x128xf32>
    %add3A_41 = arith.addf %dot_general3A_36, %add3A_40 : vector<128x128xf32>
    %slice3A_42 = vector.extract_strided_slice %get3A_13 {offsets = [1, 0, 0], sizes = [32, 128, 128], strides = [1, 1, 1]} : vector<33x128x128xf32> to vector<32x128x128xf32>
    %reshape3A = vector.shape_cast %slice3A_42 : vector<32x128x128xf32> to vector<4096x128xf32>
    %get3A_43 = arith.constant 0 : index
    %get3A_44 = arith.constant 0 : index
    %get3A_45 = vector.load %arg8[%get3A_43, %get3A_44] : memref<128x128xf32, #tpu.memory_space<vmem>>, vector<128x128xf32>
    %dot_general3A_46 = arith.constant dense<0.000000e+00> : vector<4096x128xf32>
    %dot_general3A_47 = tpu.matmul %reshape3A, %get3A_45, %dot_general3A_46 {dimension_numbers = #tpu.dot_dimension_numbers<[1], [0], [0], [1], [0, 0, 1, 1], [], []>, transpose_lhs_hint = false} : vector<4096x128xf32>, vector<128x128xf32>, vector<4096x128xf32> -> vector<4096x128xf32>
    %reshape3A_48 = vector.shape_cast %dot_general3A_47 : vector<4096x128xf32> to vector<32x128x128xf32>
    %get3A_49 = arith.constant 0 : index
    %get3A_50 = vector.load %arg9[%get3A_49] : memref<128xf32, #tpu.memory_space<vmem>>, vector<128xf32>
    %broadcast_in_dim3A_51 = vector.shape_cast %get3A_50 : vector<128xf32> to vector<1x1x128xf32>
    %add3A_52 = vector.broadcast %broadcast_in_dim3A_51 : vector<1x1x128xf32> to vector<32x128x128xf32>
    %add3A_53 = arith.addf %reshape3A_48, %add3A_52 : vector<32x128x128xf32>
    %broadcast_in_dim3A_54 = vector.shape_cast %add3A_41 : vector<128x128xf32> to vector<1x128x128xf32>
    %add3A_55 = vector.broadcast %broadcast_in_dim3A_54 : vector<1x128x128xf32> to vector<32x128x128xf32>
    %add3A_56 = arith.addf %add3A_53, %add3A_55 : vector<32x128x128xf32>
    %slice3A_57 = vector.extract_strided_slice %add3A_9 {offsets = [1, 0, 0], sizes = [32, 128, 128], strides = [1, 1, 1]} : vector<33x128x128xf32> to vector<32x128x128xf32>
    %add3A_58 = arith.addf %add3A_56, %slice3A_57 : vector<32x128x128xf32>
    %logistic3A_59 = arith.negf %add3A_58 : vector<32x128x128xf32>
    %logistic3A_60 = math.exp %logistic3A_59 : vector<32x128x128xf32>
    %logistic3A_61 = arith.constant 1.000000e+00 : f32
    %logistic3A_62 = vector.broadcast %logistic3A_61 : f32 to vector<32x128x128xf32>
    %logistic3A_63 = arith.addf %logistic3A_62, %logistic3A_60 : vector<32x128x128xf32>
    %logistic3A_64 = arith.divf %logistic3A_62, %logistic3A_63 : vector<32x128x128xf32>
    %broadcast_in_dim3A_65 = vector.shape_cast %logistic3A_31 : vector<128x128xf32> to vector<1x128x128xf32>
    %concatenate3A = tpu.concatenate %broadcast_in_dim3A_65, %logistic3A_64 in 0 : vector<1x128x128xf32>, vector<32x128x128xf32> -> vector<33x128x128xf32>
    %swap3A = arith.constant 0 : index
    %swap3A_66 = arith.constant 0 : index
    %swap3A_67 = arith.constant 0 : index
    %swap3A_68 = vector.load %arg17[%swap3A, %swap3A_66, %swap3A_67] : memref<33x128x128xf32, #tpu.memory_space<vmem>>, vector<33x128x128xf32>
    tpu.vector_store %arg17[%swap3A, %swap3A_66, %swap3A_67], %concatenate3A {strides = array<i32>} : memref<33x128x128xf32, #tpu.memory_space<vmem>>, vector<33x128x128xf32>,
    %get3A_69 = arith.constant 0 : index
    %get3A_70 = arith.constant 0 : index
    %get3A_71 = vector.load %arg12[%get3A_69, %get3A_70] : memref<128x2xf32, #tpu.memory_space<vmem>>, vector<128x2xf32>
    %dot_general3A_72 = arith.constant dense<0.000000e+00> : vector<128x2xf32>
    %dot_general3A_73 = tpu.matmul %logistic3A_31, %get3A_71, %dot_general3A_72 {dimension_numbers = #tpu.dot_dimension_numbers<[1], [0], [0], [1], [0, 0, 1, 1], [], []>, transpose_lhs_hint = false} : vector<128x128xf32>, vector<128x2xf32>, vector<128x2xf32> -> vector<128x2xf32>
    %get3A_74 = arith.constant 0 : index
    %get3A_75 = memref.load %arg13[%get3A_74] : memref<1xf32, #tpu.memory_space<smem>>
    %add3A_76 = vector.broadcast %get3A_75 : f32 to vector<128x2xf32>
    %add3A_77 = arith.addf %dot_general3A_73, %add3A_76 : vector<128x2xf32>
    %get3A_78 = arith.constant 0 : index
    %get3A_79 = memref.load %arg15[%get3A_78] : memref<1xf32, #tpu.memory_space<smem>>
    %get3A_80 = arith.constant 0 : index
    %get3A_81 = memref.load %arg14[%get3A_80] : memref<1xf32, #tpu.memory_space<smem>>
    %neg3A = arith.constant 0.000000e+00 : f32
    %neg3A_82 = arith.subf %neg3A, %get3A_81 : f32
    %get3A_83 = arith.constant 0 : index
    %get3A_84 = arith.constant 0 : index
    %get3A_85 = vector.load %arg3[%get3A_83, %get3A_84] : memref<128x2xf32, #tpu.memory_space<vmem>>, vector<128x2xf32>
    %div3A = arith.constant 3.650000e+02 : f32
    %div3A_86 = vector.broadcast %div3A : f32 to vector<128x2xf32>
    %div3A_87 = arith.divf %get3A_85, %div3A_86 : vector<128x2xf32>
    %mul3A = vector.broadcast %neg3A_82 : f32 to vector<128x2xf32>
    %mul3A_88 = arith.mulf %mul3A, %div3A_87 : vector<128x2xf32>
    %exp3A = math.exp %mul3A_88 : vector<128x2xf32>
    %mul3A_89 = vector.broadcast %get3A_79 : f32 to vector<128x2xf32>
    %mul3A_90 = arith.mulf %mul3A_89, %exp3A : vector<128x2xf32>
    %add3A_91 = arith.addf %add3A_77, %mul3A_90 : vector<128x2xf32>
    %get3A_92 = arith.constant 0 : index
    %get3A_93 = memref.load %arg16[%get3A_92] : memref<1xf32, #tpu.memory_space<smem>>
    %div3A_94 = vector.broadcast %get3A_93 : f32 to vector<128x2xf32>
    %div3A_95 = arith.divf %add3A_91, %div3A_94 : vector<128x2xf32>
    %jit3A = arith.constant -7.500000e+01 : f32
    %jit3A_96 = arith.constant 7.500000e+01 : f32
    %max3A = vector.broadcast %jit3A : f32 to vector<128x2xf32>
    %max3A_97 = arith.maximumf %max3A, %div3A_95 : vector<128x2xf32>
    %min3A = vector.broadcast %jit3A_96 : f32 to vector<128x2xf32>
    %min3A_98 = arith.minimumf %min3A, %max3A_97 : vector<128x2xf32>
    %get3A_99 = arith.constant 0 : index
    %get3A_100 = memref.load %arg16[%get3A_99] : memref<1xf32, #tpu.memory_space<smem>>
    %exp3A_101 = math.exp %min3A_98 : vector<128x2xf32>
    %log1p3A = math.log1p %exp3A_101 : vector<128x2xf32>
    %mul3A_102 = vector.broadcast %get3A_100 : f32 to vector<128x2xf32>
    %mul3A_103 = arith.mulf %mul3A_102, %log1p3A : vector<128x2xf32>
    %swap3A_104 = arith.constant 0 : index
    %swap3A_105 = arith.constant 0 : index
    %swap3A_106 = vector.load %arg18[%swap3A_104, %swap3A_105] : memref<128x2xf32, #tpu.memory_space<vmem>>, vector<128x2xf32>
    tpu.vector_store %arg18[%swap3A_104, %swap3A_105], %mul3A_103 {strides = array<i32>} : memref<128x2xf32, #tpu.memory_space<vmem>>, vector<128x2xf32>,
    return
  }
  func.func @transform_0(%arg0: i32) -> (i32, i32, i32) {
    %c0_i32 = arith.constant 0 : i32
    %c0_i32_0 = arith.constant 0 : i32
    %c0_i32_1 = arith.constant 0 : i32
    return %c0_i32, %arg0, %c0_i32_0 : i32, i32, i32
  }
  func.func @transform_1(%arg0: i32) -> (i32, i32, i32) {
    %c0_i32 = arith.constant 0 : i32
    %c0_i32_0 = arith.constant 0 : i32
    %c0_i32_1 = arith.constant 0 : i32
    return %c0_i32, %arg0, %c0_i32_0 : i32, i32, i32
  }
  func.func @transform_2(%arg0: i32) -> (i32, i32) {
    %c0_i32 = arith.constant 0 : i32
    %c0_i32_0 = arith.constant 0 : i32
    return %arg0, %c0_i32 : i32, i32
  }
  func.func @transform_3(%arg0: i32) -> (i32, i32) {
    %c0_i32 = arith.constant 0 : i32
    %c0_i32_0 = arith.constant 0 : i32
    %c0_i32_1 = arith.constant 0 : i32
    return %c0_i32, %c0_i32_0 : i32, i32
  }
  func.func @transform_4(%arg0: i32) -> i32 {
    %c0_i32 = arith.constant 0 : i32
    %c0_i32_0 = arith.constant 0 : i32
    return %c0_i32 : i32
  }
  func.func @transform_5(%arg0: i32) -> (i32, i32) {
    %c0_i32 = arith.constant 0 : i32
    %c0_i32_0 = arith.constant 0 : i32
    %c0_i32_1 = arith.constant 0 : i32
    return %c0_i32, %c0_i32_0 : i32, i32
  }
  func.func @transform_6(%arg0: i32) -> i32 {
    %c0_i32 = arith.constant 0 : i32
    %c0_i32_0 = arith.constant 0 : i32
    return %c0_i32 : i32
  }
  func.func @transform_7(%arg0: i32) -> (i32, i32) {
    %c0_i32 = arith.constant 0 : i32
    %c0_i32_0 = arith.constant 0 : i32
    %c0_i32_1 = arith.constant 0 : i32
    return %c0_i32, %c0_i32_0 : i32, i32
  }
  func.func @transform_8(%arg0: i32) -> i32 {
    %c0_i32 = arith.constant 0 : i32
    %c0_i32_0 = arith.constant 0 : i32
    return %c0_i32 : i32
  }
  func.func @transform_9(%arg0: i32) -> (i32, i32) {
    %c0_i32 = arith.constant 0 : i32
    %c0_i32_0 = arith.constant 0 : i32
    %c0_i32_1 = arith.constant 0 : i32
    return %c0_i32, %c0_i32_0 : i32, i32
  }
  func.func @transform_10(%arg0: i32) -> i32 {
    %c0_i32 = arith.constant 0 : i32
    %c0_i32_0 = arith.constant 0 : i32
    return %c0_i32 : i32
  }
  func.func @transform_11(%arg0: i32) -> (i32, i32) {
    %c0_i32 = arith.constant 0 : i32
    %c0_i32_0 = arith.constant 0 : i32
    %c0_i32_1 = arith.constant 0 : i32
    return %c0_i32, %c0_i32_0 : i32, i32
  }
  func.func @transform_12(%arg0: i32) -> i32 {
    %c0_i32 = arith.constant 0 : i32
    %c0_i32_0 = arith.constant 0 : i32
    return %c0_i32 : i32
  }
  func.func @transform_13(%arg0: i32) -> i32 {
    %c0_i32 = arith.constant 0 : i32
    %c0_i32_0 = arith.constant 0 : i32
    return %c0_i32 : i32
  }
  func.func @transform_14(%arg0: i32) -> i32 {
    %c0_i32 = arith.constant 0 : i32
    %c0_i32_0 = arith.constant 0 : i32
    return %c0_i32 : i32
  }
  func.func @transform_15(%arg0: i32) -> i32 {
    %c0_i32 = arith.constant 0 : i32
    %c0_i32_0 = arith.constant 0 : i32
    return %c0_i32 : i32
  }
  func.func @transform_16(%arg0: i32) -> (i32, i32, i32) {
    %c0_i32 = arith.constant 0 : i32
    %c0_i32_0 = arith.constant 0 : i32
    %c0_i32_1 = arith.constant 0 : i32
    return %c0_i32, %arg0, %c0_i32_0 : i32, i32, i32
  }
  func.func @transform_17(%arg0: i32) -> (i32, i32) {
    %c0_i32 = arith.constant 0 : i32
    %c0_i32_0 = arith.constant 0 : i32
    return %arg0, %c0_i32 : i32, i32
  }
}

</mosaic_0001>

<sc_bundles>
// kernel: kernel.5.cloned.1.call-start
scs
__scs_entry_jumppad:
0x0: {  	(pc) =	sbr.rel $0x88, $3  }
0x1: {  	(tag) =	ssettag $0x0;
	lr =	simm.s32 $0x1  }
0x2: {  	[smem:$0x3F8F] =	sst lr;
	_ =	strace $0xD0000000  }
0x3: {  	_ = 	snop  }
0x4: {  	_ = 	snop  }
0x5: {  	_ = 	snop  }
0x6: {  	_ = 	snop  }
0x7: {  	_ = 	snop  }
__scs_overlays_trampoline_lowered:
0x8: {  	[smem:$0x3F9E] =	sst s0  }
0x9: {  	[smem:$0x3F9F] =	sst s1  }
0xa: {  	[smem:$0x3FA0] =	sst s2  }
0xb: {  	[smem:$0x3FA1] =	sst s3  }
0xc: {  	[smem:$0x3FA2] =	sst s4  }
0xd: {  	[smem:$0x3FA3] =	sst s5  }
0xe: {  	[smem:$0x3FA4] =	sst s6  }
0xf: {  	[smem:$0x3FA5] =	sst s7  }
0x10: {  	[smem:$0x3FA6] =	sst s8  }
0x11: {  	[smem:$0x3FA7] =	sst s9;
	s0 =	simm.s32 @!p0 $0x0  }
0x12: {  	s1 =	sld [smem:$0x3F8D];
	s0 =	simm.s32 @p0 $0x1  }
0x13: {  	[smem:$0x3FA8] =	sst s0;
	s0 =	simm.s32 @!p1 $0x0  }
0x14: {  	s2 =	sld [smem:$0x3F8C];
	s0 =	simm.s32 @p1 $0x1  }
0x15: {  	[smem:$0x3FA9] =	sst s0;
	s0 =	simm.s32 @!p2 $0x0  }
0x16: {  	s3 =	sld [smem:$0x3FDB];
	s0 =	simm.s32 @p2 $0x1  }
0x17: {  	s4 =	simm.s32 $0x1BF5;
	[smem:$0x3FAB] =	sst s0  }
0x18: {  	s0 =	sld [smem:$0x3F8E];
	_ =	swait.ge [sflag:s4], $0x0  }
0x19: {  	s7 =	sld [smem:$0x3F8F]  }
0x1a: {  	s8 =	sadd.s32 $0xFFFFE003, lr  }
0x1b: {  	s9 =	sadd.s32 $0xFFFFFEF7, lr;
	s5 =	simm.s32 $0xFFFFFFFF;
	p2 =	slt.u32 s8, $0xFFFFF086  }
0x1c: {  	p1 =	slt.u32 s9, $0xF7A;
	s5 =	simm.s32 @!p2 $0x0  }
0x1d: {  	s5 =	simm.s32 @p1 $0x1;
	p0 =	seq.s32 s7, s2  }
0x1e: {  	s7 =	smul.u32 @!p0 $0xF7A, s2;
	p2 =	seq.s32 @!p0 s5, $0x0  }
0x1f: {  	s9 =	smul.u32 $0xF7A, s1;
	s8 =	simm.s32 @!p0 $0x1BF5;
	p2 =	por !p2, p0  }
0x20: {  	[sflag:s8] =	ssyncset.s32 @!p0 $0xFFFFF086;
	s6 =	sadd.s32 @!p0 s3, s7;
	s7 =	simm.s32 @!p0 $0x108  }
0x21: {  	s3 =	sadd.s32 s3, s9;
	s6 =	sadd.s32 @!p0 $0x88, s6;
	s7 =	simm.s32 @p2 $0x1082  }
0x22: {  	[simem:s7], [sflag:s8] =	dma.local @!p0 [hbm:s6], $0xF7A  }
0x23: {  	s9 =	sor.u32 $0xD0000000, s2;
	s6 =	simm.s32 $0x108;
	_ =	swait.ge @!p0 [sflag:s8], $0x0  }
0x24: {  	s3 =	sadd.s32 $0x88, s3;
	s6 =	simm.s32 @!p1 $0x1082;
	[sflag:s4] =	ssyncset.s32 $0xFFFFF086  }
0x25: {  	[simem:s6], [sflag:s4] =	dma.local [hbm:s3], $0xF7A  }
0x26: {  	[smem:$0x3F8F] =	sst s1;
	(tag) =	ssettag s2;
	_ =	strace s9  }
0x27: {  	s1 =	sld [smem:$0x3F9F]  }
0x28: {  	s2 =	sld [smem:$0x3FA0]  }
0x29: {  	s4 =	sld [smem:$0x3FA2]  }
0x2a: {  	p0 =	seq.s32 s5, $0x0;
	s5 =	sld [smem:$0x3FA3]  }
0x2b: {  	s6 =	sld [smem:$0x3FA4]  }
0x2c: {  	s7 =	sld [smem:$0x3FA5]  }
0x2d: {  	s3 =	simm.s32 $0x108;
	s8 =	sld [smem:$0x3FA6]  }
0x2e: {  	s3 =	simm.s32 @!p0 $0x1082;
	s9 =	sld [smem:$0x3FA7]  }
0x2f: {  	lr =	sadd.s32 s0, s3;
	s0 =	sld [smem:$0x3F9E]  }
0x30: {  	s3 =	sld [smem:$0x3FA1]  }
0x31: {  	[smem:$0x3FAA] =	sst s10  }
0x32: {  	s10 =	sld [smem:$0x3FA8];
	_ =	sdelay $0x3  }
0x33: {  	p0 =	seq.s32 s10, $0x1;
	s10 =	sld [smem:$0x3FAA];
	_ =	sdelay $0x3  }
0x34: {  	[smem:$0x3FAA] =	sst s10  }
0x35: {  	s10 =	sld [smem:$0x3FA9];
	_ =	sdelay $0x3  }
0x36: {  	p1 =	seq.s32 s10, $0x1;
	s10 =	sld [smem:$0x3FAA];
	_ =	sdelay $0x3  }
0x37: {  	[smem:$0x3FAA] =	sst s10  }
0x38: {  	s10 =	sld [smem:$0x3FAB]  }
0x39: {  	_ = 	snop;
	(pc) =	sbr.ind lr, $3  }
0x3a: {  	_ = 	snop  }
0x3b: {  	_ = 	snop  }
0x3c: {  	p2 =	seq.s32 s10, $0x1;
	s10 =	sld [smem:$0x3FAA]  }
0x3d: {  	_ =	shalt  }
0x3e: {  	_ =	shalt  }
0x3f: {  	_ =	shalt  }
0x40: {  	_ =	shalt  }
0x41: {  	_ =	shalt  }
0x42: {  	_ =	shalt  }
0x43: {  	_ =	shalt  }
0x44: {  	_ =	shalt  }
0x45: {  	_ =	shalt  }
0x46: {  	_ =	shalt  }
0x47: {  	_ =	shalt  }
0x48: {  	_ =	shalt  }
0x49: {  	_ =	shalt  }
0x4a: {  	_ =	shalt  }
0x4b: {  	_ =	shalt  }
0x4c: {  	_ =	shalt  }
0x4d: {  	_ =	shalt  }
0x4e: {  	_ =	shalt  }
0x4f: {  	_ =	shalt  }
0x50: {  	_ =	shalt  }
0x51: {  	_ =	shalt  }
0x52: {  	_ =	shalt  }
0x53: {  	_ =	shalt  }
0x54: {  	_ =	shalt  }
0x55: {  	_ =	shalt  }
0x56: {  	_ =	shalt  }
0x57: {  	_ =	shalt  }
0x58: {  	_ =	shalt  }
0x59: {  	_ =	shalt  }
0x5a: {  	_ =	shalt  }
0x5b: {  	_ =	shalt  }
0x5c: {  	_ =	shalt  }
0x5d: {  	_ =	shalt  }
0x5e: {  	_ =	shalt  }
0x5f: {  	_ =	shalt  }
0x60: {  	_ =	shalt  }
0x61: {  	_ =	shalt  }
0x62: {  	_ =	shalt  }
0x63: {  	_ =	shalt  }
0x64: {  	_ =	shalt  }
0x65: {  	_ =	shalt  }
0x66: {  	_ =	shalt  }
0x67: {  	_ =	shalt  }
0x68: {  	_ =	shalt  }
0x69: {  	_ =	shalt  }
0x6a: {  	_ =	shalt  }
0x6b: {  	_ =	shalt  }
0x6c: {  	_ =	shalt  }
0x6d: {  	_ =	shalt  }
0x6e: {  	_ =	shalt  }
0x6f: {  	_ =	shalt  }
0x70: {  	_ =	shalt  }
0x71: {  	_ =	shalt  }
0x72: {  	_ =	shalt  }
0x73: {  	_ =	shalt  }
0x74: {  	_ =	shalt  }
0x75: {  	_ =	shalt  }
0x76: {  	_ =	shalt  }
0x77: {  	_ =	shalt  }
0x78: {  	_ =	shalt  }
0x79: {  	_ =	shalt  }
0x7a: {  	_ =	shalt  }
0x7b: {  	_ =	shalt  }
0x7c: {  	_ =	shalt  }
0x7d: {  	_ =	shalt  }
0x7e: {  	_ =	shalt  }
0x7f: {  	_ =	shalt  }
0x80: {  	_ =	shalt  }
0x81: {  	_ =	shalt  }
0x82: {  	_ =	shalt  }
0x83: {  	_ =	shalt  }
0x84: {  	_ =	shalt  }
0x85: {  	_ =	shalt  }
0x86: {  	_ =	shalt  }
0x87: {  	_ =	shalt  }
.Lfunc_end0:
.L_simem_size_0:
called_computation.1_lowered:
.L_overlay_start_0:
0x88: {  	s2 =	sld [smem:$0x3FD9]  }
0x89: {  	s3 =	sld [smem:$0x3FFE];
	_ =	sdelay $0x1  }
0x8a: {  	s1 =	srdreg.scid  }
0x8b: {  	s0 =	sand.u32 $0x1, s1  }
0x8c: {  	s14 =	sshll.u32 s0, $0xA;
	s2 =	sadd.s32 s3, s2  }
0x8d: {  	s2 =	sadd.s32 s2, s14  }
0x8e: {  	[smem:$0x3FB6] =	sst s2  }
0x8f: {  	_ = 	snop  }
0x90: {  	s2 =	sld [smem:$0x3FD0];
	_ =	sdelay $0x2  }
0x91: {  	s15 =	simm.s32 $0xA;
	s4 =	simm.s32 $0x10  }
0x92: {  	[smem:s4], [sflag:s15] =	dma.local [hbm:s2], $0x1  }
0x93: {  	_ =	swait.eq [sflag:s15], $0x1  }
0x94: {  	[sflag:s15] =	ssyncset.done $0x0  }
0x95: {  	[sflag:s15] =	ssyncadd.s32 $0xFFFFFFFF  }
0x96: {  	s16 =	sld [smem:$0x10];
	(tm) =	ssettm $0x1  }
0x97: {  	s17 =	sld [smem:$0x3FFB];
	_ =	sdelay $0x3  }
0x98: {  	_ =	strace s17  }
0x99: {  	s3 =	sld [smem:$0x3FFC];
	_ =	sdelay $0x3  }
0x9a: {  	_ =	strace s3  }
0x9b: {  	s3 =	sld [smem:$0x3FFD];
	_ =	sdelay $0x3  }
0x9c: {  	_ =	strace s3  }
0x9d: {  	_ =	strace $0x8FFFFFFF  }
0x9e: {  	s18 =	sld [smem:$0x3FDB];
	_ =	sdelay $0x1  }
0x9f: {  	s19 =	simm.s32 $_scs_section_size  }
0xa0: {  	s5 =	simm.s32 $_size__tile_overlayer_lowered;
	s6 =	simm.s32 $_tile_overlayer_lowered  }
0xa1: {  	s22 =	simm.s32 $0x1BFF;
	s21 =	sshll.u32 s6, $0x1;
	s3 =	sadd.s32 s19, s18  }
0xa2: {  	s7 =	simm.s32 $0x0;
	s20 =	sshll.u32 s5, $0x1;
	s5 =	sadd.s32 s21, s3  }
0xa3: {  	[timem:s7], [sflag:s22] =	dma.local [hbm:s5], s20  }
0xa4: {  	_ =	swait.ge [sflag:s22], s20  }
0xa5: {  	s4 =	ssub.s32 $0x0, s20;
	[sflag:s22] =	ssyncset.done $0x0  }
0xa6: {  	[sflag:s22] =	ssyncadd.s32 s4;
	_ =	sdelay $0x1  }
0xa7: {  	s23 =	simm.s32 $0x1B8B  }
0xa8: {  	_ =	swait.ge [sflag:s23], $0x1  }
0xa9: {  	[sflag:s23] =	ssyncset.done $0x0  }
0xaa: {  	s25 =	simm.s32 $0x1B8E;
	s24 =	sld [smem:$0x3FFE];
	[sflag:s23] =	ssyncadd.s32 $0xFFFFFFFF  }
0xab: {  	s26 =	simm.s32 $execute0_lowered;
	[smem:$0x3FD2] =	sst s25  }
0xac: {  	s5 =	sshll.u32 s26, $0x1;
	_ =	strace $0x80000046;
	[dreg:$0x1] =	wrdreg $0xFFFFFFFF  }
0xad: {  	s28 =	simm.s32 $_size_execute0_lowered;
	s3 =	sadd.s32 s3, s5;
	[dreg:$0x0] =	wrdreg $0x0  }
0xae: {  	s5 =	sshll.u32 s28, $0x1;
	[dreg:$0x2] =	wrdreg s3  }
0xaf: {  	[dreg:$0x3] =	wrdreg s5  }
0xb0: {  	[dreg:$0x4] =	wrdreg $0xC0  }
0xb1: {  	_ =	task [dreg:s7], $0x5FFFF  }
0xb2: {  	[dreg:$0x1] =	wrdreg $0xFFFFFFFF  }
0xb3: {  	[dreg:$0x0] =	wrdreg $0x60  }
0xb4: {  	[dreg:$0x2] =	wrdreg s16  }
0xb5: {  	[dreg:$0x3] =	wrdreg s24  }
0xb6: {  	[dreg:$0x4] =	wrdreg $0x9  }
0xb7: {  	_ =	task.clear_ibuf [dreg:s7], $0x5FFFF;
	_ =	strace $0x90000046  }
0xb8: {  	s29 =	simm.s32 $0x9;
	_ =	strace $0x80000048  }
0xb9: {  	_ =	swait.ge [sflag:s29], $0x1  }
0xba: {  	[sflag:s29] =	ssyncadd.s32 $0xFFFFFFFF  }
0xbb: {  	_ =	strace $0x90000048  }
0xbc: {  	_ =	sfence  }
0xbd: {  	s30 =	sld [smem:$0x0];
	_ =	sdelay $0x2  }
0xbe: {  	s31 =	sshll.u32 s1, $0xD;
	s1 =	sshrl.u32 s1, $0x2  }
0xbf: {  	s3 =	sand.u32 $0x4000, s31;
	s1 =	sadd.s32 s1, s30  }
0xc0: {  	s0 =	sor.u32 s3, s0;
	s1 =	sshll.u32 s1, $0x11  }
0xc1: {  	s0 =	sor.u32 s1, s0  }
0xc2: {  	s0 =	sadd.s32 $0x8F2B, s0  }
0xc3: {  	[sflag:s0] =	ssyncadd.remote.s32 $0x1  }
0xc4: {  	_ =	sfence.sel $0xFFFF  }
0xc5: {  	[dreg:$0x0] =	wrdreg $0xFFFFFFFF;
	(pc) =	sbr.abs _section_cstart, $3  }
0xc6: {  	[dreg:$0x1] =	wrdreg $0xFFFFFFFF  }
0xc7: {  	_ =	task.clear_ibuf [dreg:s7], $0x2FFFF;
	_ =	strace $0x9FFFFFFF  }
0xc8: {  	(tm) =	ssettm $0x7FFFFFFF  }
0xc9: {  	_ =	shalt  }
tec
execute0_lowered:
.L_overlay_start_1:
0x0: {  	(tag) =	ssettag $0x1  }
0x1: {  	s0 =	srdreg.scid;
	s2 =	stileid.u32  }
0x2: {  	s1 =	sand.u32 $0x1, s0;
	s5 =	sshll.u32 s2, $0x1  }
0x3: {  	s3 =	rddreg [dreg:$0x0];
	s0 =	sor.u32 s1, s5  }
0x4: {  	s4 =	rddreg [dreg:$0x1];
	s2 =	simm.s32 $0x0;
	s5 =	smul.u32 $0x210, s0  }
0x5: {  	[smem:$0x7FF] =	sst s2;
	s6 =	smul.u32 $0x42000, s0  }
0x6: {  	_ =	strace $0x80000047;
	s0 =	smul.u32 $0x8400, s0;
	s5 =	sadd.s32 s5, s4  }
0x7: {  	s4 =	sadd.s32 $0x7600, s4;
	s6 =	sshrl.u32 s6, $0x3;
	s5 =	sadd.s32 $0x3400, s5  }
0x8: {  	s0 =	sadd.s32 s4, s0;
	s4 =	sadd.s32 s4, s6;
	[dreg:$0x3] =	wrdreg s5  }
0x9: {  	[dreg:$0x4] =	wrdreg s0;
	s6 =	sadd.s32 $0x400, s4  }
0xa: {  	s7 =	sadd.s32 $0x800, s4;
	[dreg:$0x5] =	wrdreg s6  }
0xb: {  	s8 =	sadd.s32 $0xC00, s4;
	[dreg:$0x6] =	wrdreg s7  }
0xc: {  	s9 =	sadd.s32 $0x1000, s4;
	[dreg:$0x7] =	wrdreg s8  }
0xd: {  	s10 =	sadd.s32 $0x1400, s4;
	[dreg:$0x8] =	wrdreg s9  }
0xe: {  	s11 =	sadd.s32 $0x1800, s4;
	[dreg:$0x9] =	wrdreg s10  }
0xf: {  	s12 =	sadd.s32 $0x1C00, s4;
	[dreg:$0xa] =	wrdreg s11  }
0x10: {  	s13 =	sadd.s32 $0x2000, s4;
	[dreg:$0xb] =	wrdreg s12  }
0x11: {  	s14 =	sadd.s32 $0x2400, s4;
	[dreg:$0xc] =	wrdreg s13  }
0x12: {  	s15 =	sadd.s32 $0x2800, s4;
	[dreg:$0xd] =	wrdreg s14  }
0x13: {  	s16 =	sadd.s32 $0x2C00, s4;
	[dreg:$0xe] =	wrdreg s15  }
0x14: {  	s17 =	sadd.s32 $0x3000, s4;
	[dreg:$0xf] =	wrdreg s16  }
0x15: {  	s18 =	sadd.s32 $0x3400, s4;
	[dreg:$0x10] =	wrdreg s17  }
0x16: {  	s19 =	sadd.s32 $0x3800, s4;
	[dreg:$0x11] =	wrdreg s18  }
0x17: {  	s20 =	sadd.s32 $0x3C00, s4;
	[dreg:$0x12] =	wrdreg s19  }
0x18: {  	s21 =	sadd.s32 $0x4000, s4;
	[dreg:$0x13] =	wrdreg s20  }
0x19: {  	s22 =	sadd.s32 $0x4400, s4;
	[dreg:$0x14] =	wrdreg s21  }
0x1a: {  	s23 =	sadd.s32 $0x4800, s4;
	[dreg:$0x15] =	wrdreg s22  }
0x1b: {  	s24 =	sadd.s32 $0x4C00, s4;
	[dreg:$0x16] =	wrdreg s23  }
0x1c: {  	s25 =	sadd.s32 $0x5000, s4;
	[dreg:$0x17] =	wrdreg s24  }
0x1d: {  	s26 =	sadd.s32 $0x5400, s4;
	[dreg:$0x18] =	wrdreg s25  }
0x1e: {  	s5 =	sadd.s32 $0x5800, s4;
	[dreg:$0x19] =	wrdreg s26  }
0x1f: {  	[dreg:$0x1a] =	wrdreg s5  }
0x20: {  	s6 =	sadd.s32 $0x5C00, s4;
	s0 =	rddreg [dreg:$0x3]  }
0x21: {  	s7 =	sadd.s32 $0x6000, s4;
	[dreg:$0x1b] =	wrdreg s6  }
0x22: {  	s8 =	sadd.s32 $0x6400, s4;
	[dreg:$0x1c] =	wrdreg s7  }
0x23: {  	s9 =	sadd.s32 $0x6800, s4;
	[dreg:$0x1d] =	wrdreg s8  }
0x24: {  	s10 =	sadd.s32 $0x6C00, s4;
	[dreg:$0x1e] =	wrdreg s9  }
0x25: {  	s11 =	sadd.s32 $0x7000, s4;
	[dreg:$0x1f] =	wrdreg s10  }
0x26: {  	s12 =	sadd.s32 $0x7400, s4;
	[smem:$0x7EF] =	sst s11  }
0x27: {  	s13 =	sadd.s32 $0x7800, s4;
	[smem:$0x7F0] =	sst s12  }
0x28: {  	s31 =	simm.s32 $0x600;
	s14 =	sadd.s32 $0x7C00, s4;
	[smem:$0x7F1] =	sst s13  }
0x29: {  	s30 =	simm.s32 $0x680;
	s15 =	sadd.s32 $0x8000, s4;
	[smem:$0x7F2] =	sst s14  }
0x2a: {  	s29 =	simm.s32 $0x700;
	s16 =	simm.s32 $0x100;
	[smem:$0x7F3] =	sst s15  }
0x2b: {  	s28 =	simm.s32 $0x780;
	s17 =	simm.s32 $0x180;
	[smem:$0x7F4] =	sst s16  }
0x2c: {  	p0 =	por $0x0, $0x0;
	s19 =	simm.s32 $0x200;
	[smem:$0x7F5] =	sst s17  }
0x2d: {  	s1 =	ssub.s32 $0x2, s1;
	s20 =	simm.s32 $0x280;
	[smem:$0x7F6] =	sst s19  }
0x2e: {  	s18 =	sshrl.u32 s1, $0x1;
	s21 =	simm.s32 $0x300;
	[smem:$0x7F7] =	sst s20  }
0x2f: {  	s4 =	simm.s32 $0x3;
	s22 =	simm.s32 $0x380;
	[smem:$0x7F8] =	sst s21  }
0x30: {  	s23 =	simm.s32 $0x400;
	s5 =	simm.s32 $0x1080;
	[smem:$0x7F9] =	sst s22  }
0x31: {  	s24 =	simm.s32 $0x480;
	s25 =	simm.s32 $0x500;
	[smem:$0x7FA] =	sst s23  }
0x32: {  	s26 =	simm.s32 $0x580;
	s1 =	ssub.s32 s1, s18;
	[smem:$0x7FB] =	sst s24  }
0x33: {  	s7 =	simm.s32 $0x80;
	s8 =	simm.s32 $0x3080;
	[smem:$0x7FC] =	sst s25  }
0x34: {  	s6 =	simm.s32 $0x1;
	s9 =	simm.s32 $0x2;
	[smem:$0x7FD] =	sst s26  }
0x35: {  	s26 =	simm.s32 $0x800;
	s25 =	simm.s32 $0x880;
	s1 =	smax.u32 s1, $0x1  }
0x36: {  	s24 =	simm.s32 $0x900;
	s23 =	simm.s32 $0x980;
	p1 =	sne.s32 s1, $0x1  }
.Ltmp0:
0x37: {  	s22 =	simm.s32 $0xA00;
	s21 =	simm.s32 $0xA80;
	(pc) =	sbr.rel @!p1 .LBB2_3-.Ltmp0, $4  }
0x38: {  	s20 =	simm.s32 $0xB00;
	s19 =	simm.s32 $0xB80;
	s18 =	simm.s32 $0xC00  }
0x39: {  	s17 =	simm.s32 $0xC80;
	s16 =	simm.s32 $0xD00;
	s15 =	simm.s32 $0xD80  }
0x3a: {  	s14 =	simm.s32 $0xE00;
	s13 =	simm.s32 $0xE80;
	s12 =	simm.s32 $0xF00  }
0x3b: {  	s11 =	simm.s32 $0xF80;
	s10 =	simm.s32 $0x1000;
	s1 =	sadd.s32 $0xFFFFFFFF, s1  }
0x3c: {  	[tilespmem:s2], [sflag:$0x3] =	stream.linear.gather [hbm4b:s0+s2], $0x1080, $0x38;
	[tilespmem:$0x5080] =	vst v63  }
0x3d: {  	_ =	swait.ge [sflag:s4], $0x1080  }
0x3e: {  	[sflag:s4] =	ssyncset.done $0x0  }
0x3f: {  	[sflag:s4] =	ssyncadd.s32 $0xFFFFEF80  }
0x40: {  	[tilespmem:s5], [sflag:$0x1] =	stream.indirect.gather [hbm4b:s3+s7], $0x40, s2, s7, $0xb8;
	[tilespmem:$0x5080] =	vst v63  }
0x41: {  	_ = 	snop  }
0x42: {  	[tilespmem:s8], [sflag:$0x2] =	stream.indirect.gather [hbm4b:s3+s7], $0x40, s7, s7, $0xb8;
	[tilespmem:$0x5080] =	vst v63  }
0x43: {  	_ =	swait.ge [sflag:s6], $0x2000  }
0x44: {  	[sflag:s6] =	ssyncset.done $0x0  }
0x45: {  	s0 =	rddreg [dreg:$0x4];
	[sflag:s6] =	ssyncadd.s32 $0xFFFFE000  }
0x46: {  	[hbm4b:s0+s2] =	stream.linear.scatter [tilespmem:s5], [sflag:$0x3], $0x2000, $0x38;
	[tilespmem:$0x5080] =	vst v63  }
0x47: {  	_ =	swait.ge [sflag:s4], $0x2000  }
0x48: {  	s0 =	sld [smem:$0x7F4]  }
0x49: {  	[sflag:s4] =	ssyncset.done $0x0  }
0x4a: {  	[sflag:s4] =	ssyncadd.s32 $0xFFFFE000  }
0x4b: {  	[tilespmem:s5], [sflag:$0x1] =	stream.indirect.gather [hbm4b:s3+s7], $0x40, s0, s7, $0xb8;
	[tilespmem:$0x5080] =	vst v63  }
0x4c: {  	_ =	swait.ge [sflag:s9], $0x2000  }
0x4d: {  	[sflag:s9] =	ssyncset.done $0x0  }
0x4e: {  	s0 =	rddreg [dreg:$0x5];
	[sflag:s9] =	ssyncadd.s32 $0xFFFFE000  }
0x4f: {  	[hbm4b:s0+s2] =	stream.linear.scatter [tilespmem:s8], [sflag:$0x3], $0x2000, $0x38;
	[tilespmem:$0x5080] =	vst v63  }
0x50: {  	_ =	swait.ge [sflag:s4], $0x2000  }
0x51: {  	s0 =	sld [smem:$0x7F5]  }
0x52: {  	[sflag:s4] =	ssyncset.done $0x0  }
0x53: {  	[sflag:s4] =	ssyncadd.s32 $0xFFFFE000  }
0x54: {  	[tilespmem:s8], [sflag:$0x2] =	stream.indirect.gather [hbm4b:s3+s7], $0x40, s0, s7, $0xb8;
	[tilespmem:$0x5080] =	vst v63  }
0x55: {  	_ =	swait.ge [sflag:s6], $0x2000  }
0x56: {  	[sflag:s6] =	ssyncset.done $0x0  }
0x57: {  	s0 =	rddreg [dreg:$0x6];
	[sflag:s6] =	ssyncadd.s32 $0xFFFFE000  }
0x58: {  	[hbm4b:s0+s2] =	stream.linear.scatter [tilespmem:s5], [sflag:$0x3], $0x2000, $0x38;
	[tilespmem:$0x5080] =	vst v63  }
0x59: {  	_ =	swait.ge [sflag:s4], $0x2000  }
0x5a: {  	s0 =	sld [smem:$0x7F6]  }
0x5b: {  	[sflag:s4] =	ssyncset.done $0x0  }
0x5c: {  	[sflag:s4] =	ssyncadd.s32 $0xFFFFE000  }
0x5d: {  	[tilespmem:s5], [sflag:$0x1] =	stream.indirect.gather [hbm4b:s3+s7], $0x40, s0, s7, $0xb8;
	[tilespmem:$0x5080] =	vst v63  }
0x5e: {  	_ =	swait.ge [sflag:s9], $0x2000  }
0x5f: {  	[sflag:s9] =	ssyncset.done $0x0  }
0x60: {  	s0 =	rddreg [dreg:$0x7];
	[sflag:s9] =	ssyncadd.s32 $0xFFFFE000  }
0x61: {  	[hbm4b:s0+s2] =	stream.linear.scatter [tilespmem:s8], [sflag:$0x3], $0x2000, $0x38;
	[tilespmem:$0x5080] =	vst v63  }
0x62: {  	_ =	swait.ge [sflag:s4], $0x2000  }
0x63: {  	s0 =	sld [smem:$0x7F7]  }
0x64: {  	[sflag:s4] =	ssyncset.done $0x0  }
0x65: {  	[sflag:s4] =	ssyncadd.s32 $0xFFFFE000  }
0x66: {  	[tilespmem:s8], [sflag:$0x2] =	stream.indirect.gather [hbm4b:s3+s7], $0x40, s0, s7, $0xb8;
	[tilespmem:$0x5080] =	vst v63  }
0x67: {  	_ =	swait.ge [sflag:s6], $0x2000  }
0x68: {  	[sflag:s6] =	ssyncset.done $0x0  }
0x69: {  	s0 =	rddreg [dreg:$0x8];
	[sflag:s6] =	ssyncadd.s32 $0xFFFFE000  }
0x6a: {  	[hbm4b:s0+s2] =	stream.linear.scatter [tilespmem:s5], [sflag:$0x3], $0x2000, $0x38;
	[tilespmem:$0x5080] =	vst v63  }
0x6b: {  	_ =	swait.ge [sflag:s4], $0x2000  }
0x6c: {  	s0 =	sld [smem:$0x7F8]  }
0x6d: {  	[sflag:s4] =	ssyncset.done $0x0  }
0x6e: {  	[sflag:s4] =	ssyncadd.s32 $0xFFFFE000  }
0x6f: {  	[tilespmem:s5], [sflag:$0x1] =	stream.indirect.gather [hbm4b:s3+s7], $0x40, s0, s7, $0xb8;
	[tilespmem:$0x5080] =	vst v63  }
0x70: {  	_ =	swait.ge [sflag:s9], $0x2000  }
0x71: {  	[sflag:s9] =	ssyncset.done $0x0  }
0x72: {  	s0 =	rddreg [dreg:$0x9];
	[sflag:s9] =	ssyncadd.s32 $0xFFFFE000  }
0x73: {  	[hbm4b:s0+s2] =	stream.linear.scatter [tilespmem:s8], [sflag:$0x3], $0x2000, $0x38;
	[tilespmem:$0x5080] =	vst v63  }
0x74: {  	_ =	swait.ge [sflag:s4], $0x2000  }
0x75: {  	s0 =	sld [smem:$0x7F9]  }
0x76: {  	[sflag:s4] =	ssyncset.done $0x0  }
0x77: {  	[sflag:s4] =	ssyncadd.s32 $0xFFFFE000  }
0x78: {  	[tilespmem:s8], [sflag:$0x2] =	stream.indirect.gather [hbm4b:s3+s7], $0x40, s0, s7, $0xb8;
	[tilespmem:$0x5080] =	vst v63  }
0x79: {  	_ =	swait.ge [sflag:s6], $0x2000  }
0x7a: {  	[sflag:s6] =	ssyncset.done $0x0  }
0x7b: {  	s0 =	rddreg [dreg:$0xa];
	[sflag:s6] =	ssyncadd.s32 $0xFFFFE000  }
0x7c: {  	[hbm4b:s0+s2] =	stream.linear.scatter [tilespmem:s5], [sflag:$0x3], $0x2000, $0x38;
	[tilespmem:$0x5080] =	vst v63  }
0x7d: {  	_ =	swait.ge [sflag:s4], $0x2000  }
0x7e: {  	s0 =	sld [smem:$0x7FA]  }
0x7f: {  	[sflag:s4] =	ssyncset.done $0x0  }
0x80: {  	[sflag:s4] =	ssyncadd.s32 $0xFFFFE000  }
0x81: {  	[tilespmem:s5], [sflag:$0x1] =	stream.indirect.gather [hbm4b:s3+s7], $0x40, s0, s7, $0xb8;
	[tilespmem:$0x5080] =	vst v63  }
0x82: {  	_ =	swait.ge [sflag:s9], $0x2000  }
0x83: {  	[sflag:s9] =	ssyncset.done $0x0  }
0x84: {  	s0 =	rddreg [dreg:$0xb];
	[sflag:s9] =	ssyncadd.s32 $0xFFFFE000  }
0x85: {  	[hbm4b:s0+s2] =	stream.linear.scatter [tilespmem:s8], [sflag:$0x3], $0x2000, $0x38;
	[tilespmem:$0x5080] =	vst v63  }
0x86: {  	_ =	swait.ge [sflag:s4], $0x2000  }
0x87: {  	s0 =	sld [smem:$0x7FB]  }
0x88: {  	[sflag:s4] =	ssyncset.done $0x0  }
0x89: {  	[sflag:s4] =	ssyncadd.s32 $0xFFFFE000  }
0x8a: {  	[tilespmem:s8], [sflag:$0x2] =	stream.indirect.gather [hbm4b:s3+s7], $0x40, s0, s7, $0xb8;
	[tilespmem:$0x5080] =	vst v63  }
0x8b: {  	_ =	swait.ge [sflag:s6], $0x2000  }
0x8c: {  	[sflag:s6] =	ssyncset.done $0x0  }
0x8d: {  	s0 =	rddreg [dreg:$0xc];
	[sflag:s6] =	ssyncadd.s32 $0xFFFFE000  }
0x8e: {  	[hbm4b:s0+s2] =	stream.linear.scatter [tilespmem:s5], [sflag:$0x3], $0x2000, $0x38;
	[tilespmem:$0x5080] =	vst v63  }
0x8f: {  	_ =	swait.ge [sflag:s4], $0x2000  }
0x90: {  	s0 =	sld [smem:$0x7FC]  }
0x91: {  	[sflag:s4] =	ssyncset.done $0x0  }
0x92: {  	[sflag:s4] =	ssyncadd.s32 $0xFFFFE000  }
0x93: {  	[tilespmem:s5], [sflag:$0x1] =	stream.indirect.gather [hbm4b:s3+s7], $0x40, s0, s7, $0xb8;
	[tilespmem:$0x5080] =	vst v63  }
0x94: {  	_ =	swait.ge [sflag:s9], $0x2000  }
0x95: {  	[sflag:s9] =	ssyncset.done $0x0  }
0x96: {  	s0 =	rddreg [dreg:$0xd];
	[sflag:s9] =	ssyncadd.s32 $0xFFFFE000  }
0x97: {  	[hbm4b:s0+s2] =	stream.linear.scatter [tilespmem:s8], [sflag:$0x3], $0x2000, $0x38;
	[tilespmem:$0x5080] =	vst v63  }
0x98: {  	_ =	swait.ge [sflag:s4], $0x2000  }
0x99: {  	s0 =	sld [smem:$0x7FD]  }
0x9a: {  	[sflag:s4] =	ssyncset.done $0x0  }
0x9b: {  	[sflag:s4] =	ssyncadd.s32 $0xFFFFE000  }
0x9c: {  	[tilespmem:s8], [sflag:$0x2] =	stream.indirect.gather [hbm4b:s3+s7], $0x40, s0, s7, $0xb8;
	[tilespmem:$0x5080] =	vst v63  }
0x9d: {  	_ =	swait.ge [sflag:s6], $0x2000  }
0x9e: {  	[sflag:s6] =	ssyncset.done $0x0  }
0x9f: {  	s0 =	rddreg [dreg:$0xe];
	[sflag:s6] =	ssyncadd.s32 $0xFFFFE000  }
0xa0: {  	[hbm4b:s0+s2] =	stream.linear.scatter [tilespmem:s5], [sflag:$0x3], $0x2000, $0x38;
	[tilespmem:$0x5080] =	vst v63  }
0xa1: {  	_ =	swait.ge [sflag:s4], $0x2000  }
0xa2: {  	[sflag:s4] =	ssyncset.done $0x0  }
0xa3: {  	[sflag:s4] =	ssyncadd.s32 $0xFFFFE000  }
0xa4: {  	[tilespmem:s5], [sflag:$0x1] =	stream.indirect.gather [hbm4b:s3+s7], $0x40, s31, s7, $0xb8;
	[tilespmem:$0x5080] =	vst v63  }
0xa5: {  	_ =	swait.ge [sflag:s9], $0x2000  }
0xa6: {  	[sflag:s9] =	ssyncset.done $0x0  }
0xa7: {  	s0 =	rddreg [dreg:$0xf];
	[sflag:s9] =	ssyncadd.s32 $0xFFFFE000  }
0xa8: {  	[hbm4b:s0+s2] =	stream.linear.scatter [tilespmem:s8], [sflag:$0x3], $0x2000, $0x38;
	[tilespmem:$0x5080] =	vst v63  }
0xa9: {  	_ =	swait.ge [sflag:s4], $0x2000  }
0xaa: {  	[sflag:s4] =	ssyncset.done $0x0  }
0xab: {  	[sflag:s4] =	ssyncadd.s32 $0xFFFFE000  }
0xac: {  	[tilespmem:s8], [sflag:$0x2] =	stream.indirect.gather [hbm4b:s3+s7], $0x40, s30, s7, $0xb8;
	[tilespmem:$0x5080] =	vst v63  }
0xad: {  	_ =	swait.ge [sflag:s6], $0x2000  }
0xae: {  	[sflag:s6] =	ssyncset.done $0x0  }
0xaf: {  	s0 =	rddreg [dreg:$0x10];
	[sflag:s6] =	ssyncadd.s32 $0xFFFFE000  }
0xb0: {  	[hbm4b:s0+s2] =	stream.linear.scatter [tilespmem:s5], [sflag:$0x3], $0x2000, $0x38;
	[tilespmem:$0x5080] =	vst v63  }
0xb1: {  	_ =	swait.ge [sflag:s4], $0x2000  }
0xb2: {  	[sflag:s4] =	ssyncset.done $0x0  }
0xb3: {  	[sflag:s4] =	ssyncadd.s32 $0xFFFFE000  }
0xb4: {  	[tilespmem:s5], [sflag:$0x1] =	stream.indirect.gather [hbm4b:s3+s7], $0x40, s29, s7, $0xb8;
	[tilespmem:$0x5080] =	vst v63  }
0xb5: {  	_ =	swait.ge [sflag:s9], $0x2000  }
0xb6: {  	[sflag:s9] =	ssyncset.done $0x0  }
0xb7: {  	s0 =	rddreg [dreg:$0x11];
	[sflag:s9] =	ssyncadd.s32 $0xFFFFE000  }
0xb8: {  	[hbm4b:s0+s2] =	stream.linear.scatter [tilespmem:s8], [sflag:$0x3], $0x2000, $0x38;
	[tilespmem:$0x5080] =	vst v63  }
0xb9: {  	_ =	swait.ge [sflag:s4], $0x2000  }
0xba: {  	[sflag:s4] =	ssyncset.done $0x0  }
0xbb: {  	[sflag:s4] =	ssyncadd.s32 $0xFFFFE000  }
0xbc: {  	[tilespmem:s8], [sflag:$0x2] =	stream.indirect.gather [hbm4b:s3+s7], $0x40, s28, s7, $0xb8;
	[tilespmem:$0x5080] =	vst v63  }
0xbd: {  	_ =	swait.ge [sflag:s6], $0x2000  }
0xbe: {  	[sflag:s6] =	ssyncset.done $0x0  }
0xbf: {  	s0 =	rddreg [dreg:$0x12];
	[sflag:s6] =	ssyncadd.s32 $0xFFFFE000  }
0xc0: {  	[hbm4b:s0+s2] =	stream.linear.scatter [tilespmem:s5], [sflag:$0x3], $0x2000, $0x38;
	[tilespmem:$0x5080] =	vst v63  }
0xc1: {  	_ =	swait.ge [sflag:s4], $0x2000  }
0xc2: {  	[sflag:s4] =	ssyncset.done $0x0  }
0xc3: {  	[sflag:s4] =	ssyncadd.s32 $0xFFFFE000  }
0xc4: {  	[tilespmem:s5], [sflag:$0x1] =	stream.indirect.gather [hbm4b:s3+s7], $0x40, s26, s7, $0xb8;
	[tilespmem:$0x5080] =	vst v63  }
0xc5: {  	_ =	swait.ge [sflag:s9], $0x2000  }
0xc6: {  	[sflag:s9] =	ssyncset.done $0x0  }
0xc7: {  	s0 =	rddreg [dreg:$0x13];
	[sflag:s9] =	ssyncadd.s32 $0xFFFFE000  }
0xc8: {  	[hbm4b:s0+s2] =	stream.linear.scatter [tilespmem:s8], [sflag:$0x3], $0x2000, $0x38;
	[tilespmem:$0x5080] =	vst v63  }
0xc9: {  	_ =	swait.ge [sflag:s4], $0x2000  }
0xca: {  	[sflag:s4] =	ssyncset.done $0x0  }
0xcb: {  	[sflag:s4] =	ssyncadd.s32 $0xFFFFE000  }
0xcc: {  	[tilespmem:s8], [sflag:$0x2] =	stream.indirect.gather [hbm4b:s3+s7], $0x40, s25, s7, $0xb8;
	[tilespmem:$0x5080] =	vst v63  }
0xcd: {  	_ =	swait.ge [sflag:s6], $0x2000  }
0xce: {  	[sflag:s6] =	ssyncset.done $0x0  }
0xcf: {  	s0 =	rddreg [dreg:$0x14];
	[sflag:s6] =	ssyncadd.s32 $0xFFFFE000  }
0xd0: {  	[hbm4b:s0+s2] =	stream.linear.scatter [tilespmem:s5], [sflag:$0x3], $0x2000, $0x38;
	[tilespmem:$0x5080] =	vst v63  }
0xd1: {  	_ =	swait.ge [sflag:s4], $0x2000  }
0xd2: {  	[sflag:s4] =	ssyncset.done $0x0  }
0xd3: {  	[sflag:s4] =	ssyncadd.s32 $0xFFFFE000  }
0xd4: {  	[tilespmem:s5], [sflag:$0x1] =	stream.indirect.gather [hbm4b:s3+s7], $0x40, s24, s7, $0xb8;
	[tilespmem:$0x5080] =	vst v63  }
0xd5: {  	_ =	swait.ge [sflag:s9], $0x2000  }
0xd6: {  	[sflag:s9] =	ssyncset.done $0x0  }
0xd7: {  	s0 =	rddreg [dreg:$0x15];
	[sflag:s9] =	ssyncadd.s32 $0xFFFFE000  }
0xd8: {  	[hbm4b:s0+s2] =	stream.linear.scatter [tilespmem:s8], [sflag:$0x3], $0x2000, $0x38;
	[tilespmem:$0x5080] =	vst v63  }
0xd9: {  	_ =	swait.ge [sflag:s4], $0x2000  }
0xda: {  	[sflag:s4] =	ssyncset.done $0x0  }
0xdb: {  	[sflag:s4] =	ssyncadd.s32 $0xFFFFE000  }
0xdc: {  	[tilespmem:s8], [sflag:$0x2] =	stream.indirect.gather [hbm4b:s3+s7], $0x40, s23, s7, $0xb8;
	[tilespmem:$0x5080] =	vst v63  }
0xdd: {  	_ =	swait.ge [sflag:s6], $0x2000  }
0xde: {  	[sflag:s6] =	ssyncset.done $0x0  }
0xdf: {  	s0 =	rddreg [dreg:$0x16];
	[sflag:s6] =	ssyncadd.s32 $0xFFFFE000  }
0xe0: {  	[hbm4b:s0+s2] =	stream.linear.scatter [tilespmem:s5], [sflag:$0x3], $0x2000, $0x38;
	[tilespmem:$0x5080] =	vst v63  }
0xe1: {  	_ =	swait.ge [sflag:s4], $0x2000  }
0xe2: {  	[sflag:s4] =	ssyncset.done $0x0  }
0xe3: {  	[sflag:s4] =	ssyncadd.s32 $0xFFFFE000  }
0xe4: {  	[tilespmem:s5], [sflag:$0x1] =	stream.indirect.gather [hbm4b:s3+s7], $0x40, s22, s7, $0xb8;
	[tilespmem:$0x5080] =	vst v63  }
0xe5: {  	_ =	swait.ge [sflag:s9], $0x2000  }
0xe6: {  	[sflag:s9] =	ssyncset.done $0x0  }
0xe7: {  	s0 =	rddreg [dreg:$0x17];
	[sflag:s9] =	ssyncadd.s32 $0xFFFFE000  }
0xe8: {  	[hbm4b:s0+s2] =	stream.linear.scatter [tilespmem:s8], [sflag:$0x3], $0x2000, $0x38;
	[tilespmem:$0x5080] =	vst v63  }
0xe9: {  	_ =	swait.ge [sflag:s4], $0x2000  }
0xea: {  	[sflag:s4] =	ssyncset.done $0x0  }
0xeb: {  	[sflag:s4] =	ssyncadd.s32 $0xFFFFE000  }
0xec: {  	[tilespmem:s8], [sflag:$0x2] =	stream.indirect.gather [hbm4b:s3+s7], $0x40, s21, s7, $0xb8;
	[tilespmem:$0x5080] =	vst v63  }
0xed: {  	_ =	swait.ge [sflag:s6], $0x2000  }
0xee: {  	[sflag:s6] =	ssyncset.done $0x0  }
0xef: {  	s0 =	rddreg [dreg:$0x18];
	[sflag:s6] =	ssyncadd.s32 $0xFFFFE000  }
0xf0: {  	[hbm4b:s0+s2] =	stream.linear.scatter [tilespmem:s5], [sflag:$0x3], $0x2000, $0x38;
	[tilespmem:$0x5080] =	vst v63  }
0xf1: {  	_ =	swait.ge [sflag:s4], $0x2000  }
0xf2: {  	[sflag:s4] =	ssyncset.done $0x0  }
0xf3: {  	[sflag:s4] =	ssyncadd.s32 $0xFFFFE000  }
0xf4: {  	[tilespmem:s5], [sflag:$0x1] =	stream.indirect.gather [hbm4b:s3+s7], $0x40, s20, s7, $0xb8;
	[tilespmem:$0x5080] =	vst v63  }
0xf5: {  	_ =	swait.ge [sflag:s9], $0x2000  }
0xf6: {  	[sflag:s9] =	ssyncset.done $0x0  }
0xf7: {  	s0 =	rddreg [dreg:$0x19];
	[sflag:s9] =	ssyncadd.s32 $0xFFFFE000  }
0xf8: {  	[hbm4b:s0+s2] =	stream.linear.scatter [tilespmem:s8], [sflag:$0x3], $0x2000, $0x38;
	[tilespmem:$0x5080] =	vst v63  }
0xf9: {  	_ =	swait.ge [sflag:s4], $0x2000  }
0xfa: {  	[sflag:s4] =	ssyncset.done $0x0  }
0xfb: {  	[sflag:s4] =	ssyncadd.s32 $0xFFFFE000  }
0xfc: {  	[tilespmem:s8], [sflag:$0x2] =	stream.indirect.gather [hbm4b:s3+s7], $0x40, s19, s7, $0xb8;
	[tilespmem:$0x5080] =	vst v63  }
0xfd: {  	_ =	swait.ge [sflag:s6], $0x2000  }
0xfe: {  	[sflag:s6] =	ssyncset.done $0x0  }
0xff: {  	s0 =	rddreg [dreg:$0x1a];
	[sflag:s6] =	ssyncadd.s32 $0xFFFFE000  }
0x100: {  	[hbm4b:s0+s2] =	stream.linear.scatter [tilespmem:s5], [sflag:$0x3], $0x2000, $0x38;
	[tilespmem:$0x5080] =	vst v63  }
0x101: {  	_ =	swait.ge [sflag:s4], $0x2000  }
0x102: {  	[sflag:s4] =	ssyncset.done $0x0  }
0x103: {  	[sflag:s4] =	ssyncadd.s32 $0xFFFFE000  }
0x104: {  	[tilespmem:s5], [sflag:$0x1] =	stream.indirect.gather [hbm4b:s3+s7], $0x40, s18, s7, $0xb8;
	[tilespmem:$0x5080] =	vst v63  }
0x105: {  	_ =	swait.ge [sflag:s9], $0x2000  }
0x106: {  	[sflag:s9] =	ssyncset.done $0x0  }
0x107: {  	s0 =	rddreg [dreg:$0x1b];
	[sflag:s9] =	ssyncadd.s32 $0xFFFFE000  }
0x108: {  	[hbm4b:s0+s2] =	stream.linear.scatter [tilespmem:s8], [sflag:$0x3], $0x2000, $0x38;
	[tilespmem:$0x5080] =	vst v63  }
0x109: {  	_ =	swait.ge [sflag:s4], $0x2000  }
0x10a: {  	[sflag:s4] =	ssyncset.done $0x0  }
0x10b: {  	[sflag:s4] =	ssyncadd.s32 $0xFFFFE000  }
0x10c: {  	[tilespmem:s8], [sflag:$0x2] =	stream.indirect.gather [hbm4b:s3+s7], $0x40, s17, s7, $0xb8;
	[tilespmem:$0x5080] =	vst v63  }
0x10d: {  	_ =	swait.ge [sflag:s6], $0x2000  }
0x10e: {  	[sflag:s6] =	ssyncset.done $0x0  }
0x10f: {  	s0 =	rddreg [dreg:$0x1c];
	[sflag:s6] =	ssyncadd.s32 $0xFFFFE000  }
0x110: {  	[hbm4b:s0+s2] =	stream.linear.scatter [tilespmem:s5], [sflag:$0x3], $0x2000, $0x38;
	[tilespmem:$0x5080] =	vst v63  }
0x111: {  	_ =	swait.ge [sflag:s4], $0x2000  }
0x112: {  	[sflag:s4] =	ssyncset.done $0x0  }
0x113: {  	[sflag:s4] =	ssyncadd.s32 $0xFFFFE000  }
0x114: {  	[tilespmem:s5], [sflag:$0x1] =	stream.indirect.gather [hbm4b:s3+s7], $0x40, s16, s7, $0xb8;
	[tilespmem:$0x5080] =	vst v63  }
0x115: {  	_ =	swait.ge [sflag:s9], $0x2000  }
0x116: {  	[sflag:s9] =	ssyncset.done $0x0  }
0x117: {  	s0 =	rddreg [dreg:$0x1d];
	[sflag:s9] =	ssyncadd.s32 $0xFFFFE000  }
0x118: {  	[hbm4b:s0+s2] =	stream.linear.scatter [tilespmem:s8], [sflag:$0x3], $0x2000, $0x38;
	[tilespmem:$0x5080] =	vst v63  }
0x119: {  	_ =	swait.ge [sflag:s4], $0x2000  }
0x11a: {  	[sflag:s4] =	ssyncset.done $0x0  }
0x11b: {  	[sflag:s4] =	ssyncadd.s32 $0xFFFFE000  }
0x11c: {  	[tilespmem:s8], [sflag:$0x2] =	stream.indirect.gather [hbm4b:s3+s7], $0x40, s15, s7, $0xb8;
	[tilespmem:$0x5080] =	vst v63  }
0x11d: {  	_ =	swait.ge [sflag:s6], $0x2000  }
0x11e: {  	[sflag:s6] =	ssyncset.done $0x0  }
0x11f: {  	s0 =	rddreg [dreg:$0x1e];
	[sflag:s6] =	ssyncadd.s32 $0xFFFFE000  }
0x120: {  	[hbm4b:s0+s2] =	stream.linear.scatter [tilespmem:s5], [sflag:$0x3], $0x2000, $0x38;
	[tilespmem:$0x5080] =	vst v63  }
0x121: {  	_ =	swait.ge [sflag:s4], $0x2000  }
0x122: {  	[sflag:s4] =	ssyncset.done $0x0  }
0x123: {  	[sflag:s4] =	ssyncadd.s32 $0xFFFFE000  }
0x124: {  	[tilespmem:s5], [sflag:$0x1] =	stream.indirect.gather [hbm4b:s3+s7], $0x40, s14, s7, $0xb8;
	[tilespmem:$0x5080] =	vst v63  }
0x125: {  	_ =	swait.ge [sflag:s9], $0x2000  }
0x126: {  	[sflag:s9] =	ssyncset.done $0x0  }
0x127: {  	s0 =	rddreg [dreg:$0x1f];
	[sflag:s9] =	ssyncadd.s32 $0xFFFFE000  }
0x128: {  	[hbm4b:s0+s2] =	stream.linear.scatter [tilespmem:s8], [sflag:$0x3], $0x2000, $0x38;
	[tilespmem:$0x5080] =	vst v63  }
0x129: {  	_ =	swait.ge [sflag:s4], $0x2000  }
0x12a: {  	[sflag:s4] =	ssyncset.done $0x0  }
0x12b: {  	[sflag:s4] =	ssyncadd.s32 $0xFFFFE000  }
0x12c: {  	[tilespmem:s8], [sflag:$0x2] =	stream.indirect.gather [hbm4b:s3+s7], $0x40, s13, s7, $0xb8;
	[tilespmem:$0x5080] =	vst v63  }
0x12d: {  	_ =	swait.ge [sflag:s6], $0x2000  }
0x12e: {  	s0 =	sld [smem:$0x7EF]  }
0x12f: {  	[sflag:s6] =	ssyncset.done $0x0  }
0x130: {  	[sflag:s6] =	ssyncadd.s32 $0xFFFFE000  }
0x131: {  	[hbm4b:s0+s2] =	stream.linear.scatter [tilespmem:s5], [sflag:$0x3], $0x2000, $0x38;
	[tilespmem:$0x5080] =	vst v63  }
0x132: {  	_ =	swait.ge [sflag:s4], $0x2000  }
0x133: {  	[sflag:s4] =	ssyncset.done $0x0  }
0x134: {  	[sflag:s4] =	ssyncadd.s32 $0xFFFFE000  }
0x135: {  	[tilespmem:s5], [sflag:$0x1] =	stream.indirect.gather [hbm4b:s3+s7], $0x40, s12, s7, $0xb8;
	[tilespmem:$0x5080] =	vst v63  }
0x136: {  	_ =	swait.ge [sflag:s9], $0x2000  }
0x137: {  	s0 =	sld [smem:$0x7F0]  }
0x138: {  	[sflag:s9] =	ssyncset.done $0x0  }
0x139: {  	[sflag:s9] =	ssyncadd.s32 $0xFFFFE000  }
0x13a: {  	[hbm4b:s0+s2] =	stream.linear.scatter [tilespmem:s8], [sflag:$0x3], $0x2000, $0x38;
	[tilespmem:$0x5080] =	vst v63  }
0x13b: {  	_ =	swait.ge [sflag:s4], $0x2000  }
0x13c: {  	[sflag:s4] =	ssyncset.done $0x0  }
0x13d: {  	[sflag:s4] =	ssyncadd.s32 $0xFFFFE000  }
0x13e: {  	[tilespmem:s8], [sflag:$0x2] =	stream.indirect.gather [hbm4b:s3+s7], $0x40, s11, s7, $0xb8;
	[tilespmem:$0x5080] =	vst v63  }
0x13f: {  	_ =	swait.ge [sflag:s6], $0x2000  }
0x140: {  	s0 =	sld [smem:$0x7F1]  }
0x141: {  	[sflag:s6] =	ssyncset.done $0x0  }
0x142: {  	[sflag:s6] =	ssyncadd.s32 $0xFFFFE000  }
0x143: {  	[hbm4b:s0+s2] =	stream.linear.scatter [tilespmem:s5], [sflag:$0x3], $0x2000, $0x38;
	[tilespmem:$0x5080] =	vst v63  }
0x144: {  	_ =	swait.ge [sflag:s4], $0x2000  }
0x145: {  	[sflag:s4] =	ssyncset.done $0x0  }
0x146: {  	[sflag:s4] =	ssyncadd.s32 $0xFFFFE000  }
0x147: {  	[tilespmem:s5], [sflag:$0x1] =	stream.indirect.gather [hbm4b:s3+s7], $0x40, s10, s7, $0xb8;
	[tilespmem:$0x5080] =	vst v63  }
0x148: {  	_ =	swait.ge [sflag:s9], $0x2000  }
0x149: {  	s0 =	sld [smem:$0x7F2]  }
0x14a: {  	[sflag:s9] =	ssyncset.done $0x0  }
0x14b: {  	[sflag:s9] =	ssyncadd.s32 $0xFFFFE000  }
0x14c: {  	[hbm4b:s0+s2] =	stream.linear.scatter [tilespmem:s8], [sflag:$0x3], $0x2000, $0x38;
	[tilespmem:$0x5080] =	vst v63  }
0x14d: {  	_ =	swait.ge [sflag:s4], $0x2000  }
0x14e: {  	[sflag:s4] =	ssyncset.done $0x0  }
0x14f: {  	[sflag:s4] =	ssyncadd.s32 $0xFFFFE000  }
0x150: {  	_ =	swait.ge [sflag:s6], $0x2000  }
0x151: {  	p1 =	sne.s32 s1, $0x1;
	s0 =	sld [smem:$0x7F3]  }
.Ltmp1:
0x152: {  	[sflag:s6] =	ssyncset.done $0x0;
	(pc) =	sbr.rel @!p1 .LBB2_3-.Ltmp1, $4  }
0x153: {  	[sflag:s6] =	ssyncadd.s32 $0xFFFFE000  }
0x154: {  	[hbm4b:s0+s2] =	stream.linear.scatter [tilespmem:s5], [sflag:$0x3], $0x2000, $0x38;
	[tilespmem:$0x5080] =	vst v63  }
0x155: {  	s1 =	sadd.s32 $0xFFFFFFFF, s1;
	_ =	swait.ge [sflag:s4], $0x2000  }
0x156: {  	p0 =	por $0x1, $0x1;
	s0 =	rddreg [dreg:$0x3];
	[sflag:s4] =	ssyncset.done $0x0  }
.LBB2_2:
0x157: {  	[sflag:s4] =	ssyncadd.s32 $0xFFFFE000  }
0x158: {  	[tilespmem:s2], [sflag:$0x3] =	stream.linear.gather [hbm4b:s0+s2], $0x1080, $0x38;
	[tilespmem:$0x5080] =	vst v63  }
0x159: {  	_ =	swait.ge [sflag:s4], $0x1080  }
0x15a: {  	[sflag:s4] =	ssyncset.done $0x0  }
0x15b: {  	[sflag:s4] =	ssyncadd.s32 $0xFFFFEF80  }
0x15c: {  	[tilespmem:s5], [sflag:$0x1] =	stream.indirect.gather [hbm4b:s3+s7], $0x40, s2, s7, $0xb8;
	[tilespmem:$0x5080] =	vst v63  }
0x15d: {  	_ = 	snop  }
0x15e: {  	[tilespmem:s8], [sflag:$0x2] =	stream.indirect.gather [hbm4b:s3+s7], $0x40, s7, s7, $0xb8;
	[tilespmem:$0x5080] =	vst v63  }
0x15f: {  	_ =	swait.ge [sflag:s6], $0x2000  }
0x160: {  	[sflag:s6] =	ssyncset.done $0x0  }
0x161: {  	s0 =	rddreg [dreg:$0x4];
	[sflag:s6] =	ssyncadd.s32 $0xFFFFE000  }
0x162: {  	[hbm4b:s0+s2] =	stream.linear.scatter [tilespmem:s5], [sflag:$0x3], $0x2000, $0x38;
	[tilespmem:$0x5080] =	vst v63  }
0x163: {  	_ =	swait.ge [sflag:s4], $0x2000  }
0x164: {  	s0 =	sld [smem:$0x7F4]  }
0x165: {  	[sflag:s4] =	ssyncset.done $0x0  }
0x166: {  	[sflag:s4] =	ssyncadd.s32 $0xFFFFE000  }
0x167: {  	[tilespmem:s5], [sflag:$0x1] =	stream.indirect.gather [hbm4b:s3+s7], $0x40, s0, s7, $0xb8;
	[tilespmem:$0x5080] =	vst v63  }
0x168: {  	_ =	swait.ge [sflag:s9], $0x2000  }
0x169: {  	[sflag:s9] =	ssyncset.done $0x0  }
0x16a: {  	s0 =	rddreg [dreg:$0x5];
	[sflag:s9] =	ssyncadd.s32 $0xFFFFE000  }
0x16b: {  	[hbm4b:s0+s2] =	stream.linear.scatter [tilespmem:s8], [sflag:$0x3], $0x2000, $0x38;
	[tilespmem:$0x5080] =	vst v63  }
0x16c: {  	_ =	swait.ge [sflag:s4], $0x2000  }
0x16d: {  	s0 =	sld [smem:$0x7F5]  }
0x16e: {  	[sflag:s4] =	ssyncset.done $0x0  }
0x16f: {  	[sflag:s4] =	ssyncadd.s32 $0xFFFFE000  }
0x170: {  	[tilespmem:s8], [sflag:$0x2] =	stream.indirect.gather [hbm4b:s3+s7], $0x40, s0, s7, $0xb8;
	[tilespmem:$0x5080] =	vst v63  }
0x171: {  	_ =	swait.ge [sflag:s6], $0x2000  }
0x172: {  	[sflag:s6] =	ssyncset.done $0x0  }
0x173: {  	s0 =	rddreg [dreg:$0x6];
	[sflag:s6] =	ssyncadd.s32 $0xFFFFE000  }
0x174: {  	[hbm4b:s0+s2] =	stream.linear.scatter [tilespmem:s5], [sflag:$0x3], $0x2000, $0x38;
	[tilespmem:$0x5080] =	vst v63  }
0x175: {  	_ =	swait.ge [sflag:s4], $0x2000  }
0x176: {  	s0 =	sld [smem:$0x7F6]  }
0x177: {  	[sflag:s4] =	ssyncset.done $0x0  }
0x178: {  	[sflag:s4] =	ssyncadd.s32 $0xFFFFE000  }
0x179: {  	[tilespmem:s5], [sflag:$0x1] =	stream.indirect.gather [hbm4b:s3+s7], $0x40, s0, s7, $0xb8;
	[tilespmem:$0x5080] =	vst v63  }
0x17a: {  	_ =	swait.ge [sflag:s9], $0x2000  }
0x17b: {  	[sflag:s9] =	ssyncset.done $0x0  }
0x17c: {  	s0 =	rddreg [dreg:$0x7];
	[sflag:s9] =	ssyncadd.s32 $0xFFFFE000  }
0x17d: {  	[hbm4b:s0+s2] =	stream.linear.scatter [tilespmem:s8], [sflag:$0x3], $0x2000, $0x38;
	[tilespmem:$0x5080] =	vst v63  }
0x17e: {  	_ =	swait.ge [sflag:s4], $0x2000  }
0x17f: {  	s0 =	sld [smem:$0x7F7]  }
0x180: {  	[sflag:s4] =	ssyncset.done $0x0  }
0x181: {  	[sflag:s4] =	ssyncadd.s32 $0xFFFFE000  }
0x182: {  	[tilespmem:s8], [sflag:$0x2] =	stream.indirect.gather [hbm4b:s3+s7], $0x40, s0, s7, $0xb8;
	[tilespmem:$0x5080] =	vst v63  }
0x183: {  	_ =	swait.ge [sflag:s6], $0x2000  }
0x184: {  	[sflag:s6] =	ssyncset.done $0x0  }
0x185: {  	s0 =	rddreg [dreg:$0x8];
	[sflag:s6] =	ssyncadd.s32 $0xFFFFE000  }
0x186: {  	[hbm4b:s0+s2] =	stream.linear.scatter [tilespmem:s5], [sflag:$0x3], $0x2000, $0x38;
	[tilespmem:$0x5080] =	vst v63  }
0x187: {  	_ =	swait.ge [sflag:s4], $0x2000  }
0x188: {  	s0 =	sld [smem:$0x7F8]  }
0x189: {  	[sflag:s4] =	ssyncset.done $0x0  }
0x18a: {  	[sflag:s4] =	ssyncadd.s32 $0xFFFFE000  }
0x18b: {  	[tilespmem:s5], [sflag:$0x1] =	stream.indirect.gather [hbm4b:s3+s7], $0x40, s0, s7, $0xb8;
	[tilespmem:$0x5080] =	vst v63  }
0x18c: {  	_ =	swait.ge [sflag:s9], $0x2000  }
0x18d: {  	[sflag:s9] =	ssyncset.done $0x0  }
0x18e: {  	s0 =	rddreg [dreg:$0x9];
	[sflag:s9] =	ssyncadd.s32 $0xFFFFE000  }
0x18f: {  	[hbm4b:s0+s2] =	stream.linear.scatter [tilespmem:s8], [sflag:$0x3], $0x2000, $0x38;
	[tilespmem:$0x5080] =	vst v63  }
0x190: {  	_ =	swait.ge [sflag:s4], $0x2000  }
0x191: {  	s0 =	sld [smem:$0x7F9]  }
0x192: {  	[sflag:s4] =	ssyncset.done $0x0  }
0x193: {  	[sflag:s4] =	ssyncadd.s32 $0xFFFFE000  }
0x194: {  	[tilespmem:s8], [sflag:$0x2] =	stream.indirect.gather [hbm4b:s3+s7], $0x40, s0, s7, $0xb8;
	[tilespmem:$0x5080] =	vst v63  }
0x195: {  	_ =	swait.ge [sflag:s6], $0x2000  }
0x196: {  	[sflag:s6] =	ssyncset.done $0x0  }
0x197: {  	s0 =	rddreg [dreg:$0xa];
	[sflag:s6] =	ssyncadd.s32 $0xFFFFE000  }
0x198: {  	[hbm4b:s0+s2] =	stream.linear.scatter [tilespmem:s5], [sflag:$0x3], $0x2000, $0x38;
	[tilespmem:$0x5080] =	vst v63  }
0x199: {  	_ =	swait.ge [sflag:s4], $0x2000  }
0x19a: {  	s0 =	sld [smem:$0x7FA]  }
0x19b: {  	[sflag:s4] =	ssyncset.done $0x0  }
0x19c: {  	[sflag:s4] =	ssyncadd.s32 $0xFFFFE000  }
0x19d: {  	[tilespmem:s5], [sflag:$0x1] =	stream.indirect.gather [hbm4b:s3+s7], $0x40, s0, s7, $0xb8;
	[tilespmem:$0x5080] =	vst v63  }
0x19e: {  	_ =	swait.ge [sflag:s9], $0x2000  }
0x19f: {  	[sflag:s9] =	ssyncset.done $0x0  }
0x1a0: {  	s0 =	rddreg [dreg:$0xb];
	[sflag:s9] =	ssyncadd.s32 $0xFFFFE000  }
0x1a1: {  	[hbm4b:s0+s2] =	stream.linear.scatter [tilespmem:s8], [sflag:$0x3], $0x2000, $0x38;
	[tilespmem:$0x5080] =	vst v63  }
0x1a2: {  	_ =	swait.ge [sflag:s4], $0x2000  }
0x1a3: {  	s0 =	sld [smem:$0x7FB]  }
0x1a4: {  	[sflag:s4] =	ssyncset.done $0x0  }
0x1a5: {  	[sflag:s4] =	ssyncadd.s32 $0xFFFFE000  }
0x1a6: {  	[tilespmem:s8], [sflag:$0x2] =	stream.indirect.gather [hbm4b:s3+s7], $0x40, s0, s7, $0xb8;
	[tilespmem:$0x5080] =	vst v63  }
0x1a7: {  	_ =	swait.ge [sflag:s6], $0x2000  }
0x1a8: {  	[sflag:s6] =	ssyncset.done $0x0  }
0x1a9: {  	s0 =	rddreg [dreg:$0xc];
	[sflag:s6] =	ssyncadd.s32 $0xFFFFE000  }
0x1aa: {  	[hbm4b:s0+s2] =	stream.linear.scatter [tilespmem:s5], [sflag:$0x3], $0x2000, $0x38;
	[tilespmem:$0x5080] =	vst v63  }
0x1ab: {  	_ =	swait.ge [sflag:s4], $0x2000  }
0x1ac: {  	s0 =	sld [smem:$0x7FC]  }
0x1ad: {  	[sflag:s4] =	ssyncset.done $0x0  }
0x1ae: {  	[sflag:s4] =	ssyncadd.s32 $0xFFFFE000  }
0x1af: {  	[tilespmem:s5], [sflag:$0x1] =	stream.indirect.gather [hbm4b:s3+s7], $0x40, s0, s7, $0xb8;
	[tilespmem:$0x5080] =	vst v63  }
0x1b0: {  	_ =	swait.ge [sflag:s9], $0x2000  }
0x1b1: {  	[sflag:s9] =	ssyncset.done $0x0  }
0x1b2: {  	s0 =	rddreg [dreg:$0xd];
	[sflag:s9] =	ssyncadd.s32 $0xFFFFE000  }
0x1b3: {  	[hbm4b:s0+s2] =	stream.linear.scatter [tilespmem:s8], [sflag:$0x3], $0x2000, $0x38;
	[tilespmem:$0x5080] =	vst v63  }
0x1b4: {  	_ =	swait.ge [sflag:s4], $0x2000  }
0x1b5: {  	s0 =	sld [smem:$0x7FD]  }
0x1b6: {  	[sflag:s4] =	ssyncset.done $0x0  }
0x1b7: {  	[sflag:s4] =	ssyncadd.s32 $0xFFFFE000  }
0x1b8: {  	[tilespmem:s8], [sflag:$0x2] =	stream.indirect.gather [hbm4b:s3+s7], $0x40, s0, s7, $0xb8;
	[tilespmem:$0x5080] =	vst v63  }
0x1b9: {  	_ =	swait.ge [sflag:s6], $0x2000  }
0x1ba: {  	[sflag:s6] =	ssyncset.done $0x0  }
0x1bb: {  	s0 =	rddreg [dreg:$0xe];
	[sflag:s6] =	ssyncadd.s32 $0xFFFFE000  }
0x1bc: {  	[hbm4b:s0+s2] =	stream.linear.scatter [tilespmem:s5], [sflag:$0x3], $0x2000, $0x38;
	[tilespmem:$0x5080] =	vst v63  }
0x1bd: {  	_ =	swait.ge [sflag:s4], $0x2000  }
0x1be: {  	[sflag:s4] =	ssyncset.done $0x0  }
0x1bf: {  	[sflag:s4] =	ssyncadd.s32 $0xFFFFE000  }
0x1c0: {  	[tilespmem:s5], [sflag:$0x1] =	stream.indirect.gather [hbm4b:s3+s7], $0x40, s31, s7, $0xb8;
	[tilespmem:$0x5080] =	vst v63  }
0x1c1: {  	_ =	swait.ge [sflag:s9], $0x2000  }
0x1c2: {  	[sflag:s9] =	ssyncset.done $0x0  }
0x1c3: {  	s0 =	rddreg [dreg:$0xf];
	[sflag:s9] =	ssyncadd.s32 $0xFFFFE000  }
0x1c4: {  	[hbm4b:s0+s2] =	stream.linear.scatter [tilespmem:s8], [sflag:$0x3], $0x2000, $0x38;
	[tilespmem:$0x5080] =	vst v63  }
0x1c5: {  	_ =	swait.ge [sflag:s4], $0x2000  }
0x1c6: {  	[sflag:s4] =	ssyncset.done $0x0  }
0x1c7: {  	[sflag:s4] =	ssyncadd.s32 $0xFFFFE000  }
0x1c8: {  	[tilespmem:s8], [sflag:$0x2] =	stream.indirect.gather [hbm4b:s3+s7], $0x40, s30, s7, $0xb8;
	[tilespmem:$0x5080] =	vst v63  }
0x1c9: {  	_ =	swait.ge [sflag:s6], $0x2000  }
0x1ca: {  	[sflag:s6] =	ssyncset.done $0x0  }
0x1cb: {  	s0 =	rddreg [dreg:$0x10];
	[sflag:s6] =	ssyncadd.s32 $0xFFFFE000  }
0x1cc: {  	[hbm4b:s0+s2] =	stream.linear.scatter [tilespmem:s5], [sflag:$0x3], $0x2000, $0x38;
	[tilespmem:$0x5080] =	vst v63  }
0x1cd: {  	_ =	swait.ge [sflag:s4], $0x2000  }
0x1ce: {  	[sflag:s4] =	ssyncset.done $0x0  }
0x1cf: {  	[sflag:s4] =	ssyncadd.s32 $0xFFFFE000  }
0x1d0: {  	[tilespmem:s5], [sflag:$0x1] =	stream.indirect.gather [hbm4b:s3+s7], $0x40, s29, s7, $0xb8;
	[tilespmem:$0x5080] =	vst v63  }
0x1d1: {  	_ =	swait.ge [sflag:s9], $0x2000  }
0x1d2: {  	[sflag:s9] =	ssyncset.done $0x0  }
0x1d3: {  	s0 =	rddreg [dreg:$0x11];
	[sflag:s9] =	ssyncadd.s32 $0xFFFFE000  }
0x1d4: {  	[hbm4b:s0+s2] =	stream.linear.scatter [tilespmem:s8], [sflag:$0x3], $0x2000, $0x38;
	[tilespmem:$0x5080] =	vst v63  }
0x1d5: {  	_ =	swait.ge [sflag:s4], $0x2000  }
0x1d6: {  	[sflag:s4] =	ssyncset.done $0x0  }
0x1d7: {  	[sflag:s4] =	ssyncadd.s32 $0xFFFFE000  }
0x1d8: {  	[tilespmem:s8], [sflag:$0x2] =	stream.indirect.gather [hbm4b:s3+s7], $0x40, s28, s7, $0xb8;
	[tilespmem:$0x5080] =	vst v63  }
0x1d9: {  	_ =	swait.ge [sflag:s6], $0x2000  }
0x1da: {  	[sflag:s6] =	ssyncset.done $0x0  }
0x1db: {  	s0 =	rddreg [dreg:$0x12];
	[sflag:s6] =	ssyncadd.s32 $0xFFFFE000  }
0x1dc: {  	[hbm4b:s0+s2] =	stream.linear.scatter [tilespmem:s5], [sflag:$0x3], $0x2000, $0x38;
	[tilespmem:$0x5080] =	vst v63  }
0x1dd: {  	_ =	swait.ge [sflag:s4], $0x2000  }
0x1de: {  	[sflag:s4] =	ssyncset.done $0x0  }
0x1df: {  	[sflag:s4] =	ssyncadd.s32 $0xFFFFE000  }
0x1e0: {  	[tilespmem:s5], [sflag:$0x1] =	stream.indirect.gather [hbm4b:s3+s7], $0x40, s26, s7, $0xb8;
	[tilespmem:$0x5080] =	vst v63  }
0x1e1: {  	_ =	swait.ge [sflag:s9], $0x2000  }
0x1e2: {  	[sflag:s9] =	ssyncset.done $0x0  }
0x1e3: {  	s0 =	rddreg [dreg:$0x13];
	[sflag:s9] =	ssyncadd.s32 $0xFFFFE000  }
0x1e4: {  	[hbm4b:s0+s2] =	stream.linear.scatter [tilespmem:s8], [sflag:$0x3], $0x2000, $0x38;
	[tilespmem:$0x5080] =	vst v63  }
0x1e5: {  	_ =	swait.ge [sflag:s4], $0x2000  }
0x1e6: {  	[sflag:s4] =	ssyncset.done $0x0  }
0x1e7: {  	[sflag:s4] =	ssyncadd.s32 $0xFFFFE000  }
0x1e8: {  	[tilespmem:s8], [sflag:$0x2] =	stream.indirect.gather [hbm4b:s3+s7], $0x40, s25, s7, $0xb8;
	[tilespmem:$0x5080] =	vst v63  }
0x1e9: {  	_ =	swait.ge [sflag:s6], $0x2000  }
0x1ea: {  	[sflag:s6] =	ssyncset.done $0x0  }
0x1eb: {  	s0 =	rddreg [dreg:$0x14];
	[sflag:s6] =	ssyncadd.s32 $0xFFFFE000  }
0x1ec: {  	[hbm4b:s0+s2] =	stream.linear.scatter [tilespmem:s5], [sflag:$0x3], $0x2000, $0x38;
	[tilespmem:$0x5080] =	vst v63  }
0x1ed: {  	_ =	swait.ge [sflag:s4], $0x2000  }
0x1ee: {  	[sflag:s4] =	ssyncset.done $0x0  }
0x1ef: {  	[sflag:s4] =	ssyncadd.s32 $0xFFFFE000  }
0x1f0: {  	[tilespmem:s5], [sflag:$0x1] =	stream.indirect.gather [hbm4b:s3+s7], $0x40, s24, s7, $0xb8;
	[tilespmem:$0x5080] =	vst v63  }
0x1f1: {  	_ =	swait.ge [sflag:s9], $0x2000  }
0x1f2: {  	[sflag:s9] =	ssyncset.done $0x0  }
0x1f3: {  	s0 =	rddreg [dreg:$0x15];
	[sflag:s9] =	ssyncadd.s32 $0xFFFFE000  }
0x1f4: {  	[hbm4b:s0+s2] =	stream.linear.scatter [tilespmem:s8], [sflag:$0x3], $0x2000, $0x38;
	[tilespmem:$0x5080] =	vst v63  }
0x1f5: {  	_ =	swait.ge [sflag:s4], $0x2000  }
0x1f6: {  	[sflag:s4] =	ssyncset.done $0x0  }
0x1f7: {  	[sflag:s4] =	ssyncadd.s32 $0xFFFFE000  }
0x1f8: {  	[tilespmem:s8], [sflag:$0x2] =	stream.indirect.gather [hbm4b:s3+s7], $0x40, s23, s7, $0xb8;
	[tilespmem:$0x5080] =	vst v63  }
0x1f9: {  	_ =	swait.ge [sflag:s6], $0x2000  }
0x1fa: {  	[sflag:s6] =	ssyncset.done $0x0  }
0x1fb: {  	s0 =	rddreg [dreg:$0x16];
	[sflag:s6] =	ssyncadd.s32 $0xFFFFE000  }
0x1fc: {  	[hbm4b:s0+s2] =	stream.linear.scatter [tilespmem:s5], [sflag:$0x3], $0x2000, $0x38;
	[tilespmem:$0x5080] =	vst v63  }
0x1fd: {  	_ =	swait.ge [sflag:s4], $0x2000  }
0x1fe: {  	[sflag:s4] =	ssyncset.done $0x0  }
0x1ff: {  	[sflag:s4] =	ssyncadd.s32 $0xFFFFE000  }
0x200: {  	[tilespmem:s5], [sflag:$0x1] =	stream.indirect.gather [hbm4b:s3+s7], $0x40, s22, s7, $0xb8;
	[tilespmem:$0x5080] =	vst v63  }
0x201: {  	_ =	swait.ge [sflag:s9], $0x2000  }
0x202: {  	[sflag:s9] =	ssyncset.done $0x0  }
0x203: {  	s0 =	rddreg [dreg:$0x17];
	[sflag:s9] =	ssyncadd.s32 $0xFFFFE000  }
0x204: {  	[hbm4b:s0+s2] =	stream.linear.scatter [tilespmem:s8], [sflag:$0x3], $0x2000, $0x38;
	[tilespmem:$0x5080] =	vst v63  }
0x205: {  	_ =	swait.ge [sflag:s4], $0x2000  }
0x206: {  	[sflag:s4] =	ssyncset.done $0x0  }
0x207: {  	[sflag:s4] =	ssyncadd.s32 $0xFFFFE000  }
0x208: {  	[tilespmem:s8], [sflag:$0x2] =	stream.indirect.gather [hbm4b:s3+s7], $0x40, s21, s7, $0xb8;
	[tilespmem:$0x5080] =	vst v63  }
0x209: {  	_ =	swait.ge [sflag:s6], $0x2000  }
0x20a: {  	[sflag:s6] =	ssyncset.done $0x0  }
0x20b: {  	s0 =	rddreg [dreg:$0x18];
	[sflag:s6] =	ssyncadd.s32 $0xFFFFE000  }
0x20c: {  	[hbm4b:s0+s2] =	stream.linear.scatter [tilespmem:s5], [sflag:$0x3], $0x2000, $0x38;
	[tilespmem:$0x5080] =	vst v63  }
0x20d: {  	_ =	swait.ge [sflag:s4], $0x2000  }
0x20e: {  	[sflag:s4] =	ssyncset.done $0x0  }
0x20f: {  	[sflag:s4] =	ssyncadd.s32 $0xFFFFE000  }
0x210: {  	[tilespmem:s5], [sflag:$0x1] =	stream.indirect.gather [hbm4b:s3+s7], $0x40, s20, s7, $0xb8;
	[tilespmem:$0x5080] =	vst v63  }
0x211: {  	_ =	swait.ge [sflag:s9], $0x2000  }
0x212: {  	[sflag:s9] =	ssyncset.done $0x0  }
0x213: {  	s0 =	rddreg [dreg:$0x19];
	[sflag:s9] =	ssyncadd.s32 $0xFFFFE000  }
0x214: {  	[hbm4b:s0+s2] =	stream.linear.scatter [tilespmem:s8], [sflag:$0x3], $0x2000, $0x38;
	[tilespmem:$0x5080] =	vst v63  }
0x215: {  	_ =	swait.ge [sflag:s4], $0x2000  }
0x216: {  	[sflag:s4] =	ssyncset.done $0x0  }
0x217: {  	[sflag:s4] =	ssyncadd.s32 $0xFFFFE000  }
0x218: {  	[tilespmem:s8], [sflag:$0x2] =	stream.indirect.gather [hbm4b:s3+s7], $0x40, s19, s7, $0xb8;
	[tilespmem:$0x5080] =	vst v63  }
0x219: {  	_ =	swait.ge [sflag:s6], $0x2000  }
0x21a: {  	[sflag:s6] =	ssyncset.done $0x0  }
0x21b: {  	s0 =	rddreg [dreg:$0x1a];
	[sflag:s6] =	ssyncadd.s32 $0xFFFFE000  }
0x21c: {  	[hbm4b:s0+s2] =	stream.linear.scatter [tilespmem:s5], [sflag:$0x3], $0x2000, $0x38;
	[tilespmem:$0x5080] =	vst v63  }
0x21d: {  	_ =	swait.ge [sflag:s4], $0x2000  }
0x21e: {  	[sflag:s4] =	ssyncset.done $0x0  }
0x21f: {  	[sflag:s4] =	ssyncadd.s32 $0xFFFFE000  }
0x220: {  	[tilespmem:s5], [sflag:$0x1] =	stream.indirect.gather [hbm4b:s3+s7], $0x40, s18, s7, $0xb8;
	[tilespmem:$0x5080] =	vst v63  }
0x221: {  	_ =	swait.ge [sflag:s9], $0x2000  }
0x222: {  	[sflag:s9] =	ssyncset.done $0x0  }
0x223: {  	s0 =	rddreg [dreg:$0x1b];
	[sflag:s9] =	ssyncadd.s32 $0xFFFFE000  }
0x224: {  	[hbm4b:s0+s2] =	stream.linear.scatter [tilespmem:s8], [sflag:$0x3], $0x2000, $0x38;
	[tilespmem:$0x5080] =	vst v63  }
0x225: {  	_ =	swait.ge [sflag:s4], $0x2000  }
0x226: {  	[sflag:s4] =	ssyncset.done $0x0  }
0x227: {  	[sflag:s4] =	ssyncadd.s32 $0xFFFFE000  }
0x228: {  	[tilespmem:s8], [sflag:$0x2] =	stream.indirect.gather [hbm4b:s3+s7], $0x40, s17, s7, $0xb8;
	[tilespmem:$0x5080] =	vst v63  }
0x229: {  	_ =	swait.ge [sflag:s6], $0x2000  }
0x22a: {  	[sflag:s6] =	ssyncset.done $0x0  }
0x22b: {  	s0 =	rddreg [dreg:$0x1c];
	[sflag:s6] =	ssyncadd.s32 $0xFFFFE000  }
0x22c: {  	[hbm4b:s0+s2] =	stream.linear.scatter [tilespmem:s5], [sflag:$0x3], $0x2000, $0x38;
	[tilespmem:$0x5080] =	vst v63  }
0x22d: {  	_ =	swait.ge [sflag:s4], $0x2000  }
0x22e: {  	[sflag:s4] =	ssyncset.done $0x0  }
0x22f: {  	[sflag:s4] =	ssyncadd.s32 $0xFFFFE000  }
0x230: {  	[tilespmem:s5], [sflag:$0x1] =	stream.indirect.gather [hbm4b:s3+s7], $0x40, s16, s7, $0xb8;
	[tilespmem:$0x5080] =	vst v63  }
0x231: {  	_ =	swait.ge [sflag:s9], $0x2000  }
0x232: {  	[sflag:s9] =	ssyncset.done $0x0  }
0x233: {  	s0 =	rddreg [dreg:$0x1d];
	[sflag:s9] =	ssyncadd.s32 $0xFFFFE000  }
0x234: {  	[hbm4b:s0+s2] =	stream.linear.scatter [tilespmem:s8], [sflag:$0x3], $0x2000, $0x38;
	[tilespmem:$0x5080] =	vst v63  }
0x235: {  	_ =	swait.ge [sflag:s4], $0x2000  }
0x236: {  	[sflag:s4] =	ssyncset.done $0x0  }
0x237: {  	[sflag:s4] =	ssyncadd.s32 $0xFFFFE000  }
0x238: {  	[tilespmem:s8], [sflag:$0x2] =	stream.indirect.gather [hbm4b:s3+s7], $0x40, s15, s7, $0xb8;
	[tilespmem:$0x5080] =	vst v63  }
0x239: {  	_ =	swait.ge [sflag:s6], $0x2000  }
0x23a: {  	[sflag:s6] =	ssyncset.done $0x0  }
0x23b: {  	s0 =	rddreg [dreg:$0x1e];
	[sflag:s6] =	ssyncadd.s32 $0xFFFFE000  }
0x23c: {  	[hbm4b:s0+s2] =	stream.linear.scatter [tilespmem:s5], [sflag:$0x3], $0x2000, $0x38;
	[tilespmem:$0x5080] =	vst v63  }
0x23d: {  	_ =	swait.ge [sflag:s4], $0x2000  }
0x23e: {  	[sflag:s4] =	ssyncset.done $0x0  }
0x23f: {  	[sflag:s4] =	ssyncadd.s32 $0xFFFFE000  }
0x240: {  	[tilespmem:s5], [sflag:$0x1] =	stream.indirect.gather [hbm4b:s3+s7], $0x40, s14, s7, $0xb8;
	[tilespmem:$0x5080] =	vst v63  }
0x241: {  	_ =	swait.ge [sflag:s9], $0x2000  }
0x242: {  	[sflag:s9] =	ssyncset.done $0x0  }
0x243: {  	s0 =	rddreg [dreg:$0x1f];
	[sflag:s9] =	ssyncadd.s32 $0xFFFFE000  }
0x244: {  	[hbm4b:s0+s2] =	stream.linear.scatter [tilespmem:s8], [sflag:$0x3], $0x2000, $0x38;
	[tilespmem:$0x5080] =	vst v63  }
0x245: {  	_ =	swait.ge [sflag:s4], $0x2000  }
0x246: {  	[sflag:s4] =	ssyncset.done $0x0  }
0x247: {  	[sflag:s4] =	ssyncadd.s32 $0xFFFFE000  }
0x248: {  	[tilespmem:s8], [sflag:$0x2] =	stream.indirect.gather [hbm4b:s3+s7], $0x40, s13, s7, $0xb8;
	[tilespmem:$0x5080] =	vst v63  }
0x249: {  	_ =	swait.ge [sflag:s6], $0x2000  }
0x24a: {  	s0 =	sld [smem:$0x7EF]  }
0x24b: {  	[sflag:s6] =	ssyncset.done $0x0  }
0x24c: {  	[sflag:s6] =	ssyncadd.s32 $0xFFFFE000  }
0x24d: {  	[hbm4b:s0+s2] =	stream.linear.scatter [tilespmem:s5], [sflag:$0x3], $0x2000, $0x38;
	[tilespmem:$0x5080] =	vst v63  }
0x24e: {  	_ =	swait.ge [sflag:s4], $0x2000  }
0x24f: {  	[sflag:s4] =	ssyncset.done $0x0  }
0x250: {  	[sflag:s4] =	ssyncadd.s32 $0xFFFFE000  }
0x251: {  	[tilespmem:s5], [sflag:$0x1] =	stream.indirect.gather [hbm4b:s3+s7], $0x40, s12, s7, $0xb8;
	[tilespmem:$0x5080] =	vst v63  }
0x252: {  	_ =	swait.ge [sflag:s9], $0x2000  }
0x253: {  	s0 =	sld [smem:$0x7F0]  }
0x254: {  	[sflag:s9] =	ssyncset.done $0x0  }
0x255: {  	[sflag:s9] =	ssyncadd.s32 $0xFFFFE000  }
0x256: {  	[hbm4b:s0+s2] =	stream.linear.scatter [tilespmem:s8], [sflag:$0x3], $0x2000, $0x38;
	[tilespmem:$0x5080] =	vst v63  }
0x257: {  	_ =	swait.ge [sflag:s4], $0x2000  }
0x258: {  	[sflag:s4] =	ssyncset.done $0x0  }
0x259: {  	[sflag:s4] =	ssyncadd.s32 $0xFFFFE000  }
0x25a: {  	[tilespmem:s8], [sflag:$0x2] =	stream.indirect.gather [hbm4b:s3+s7], $0x40, s11, s7, $0xb8;
	[tilespmem:$0x5080] =	vst v63  }
0x25b: {  	_ =	swait.ge [sflag:s6], $0x2000  }
0x25c: {  	s0 =	sld [smem:$0x7F1]  }
0x25d: {  	[sflag:s6] =	ssyncset.done $0x0  }
0x25e: {  	[sflag:s6] =	ssyncadd.s32 $0xFFFFE000  }
0x25f: {  	[hbm4b:s0+s2] =	stream.linear.scatter [tilespmem:s5], [sflag:$0x3], $0x2000, $0x38;
	[tilespmem:$0x5080] =	vst v63  }
0x260: {  	_ =	swait.ge [sflag:s4], $0x2000  }
0x261: {  	[sflag:s4] =	ssyncset.done $0x0  }
0x262: {  	[sflag:s4] =	ssyncadd.s32 $0xFFFFE000  }
0x263: {  	[tilespmem:s5], [sflag:$0x1] =	stream.indirect.gather [hbm4b:s3+s7], $0x40, s10, s7, $0xb8;
	[tilespmem:$0x5080] =	vst v63  }
0x264: {  	_ =	swait.ge [sflag:s9], $0x2000  }
0x265: {  	s0 =	sld [smem:$0x7F2]  }
0x266: {  	[sflag:s9] =	ssyncset.done $0x0  }
0x267: {  	[sflag:s9] =	ssyncadd.s32 $0xFFFFE000  }
0x268: {  	[hbm4b:s0+s2] =	stream.linear.scatter [tilespmem:s8], [sflag:$0x3], $0x2000, $0x38;
	[tilespmem:$0x5080] =	vst v63  }
0x269: {  	_ =	swait.ge [sflag:s4], $0x2000  }
0x26a: {  	[sflag:s4] =	ssyncset.done $0x0  }
0x26b: {  	[sflag:s4] =	ssyncadd.s32 $0xFFFFE000  }
0x26c: {  	_ =	swait.ge [sflag:s6], $0x2000  }
0x26d: {  	p1 =	sne.s32 s1, $0x1;
	s0 =	sld [smem:$0x7F3]  }
.Ltmp2:
0x26e: {  	[sflag:s6] =	ssyncset.done $0x0;
	(pc) =	sbr.rel @p1 .LBB2_2-.Ltmp2, $4  }
0x26f: {  	[sflag:s6] =	ssyncadd.s32 $0xFFFFE000  }
0x270: {  	[hbm4b:s0+s2] =	stream.linear.scatter [tilespmem:s5], [sflag:$0x3], $0x2000, $0x38;
	[tilespmem:$0x5080] =	vst v63  }
0x271: {  	_ =	swait.ge [sflag:s4], $0x2000  }
0x272: {  	s1 =	sadd.s32 $0xFFFFFFFF, s1;
	s0 =	rddreg [dreg:$0x3];
	[sflag:s4] =	ssyncset.done $0x0  }
.LBB2_3:
0x273: {  	[sflag:s4] =	ssyncadd.s32 @p0 $0xFFFFE000  }
0x274: {  	[tilespmem:s2], [sflag:$0x3] =	stream.linear.gather [hbm4b:s0+s2], $0x1080, $0x38;
	[tilespmem:$0x5080] =	vst v63  }
0x275: {  	_ =	swait.ge [sflag:s4], $0x1080  }
0x276: {  	[sflag:s4] =	ssyncset.done $0x0  }
0x277: {  	[sflag:s4] =	ssyncadd.s32 $0xFFFFEF80  }
0x278: {  	[tilespmem:s5], [sflag:$0x1] =	stream.indirect.gather [hbm4b:s3+s7], $0x40, s2, s7, $0xb8;
	[tilespmem:$0x5080] =	vst v63  }
0x279: {  	_ = 	snop  }
0x27a: {  	[tilespmem:s8], [sflag:$0x2] =	stream.indirect.gather [hbm4b:s3+s7], $0x40, s7, s7, $0xb8;
	[tilespmem:$0x5080] =	vst v63  }
0x27b: {  	_ =	swait.ge [sflag:s6], $0x2000  }
0x27c: {  	[sflag:s6] =	ssyncset.done $0x0  }
0x27d: {  	s1 =	rddreg [dreg:$0x4];
	[sflag:s6] =	ssyncadd.s32 $0xFFFFE000  }
0x27e: {  	[hbm4b:s1+s2] =	stream.linear.scatter [tilespmem:s5], [sflag:$0x3], $0x2000, $0x38;
	[tilespmem:$0x5080] =	vst v63  }
0x27f: {  	_ =	swait.ge [sflag:s4], $0x2000  }
0x280: {  	s1 =	sld [smem:$0x7F4]  }
0x281: {  	[sflag:s4] =	ssyncset.done $0x0  }
0x282: {  	[sflag:s4] =	ssyncadd.s32 $0xFFFFE000  }
0x283: {  	[tilespmem:s5], [sflag:$0x1] =	stream.indirect.gather [hbm4b:s3+s7], $0x40, s1, s7, $0xb8;
	[tilespmem:$0x5080] =	vst v63  }
0x284: {  	_ =	swait.ge [sflag:s9], $0x2000  }
0x285: {  	[sflag:s9] =	ssyncset.done $0x0  }
0x286: {  	s1 =	rddreg [dreg:$0x5];
	[sflag:s9] =	ssyncadd.s32 $0xFFFFE000  }
0x287: {  	[hbm4b:s1+s2] =	stream.linear.scatter [tilespmem:s8], [sflag:$0x3], $0x2000, $0x38;
	[tilespmem:$0x5080] =	vst v63  }
0x288: {  	_ =	swait.ge [sflag:s4], $0x2000  }
0x289: {  	s1 =	sld [smem:$0x7F5]  }
0x28a: {  	[sflag:s4] =	ssyncset.done $0x0  }
0x28b: {  	[sflag:s4] =	ssyncadd.s32 $0xFFFFE000  }
0x28c: {  	[tilespmem:s8], [sflag:$0x2] =	stream.indirect.gather [hbm4b:s3+s7], $0x40, s1, s7, $0xb8;
	[tilespmem:$0x5080] =	vst v63  }
0x28d: {  	_ =	swait.ge [sflag:s6], $0x2000  }
0x28e: {  	[sflag:s6] =	ssyncset.done $0x0  }
0x28f: {  	s1 =	rddreg [dreg:$0x6];
	[sflag:s6] =	ssyncadd.s32 $0xFFFFE000  }
0x290: {  	[hbm4b:s1+s2] =	stream.linear.scatter [tilespmem:s5], [sflag:$0x3], $0x2000, $0x38;
	[tilespmem:$0x5080] =	vst v63  }
0x291: {  	_ =	swait.ge [sflag:s4], $0x2000  }
0x292: {  	s1 =	sld [smem:$0x7F6]  }
0x293: {  	[sflag:s4] =	ssyncset.done $0x0  }
0x294: {  	[sflag:s4] =	ssyncadd.s32 $0xFFFFE000  }
0x295: {  	[tilespmem:s5], [sflag:$0x1] =	stream.indirect.gather [hbm4b:s3+s7], $0x40, s1, s7, $0xb8;
	[tilespmem:$0x5080] =	vst v63  }
0x296: {  	_ =	swait.ge [sflag:s9], $0x2000  }
0x297: {  	[sflag:s9] =	ssyncset.done $0x0  }
0x298: {  	s1 =	rddreg [dreg:$0x7];
	[sflag:s9] =	ssyncadd.s32 $0xFFFFE000  }
0x299: {  	[hbm4b:s1+s2] =	stream.linear.scatter [tilespmem:s8], [sflag:$0x3], $0x2000, $0x38;
	[tilespmem:$0x5080] =	vst v63  }
0x29a: {  	_ =	swait.ge [sflag:s4], $0x2000  }
0x29b: {  	s1 =	sld [smem:$0x7F7]  }
0x29c: {  	[sflag:s4] =	ssyncset.done $0x0  }
0x29d: {  	[sflag:s4] =	ssyncadd.s32 $0xFFFFE000  }
0x29e: {  	[tilespmem:s8], [sflag:$0x2] =	stream.indirect.gather [hbm4b:s3+s7], $0x40, s1, s7, $0xb8;
	[tilespmem:$0x5080] =	vst v63  }
0x29f: {  	_ =	swait.ge [sflag:s6], $0x2000  }
0x2a0: {  	[sflag:s6] =	ssyncset.done $0x0  }
0x2a1: {  	s1 =	rddreg [dreg:$0x8];
	[sflag:s6] =	ssyncadd.s32 $0xFFFFE000  }
0x2a2: {  	[hbm4b:s1+s2] =	stream.linear.scatter [tilespmem:s5], [sflag:$0x3], $0x2000, $0x38;
	[tilespmem:$0x5080] =	vst v63  }
0x2a3: {  	_ =	swait.ge [sflag:s4], $0x2000  }
0x2a4: {  	s1 =	sld [smem:$0x7F8]  }
0x2a5: {  	[sflag:s4] =	ssyncset.done $0x0  }
0x2a6: {  	[sflag:s4] =	ssyncadd.s32 $0xFFFFE000  }
0x2a7: {  	[tilespmem:s5], [sflag:$0x1] =	stream.indirect.gather [hbm4b:s3+s7], $0x40, s1, s7, $0xb8;
	[tilespmem:$0x5080] =	vst v63  }
0x2a8: {  	_ =	swait.ge [sflag:s9], $0x2000  }
0x2a9: {  	[sflag:s9] =	ssyncset.done $0x0  }
0x2aa: {  	s1 =	rddreg [dreg:$0x9];
	[sflag:s9] =	ssyncadd.s32 $0xFFFFE000  }
0x2ab: {  	[hbm4b:s1+s2] =	stream.linear.scatter [tilespmem:s8], [sflag:$0x3], $0x2000, $0x38;
	[tilespmem:$0x5080] =	vst v63  }
0x2ac: {  	_ =	swait.ge [sflag:s4], $0x2000  }
0x2ad: {  	s1 =	sld [smem:$0x7F9]  }
0x2ae: {  	[sflag:s4] =	ssyncset.done $0x0  }
0x2af: {  	[sflag:s4] =	ssyncadd.s32 $0xFFFFE000  }
0x2b0: {  	[tilespmem:s8], [sflag:$0x2] =	stream.indirect.gather [hbm4b:s3+s7], $0x40, s1, s7, $0xb8;
	[tilespmem:$0x5080] =	vst v63  }
0x2b1: {  	_ =	swait.ge [sflag:s6], $0x2000  }
0x2b2: {  	[sflag:s6] =	ssyncset.done $0x0  }
0x2b3: {  	s1 =	rddreg [dreg:$0xa];
	[sflag:s6] =	ssyncadd.s32 $0xFFFFE000  }
0x2b4: {  	[hbm4b:s1+s2] =	stream.linear.scatter [tilespmem:s5], [sflag:$0x3], $0x2000, $0x38;
	[tilespmem:$0x5080] =	vst v63  }
0x2b5: {  	_ =	swait.ge [sflag:s4], $0x2000  }
0x2b6: {  	s1 =	sld [smem:$0x7FA]  }
0x2b7: {  	[sflag:s4] =	ssyncset.done $0x0  }
0x2b8: {  	[sflag:s4] =	ssyncadd.s32 $0xFFFFE000  }
0x2b9: {  	[tilespmem:s5], [sflag:$0x1] =	stream.indirect.gather [hbm4b:s3+s7], $0x40, s1, s7, $0xb8;
	[tilespmem:$0x5080] =	vst v63  }
0x2ba: {  	_ =	swait.ge [sflag:s9], $0x2000  }
0x2bb: {  	[sflag:s9] =	ssyncset.done $0x0  }
0x2bc: {  	s1 =	rddreg [dreg:$0xb];
	[sflag:s9] =	ssyncadd.s32 $0xFFFFE000  }
0x2bd: {  	[hbm4b:s1+s2] =	stream.linear.scatter [tilespmem:s8], [sflag:$0x3], $0x2000, $0x38;
	[tilespmem:$0x5080] =	vst v63  }
0x2be: {  	_ =	swait.ge [sflag:s4], $0x2000  }
0x2bf: {  	s1 =	sld [smem:$0x7FB]  }
0x2c0: {  	[sflag:s4] =	ssyncset.done $0x0  }
0x2c1: {  	[sflag:s4] =	ssyncadd.s32 $0xFFFFE000  }
0x2c2: {  	[tilespmem:s8], [sflag:$0x2] =	stream.indirect.gather [hbm4b:s3+s7], $0x40, s1, s7, $0xb8;
	[tilespmem:$0x5080] =	vst v63  }
0x2c3: {  	_ =	swait.ge [sflag:s6], $0x2000  }
0x2c4: {  	[sflag:s6] =	ssyncset.done $0x0  }
0x2c5: {  	s1 =	rddreg [dreg:$0xc];
	[sflag:s6] =	ssyncadd.s32 $0xFFFFE000  }
0x2c6: {  	[hbm4b:s1+s2] =	stream.linear.scatter [tilespmem:s5], [sflag:$0x3], $0x2000, $0x38;
	[tilespmem:$0x5080] =	vst v63  }
0x2c7: {  	_ =	swait.ge [sflag:s4], $0x2000  }
0x2c8: {  	s1 =	sld [smem:$0x7FC]  }
0x2c9: {  	[sflag:s4] =	ssyncset.done $0x0  }
0x2ca: {  	[sflag:s4] =	ssyncadd.s32 $0xFFFFE000  }
0x2cb: {  	[tilespmem:s5], [sflag:$0x1] =	stream.indirect.gather [hbm4b:s3+s7], $0x40, s1, s7, $0xb8;
	[tilespmem:$0x5080] =	vst v63  }
0x2cc: {  	_ =	swait.ge [sflag:s9], $0x2000  }
0x2cd: {  	[sflag:s9] =	ssyncset.done $0x0  }
0x2ce: {  	s1 =	rddreg [dreg:$0xd];
	[sflag:s9] =	ssyncadd.s32 $0xFFFFE000  }
0x2cf: {  	[hbm4b:s1+s2] =	stream.linear.scatter [tilespmem:s8], [sflag:$0x3], $0x2000, $0x38;
	[tilespmem:$0x5080] =	vst v63  }
0x2d0: {  	_ =	swait.ge [sflag:s4], $0x2000  }
0x2d1: {  	s1 =	sld [smem:$0x7FD]  }
0x2d2: {  	[sflag:s4] =	ssyncset.done $0x0  }
0x2d3: {  	[sflag:s4] =	ssyncadd.s32 $0xFFFFE000  }
0x2d4: {  	[tilespmem:s8], [sflag:$0x2] =	stream.indirect.gather [hbm4b:s3+s7], $0x40, s1, s7, $0xb8;
	[tilespmem:$0x5080] =	vst v63  }
0x2d5: {  	_ =	swait.ge [sflag:s6], $0x2000  }
0x2d6: {  	[sflag:s6] =	ssyncset.done $0x0  }
0x2d7: {  	s1 =	rddreg [dreg:$0xe];
	[sflag:s6] =	ssyncadd.s32 $0xFFFFE000  }
0x2d8: {  	[hbm4b:s1+s2] =	stream.linear.scatter [tilespmem:s5], [sflag:$0x3], $0x2000, $0x38;
	[tilespmem:$0x5080] =	vst v63  }
0x2d9: {  	_ =	swait.ge [sflag:s4], $0x2000  }
0x2da: {  	[sflag:s4] =	ssyncset.done $0x0  }
0x2db: {  	[sflag:s4] =	ssyncadd.s32 $0xFFFFE000  }
0x2dc: {  	[tilespmem:s5], [sflag:$0x1] =	stream.indirect.gather [hbm4b:s3+s7], $0x40, s31, s7, $0xb8;
	[tilespmem:$0x5080] =	vst v63  }
0x2dd: {  	_ =	swait.ge [sflag:s9], $0x2000  }
0x2de: {  	[sflag:s9] =	ssyncset.done $0x0  }
0x2df: {  	s31 =	rddreg [dreg:$0xf];
	[sflag:s9] =	ssyncadd.s32 $0xFFFFE000  }
0x2e0: {  	[hbm4b:s31+s2] =	stream.linear.scatter [tilespmem:s8], [sflag:$0x3], $0x2000, $0x38;
	[tilespmem:$0x5080] =	vst v63  }
0x2e1: {  	_ =	swait.ge [sflag:s4], $0x2000  }
0x2e2: {  	[sflag:s4] =	ssyncset.done $0x0  }
0x2e3: {  	[sflag:s4] =	ssyncadd.s32 $0xFFFFE000  }
0x2e4: {  	[tilespmem:s8], [sflag:$0x2] =	stream.indirect.gather [hbm4b:s3+s7], $0x40, s30, s7, $0xb8;
	[tilespmem:$0x5080] =	vst v63  }
0x2e5: {  	_ =	swait.ge [sflag:s6], $0x2000  }
0x2e6: {  	[sflag:s6] =	ssyncset.done $0x0  }
0x2e7: {  	s1 =	rddreg [dreg:$0x10];
	[sflag:s6] =	ssyncadd.s32 $0xFFFFE000  }
0x2e8: {  	[hbm4b:s1+s2] =	stream.linear.scatter [tilespmem:s5], [sflag:$0x3], $0x2000, $0x38;
	[tilespmem:$0x5080] =	vst v63  }
0x2e9: {  	_ =	swait.ge [sflag:s4], $0x2000  }
0x2ea: {  	[sflag:s4] =	ssyncset.done $0x0  }
0x2eb: {  	[sflag:s4] =	ssyncadd.s32 $0xFFFFE000  }
0x2ec: {  	[tilespmem:s5], [sflag:$0x1] =	stream.indirect.gather [hbm4b:s3+s7], $0x40, s29, s7, $0xb8;
	[tilespmem:$0x5080] =	vst v63  }
0x2ed: {  	_ =	swait.ge [sflag:s9], $0x2000  }
0x2ee: {  	[sflag:s9] =	ssyncset.done $0x0  }
0x2ef: {  	s30 =	rddreg [dreg:$0x11];
	[sflag:s9] =	ssyncadd.s32 $0xFFFFE000  }
0x2f0: {  	[hbm4b:s30+s2] =	stream.linear.scatter [tilespmem:s8], [sflag:$0x3], $0x2000, $0x38;
	[tilespmem:$0x5080] =	vst v63  }
0x2f1: {  	_ =	swait.ge [sflag:s4], $0x2000  }
0x2f2: {  	[sflag:s4] =	ssyncset.done $0x0  }
0x2f3: {  	[sflag:s4] =	ssyncadd.s32 $0xFFFFE000  }
0x2f4: {  	[tilespmem:s8], [sflag:$0x2] =	stream.indirect.gather [hbm4b:s3+s7], $0x40, s28, s7, $0xb8;
	[tilespmem:$0x5080] =	vst v63  }
0x2f5: {  	_ =	swait.ge [sflag:s6], $0x2000  }
0x2f6: {  	[sflag:s6] =	ssyncset.done $0x0  }
0x2f7: {  	s31 =	rddreg [dreg:$0x12];
	[sflag:s6] =	ssyncadd.s32 $0xFFFFE000  }
0x2f8: {  	[hbm4b:s31+s2] =	stream.linear.scatter [tilespmem:s5], [sflag:$0x3], $0x2000, $0x38;
	[tilespmem:$0x5080] =	vst v63  }
0x2f9: {  	_ =	swait.ge [sflag:s4], $0x2000  }
0x2fa: {  	[sflag:s4] =	ssyncset.done $0x0  }
0x2fb: {  	[sflag:s4] =	ssyncadd.s32 $0xFFFFE000  }
0x2fc: {  	[tilespmem:s5], [sflag:$0x1] =	stream.indirect.gather [hbm4b:s3+s7], $0x40, s26, s7, $0xb8;
	[tilespmem:$0x5080] =	vst v63  }
0x2fd: {  	_ =	swait.ge [sflag:s9], $0x2000  }
0x2fe: {  	[sflag:s9] =	ssyncset.done $0x0  }
0x2ff: {  	s1 =	rddreg [dreg:$0x13];
	[sflag:s9] =	ssyncadd.s32 $0xFFFFE000  }
0x300: {  	[hbm4b:s1+s2] =	stream.linear.scatter [tilespmem:s8], [sflag:$0x3], $0x2000, $0x38;
	[tilespmem:$0x5080] =	vst v63  }
0x301: {  	_ =	swait.ge [sflag:s4], $0x2000  }
0x302: {  	[sflag:s4] =	ssyncset.done $0x0  }
0x303: {  	[sflag:s4] =	ssyncadd.s32 $0xFFFFE000  }
0x304: {  	[tilespmem:s8], [sflag:$0x2] =	stream.indirect.gather [hbm4b:s3+s7], $0x40, s25, s7, $0xb8;
	[tilespmem:$0x5080] =	vst v63  }
0x305: {  	_ =	swait.ge [sflag:s6], $0x2000  }
0x306: {  	[sflag:s6] =	ssyncset.done $0x0  }
0x307: {  	s26 =	rddreg [dreg:$0x14];
	[sflag:s6] =	ssyncadd.s32 $0xFFFFE000  }
0x308: {  	[hbm4b:s26+s2] =	stream.linear.scatter [tilespmem:s5], [sflag:$0x3], $0x2000, $0x38;
	[tilespmem:$0x5080] =	vst v63  }
0x309: {  	_ =	swait.ge [sflag:s4], $0x2000  }
0x30a: {  	[sflag:s4] =	ssyncset.done $0x0  }
0x30b: {  	[sflag:s4] =	ssyncadd.s32 $0xFFFFE000  }
0x30c: {  	[tilespmem:s5], [sflag:$0x1] =	stream.indirect.gather [hbm4b:s3+s7], $0x40, s24, s7, $0xb8;
	[tilespmem:$0x5080] =	vst v63  }
0x30d: {  	_ =	swait.ge [sflag:s9], $0x2000  }
0x30e: {  	[sflag:s9] =	ssyncset.done $0x0  }
0x30f: {  	s28 =	rddreg [dreg:$0x15];
	[sflag:s9] =	ssyncadd.s32 $0xFFFFE000  }
0x310: {  	[hbm4b:s28+s2] =	stream.linear.scatter [tilespmem:s8], [sflag:$0x3], $0x2000, $0x38;
	[tilespmem:$0x5080] =	vst v63  }
0x311: {  	_ =	swait.ge [sflag:s4], $0x2000  }
0x312: {  	[sflag:s4] =	ssyncset.done $0x0  }
0x313: {  	[sflag:s4] =	ssyncadd.s32 $0xFFFFE000  }
0x314: {  	[tilespmem:s8], [sflag:$0x2] =	stream.indirect.gather [hbm4b:s3+s7], $0x40, s23, s7, $0xb8;
	[tilespmem:$0x5080] =	vst v63  }
0x315: {  	_ =	swait.ge [sflag:s6], $0x2000  }
0x316: {  	[sflag:s6] =	ssyncset.done $0x0  }
0x317: {  	s29 =	rddreg [dreg:$0x16];
	[sflag:s6] =	ssyncadd.s32 $0xFFFFE000  }
0x318: {  	[hbm4b:s29+s2] =	stream.linear.scatter [tilespmem:s5], [sflag:$0x3], $0x2000, $0x38;
	[tilespmem:$0x5080] =	vst v63  }
0x319: {  	_ =	swait.ge [sflag:s4], $0x2000  }
0x31a: {  	[sflag:s4] =	ssyncset.done $0x0  }
0x31b: {  	[sflag:s4] =	ssyncadd.s32 $0xFFFFE000  }
0x31c: {  	[tilespmem:s5], [sflag:$0x1] =	stream.indirect.gather [hbm4b:s3+s7], $0x40, s22, s7, $0xb8;
	[tilespmem:$0x5080] =	vst v63  }
0x31d: {  	_ =	swait.ge [sflag:s9], $0x2000  }
0x31e: {  	[sflag:s9] =	ssyncset.done $0x0  }
0x31f: {  	s30 =	rddreg [dreg:$0x17];
	[sflag:s9] =	ssyncadd.s32 $0xFFFFE000  }
0x320: {  	[hbm4b:s30+s2] =	stream.linear.scatter [tilespmem:s8], [sflag:$0x3], $0x2000, $0x38;
	[tilespmem:$0x5080] =	vst v63  }
0x321: {  	_ =	swait.ge [sflag:s4], $0x2000  }
0x322: {  	[sflag:s4] =	ssyncset.done $0x0  }
0x323: {  	[sflag:s4] =	ssyncadd.s32 $0xFFFFE000  }
0x324: {  	[tilespmem:s8], [sflag:$0x2] =	stream.indirect.gather [hbm4b:s3+s7], $0x40, s21, s7, $0xb8;
	[tilespmem:$0x5080] =	vst v63  }
0x325: {  	_ =	swait.ge [sflag:s6], $0x2000  }
0x326: {  	[sflag:s6] =	ssyncset.done $0x0  }
0x327: {  	s31 =	rddreg [dreg:$0x18];
	[sflag:s6] =	ssyncadd.s32 $0xFFFFE000  }
0x328: {  	[hbm4b:s31+s2] =	stream.linear.scatter [tilespmem:s5], [sflag:$0x3], $0x2000, $0x38;
	[tilespmem:$0x5080] =	vst v63  }
0x329: {  	_ =	swait.ge [sflag:s4], $0x2000  }
0x32a: {  	[sflag:s4] =	ssyncset.done $0x0  }
0x32b: {  	[sflag:s4] =	ssyncadd.s32 $0xFFFFE000  }
0x32c: {  	[tilespmem:s5], [sflag:$0x1] =	stream.indirect.gather [hbm4b:s3+s7], $0x40, s20, s7, $0xb8;
	[tilespmem:$0x5080] =	vst v63  }
0x32d: {  	_ =	swait.ge [sflag:s9], $0x2000  }
0x32e: {  	[sflag:s9] =	ssyncset.done $0x0  }
0x32f: {  	s1 =	rddreg [dreg:$0x19];
	[sflag:s9] =	ssyncadd.s32 $0xFFFFE000  }
0x330: {  	[hbm4b:s1+s2] =	stream.linear.scatter [tilespmem:s8], [sflag:$0x3], $0x2000, $0x38;
	[tilespmem:$0x5080] =	vst v63  }
0x331: {  	_ =	swait.ge [sflag:s4], $0x2000  }
0x332: {  	[sflag:s4] =	ssyncset.done $0x0  }
0x333: {  	[sflag:s4] =	ssyncadd.s32 $0xFFFFE000  }
0x334: {  	[tilespmem:s8], [sflag:$0x2] =	stream.indirect.gather [hbm4b:s3+s7], $0x40, s19, s7, $0xb8;
	[tilespmem:$0x5080] =	vst v63  }
0x335: {  	_ =	swait.ge [sflag:s6], $0x2000  }
0x336: {  	[sflag:s6] =	ssyncset.done $0x0  }
0x337: {  	s19 =	rddreg [dreg:$0x1a];
	[sflag:s6] =	ssyncadd.s32 $0xFFFFE000  }
0x338: {  	[hbm4b:s19+s2] =	stream.linear.scatter [tilespmem:s5], [sflag:$0x3], $0x2000, $0x38;
	[tilespmem:$0x5080] =	vst v63  }
0x339: {  	_ =	swait.ge [sflag:s4], $0x2000  }
0x33a: {  	[sflag:s4] =	ssyncset.done $0x0  }
0x33b: {  	[sflag:s4] =	ssyncadd.s32 $0xFFFFE000  }
0x33c: {  	[tilespmem:s5], [sflag:$0x1] =	stream.indirect.gather [hbm4b:s3+s7], $0x40, s18, s7, $0xb8;
	[tilespmem:$0x5080] =	vst v63  }
0x33d: {  	_ =	swait.ge [sflag:s9], $0x2000  }
0x33e: {  	[sflag:s9] =	ssyncset.done $0x0  }
0x33f: {  	s20 =	rddreg [dreg:$0x1b];
	[sflag:s9] =	ssyncadd.s32 $0xFFFFE000  }
0x340: {  	[hbm4b:s20+s2] =	stream.linear.scatter [tilespmem:s8], [sflag:$0x3], $0x2000, $0x38;
	[tilespmem:$0x5080] =	vst v63  }
0x341: {  	_ =	swait.ge [sflag:s4], $0x2000  }
0x342: {  	[sflag:s4] =	ssyncset.done $0x0  }
0x343: {  	[sflag:s4] =	ssyncadd.s32 $0xFFFFE000  }
0x344: {  	[tilespmem:s8], [sflag:$0x2] =	stream.indirect.gather [hbm4b:s3+s7], $0x40, s17, s7, $0xb8;
	[tilespmem:$0x5080] =	vst v63  }
0x345: {  	_ =	swait.ge [sflag:s6], $0x2000  }
0x346: {  	[sflag:s6] =	ssyncset.done $0x0  }
0x347: {  	s21 =	rddreg [dreg:$0x1c];
	[sflag:s6] =	ssyncadd.s32 $0xFFFFE000  }
0x348: {  	[hbm4b:s21+s2] =	stream.linear.scatter [tilespmem:s5], [sflag:$0x3], $0x2000, $0x38;
	[tilespmem:$0x5080] =	vst v63  }
0x349: {  	_ =	swait.ge [sflag:s4], $0x2000  }
0x34a: {  	[sflag:s4] =	ssyncset.done $0x0  }
0x34b: {  	[sflag:s4] =	ssyncadd.s32 $0xFFFFE000  }
0x34c: {  	[tilespmem:s5], [sflag:$0x1] =	stream.indirect.gather [hbm4b:s3+s7], $0x40, s16, s7, $0xb8;
	[tilespmem:$0x5080] =	vst v63  }
0x34d: {  	_ =	swait.ge [sflag:s9], $0x2000  }
0x34e: {  	[sflag:s9] =	ssyncset.done $0x0  }
0x34f: {  	s22 =	rddreg [dreg:$0x1d];
	[sflag:s9] =	ssyncadd.s32 $0xFFFFE000  }
0x350: {  	[hbm4b:s22+s2] =	stream.linear.scatter [tilespmem:s8], [sflag:$0x3], $0x2000, $0x38;
	[tilespmem:$0x5080] =	vst v63  }
0x351: {  	_ =	swait.ge [sflag:s4], $0x2000  }
0x352: {  	[sflag:s4] =	ssyncset.done $0x0  }
0x353: {  	[sflag:s4] =	ssyncadd.s32 $0xFFFFE000  }
0x354: {  	[tilespmem:s8], [sflag:$0x2] =	stream.indirect.gather [hbm4b:s3+s7], $0x40, s15, s7, $0xb8;
	[tilespmem:$0x5080] =	vst v63  }
0x355: {  	_ =	swait.ge [sflag:s6], $0x2000  }
0x356: {  	[sflag:s6] =	ssyncset.done $0x0  }
0x357: {  	s23 =	rddreg [dreg:$0x1e];
	[sflag:s6] =	ssyncadd.s32 $0xFFFFE000  }
0x358: {  	[hbm4b:s23+s2] =	stream.linear.scatter [tilespmem:s5], [sflag:$0x3], $0x2000, $0x38;
	[tilespmem:$0x5080] =	vst v63  }
0x359: {  	_ =	swait.ge [sflag:s4], $0x2000  }
0x35a: {  	[sflag:s4] =	ssyncset.done $0x0  }
0x35b: {  	[sflag:s4] =	ssyncadd.s32 $0xFFFFE000  }
0x35c: {  	[tilespmem:s5], [sflag:$0x1] =	stream.indirect.gather [hbm4b:s3+s7], $0x40, s14, s7, $0xb8;
	[tilespmem:$0x5080] =	vst v63  }
0x35d: {  	_ =	swait.ge [sflag:s9], $0x2000  }
0x35e: {  	[sflag:s9] =	ssyncset.done $0x0  }
0x35f: {  	s24 =	rddreg [dreg:$0x1f];
	[sflag:s9] =	ssyncadd.s32 $0xFFFFE000  }
0x360: {  	[hbm4b:s24+s2] =	stream.linear.scatter [tilespmem:s8], [sflag:$0x3], $0x2000, $0x38;
	[tilespmem:$0x5080] =	vst v63  }
0x361: {  	_ =	swait.ge [sflag:s4], $0x2000  }
0x362: {  	[sflag:s4] =	ssyncset.done $0x0  }
0x363: {  	[sflag:s4] =	ssyncadd.s32 $0xFFFFE000  }
0x364: {  	[tilespmem:s8], [sflag:$0x2] =	stream.indirect.gather [hbm4b:s3+s7], $0x40, s13, s7, $0xb8;
	[tilespmem:$0x5080] =	vst v63  }
0x365: {  	_ =	swait.ge [sflag:s6], $0x2000  }
0x366: {  	s25 =	sld [smem:$0x7EF]  }
0x367: {  	[sflag:s6] =	ssyncset.done $0x0  }
0x368: {  	[sflag:s6] =	ssyncadd.s32 $0xFFFFE000  }
0x369: {  	[hbm4b:s25+s2] =	stream.linear.scatter [tilespmem:s5], [sflag:$0x3], $0x2000, $0x38;
	[tilespmem:$0x5080] =	vst v63  }
0x36a: {  	_ =	swait.ge [sflag:s4], $0x2000  }
0x36b: {  	[sflag:s4] =	ssyncset.done $0x0  }
0x36c: {  	[sflag:s4] =	ssyncadd.s32 $0xFFFFE000  }
0x36d: {  	[tilespmem:s5], [sflag:$0x1] =	stream.indirect.gather [hbm4b:s3+s7], $0x40, s12, s7, $0xb8;
	[tilespmem:$0x5080] =	vst v63  }
0x36e: {  	_ =	swait.ge [sflag:s9], $0x2000  }
0x36f: {  	s26 =	sld [smem:$0x7F0]  }
0x370: {  	[sflag:s9] =	ssyncset.done $0x0  }
0x371: {  	[sflag:s9] =	ssyncadd.s32 $0xFFFFE000  }
0x372: {  	[hbm4b:s26+s2] =	stream.linear.scatter [tilespmem:s8], [sflag:$0x3], $0x2000, $0x38;
	[tilespmem:$0x5080] =	vst v63  }
0x373: {  	_ =	swait.ge [sflag:s4], $0x2000  }
0x374: {  	[sflag:s4] =	ssyncset.done $0x0  }
0x375: {  	[sflag:s4] =	ssyncadd.s32 $0xFFFFE000  }
0x376: {  	[tilespmem:s8], [sflag:$0x2] =	stream.indirect.gather [hbm4b:s3+s7], $0x40, s11, s7, $0xb8;
	[tilespmem:$0x5080] =	vst v63  }
0x377: {  	_ =	swait.ge [sflag:s6], $0x2000  }
0x378: {  	s28 =	sld [smem:$0x7F1]  }
0x379: {  	[sflag:s6] =	ssyncset.done $0x0  }
0x37a: {  	[sflag:s6] =	ssyncadd.s32 $0xFFFFE000  }
0x37b: {  	[hbm4b:s28+s2] =	stream.linear.scatter [tilespmem:s5], [sflag:$0x3], $0x2000, $0x38;
	[tilespmem:$0x5080] =	vst v63  }
0x37c: {  	_ =	swait.ge [sflag:s4], $0x2000  }
0x37d: {  	[sflag:s4] =	ssyncset.done $0x0  }
0x37e: {  	[sflag:s4] =	ssyncadd.s32 $0xFFFFE000  }
0x37f: {  	[tilespmem:s5], [sflag:$0x1] =	stream.indirect.gather [hbm4b:s3+s7], $0x40, s10, s7, $0xb8;
	[tilespmem:$0x5080] =	vst v63  }
0x380: {  	_ =	swait.ge [sflag:s9], $0x2000  }
0x381: {  	s29 =	sld [smem:$0x7F2]  }
0x382: {  	[sflag:s9] =	ssyncset.done $0x0  }
0x383: {  	[sflag:s9] =	ssyncadd.s32 $0xFFFFE000  }
0x384: {  	[hbm4b:s29+s2] =	stream.linear.scatter [tilespmem:s8], [sflag:$0x3], $0x2000, $0x38;
	[tilespmem:$0x5080] =	vst v63  }
0x385: {  	_ =	swait.ge [sflag:s4], $0x2000  }
0x386: {  	[sflag:s4] =	ssyncset.done $0x0  }
0x387: {  	[sflag:s4] =	ssyncadd.s32 $0xFFFFE000  }
0x388: {  	_ =	swait.ge [sflag:s6], $0x2000  }
0x389: {  	s30 =	sld [smem:$0x7F3]  }
0x38a: {  	[sflag:s6] =	ssyncset.done $0x0  }
0x38b: {  	[sflag:s6] =	ssyncadd.s32 $0xFFFFE000  }
0x38c: {  	[hbm4b:s30+s2] =	stream.linear.scatter [tilespmem:s5], [sflag:$0x3], $0x2000, $0x38;
	[tilespmem:$0x5080] =	vst v63  }
0x38d: {  	_ =	swait.ge [sflag:s4], $0x2000  }
0x38e: {  	[sflag:s4] =	ssyncset.done $0x0  }
0x38f: {  	[sflag:s4] =	ssyncadd.s32 $0xFFFFE000  }
0x390: {  	_ =	sfence.sel $0x180000  }
0x391: {  	[bflag:$0x0] =	sbarrier.arrive $0xFFFF  }
0x392: {  	_ =	strace $0x90000047  }
0x393: {  	s31 =	stileid.u32;
	[bflag:$0x2] =	sbarrier.arrive $0xFFFF  }
0x394: {  	p0 =	sne.s32 s31, $0x0;
	s0 =	rddreg [dreg:$0x2]  }
0x395: {  	s0 =	sadd.s32 @!p0 $0x100000, s0  }
0x396: {  	[sflag:s0] =	ssyncadd.tile.s32 @!p0 $0x1;
	_ =	shalt  }
.Lfunc_end2:
_tile_overlayer_lowered:
.L_overlay_start_2:
0x397: {  	(tag) =	ssettag $0x2  }
0x398: {  	s0 =	rddreg [dreg:$0x0];
	s2 =	stileid.u32  }
0x399: {  	s1 =	rddreg [dreg:$0x1];
	p0 =	sne.s32 s2, $0x0  }
0x39a: {  	s3 =	rddreg [dreg:$0x2];
	[bflag:$0x3] =	sbarrier.arrive $0xFFFF;
	s2 =	simm.s32 @!p0 $0x1C03  }
0x39b: {  	[timem:s3], [sflag:s2] =	dma.local @!p0 [hbm:s0], s1  }
0x39c: {  	s0 =	simm.s32 @!p0 $0x3  }
0x39d: {  	_ =	swait.ge @!p0 [sflag:s0], s1  }
0x39e: {  	s1 =	ssub.s32 @!p0 $0x0, s1;
	[sflag:s0] =	ssyncset.done @!p0 $0x0  }
0x39f: {  	[sflag:s0] =	ssyncadd.s32 @!p0 s1  }
0x3a0: {  	[bflag:$0x3] =	sbarrier.arrive $0xFFFF  }
0x3a1: {  	_ =	shalt  }

// kernel: kernel.8.cloned.1.call-start
scs
__scs_entry_jumppad:
0x0: {  	(pc) =	sbr.rel $0x88, $3  }
0x1: {  	(tag) =	ssettag $0x0;
	lr =	simm.s32 $0x1  }
0x2: {  	[smem:$0x3F8F] =	sst lr;
	_ =	strace $0xD0000000  }
0x3: {  	_ = 	snop  }
0x4: {  	_ = 	snop  }
0x5: {  	_ = 	snop  }
0x6: {  	_ = 	snop  }
0x7: {  	_ = 	snop  }
__scs_overlays_trampoline_lowered:
0x8: {  	[smem:$0x3F9E] =	sst s0  }
0x9: {  	[smem:$0x3F9F] =	sst s1  }
0xa: {  	[smem:$0x3FA0] =	sst s2  }
0xb: {  	[smem:$0x3FA1] =	sst s3  }
0xc: {  	[smem:$0x3FA2] =	sst s4  }
0xd: {  	[smem:$0x3FA3] =	sst s5  }
0xe: {  	[smem:$0x3FA4] =	sst s6  }
0xf: {  	[smem:$0x3FA5] =	sst s7  }
0x10: {  	[smem:$0x3FA6] =	sst s8  }
0x11: {  	[smem:$0x3FA7] =	sst s9;
	s0 =	simm.s32 @!p0 $0x0  }
0x12: {  	s1 =	sld [smem:$0x3F8D];
	s0 =	simm.s32 @p0 $0x1  }
0x13: {  	[smem:$0x3FA8] =	sst s0;
	s0 =	simm.s32 @!p1 $0x0  }
0x14: {  	s2 =	sld [smem:$0x3F8C];
	s0 =	simm.s32 @p1 $0x1  }
0x15: {  	[smem:$0x3FA9] =	sst s0;
	s0 =	simm.s32 @!p2 $0x0  }
0x16: {  	s3 =	sld [smem:$0x3FDB];
	s0 =	simm.s32 @p2 $0x1  }
0x17: {  	s4 =	simm.s32 $0x1BF5;
	[smem:$0x3FAB] =	sst s0  }
0x18: {  	s0 =	sld [smem:$0x3F8E];
	_ =	swait.ge [sflag:s4], $0x0  }
0x19: {  	s7 =	sld [smem:$0x3F8F]  }
0x1a: {  	s8 =	sadd.s32 $0xFFFFE003, lr  }
0x1b: {  	s9 =	sadd.s32 $0xFFFFFEF7, lr;
	s5 =	simm.s32 $0xFFFFFFFF;
	p2 =	slt.u32 s8, $0xFFFFF086  }
0x1c: {  	p1 =	slt.u32 s9, $0xF7A;
	s5 =	simm.s32 @!p2 $0x0  }
0x1d: {  	s5 =	simm.s32 @p1 $0x1;
	p0 =	seq.s32 s7, s2  }
0x1e: {  	s7 =	smul.u32 @!p0 $0xF7A, s2;
	p2 =	seq.s32 @!p0 s5, $0x0  }
0x1f: {  	s9 =	smul.u32 $0xF7A, s1;
	s8 =	simm.s32 @!p0 $0x1BF5;
	p2 =	por !p2, p0  }
0x20: {  	[sflag:s8] =	ssyncset.s32 @!p0 $0xFFFFF086;
	s6 =	sadd.s32 @!p0 s3, s7;
	s7 =	simm.s32 @!p0 $0x108  }
0x21: {  	s3 =	sadd.s32 s3, s9;
	s6 =	sadd.s32 @!p0 $0x88, s6;
	s7 =	simm.s32 @p2 $0x1082  }
0x22: {  	[simem:s7], [sflag:s8] =	dma.local @!p0 [hbm:s6], $0xF7A  }
0x23: {  	s9 =	sor.u32 $0xD0000000, s2;
	s6 =	simm.s32 $0x108;
	_ =	swait.ge @!p0 [sflag:s8], $0x0  }
0x24: {  	s3 =	sadd.s32 $0x88, s3;
	s6 =	simm.s32 @!p1 $0x1082;
	[sflag:s4] =	ssyncset.s32 $0xFFFFF086  }
0x25: {  	[simem:s6], [sflag:s4] =	dma.local [hbm:s3], $0xF7A  }
0x26: {  	[smem:$0x3F8F] =	sst s1;
	(tag) =	ssettag s2;
	_ =	strace s9  }
0x27: {  	s1 =	sld [smem:$0x3F9F]  }
0x28: {  	s2 =	sld [smem:$0x3FA0]  }
0x29: {  	s4 =	sld [smem:$0x3FA2]  }
0x2a: {  	p0 =	seq.s32 s5, $0x0;
	s5 =	sld [smem:$0x3FA3]  }
0x2b: {  	s6 =	sld [smem:$0x3FA4]  }
0x2c: {  	s7 =	sld [smem:$0x3FA5]  }
0x2d: {  	s3 =	simm.s32 $0x108;
	s8 =	sld [smem:$0x3FA6]  }
0x2e: {  	s3 =	simm.s32 @!p0 $0x1082;
	s9 =	sld [smem:$0x3FA7]  }
0x2f: {  	lr =	sadd.s32 s0, s3;
	s0 =	sld [smem:$0x3F9E]  }
0x30: {  	s3 =	sld [smem:$0x3FA1]  }
0x31: {  	[smem:$0x3FAA] =	sst s10  }
0x32: {  	s10 =	sld [smem:$0x3FA8];
	_ =	sdelay $0x3  }
0x33: {  	p0 =	seq.s32 s10, $0x1;
	s10 =	sld [smem:$0x3FAA];
	_ =	sdelay $0x3  }
0x34: {  	[smem:$0x3FAA] =	sst s10  }
0x35: {  	s10 =	sld [smem:$0x3FA9];
	_ =	sdelay $0x3  }
0x36: {  	p1 =	seq.s32 s10, $0x1;
	s10 =	sld [smem:$0x3FAA];
	_ =	sdelay $0x3  }
0x37: {  	[smem:$0x3FAA] =	sst s10  }
0x38: {  	s10 =	sld [smem:$0x3FAB]  }
0x39: {  	_ = 	snop;
	(pc) =	sbr.ind lr, $3  }
0x3a: {  	_ = 	snop  }
0x3b: {  	_ = 	snop  }
0x3c: {  	p2 =	seq.s32 s10, $0x1;
	s10 =	sld [smem:$0x3FAA]  }
0x3d: {  	_ =	shalt  }
0x3e: {  	_ =	shalt  }
0x3f: {  	_ =	shalt  }
0x40: {  	_ =	shalt  }
0x41: {  	_ =	shalt  }
0x42: {  	_ =	shalt  }
0x43: {  	_ =	shalt  }
0x44: {  	_ =	shalt  }
0x45: {  	_ =	shalt  }
0x46: {  	_ =	shalt  }
0x47: {  	_ =	shalt  }
0x48: {  	_ =	shalt  }
0x49: {  	_ =	shalt  }
0x4a: {  	_ =	shalt  }
0x4b: {  	_ =	shalt  }
0x4c: {  	_ =	shalt  }
0x4d: {  	_ =	shalt  }
0x4e: {  	_ =	shalt  }
0x4f: {  	_ =	shalt  }
0x50: {  	_ =	shalt  }
0x51: {  	_ =	shalt  }
0x52: {  	_ =	shalt  }
0x53: {  	_ =	shalt  }
0x54: {  	_ =	shalt  }
0x55: {  	_ =	shalt  }
0x56: {  	_ =	shalt  }
0x57: {  	_ =	shalt  }
0x58: {  	_ =	shalt  }
0x59: {  	_ =	shalt  }
0x5a: {  	_ =	shalt  }
0x5b: {  	_ =	shalt  }
0x5c: {  	_ =	shalt  }
0x5d: {  	_ =	shalt  }
0x5e: {  	_ =	shalt  }
0x5f: {  	_ =	shalt  }
0x60: {  	_ =	shalt  }
0x61: {  	_ =	shalt  }
0x62: {  	_ =	shalt  }
0x63: {  	_ =	shalt  }
0x64: {  	_ =	shalt  }
0x65: {  	_ =	shalt  }
0x66: {  	_ =	shalt  }
0x67: {  	_ =	shalt  }
0x68: {  	_ =	shalt  }
0x69: {  	_ =	shalt  }
0x6a: {  	_ =	shalt  }
0x6b: {  	_ =	shalt  }
0x6c: {  	_ =	shalt  }
0x6d: {  	_ =	shalt  }
0x6e: {  	_ =	shalt  }
0x6f: {  	_ =	shalt  }
0x70: {  	_ =	shalt  }
0x71: {  	_ =	shalt  }
0x72: {  	_ =	shalt  }
0x73: {  	_ =	shalt  }
0x74: {  	_ =	shalt  }
0x75: {  	_ =	shalt  }
0x76: {  	_ =	shalt  }
0x77: {  	_ =	shalt  }
0x78: {  	_ =	shalt  }
0x79: {  	_ =	shalt  }
0x7a: {  	_ =	shalt  }
0x7b: {  	_ =	shalt  }
0x7c: {  	_ =	shalt  }
0x7d: {  	_ =	shalt  }
0x7e: {  	_ =	shalt  }
0x7f: {  	_ =	shalt  }
0x80: {  	_ =	shalt  }
0x81: {  	_ =	shalt  }
0x82: {  	_ =	shalt  }
0x83: {  	_ =	shalt  }
0x84: {  	_ =	shalt  }
0x85: {  	_ =	shalt  }
0x86: {  	_ =	shalt  }
0x87: {  	_ =	shalt  }
.Lfunc_end0:
.L_simem_size_0:
called_computation.2_lowered:
.L_overlay_start_0:
0x88: {  	s2 =	sld [smem:$0x3FD9]  }
0x89: {  	s3 =	sld [smem:$0x3FFE];
	_ =	sdelay $0x1  }
0x8a: {  	s1 =	srdreg.scid  }
0x8b: {  	s0 =	sand.u32 $0x1, s1  }
0x8c: {  	s14 =	sshll.u32 s0, $0xA;
	s2 =	sadd.s32 s3, s2  }
0x8d: {  	s2 =	sadd.s32 s2, s14  }
0x8e: {  	[smem:$0x3FB6] =	sst s2  }
0x8f: {  	_ = 	snop  }
0x90: {  	s2 =	sld [smem:$0x3FD0];
	_ =	sdelay $0x2  }
0x91: {  	s15 =	simm.s32 $0xA;
	s4 =	simm.s32 $0x10  }
0x92: {  	[smem:s4], [sflag:s15] =	dma.local [hbm:s2], $0x1  }
0x93: {  	_ =	swait.eq [sflag:s15], $0x1  }
0x94: {  	[sflag:s15] =	ssyncset.done $0x0  }
0x95: {  	[sflag:s15] =	ssyncadd.s32 $0xFFFFFFFF  }
0x96: {  	s16 =	sld [smem:$0x10];
	(tm) =	ssettm $0x1  }
0x97: {  	s17 =	sld [smem:$0x3FFB];
	_ =	sdelay $0x3  }
0x98: {  	_ =	strace s17  }
0x99: {  	s3 =	sld [smem:$0x3FFC];
	_ =	sdelay $0x3  }
0x9a: {  	_ =	strace s3  }
0x9b: {  	s3 =	sld [smem:$0x3FFD];
	_ =	sdelay $0x3  }
0x9c: {  	_ =	strace s3  }
0x9d: {  	_ =	strace $0x8FFFFFFF  }
0x9e: {  	s18 =	sld [smem:$0x3FDB];
	_ =	sdelay $0x1  }
0x9f: {  	s19 =	simm.s32 $_scs_section_size  }
0xa0: {  	s5 =	simm.s32 $_size__tile_overlayer_lowered;
	s6 =	simm.s32 $_tile_overlayer_lowered  }
0xa1: {  	s22 =	simm.s32 $0x1BFF;
	s21 =	sshll.u32 s6, $0x1;
	s3 =	sadd.s32 s19, s18  }
0xa2: {  	s7 =	simm.s32 $0x0;
	s20 =	sshll.u32 s5, $0x1;
	s5 =	sadd.s32 s21, s3  }
0xa3: {  	[timem:s7], [sflag:s22] =	dma.local [hbm:s5], s20  }
0xa4: {  	_ =	swait.ge [sflag:s22], s20  }
0xa5: {  	s4 =	ssub.s32 $0x0, s20;
	[sflag:s22] =	ssyncset.done $0x0  }
0xa6: {  	[sflag:s22] =	ssyncadd.s32 s4;
	_ =	sdelay $0x1  }
0xa7: {  	s23 =	simm.s32 $0x1B8B  }
0xa8: {  	_ =	swait.ge [sflag:s23], $0x1  }
0xa9: {  	[sflag:s23] =	ssyncset.done $0x0  }
0xaa: {  	s25 =	simm.s32 $0x1B8E;
	s24 =	sld [smem:$0x3FFE];
	[sflag:s23] =	ssyncadd.s32 $0xFFFFFFFF  }
0xab: {  	s26 =	simm.s32 $execute0_lowered;
	[smem:$0x3FD2] =	sst s25  }
0xac: {  	s5 =	sshll.u32 s26, $0x1;
	_ =	strace $0x80000049;
	[dreg:$0x1] =	wrdreg $0xFFFFFFFF  }
0xad: {  	s28 =	simm.s32 $_size_execute0_lowered;
	s3 =	sadd.s32 s3, s5;
	[dreg:$0x0] =	wrdreg $0x0  }
0xae: {  	s5 =	sshll.u32 s28, $0x1;
	[dreg:$0x2] =	wrdreg s3  }
0xaf: {  	[dreg:$0x3] =	wrdreg s5  }
0xb0: {  	[dreg:$0x4] =	wrdreg $0xC0  }
0xb1: {  	_ =	task [dreg:s7], $0x5FFFF  }
0xb2: {  	[dreg:$0x1] =	wrdreg $0xFFFFFFFF  }
0xb3: {  	[dreg:$0x0] =	wrdreg $0x60  }
0xb4: {  	[dreg:$0x2] =	wrdreg s24  }
0xb5: {  	[dreg:$0x3] =	wrdreg s16  }
0xb6: {  	[dreg:$0x4] =	wrdreg $0x129100  }
0xb7: {  	[dreg:$0x5] =	wrdreg $0x1A3300  }
0xb8: {  	[dreg:$0x6] =	wrdreg $0x9  }
0xb9: {  	_ =	task.clear_ibuf [dreg:s7], $0x7FFFF;
	_ =	strace $0x90000049  }
0xba: {  	s29 =	simm.s32 $0x9;
	_ =	strace $0x8000004B  }
0xbb: {  	_ =	swait.ge [sflag:s29], $0x1  }
0xbc: {  	[sflag:s29] =	ssyncadd.s32 $0xFFFFFFFF  }
0xbd: {  	_ =	strace $0x9000004B  }
0xbe: {  	_ =	sfence  }
0xbf: {  	s30 =	sld [smem:$0x0];
	_ =	sdelay $0x2  }
0xc0: {  	s31 =	sshll.u32 s1, $0xD;
	s1 =	sshrl.u32 s1, $0x2  }
0xc1: {  	s3 =	sand.u32 $0x4000, s31;
	s1 =	sadd.s32 s1, s30  }
0xc2: {  	s0 =	sor.u32 s3, s0;
	s1 =	sshll.u32 s1, $0x11  }
0xc3: {  	s0 =	sor.u32 s1, s0  }
0xc4: {  	s0 =	sadd.s32 $0x8F2B, s0  }
0xc5: {  	[sflag:s0] =	ssyncadd.remote.s32 $0x1  }
0xc6: {  	_ =	sfence.sel $0xFFFF  }
0xc7: {  	[dreg:$0x0] =	wrdreg $0xFFFFFFFF;
	(pc) =	sbr.abs _section_cstart, $3  }
0xc8: {  	[dreg:$0x1] =	wrdreg $0xFFFFFFFF  }
0xc9: {  	_ =	task.clear_ibuf [dreg:s7], $0x2FFFF;
	_ =	strace $0x9FFFFFFF  }
0xca: {  	(tm) =	ssettm $0x7FFFFFFF  }
0xcb: {  	_ =	shalt  }
tec
execute0_lowered:
.L_overlay_start_1:
0x0: {  	(tag) =	ssettag $0x1  }
0x1: {  	s0 =	rddreg [dreg:$0x0]  }
0x2: {  	s2 =	rddreg [dreg:$0x1]  }
0x3: {  	s3 =	rddreg [dreg:$0x2]  }
0x4: {  	s4 =	rddreg [dreg:$0x3]  }
0x5: {  	s1 =	stileid.u32;
	s7 =	srdreg.scid  }
0x6: {  	s5 =	simm.s32 $0x0;
	s14 =	simm.s32 $0x2100;
	s15 =	simm.s32 $0x80  }
0x7: {  	s16 =	simm.s32 $0x2;
	s18 =	simm.s32 $0x12810;
	s19 =	simm.s32 $0x1  }
0x8: {  	s20 =	simm.s32 $0xC700;
	s21 =	simm.s32 $0xE800;
	s22 =	simm.s32 $0x0  }
0x9: {  	s6 =	smul.u32 $0x2100, s1;
	s11 =	sand.u32 $0x1, s7;
	[smem:$0x7FF] =	sst s5  }
0xa: {  	s7 =	sadd.s32 $0x21B800, s0;
	s12 =	sshll.u32 s1, $0x3;
	s13 =	sshll.u32 s1, $0x4  }
.Ltmp0:
0xb: {  	s8 =	ssub.s32 $0x2, s11;
	_ =	strace $0x8000004A;
	(pc) =	sbr.rel .LBB2_1-.Ltmp0, $4  }
0xc: {  	s17 =	sadd.s32 $0x7A120, s12;
	s11 =	smul.u32 $0x21, s11;
	s30 =	sshrl.u32 s6, $0x3  }
0xd: {  	s9 =	sshrl.u32 s8, $0x1;
	v0 =	vmov s17;
	s17 =	simm.s32 $0x12800;
	s10 =	sadd.s32 s30, s0  }
0xe: {  	s31 =	ssub.s32 s8, s9;
	s8 =	sadd.s32 $0x3400, s10;
	s9 =	sadd.s32 $0x217600, s10  }
0xf: {  	v1 =	vimm.s32 $0x1;
	v2 =	vimm.s32 $0x0;
	v3 =	vlaneseq.u32;
	s10 =	sadd.s32 s13, s4;
	s12 =	smax.u32 s31, $0x1;
	s13 =	simm.s32 $0x3  }
.LBB2_36:
0x10: {  	s22 =	sadd.s32 $0x1, s22  }
0x11: {  	p0 =	sne.s32 s22, s12  }
.Ltmp1:
0x12: {  	_ = 	snop;
	(pc) =	sbr.rel @!p0 .LBB2_37-.Ltmp1, $1  }
0x13: {  	_ =	sdelay $0x3  }
.LBB2_1:
0x14: {  	[tilespmem:s5], [sflag:$0x3] =	stream.linear.gather [hbm4b:s8+s5], $0x2100, $0x38;
	[tilespmem:$0x1A340] =	vst v63  }
0x15: {  	_ =	swait.ge [sflag:s13], $0x2100  }
0x16: {  	[sflag:s13] =	ssyncset.done $0x0  }
0x17: {  	[sflag:s13] =	ssyncadd.s32 $0xFFFFDF00  }
0x18: {  	[tilespmem:s14], [sflag:$0x3] =	stream.linear.gather [hbm4b:s9+s5], $0x2100, $0x38;
	[tilespmem:$0x1A340] =	vst v63  }
0x19: {  	_ =	swait.ge [sflag:s13], $0x2100  }
0x1a: {  	[sflag:s13] =	ssyncset.done $0x0  }
0x1b: {  	s0 =	simm.s32 $0x0;
	s23 =	simm.s32 $0x0;
	[sflag:s13] =	ssyncadd.s32 $0xFFFFDF00  }
.LBB2_2:
0x1c: {  	p0 =	sne.s32 s23, $0x83C0  }
.Ltmp2:
0x1d: {  	_ = 	snop;
	(pc) =	sbr.rel @p0 .LBB2_2-.Ltmp2, $4  }
0x1e: {  	s24 =	sand.u32 $0xFE00, s23  }
0x1f: {  	s25 =	sand.u32 $0x70, s0;
	s24 =	sshrl.u32 s24, $0x2  }
0x20: {  	s24 =	sor.u32 s25, s24  }
0x21: {  	s0 =	sadd.s32 $0x10, s0;
	s23 =	sadd.s32 $0x40, s23;
	[tilespmem:s24+$0x6300] =	vst v1  }
.Ltmp3:
0x22: {  	(pc) =	sbr.rel .LBB2_4-.Ltmp3, $2  }
0x23: {  	_ =	sdelay $0x2  }
0x24: {  	s23 =	simm.s32 $0x0;
	s24 =	simm.s32 $0x1  }
.LBB2_38:
0x25: {  	[bflag:$0x0] =	sbarrier.arrive $0xFFFF  }
0x26: {  	[bflag:$0x0] =	sbarrier.arrive $0xFFFF  }
.LBB2_18:
0x27: {  	s23 =	sadd.s32 $0x1, s23  }
0x28: {  	p1 =	sne.s32 s23, $0x40  }
.Ltmp4:
0x29: {  	[bflag:$0x0] =	sbarrier.arrive $0xFFFF;
	(pc) =	sbr.rel @!p1 .LBB2_19-.Ltmp4, $2  }
0x2a: {  	p0 =	sgt.s32 s24, $0x0;
	s24 =	sld [smem:$0x0];
	_ =	sdelay $0x2  }
0x2b: {  	s24 =	simm.s32 @!p0 $0x0  }
.LBB2_4:
0x2c: {  	p0 =	slt.s32 s24, $0x1  }
.Ltmp5:
0x2d: {  	_ = 	snop;
	(pc) =	sbr.rel @p0 .LBB2_38-.Ltmp5, $1  }
0x2e: {  	_ =	sdelay $0x3  }
0x2f: {  	s0 =	simm.s32 $0x0  }
0x30: {  	v4 =	vld [tilespmem:s0+$0x6300]  }
0x31: {  	s25 =	simm.s32 $0x40;
	v5 =	vld [tilespmem:s0+$0x0]  }
.LBB2_6:
0x32: {  	p0 =	sne.s32 s25, $0x83C0  }
.Ltmp6:
0x33: {  	_ = 	snop;
	(pc) =	sbr.rel @p0 .LBB2_6-.Ltmp6, $4  }
0x34: {  	_ = 	snop  }
0x35: {  	s26 =	sshra.s32 s25, $0x2;
	s25 =	sadd.s32 $0x40, s25;
	vm0 =	vgt.s32 v4, $0x0  }
0x36: {  	v4 =	vld [tilespmem:s26+$0x6300];
	v6 =	vsel vm0, v5, v0  }
0x37: {  	v5 =	vld [tilespmem:s26+$0x0];
	[tilespmem:s0+$0x8400] =	vst v6;
	s0 =	smov.u32 s26  }
0x38: {  	_ =	sdelay $0x2  }
0x39: {  	vm0 =	vgt.s32 v4, $0x0  }
0x3a: {  	v4 =	vsel vm0, v5, v0  }
0x3b: {  	[tilespmem:s0+$0x8400] =	vst v4;
	s0 =	simm.s32 $0x0  }
.LBB2_8:
0x3c: {  	p0 =	sne.s32 s0, $0x8200  }
.Ltmp7:
0x3d: {  	_ = 	snop;
	(pc) =	sbr.rel @p0 .LBB2_8-.Ltmp7, $4  }
0x3e: {  	_ = 	snop  }
0x3f: {  	s25 =	sshra.s32 s0, $0x2  }
0x40: {  	s0 =	sadd.s32 $0x200, s0;
	s26 =	sadd.s32 $0x2100, s25;
	s25 =	sadd.s32 $0x8400, s25  }
0x41: {  	[spmem:s3] =	stream.indirect.scatter [tilespmem:s26], [sflag:$0x2], $0x1, s25, s15, $0xb8;
	[tilespmem:$0x1A340] =	vst v63  }
0x42: {  	_ =	swait.ge [sflag:s16], $0x80  }
0x43: {  	s0 =	simm.s32 $0x41;
	[sflag:s16] =	ssyncset.done $0x0  }
.LBB2_10:
0x44: {  	p0 =	sne.s32 s0, $0x1;
	s0 =	sadd.s32 $0xFFFFFFFF, s0;
	[sflag:s16] =	ssyncadd.s32 $0xFFFFFF80  }
.Ltmp8:
0x45: {  	(pc) =	sbr.rel @p0 .LBB2_10-.Ltmp8, $3  }
0x46: {  	_ =	sdelay $0x1  }
0x47: {  	_ =	swait.ge [sflag:s16], $0x80  }
0x48: {  	[sflag:s16] =	ssyncset.done $0x0  }
0x49: {  	[sflag:s16] =	ssyncadd.s32 $0xFFFFFF80  }
0x4a: {  	s0 =	simm.s32 $0x0;
	[bflag:$0x0] =	sbarrier.arrive $0xFFFF  }
.LBB2_12:
0x4b: {  	p0 =	sne.s32 s0, $0x8200  }
.Ltmp9:
0x4c: {  	_ = 	snop;
	(pc) =	sbr.rel @p0 .LBB2_12-.Ltmp9, $4  }
0x4d: {  	_ = 	snop  }
0x4e: {  	s25 =	sshra.s32 s0, $0x2  }
0x4f: {  	s0 =	sadd.s32 $0x200, s0;
	s26 =	sadd.s32 $0x4200, s25;
	s25 =	sadd.s32 $0x8400, s25  }
0x50: {  	[tilespmem:s26], [sflag:$0x2] =	stream.indirect.gather [spmem:s3], $0x1, s25, s15, $0xb8;
	[tilespmem:$0x1A340] =	vst v63  }
0x51: {  	s0 =	simm.s32 $0x42  }
.LBB2_14:
0x52: {  	p0 =	sne.s32 s0, $0x1  }
.Ltmp10:
0x53: {  	_ = 	snop;
	(pc) =	sbr.rel @p0 .LBB2_14-.Ltmp10, $4  }
0x54: {  	_ = 	snop  }
0x55: {  	_ =	swait.ge [sflag:s16], $0x80  }
0x56: {  	[sflag:s16] =	ssyncset.done $0x0  }
0x57: {  	s0 =	sadd.s32 $0xFFFFFFFF, s0;
	[sflag:s16] =	ssyncadd.s32 $0xFFFFFF80  }
0x58: {  	s25 =	simm.s32 $0x0  }
0x59: {  	v5 =	vld [tilespmem:s25+$0x4200]  }
0x5a: {  	v4 =	vimm.s32 $0x0;
	s0 =	simm.s32 $0x40;
	v6 =	vld [tilespmem:s25+$0x2100]  }
.LBB2_16:
0x5b: {  	p0 =	seq.s32 s0, $0x83C0;
	v7 =	vld [tilespmem:s25+$0x6300];
	_ =	sdelay $0x3  }
.Ltmp11:
0x5c: {  	(pc) =	sbr.rel @!p0 .LBB2_16-.Ltmp11, $4  }
0x5d: {  	vm0 =	vlt.s32 v5, v6;
	vm1 =	vgt.s32 v7, $0x0  }
0x5e: {  	s26 =	sshra.s32 s0, $0x2;
	vm0 =	vmand vm0, vm1  }
0x5f: {  	v5 =	vld [tilespmem:s26+$0x4200];
	v7 =	vsel vm0, $0x1, v2  }
0x60: {  	s0 =	sadd.s32 $0x40, s0;
	v6 =	vld [tilespmem:s26+$0x2100];
	[tilespmem:s25+$0x6300] =	vst v7;
	v4 =	vadd.s32 v7, v4;
	s25 =	smov.u32 s26  }
0x61: {  	v7 =	vld [tilespmem:s25+$0x6300];
	_ =	sdelay $0x4  }
0x62: {  	vm0 =	vlt.s32 v5, v6;
	vm1 =	vgt.s32 v7, $0x0  }
0x63: {  	vm0 =	vmand vm0, vm1  }
0x64: {  	v5 =	vsel vm0, $0x1, v2  }
0x65: {  	v4 =	vadd.s32 v5, v4  }
0x66: {  	(xrf0) =	vadd.scan.msk.s32 $0xffff, v4;
	_ =	sdelay $0x5  }
0x67: {  	v4, _, _ =	vpop (xrf0)  }
0x68: {  	v4 =	vbroadcast v4, $0xF  }
0x69: {  	[tilespmem:s25+$0x6300] =	vst v5  }
0x6a: {  	[tilespmem:$0x12800] =	vst v4  }
0x6b: {  	[spmem:s10] =	stream.linear.scatter [tilespmem:s17], [sflag:$0x3], $0x10, $0x38;
	[tilespmem:$0x1A340] =	vst v63  }
0x6c: {  	_ =	swait.ge [sflag:s13], $0x10  }
0x6d: {  	[sflag:s13] =	ssyncset.done $0x0  }
0x6e: {  	[sflag:s13] =	ssyncadd.s32 $0xFFFFFFF0  }
0x6f: {  	[bflag:$0x0] =	sbarrier.arrive $0xFFFF  }
0x70: {  	[tilespmem:s18], [sflag:$0x3] =	stream.linear.gather [spmem:s4], $0x100, $0x38;
	[tilespmem:$0x1A340] =	vst v63  }
0x71: {  	_ =	swait.ge [sflag:s13], $0x100  }
0x72: {  	[sflag:s13] =	ssyncset.done $0x0  }
0x73: {  	[sflag:s13] =	ssyncadd.s32 $0xFFFFFF00  }
0x74: {  	v4 =	vld [tilespmem:$0x12810]  }
0x75: {  	v5 =	vld [tilespmem:$0x12820]  }
0x76: {  	v54 =	vld [tilespmem:$0x12830]  }
0x77: {  	v55 =	vld [tilespmem:$0x12840]  }
0x78: {  	v8 =	vld [tilespmem:$0x12850]  }
0x79: {  	v9 =	vld [tilespmem:$0x12860]  }
0x7a: {  	v4 =	vadd.s32 v4, v5;
	v5 =	vld [tilespmem:$0x12870]  }
0x7b: {  	v56 =	vld [tilespmem:$0x12880];
	v4 =	vadd.s32 v4, v54  }
0x7c: {  	v57 =	vld [tilespmem:$0x12890];
	v4 =	vadd.s32 v4, v55  }
0x7d: {  	v58 =	vld [tilespmem:$0x128A0];
	v4 =	vadd.s32 v4, v8  }
0x7e: {  	v59 =	vld [tilespmem:$0x128B0];
	v4 =	vadd.s32 v4, v9  }
0x7f: {  	v4 =	vadd.s32 v4, v5;
	v5 =	vld [tilespmem:$0x128C0]  }
0x80: {  	v60 =	vld [tilespmem:$0x128D0];
	v4 =	vadd.s32 v4, v56  }
0x81: {  	v61 =	vld [tilespmem:$0x128E0];
	v4 =	vadd.s32 v4, v57  }
0x82: {  	v62 =	vld [tilespmem:$0x128F0];
	v4 =	vadd.s32 v4, v58  }
0x83: {  	v63 =	vld [tilespmem:$0x12900];
	v4 =	vadd.s32 v4, v59  }
0x84: {  	v4 =	vadd.s32 v4, v5  }
0x85: {  	v4 =	vadd.s32 v4, v60  }
0x86: {  	v4 =	vadd.s32 v4, v61  }
0x87: {  	v4 =	vadd.s32 v4, v62  }
0x88: {  	v4 =	vadd.s32 v4, v63  }
0x89: {  	v4 =	vxor.u32 $0x80000000, v4  }
0x8a: {  	(xrf0) =	vmax.scan.msk.u32 $0xffff, v4;
	_ =	sdelay $0x5  }
0x8b: {  	v4, _, _ =	vpop (xrf0)  }
0x8c: {  	(v2sf) =	vpush v4, $0xF;
	_ =	sdelay $0xc  }
.Ltmp12:
0x8d: {  	_ = 	snop;
	(pc) =	sbr.rel .LBB2_18-.Ltmp12, $4  }
0x8e: {  	_ = 	snop  }
0x8f: {  	s0 =	spop (v2sf)  }
0x90: {  	s0 =	sxor.u32 $0x80000000, s0  }
0x91: {  	[smem:$0x0] =	sst s0  }
.LBB2_19:
0x92: {  	s0 =	simm.s32 $0x0  }
.LBB2_20:
0x93: {  	p0 =	sne.s32 s0, $0x8200  }
.Ltmp13:
0x94: {  	_ = 	snop;
	(pc) =	sbr.rel @p0 .LBB2_20-.Ltmp13, $4  }
0x95: {  	_ = 	snop  }
0x96: {  	s23 =	sshra.s32 s0, $0x2  }
0x97: {  	s0 =	sadd.s32 $0x200, s0;
	s24 =	sadd.s32 $0x4200, s23  }
0x98: {  	[tilespmem:s24], [sflag:$0x2] =	stream.indirect.gather [spmem:s3], $0x1, s23, s15, $0xb8;
	[tilespmem:$0x1A340] =	vst v63  }
0x99: {  	s0 =	simm.s32 $0x42  }
.LBB2_22:
0x9a: {  	p0 =	sne.s32 s0, $0x1  }
.Ltmp14:
0x9b: {  	_ = 	snop;
	(pc) =	sbr.rel @p0 .LBB2_22-.Ltmp14, $4  }
0x9c: {  	_ = 	snop  }
0x9d: {  	_ =	swait.ge [sflag:s16], $0x80  }
0x9e: {  	[sflag:s16] =	ssyncset.done $0x0  }
0x9f: {  	s0 =	sadd.s32 $0xFFFFFFFF, s0;
	[sflag:s16] =	ssyncadd.s32 $0xFFFFFF80  }
0xa0: {  	s23 =	simm.s32 $0x0;
	s0 =	sadd.s32 $0x0, s11  }
0xa1: {  	s24 =	sand.u32 $0x70, s23;
	s0 =	sshll.u32 s0, $0x7  }
0xa2: {  	s25 =	sor.u32 s24, s0  }
0xa3: {  	v4 =	vld [tilespmem:s25+$0x2100]  }
0xa4: {  	v5 =	vld [tilespmem:s25+$0x4200];
	_ =	sdelay $0x4  }
0xa5: {  	vm0 =	veq.s32 v5, v4  }
0xa6: {  	v4 =	vsel vm0, $0x1, v2  }
0xa7: {  	(xrf0) =	vadd.scan.msk.s32 $0xffff, v4;
	_ =	sdelay $0x2  }
0xa8: {  	v4 =	vld [tilespmem:s25+$0x0]  }
0xa9: {  	s0 =	sadd.s32 s6, s0  }
0xaa: {  	s26 =	sor.u32 s24, s0  }
0xab: {  	s24 =	simm.s32 $0x10;
	s0 =	sadd.s32 $0x0, s11;
	v6 =	vor.u32 s26, v3;
	s25 =	simm.s32 $0x2;
	v5, _, _ =	vpop (xrf0)  }
.LBB2_24:
0xac: {  	p0 =	sne.s32 s25, $0x107;
	s26 =	sand.u32 $0x70, s24;
	s0 =	sshll.u32 s0, $0x7;
	[tilespmem:s23+$0xA500] =	vst.msk vm0, v6;
	(v2sf) =	vpush v5, $0xF  }
0xad: {  	s28 =	sor.u32 s26, s0;
	[tilespmem:s23+$0xB600] =	vst.msk vm0, v4  }
0xae: {  	v4 =	vld [tilespmem:s28+$0x2100]  }
0xaf: {  	v5 =	vld [tilespmem:s28+$0x4200];
	_ =	sdelay $0x4  }
0xb0: {  	vm0 =	veq.s32 v5, v4  }
0xb1: {  	v4 =	vsel vm0, $0x1, v2  }
0xb2: {  	(xrf0) =	vadd.scan.msk.s32 $0xffff, v4;
	_ =	sdelay $0x1  }
.Ltmp15:
0xb3: {  	(pc) =	sbr.rel @p0 .LBB2_24-.Ltmp15, $4  }
0xb4: {  	v4 =	vld [tilespmem:s28+$0x0]  }
0xb5: {  	s24 =	sadd.s32 $0x10, s24;
	s0 =	sadd.s32 s6, s0  }
0xb6: {  	s26 =	sor.u32 s26, s0;
	s28 =	sshrl.u32 s25, $0x3;
	s29 =	spop (v2sf)  }
0xb7: {  	v6 =	vor.u32 s26, v3;
	s25 =	sadd.s32 $0x1, s25;
	s0 =	sadd.s32 s11, s28;
	v5, _, _ =	vpop (xrf0);
	s23 =	sadd.s32 s23, s29  }
0xb8: {  	s25 =	sand.u32 $0x70, s24;
	s0 =	sshll.u32 s0, $0x7;
	[tilespmem:s23+$0xA500] =	vst.msk vm0, v6  }
0xb9: {  	s26 =	sor.u32 s25, s0;
	[tilespmem:s23+$0xB600] =	vst.msk vm0, v4  }
0xba: {  	v4 =	vld [tilespmem:s26+$0x2100]  }
0xbb: {  	v6 =	vld [tilespmem:s26+$0x4200];
	_ =	sdelay $0x4  }
0xbc: {  	vm15 =	veq.s32 v6, v4  }
0xbd: {  	v4 =	vsel vm15, $0x1, v2  }
0xbe: {  	(xrf0) =	vadd.scan.msk.s32 $0xffff, v4;
	_ =	sdelay $0x5  }
0xbf: {  	(v2sf) =	vpush v5, $0xF;
	v4, _, _ =	vpop (xrf0)  }
0xc0: {  	(v2sf) =	vpush v4, $0xF;
	_ =	sdelay $0xd  }
0xc1: {  	s28 =	spop (v2sf)  }
0xc2: {  	s28 =	sadd.s32 s23, s28;
	s29 =	spop (v2sf)  }
0xc3: {  	s24 =	sadd.s32 s28, s29  }
0xc4: {  	s23 =	sadd.s32 $0x7F, s24  }
0xc5: {  	s29 =	sand.u32 $0x7F, s23  }
0xc6: {  	s30 =	sshra.s32 s23, $0x1F;
	p0 =	slt.s32 s23, $0x1;
	p1 =	sne.s32 s29, $0x0  }
0xc7: {  	s30 =	sshrl.u32 s30, $0x19;
	p0 =	por !p0, !p1  }
0xc8: {  	s29 =	simm.s32 $0x1;
	s23 =	sadd.s32 s30, s23;
	p0 =	por !p0, !p0  }
0xc9: {  	s23 =	sshra.s32 s23, $0x7;
	s29 =	simm.s32 @!p0 $0x0  }
0xca: {  	s23 =	ssub.s32 s23, s29  }
0xcb: {  	s29 =	sshll.u32 s23, $0x7  }
0xcc: {  	s29 =	ssub.s32 s29, s24  }
0xcd: {  	s29 =	sadd.s32 $0xF, s29  }
0xce: {  	s31 =	sand.u32 $0xF, s29  }
0xcf: {  	p6 =	slt.s32 s29, $0x1;
	p5 =	sne.s32 s31, $0x0;
	s31 =	sshra.s32 s29, $0x1F  }
0xd0: {  	s30 =	sshrl.u32 s31, $0x1C;
	p0 =	por !p6, !p5  }
0xd1: {  	v4 =	vld [tilespmem:s26+$0x0];
	s26 =	sadd.s32 s30, s29;
	p0 =	por !p0, !p0;
	s29 =	simm.s32 $0x1  }
0xd2: {  	s0 =	sadd.s32 s6, s0;
	s31 =	sshra.s32 s26, $0x4;
	s29 =	simm.s32 @!p0 $0x0  }
0xd3: {  	s0 =	sor.u32 s25, s0;
	s25 =	ssub.s32 s31, s29  }
0xd4: {  	p0 =	slt.s32 s25, $0x1  }
.Ltmp16:
0xd5: {  	_ = 	snop;
	(pc) =	sbr.rel @p0 .LBB2_28-.Ltmp16, $4  }
0xd6: {  	_ = 	snop  }
0xd7: {  	v5 =	vor.u32 s0, v3  }
0xd8: {  	[tilespmem:s28+$0xA500] =	vst.msk vm15, v5  }
0xd9: {  	[tilespmem:s28+$0xB600] =	vst.msk vm15, v4  }
0xda: {  	v4 =	vld [tilespmem:$0xA500]  }
0xdb: {  	v5 =	vld [tilespmem:$0xB600];
	_ =	sdelay $0x1  }
0xdc: {  	p0 =	sne.s32 s25, $0x1  }
.Ltmp17:
0xdd: {  	s0 =	sshll.u32 s24, $0x2;
	(pc) =	sbr.rel @!p0 .LBB2_28-.Ltmp17, $4  }
0xde: {  	s0 =	sshra.s32 s0, $0x2;
	v4 =	vperm.xlane v4, v2  }
0xdf: {  	s26 =	sadd.s32 $0xA500, s0;
	v5 =	vperm.xlane v5, v2  }
0xe0: {  	s0 =	sadd.s32 $0xB600, s0;
	[tilespmem:s26+$0x0] =	vst v4  }
0xe1: {  	s24 =	sadd.s32 $0xFFFFFFFF, s25;
	s25 =	sadd.s32 $0x10, s26;
	[tilespmem:s0+$0x0] =	vst v5  }
.LBB2_27:
0xe2: {  	[tilespmem:s25+$0x0] =	vst v4;
	s0 =	sadd.s32 $0x10, s0;
	p0 =	sne.s32 s24, $0x1  }
.Ltmp18:
0xe3: {  	s24 =	sadd.s32 $0xFFFFFFFF, s24;
	[tilespmem:s0+$0x0] =	vst v5;
	(pc) =	sbr.rel @p0 .LBB2_27-.Ltmp18, $2  }
0xe4: {  	_ =	sdelay $0x2  }
0xe5: {  	s25 =	sadd.s32 $0x10, s25  }
.LBB2_28:
0xe6: {  	p0 =	slt.s32 s23, $0x1  }
.Ltmp19:
0xe7: {  	_ = 	snop;
	(pc) =	sbr.rel @p0 .LBB2_36-.Ltmp19, $1  }
0xe8: {  	_ =	sdelay $0x3  }
0xe9: {  	s0 =	sshll.u32 s23, $0x3  }
0xea: {  	p1 =	sne.s32 s0, $0x1  }
.Ltmp20:
0xeb: {  	_ = 	snop;
	(pc) =	sbr.rel @!p1 .LBB2_30-.Ltmp20, $3  }
0xec: {  	_ =	sdelay $0x1  }
0xed: {  	s24 =	simm.s32 $0xD780;
	s25 =	simm.s32 $0xC700;
	s28 =	simm.s32 $0xA500  }
0xee: {  	s26 =	simm.s32 $0xB600;
	p0 =	por $0x0, $0x0;
	v4 =	vld [tilespmem:s28+$0x0];
	s0 =	sadd.s32 $0xFFFFFFFF, s0  }
0xef: {  	_ =	sdelay $0x3  }
0xf0: {  	[tilespmem:s25+$0x0] =	vst v4  }
0xf1: {  	v4 =	vld [tilespmem:s26+$0x0]  }
0xf2: {  	p1 =	sne.s32 s0, $0x1  }
.Ltmp21:
0xf3: {  	_ = 	snop;
	(pc) =	sbr.rel @!p1 .LBB2_32-.Ltmp21, $3  }
0xf4: {  	_ =	sdelay $0x1  }
0xf5: {  	s31 =	simm.s32 $0xA510;
	s0 =	sadd.s32 $0xFFFFFFFF, s0;
	p0 =	por $0x1, $0x1;
	[tilespmem:s24+$0x0] =	vst v4  }
0xf6: {  	s28 =	simm.s32 $0xC700;
	s30 =	simm.s32 $0xB600;
	s29 =	simm.s32 $0xD780;
	v4 =	vld [tilespmem:s31+$0x0]  }
.LBB2_33:
0xf7: {  	p1 =	sne.s32 s0, $0x1;
	_ =	sdelay $0x2  }
0xf8: {  	s28 =	sadd.s32 $0x10, s28  }
0xf9: {  	s30 =	sadd.s32 $0x10, s30;
	[tilespmem:s28+$0x0] =	vst v4  }
0xfa: {  	v4 =	vld [tilespmem:s30+$0x0];
	_ =	sdelay $0x1  }
.Ltmp22:
0xfb: {  	(pc) =	sbr.rel @p1 .LBB2_33-.Ltmp22, $4  }
0xfc: {  	_ = 	snop  }
0xfd: {  	s29 =	sadd.s32 $0x10, s29  }
0xfe: {  	s31 =	sadd.s32 $0x10, s31;
	[tilespmem:s29+$0x0] =	vst v4  }
0xff: {  	s0 =	sadd.s32 $0xFFFFFFFF, s0;
	v4 =	vld [tilespmem:s31+$0x0]  }
.LBB2_34:
0x100: {  	_ =	sdelay $0x1  }
0x101: {  	s0 =	sadd.s32 @p0 $0x10, s28  }
0x102: {  	s25 =	smov.u32 @p0 s0;
	s0 =	sadd.s32 @p0 $0x10, s30  }
0x103: {  	s26 =	smov.u32 @p0 s0;
	[tilespmem:s25+$0x0] =	vst v4  }
0x104: {  	v4 =	vld [tilespmem:s26+$0x0];
	_ =	sdelay $0x2  }
0x105: {  	s0 =	sadd.s32 @p0 $0x10, s29  }
0x106: {  	s24 =	smov.u32 @p0 s0  }
0x107: {  	[tilespmem:s24+$0x0] =	vst v4;
	s24 =	simm.s32 $0x0  }
0x108: {  	[tilespmem:s21], [sflag:$0x1] =	stream.indirect.gather [hbm4b:s7+s15], $0x40, s20, s15, $0xb8;
	[tilespmem:$0x1A340] =	vst v63  }
.LBB2_35:
0x109: {  	s0 =	sand.u32 $0x1, s24  }
0x10a: {  	p0 =	seq.s32 s0, $0x1  }
0x10b: {  	s0 =	sadd.s32 @p0 $0x1, s24  }
0x10c: {  	p1 =	sge.s32 @p0 s0, s23  }
0x10d: {  	_ =	swait.ge [sflag:s19], $0x2000;
	p1 =	por p1, !p0  }
0x10e: {  	[sflag:s19] =	ssyncset.done $0x0;
	s25 =	sshll.u32 @!p1 s0, $0x9  }
0x10f: {  	[sflag:s19] =	ssyncadd.s32 $0xFFFFE000;
	s25 =	sshra.s32 @!p1 s25, $0x2  }
0x110: {  	s26 =	simm.s32 @!p1 $0x80;
	s28 =	simm.s32 @!p1 $0xE800;
	s25 =	sadd.s32 @!p1 $0xC700, s25  }
0x111: {  	[tilespmem:s28], [sflag:$0x1] =	stream.indirect.gather @!p1 [hbm4b:s7+s26], $0x40, s25, s26, $0xb8;
	[tilespmem:$0x1A340] =	vst v63  }
0x112: {  	s25 =	sshll.u32 @p0 s24, $0x9  }
0x113: {  	s25 =	sshra.s32 @p0 s25, $0x2  }
0x114: {  	s26 =	simm.s32 @p0 $0x80;
	s28 =	simm.s32 @p0 $0x10800;
	s25 =	sadd.s32 @p0 $0xD780, s25  }
0x115: {  	[hbm4b:s2+s26] =	stream.indirect.scatter @p0 [tilespmem:s28], [sflag:$0x3], $0x40, s25, s26, $0xb8;
	[tilespmem:$0x1A340] =	vst v63  }
0x116: {  	s25 =	sor.u32 @!p0 $0x1, s24  }
0x117: {  	s26 =	simm.s32 @p0 $0x3;
	s24 =	sshll.u32 @!p0 s24, $0x9;
	p1 =	sge.s32 @!p0 s25, s23  }
0x118: {  	_ =	swait.ge @p0 [sflag:s26], $0x2000;
	s24 =	sshra.s32 @!p0 s24, $0x2;
	p1 =	por p1, p0  }
0x119: {  	[sflag:s26] =	ssyncset.done @p0 $0x0;
	s24 =	sadd.s32 @!p0 $0xD780, s24;
	s28 =	sshll.u32 @!p1 s25, $0x9  }
0x11a: {  	[sflag:s26] =	ssyncadd.s32 @p0 $0xFFFFE000;
	s29 =	simm.s32 @!p1 $0x10800;
	s26 =	sshra.s32 @!p1 s28, $0x2  }
0x11b: {  	s25 =	smov.u32 @p0 s0;
	s28 =	simm.s32 @!p1 $0x80;
	s26 =	sadd.s32 @!p1 $0xC700, s26  }
0x11c: {  	[tilespmem:s29], [sflag:$0x1] =	stream.indirect.gather @!p1 [hbm4b:s7+s28], $0x40, s26, s28, $0xb8;
	[tilespmem:$0x1A340] =	vst v63  }
0x11d: {  	s26 =	simm.s32 @!p0 $0x80;
	s28 =	simm.s32 @!p0 $0xE800;
	p1 =	sne.s32 s25, s23  }
0x11e: {  	[hbm4b:s2+s26] =	stream.indirect.scatter @!p0 [tilespmem:s28], [sflag:$0x4], $0x40, s24, s26, $0xb8;
	[tilespmem:$0x1A340] =	vst v63  }
.Ltmp23:
0x11f: {  	_ = 	snop;
	(pc) =	sbr.rel @p1 .LBB2_35-.Ltmp23, $4  }
0x120: {  	s24 =	simm.s32 @!p0 $0x4  }
0x121: {  	_ =	swait.ge @!p0 [sflag:s24], $0x2000  }
0x122: {  	[sflag:s24] =	ssyncset.done @!p0 $0x0  }
0x123: {  	[sflag:s24] =	ssyncadd.s32 @!p0 $0xFFFFE000;
	s24 =	smov.u32 s25  }
.Ltmp24:
0x124: {  	_ = 	snop;
	(pc) =	sbr.rel .LBB2_36-.Ltmp24, $1  }
0x125: {  	_ =	sdelay $0x3  }
.LBB2_30:
.Ltmp25:
0x126: {  	(pc) =	sbr.rel .LBB2_34-.Ltmp25, $2  }
0x127: {  	_ =	sdelay $0x2  }
0x128: {  	s28 =	simm.s32 $0xC700;
	s30 =	simm.s32 $0xB600;
	s29 =	simm.s32 $0xD780  }
.LBB2_32:
.Ltmp26:
0x129: {  	(pc) =	sbr.rel .LBB2_34-.Ltmp26, $2  }
0x12a: {  	_ =	sdelay $0x2  }
0x12b: {  	s28 =	simm.s32 $0xC700;
	s30 =	simm.s32 $0xB600;
	s29 =	simm.s32 $0xD780  }
.LBB2_37:
0x12c: {  	_ =	sfence.sel $0x180000  }
0x12d: {  	[bflag:$0x0] =	sbarrier.arrive $0xFFFF  }
0x12e: {  	_ =	strace $0x9000004A  }
0x12f: {  	[bflag:$0x2] =	sbarrier.arrive $0xFFFF  }
0x130: {  	p0 =	sne.s32 s1, $0x0;
	s0 =	rddreg [dreg:$0x4]  }
0x131: {  	s0 =	sadd.s32 @!p0 $0x100000, s0  }
0x132: {  	[sflag:s0] =	ssyncadd.tile.s32 @!p0 $0x1;
	_ =	shalt  }
.Lfunc_end2:
_tile_overlayer_lowered:
.L_overlay_start_2:
0x133: {  	(tag) =	ssettag $0x2  }
0x134: {  	s0 =	rddreg [dreg:$0x0];
	s2 =	stileid.u32  }
0x135: {  	s1 =	rddreg [dreg:$0x1];
	p0 =	sne.s32 s2, $0x0  }
0x136: {  	s3 =	rddreg [dreg:$0x2];
	[bflag:$0x3] =	sbarrier.arrive $0xFFFF;
	s2 =	simm.s32 @!p0 $0x1C03  }
0x137: {  	[timem:s3], [sflag:s2] =	dma.local @!p0 [hbm:s0], s1  }
0x138: {  	s0 =	simm.s32 @!p0 $0x3  }
0x139: {  	_ =	swait.ge @!p0 [sflag:s0], s1  }
0x13a: {  	s1 =	ssub.s32 @!p0 $0x0, s1;
	[sflag:s0] =	ssyncset.done @!p0 $0x0  }
0x13b: {  	[sflag:s0] =	ssyncadd.s32 @!p0 s1  }
0x13c: {  	[bflag:$0x3] =	sbarrier.arrive $0xFFFF  }
0x13d: {  	_ =	shalt  }

// kernel: sparse-core-data-format-call.cloned.1.call-start
scs
called_computation_lowered:
.L_overlay_start_0:
0x0: {  	s2 =	sld [smem:$0x3FD9]  }
0x1: {  	s3 =	sld [smem:$0x3FFE];
	_ =	sdelay $0x1  }
0x2: {  	s1 =	srdreg.scid  }
0x3: {  	s0 =	sand.u32 $0x1, s1  }
0x4: {  	s15 =	sshll.u32 s0, $0xA;
	s2 =	sadd.s32 s3, s2  }
0x5: {  	s2 =	sadd.s32 s2, s15  }
0x6: {  	[smem:$0x3FB6] =	sst s2  }
0x7: {  	_ = 	snop  }
0x8: {  	s2 =	sld [smem:$0x3FD0];
	_ =	sdelay $0x2  }
0x9: {  	s16 =	simm.s32 $0xA;
	s4 =	simm.s32 $0x10  }
0xa: {  	[smem:s4], [sflag:s16] =	dma.local [hbm:s2], $0x1  }
0xb: {  	_ =	swait.eq [sflag:s16], $0x1  }
0xc: {  	[sflag:s16] =	ssyncset.done $0x0  }
0xd: {  	[sflag:s16] =	ssyncadd.s32 $0xFFFFFFFF  }
0xe: {  	s17 =	sld [smem:$0x10];
	(tm) =	ssettm $0x1  }
0xf: {  	s18 =	sld [smem:$0x3FFB];
	_ =	sdelay $0x3  }
0x10: {  	_ =	strace s18  }
0x11: {  	s3 =	sld [smem:$0x3FFC];
	_ =	sdelay $0x3  }
0x12: {  	_ =	strace s3  }
0x13: {  	s3 =	sld [smem:$0x3FFD];
	_ =	sdelay $0x3  }
0x14: {  	_ =	strace s3  }
0x15: {  	_ =	strace $0x8FFFFFFF  }
0x16: {  	s19 =	sld [smem:$0x3FDB];
	_ =	sdelay $0x1  }
0x17: {  	s20 =	simm.s32 $_scs_section_size  }
0x18: {  	s5 =	simm.s32 $_size__tile_overlayer_lowered;
	s6 =	simm.s32 $_tile_overlayer_lowered  }
0x19: {  	s23 =	simm.s32 $0x1BFF;
	s22 =	sshll.u32 s6, $0x1;
	s3 =	sadd.s32 s20, s19  }
0x1a: {  	s7 =	simm.s32 $0x0;
	s21 =	sshll.u32 s5, $0x1;
	s5 =	sadd.s32 s22, s3  }
0x1b: {  	[timem:s7], [sflag:s23] =	dma.local [hbm:s5], s21  }
0x1c: {  	_ =	swait.ge [sflag:s23], s21  }
0x1d: {  	s4 =	ssub.s32 $0x0, s21;
	[sflag:s23] =	ssyncset.done $0x0  }
0x1e: {  	[sflag:s23] =	ssyncadd.s32 s4;
	_ =	sdelay $0x1  }
0x1f: {  	s24 =	simm.s32 $0x1B8B  }
0x20: {  	_ =	swait.ge [sflag:s24], $0x1  }
0x21: {  	[sflag:s24] =	ssyncset.done $0x0  }
0x22: {  	s26 =	simm.s32 $0x1B8E;
	s25 =	sld [smem:$0x3FFE];
	[sflag:s24] =	ssyncadd.s32 $0xFFFFFFFF  }
0x23: {  	s27 =	simm.s32 $execute0_lowered;
	[smem:$0x3FD2] =	sst s26  }
0x24: {  	s5 =	sshll.u32 s27, $0x1;
	_ =	strace $0x8000004C;
	[dreg:$0x1] =	wrdreg $0xFFFFFFFF  }
0x25: {  	s28 =	simm.s32 $_size_execute0_lowered;
	s3 =	sadd.s32 s3, s5;
	[dreg:$0x0] =	wrdreg $0x0  }
0x26: {  	s5 =	sshll.u32 s28, $0x1;
	[dreg:$0x2] =	wrdreg s3  }
0x27: {  	[dreg:$0x3] =	wrdreg s5  }
0x28: {  	[dreg:$0x4] =	wrdreg $0xC0  }
0x29: {  	_ =	task [dreg:s7], $0x5FFFF  }
0x2a: {  	[dreg:$0x1] =	wrdreg $0xFFFFFFFF  }
0x2b: {  	[dreg:$0x0] =	wrdreg $0x60  }
0x2c: {  	[dreg:$0x2] =	wrdreg s25  }
0x2d: {  	[dreg:$0x3] =	wrdreg s17  }
0x2e: {  	[dreg:$0x4] =	wrdreg $0x9  }
0x2f: {  	_ =	task.clear_ibuf [dreg:s7], $0x5FFFF;
	_ =	strace $0x9000004C  }
0x30: {  	s29 =	simm.s32 $0x9;
	_ =	strace $0x8000004E  }
0x31: {  	_ =	swait.ge [sflag:s29], $0x1  }
0x32: {  	[sflag:s29] =	ssyncadd.s32 $0xFFFFFFFF  }
0x33: {  	_ =	strace $0x9000004E  }
0x34: {  	_ =	sfence  }
0x35: {  	s30 =	sld [smem:$0x0];
	_ =	sdelay $0x2  }
0x36: {  	s31 =	sshll.u32 s1, $0xD;
	s1 =	sshrl.u32 s1, $0x2  }
0x37: {  	s3 =	sand.u32 $0x4000, s31;
	s1 =	sadd.s32 s1, s30  }
0x38: {  	s0 =	sor.u32 s3, s0;
	s1 =	sshll.u32 s1, $0x11  }
0x39: {  	s0 =	sor.u32 s1, s0  }
0x3a: {  	s0 =	sadd.s32 $0x8F2B, s0  }
0x3b: {  	[sflag:s0] =	ssyncadd.remote.s32 $0x1  }
0x3c: {  	_ =	sfence.sel $0xFFFF  }
0x3d: {  	[dreg:$0x0] =	wrdreg $0xFFFFFFFF;
	(pc) =	sbr.abs _section_cstart, $3  }
0x3e: {  	[dreg:$0x1] =	wrdreg $0xFFFFFFFF  }
0x3f: {  	_ =	task.clear_ibuf [dreg:s7], $0x2FFFF;
	_ =	strace $0x9FFFFFFF  }
0x40: {  	(tm) =	ssettm $0x7FFFFFFF  }
0x41: {  	_ =	shalt  }
tec
execute0_lowered:
.L_overlay_start_1:
0x0: {  	(tag) =	ssettag $0x1  }
0x1: {  	s4 =	rddreg [dreg:$0x0]  }
0x2: {  	s0 =	srdreg.scid;
	s2 =	rddreg [dreg:$0x1]  }
0x3: {  	s1 =	stileid.u32;
	s5 =	simm.s32 $0x1;
	s0 =	sshll.u32 s0, $0x4  }
0x4: {  	s7 =	simm.s32 $0x2;
	s11 =	simm.s32 $0x0;
	s3 =	sand.u32 $0x10, s0  }
.Ltmp0:
0x5: {  	p0 =	por $0x0, $0x0;
	s3 =	sor.u32 s1, s3;
	(pc) =	sbr.rel .LBB1_1-.Ltmp0, $4  }
0x6: {  	s8 =	simm.s32 $0x3D0C00;
	s10 =	simm.s32 $0x0;
	s3 =	sshll.u32 s3, $0x7  }
0x7: {  	s0 =	rddreg [dreg:$0x2];
	_ =	strace $0x8000004D;
	s6 =	ssub.s32 $0x7A100, s3  }
0x8: {  	s4 =	sadd.s32 $0xF600, s4;
	[sflag:s5] =	ssyncpa.u1 $0x0;
	s6 =	sshrl.u32 s6, $0xC  }
0x9: {  	[sflag:s7] =	ssyncpa.u1 $0x0;
	s9 =	smov.u32 s3;
	s7 =	sadd.s32 $0x2, s6  }
.LBB1_5:
0xa: {  	s13 =	sadd.s32 $0x1000, s9  }
0xb: {  	p2 =	sgt.s32 s13, $0x7A11F  }
0xc: {  	s13 =	smov.u32 @p2 s3;
	p2 =	sne.s32 s10, s7  }
.Ltmp1:
0xd: {  	p1 =	slt.u32 s10, $0x2;
	(pc) =	sbr.rel @!p2 .LBB1_6-.Ltmp1, $4  }
0xe: {  	s12 =	simm.s32 @!p1 $0x2  }
0xf: {  	s14 =	sadd.s32 $0x1, s10;
	_ =	swait.ge @!p1 [sflag:s12], $0x2000  }
0x10: {  	s11 =	smov.u32 s9;
	p0 =	por !p0, !p0;
	[sflag:s12] =	ssyncset.done @!p1 $0x0  }
0x11: {  	s10 =	smov.u32 s14;
	s9 =	smov.u32 s13;
	[sflag:s12] =	ssyncadd.s32 @!p1 $0xFFFFE000  }
.LBB1_1:
0x12: {  	p1 =	sgt.u32 s10, s6  }
0x13: {  	s13 =	smov.u32 s9;
	p2 =	sgt.s32 @!p1 s9, $0x7A0A0  }
0x14: {  	s12 =	sand.u32 @!p1 $0x1FFFFFF, s9;
	s14 =	sshra.s32 @!p1 s9, $0x1F;
	p2 =	por !p2, p1  }
0x15: {  	s15 =	smulhi.u32 @!p1 $0x218DEF5, s12;
	s14 =	sand.u32 @!p1 s14, s9;
	s13 =	simm.s32 @p2 $0x7A0A0  }
0x16: {  	s13 =	ssub.s32 @!p1 s13, s14  }
0x17: {  	s14 =	sshrl.u32 @!p1 s15, $0xC;
	s13 =	sadd.s32 @!p1 $0xFFF85F60, s13  }
0x18: {  	s15 =	sxor.u32 @!p1 $0xFFFFFFFF, s10;
	s14 =	smul.u32 @!p1 $0x7A120, s14;
	s16 =	sshll.u32 @!p1 s13, $0x8  }
0x19: {  	s15 =	sshll.u32 @!p1 s15, $0xD;
	p2 =	sgt.s32 @!p1 s13, $0x7F;
	s13 =	ssub.s32 @!p1 $0x8000, s16  }
0x1a: {  	s12 =	ssub.s32 @!p1 s12, s14;
	p2 =	por !p2, p1;
	s14 =	sand.u32 @!p1 $0x2000, s15  }
0x1b: {  	s15 =	simm.s32 @!p1 $0x40;
	s13 =	sshrl.u32 @!p1 s13, $0x2;
	s12 =	sshll.u32 @!p1 s12, $0x4  }
0x1c: {  	s16 =	simm.s32 @!p1 $0x80;
	s13 =	simm.s32 @!p2 $0x0;
	s12 =	sadd.s32 @!p1 s4, s12  }
0x1d: {  	[tilespmem:s14], [sflag:$0x1] =	stream.strided.gather @!p1 [hbm4b:s12+s15], s13, s16, s15, $0x38;
	[tilespmem:$0x8080] =	vst v63  }
0x1e: {  	p1 =	seq.s32 s10, $0x0  }
0x1f: {  	p2 =	sge.u32 @!p1 s10, s7  }
0x20: {  	p1 =	por p1, p2  }
.Ltmp2:
0x21: {  	_ = 	snop;
	(pc) =	sbr.rel @p1 .LBB1_5-.Ltmp2, $1  }
0x22: {  	_ =	sdelay $0x3  }
0x23: {  	p1 =	sgt.s32 s11, $0x7A0A0;
	s12 =	smov.u32 s11;
	s13 =	sshra.s32 s11, $0x1F  }
0x24: {  	s12 =	simm.s32 @!p1 $0x7A0A0;
	s13 =	sand.u32 s13, s11  }
0x25: {  	s12 =	ssub.s32 s12, s13  }
0x26: {  	s12 =	sadd.s32 $0xFFF85F60, s12  }
0x27: {  	s28 =	sshll.u32 s12, $0x8  }
0x28: {  	s13 =	ssub.s32 $0x8000, s28  }
0x29: {  	p1 =	sgt.s32 s12, $0x7F;
	s12 =	sshrl.u32 s13, $0x2  }
0x2a: {  	s13 =	simm.s32 $0x1;
	s12 =	simm.s32 @p1 $0x0  }
0x2b: {  	s13 =	simm.s32 @!p0 $0x0;
	_ =	swait.ge [sflag:s5], s12  }
0x2c: {  	s14 =	sshll.u32 s13, $0xD;
	s12 =	ssub.s32 $0x0, s12;
	[sflag:s5] =	ssyncset.done $0x0  }
0x2d: {  	s16 =	sor.u32 $0x20, s14;
	[sflag:s5] =	ssyncadd.s32 s12  }
0x2e: {  	s29 =	smul.u32 $0x8100, s13;
	v3 =	vld [tilespmem:s16+$0x10]  }
0x2f: {  	s30 =	sand.u32 $0x1, s10;
	v2 =	vld [tilespmem:s16+$0xFFFFFFF0]  }
0x30: {  	s13 =	smul.u32 $0x8100, s30;
	s12 =	sshrl.u32 s29, $0x2;
	v0 =	vld [tilespmem:s16+$0x0]  }
0x31: {  	s14 =	sor.u32 $0x4000, s12;
	v1 =	vld [tilespmem:s16+$0xFFFFFFE0]  }
0x32: {  	s31 =	sshrl.u32 s13, $0x2;
	s13 =	sadd.s32 $0x0, s14  }
0x33: {  	s15 =	simm.s32 $0x4;
	s12 =	sor.u32 $0x4000, s31;
	s16 =	sadd.s32 $0x40, s16;
	[tilespmem:s13+$0x1830 ss:$0x81] =	vst.msk $0xffff, v3  }
.LBB1_3:
0x34: {  	v3 =	vld [tilespmem:s16+$0x10];
	p1 =	sne.s32 s15, $0x1FC;
	[tilespmem:s13+$0x810 ss:$0x81] =	vst.msk $0xffff, v2;
	s17 =	smov.u32 s15;
	s15 =	sadd.s32 $0x4, s15  }
.Ltmp3:
0x35: {  	v2 =	vld [tilespmem:s16+$0xFFFFFFF0];
	[tilespmem:s13+$0x1020 ss:$0x81] =	vst.msk $0xffff, v0;
	(pc) =	sbr.rel @p1 .LBB1_3-.Ltmp3, $4  }
0x36: {  	v0 =	vld [tilespmem:s16+$0x0];
	[tilespmem:s13+$0x0 ss:$0x81] =	vst.msk $0xffff, v1  }
0x37: {  	s13 =	sshra.s32 s17, $0x2;
	v1 =	vld [tilespmem:s16+$0xFFFFFFE0]  }
0x38: {  	s13 =	sadd.s32 s13, s14  }
0x39: {  	s16 =	sadd.s32 $0x40, s16;
	[tilespmem:s13+$0x1830 ss:$0x81] =	vst.msk $0xffff, v3  }
0x3a: {  	s14 =	sshll.u32 s11, $0x3  }
0x3b: {  	s14 =	sand.u32 $0xFFFFFC00, s14  }
0x3c: {  	s15 =	sshrl.u32 s14, $0x7  }
0x3d: {  	s15 =	smulhi.u32 $0x10C6249, s15;
	_ =	sdelay $0x1  }
0x3e: {  	s15 =	sshrl.u32 s15, $0x4  }
0x3f: {  	s28 =	sand.u32 $0x7F, s11;
	s16 =	smul.u32 $0x7A180, s15  }
0x40: {  	s11 =	sor.u32 s28, s14  }
.Ltmp4:
0x41: {  	s29 =	sand.u32 $0x3F, s15;
	s11 =	ssub.s32 s11, s16;
	(pc) =	sbr.rel .LBB1_5-.Ltmp4, $4  }
0x42: {  	[tilespmem:s13+$0x810 ss:$0x81] =	vst.msk $0xffff, v2;
	s14 =	smul.u32 $0xF430, s29;
	s30 =	sshrl.u32 s11, $0x3;
	s11 =	sand.u32 $0x7, s11  }
0x43: {  	[tilespmem:s13+$0x1020 ss:$0x81] =	vst.msk $0xffff, v0;
	s15 =	sadd.s32 s2, s30;
	s11 =	sshll.u32 s11, $0x12  }
0x44: {  	[tilespmem:s13+$0x0 ss:$0x81] =	vst.msk $0xffff, v1;
	s31 =	sadd.s32 s14, s15;
	s11 =	sor.u32 $0x400, s11  }
0x45: {  	[hbm4b:s31+s11] =	stream.strided.scatter [tilespmem:s12], [sflag:$0x2], $0x2000, s8, s11, $0x20;
	[tilespmem:$0x8080] =	vst v63  }
.LBB1_6:
0x46: {  	_ =	sfence.sel $0x180000  }
0x47: {  	s2 =	simm.s32 $0x1;
	[bflag:$0x0] =	sbarrier.arrive $0xFFFF  }
0x48: {  	s31 =	simm.s32 $0x2;
	[sflag:s2] =	ssyncpa.u1 $0x1  }
0x49: {  	[sflag:s31] =	ssyncpa.u1 $0x1  }
0x4a: {  	p0 =	sne.s32 s1, $0x0;
	_ =	strace $0x9000004D  }
0x4b: {  	s0 =	sadd.s32 @!p0 $0x100000, s0;
	[bflag:$0x2] =	sbarrier.arrive $0xFFFF  }
0x4c: {  	[sflag:s0] =	ssyncadd.tile.s32 @!p0 $0x1;
	_ =	shalt  }
.Lfunc_end1:
_tile_overlayer_lowered:
.L_overlay_start_2:
0x4d: {  	(tag) =	ssettag $0x2  }
0x4e: {  	s0 =	rddreg [dreg:$0x0];
	s2 =	stileid.u32  }
0x4f: {  	s1 =	rddreg [dreg:$0x1];
	p0 =	sne.s32 s2, $0x0  }
0x50: {  	s3 =	rddreg [dreg:$0x2];
	[bflag:$0x3] =	sbarrier.arrive $0xFFFF;
	s2 =	simm.s32 @!p0 $0x1C01  }
0x51: {  	[timem:s3], [sflag:s2] =	dma.local @!p0 [hbm:s0], s1  }
0x52: {  	s0 =	simm.s32 @!p0 $0x1  }
0x53: {  	_ =	swait.ge @!p0 [sflag:s0], s1  }
0x54: {  	s1 =	ssub.s32 @!p0 $0x0, s1;
	[sflag:s0] =	ssyncset.done @!p0 $0x0  }
0x55: {  	[sflag:s0] =	ssyncadd.s32 @!p0 s1  }
0x56: {  	[bflag:$0x3] =	sbarrier.arrive $0xFFFF  }
0x57: {  	_ =	shalt  }

</sc_bundles>
